<compile_context>
chip_gen: v7x
topology: tpu7x:2x2x1
jax: 0.10.2.dev20260603
libtpu: 0.0.44.dev20260713+nightly
codegen_flags: <defaults>
</compile_context>

<pallas_src>
import functools

import jax
import jax.numpy as jnp
from jax import lax
from jax.experimental import pallas as pl
from jax.experimental.pallas import tpu as pltpu
from jax.experimental.pallas import tpu_sc as plsc

N = 10000
E = 320000
D = 128

NC, NS, L = 2, 16, 16
NW = NC * NS
CH = 128
NCHUNK = 79
EPW = NCHUNK * CH
E_PAD = NW * EPW
NP = 10240
TRASH = N
RPT = NP // NS
BN = 512
GRID = NP // BN

_f32 = jnp.float32


def _mesh():
    return plsc.VectorSubcoreMesh(core_axis_name="c", subcore_axis_name="s")


RPT2 = 2 * NP // NS


@functools.partial(
    pl.kernel,
    out_type=(
        jax.ShapeDtypeStruct((NC, 2 * NP), _f32),
        jax.ShapeDtypeStruct((NW, NCHUNK, CH), jnp.int32),
        jax.ShapeDtypeStruct((NW, NCHUNK, CH), jnp.int32),
    ),
    mesh=_mesh(),
    compiler_params=pltpu.CompilerParams(use_tc_tiling_on_sc=False),
    scratch_types=[
        pltpu.VMEM((NCHUNK, CH), jnp.int32),
        pltpu.VMEM((NCHUNK, CH), jnp.int32),
        pltpu.VMEM((NCHUNK, CH), jnp.int32),
        pltpu.VMEM((NCHUNK, CH), jnp.int32),
        pltpu.VMEM((NCHUNK, CH), jnp.int32),
        pltpu.VMEM((CH,), _f32),
        pltpu.VMEM((RPT2,), _f32),
        pltpu.VMEM_SHARED((2 * NP,), _f32),
    ],
)
def _sc_hist(src_hbm, dst_hbm, rev_hbm, out_hbm, gix_hbm, hix_hbm,
             srcb, dstb, revb, gb, hb, ones, zbuf, h_s):
    c = lax.axis_index("c")
    s = lax.axis_index("s")
    w = s * NC + c
    pltpu.sync_copy(src_hbm.at[w], srcb)
    pltpu.sync_copy(dst_hbm.at[w], dstb)
    pltpu.sync_copy(rev_hbm.at[w], revb)
    for i in range(CH // L):
        ones[pl.ds(i * L, L)] = jnp.full((L,), 1.0, _f32)

    def zloop(i, t):
        zbuf[pl.ds(i * L, L)] = jnp.zeros((L,), _f32)
        return t

    lax.fori_loop(0, RPT2 // L, zloop, 0)

    def iloop(j, t):
        for i in range(CH // L):
            sv = srcb[j, pl.ds(i * L, L)]
            d = dstb[j, pl.ds(i * L, L)]
            r = revb[j, pl.ds(i * L, L)]
            off = r * NP
            gb[j, pl.ds(i * L, L)] = sv + off
            hb[j, pl.ds(i * L, L)] = d + off
        return t

    lax.fori_loop(0, NCHUNK, iloop, 0)
    pltpu.sync_copy(gb, gix_hbm.at[w])
    pltpu.sync_copy(hb, hix_hbm.at[w])

    pltpu.sync_copy(zbuf, h_s.at[pl.ds(s * RPT2, RPT2)])
    plsc.subcore_barrier()

    def sloop(j, t):
        pltpu.sync_copy(ones, h_s.at[hb.at[j]], add=True)
        return t

    lax.fori_loop(0, NCHUNK, sloop, 0)
    plsc.subcore_barrier()
    pltpu.sync_copy(h_s.at[pl.ds(s * RPT2, RPT2)], out_hbm.at[c, pl.ds(s * RPT2, RPT2)])


def _make_sc_layer(width, nrows):
    rptk = nrows // NS

    @functools.partial(
        pl.kernel,
        out_type=jax.ShapeDtypeStruct((NC, nrows, width), _f32),
        mesh=_mesh(),
        compiler_params=pltpu.CompilerParams(use_tc_tiling_on_sc=False),
        scratch_types=[
            pltpu.VMEM((NCHUNK, CH), jnp.int32),
            pltpu.VMEM((NCHUNK, CH), jnp.int32),
            pltpu.VMEM((CH, width), _f32),
            pltpu.VMEM((32, width), _f32),
            pltpu.VMEM_SHARED((nrows, width), _f32),
            pltpu.SemaphoreType.DMA,
        ],
    )
    def _sc_layer(src_hbm, dst_hbm, t_hbm, p_hbm,
                  srcb, dstb, rows0, zb, acc, gs0):
        c = lax.axis_index("c")
        s = lax.axis_index("s")
        w = s * NC + c
        pltpu.sync_copy(src_hbm.at[w], srcb)
        pltpu.sync_copy(dst_hbm.at[w], dstb)

        def zbloop(i, t):
            for q in range(width // L):
                zb[i, pl.ds(q * L, L)] = jnp.zeros((L,), _f32)
            return t

        lax.fori_loop(0, 32, zbloop, 0)

        def zsloop(i, t):
            pltpu.sync_copy(zb, acc.at[pl.ds(s * rptk + i * 32, 32)])
            return t

        lax.fori_loop(0, rptk // 32, zsloop, 0)
        plsc.subcore_barrier()

        def mloop(j, t):
            pltpu.async_copy(t_hbm.at[srcb.at[j]], rows0, gs0).wait()
            pltpu.sync_copy(rows0, acc.at[dstb.at[j]], add=True)
            return t

        lax.fori_loop(0, NCHUNK, mloop, 0)
        plsc.subcore_barrier()
        sl = pl.ds(s * rptk, rptk)
        pltpu.sync_copy(acc.at[sl], p_hbm.at[c, sl])

    return _sc_layer


_sc_gs64 = _make_sc_layer(64, NP)
_sc_gsbr = _make_sc_layer(64, 2 * NP)


def _prep1_body(hist_ref, x_ref, wcat_ref, tst_ref, tts_ref, ta_ref, dinv_ref):
    hp = hist_ref[...]
    cnt_fwd = hp[0, 0] + hp[1, 0]
    cnt_rev = hp[0, 1] + hp[1, 1]
    d_st = lax.rsqrt(cnt_fwd + 1.0)
    d_ts = lax.rsqrt(cnt_rev + 1.0)
    d_a = lax.rsqrt(cnt_fwd + cnt_rev + 1.0)
    h = jnp.dot(x_ref[...], wcat_ref[...], preferred_element_type=_f32)
    tst_ref[...] = d_st[:, None] * h[:, :64]
    tts_ref[...] = d_ts[:, None] * h[:, 64:128]
    ta_ref[...] = d_a[:, None] * h[:, 128:192]
    dinv_ref[...] = jnp.concatenate(
        [d_st[None], d_ts[None], d_a[None], jnp.zeros((5, d_st.shape[0]), _f32)], axis=0)


def _tc_prep1(hist, xp, wcat):
    return pl.pallas_call(
        _prep1_body,
        grid=(GRID,),
        in_specs=[
            pl.BlockSpec((2, 2, BN), lambda i: (0, 0, i)),
            pl.BlockSpec((BN, D), lambda i: (i, 0)),
            pl.BlockSpec((D, 192), lambda i: (0, 0)),
        ],
        out_specs=[
            pl.BlockSpec((BN, 64), lambda i: (i, 0)),
            pl.BlockSpec((BN, 64), lambda i: (i, 0)),
            pl.BlockSpec((BN, 64), lambda i: (i, 0)),
            pl.BlockSpec((8, BN), lambda i: (0, i)),
        ],
        out_shape=[
            jax.ShapeDtypeStruct((NP, 64), _f32),
            jax.ShapeDtypeStruct((NP, 64), _f32),
            jax.ShapeDtypeStruct((NP, 64), _f32),
            jax.ShapeDtypeStruct((8, NP), _f32),
        ],
    )(hist, xp, wcat)


def _mid1_body(pst, pts, pa, tst, tts, ta, dinv, bst, bts, ba, w2, *t2o):
    dv = dinv[...]
    h_st = jnp.maximum(dv[0][:, None] * (pst[0] + pst[1] + tst[...]) + bst[...], 0.0)
    h_ts = jnp.maximum(dv[1][:, None] * (pts[0] + pts[1] + tts[...]) + bts[...], 0.0)
    h_a = jnp.maximum(dv[2][:, None] * (pa[0] + pa[1] + ta[...]) + ba[...], 0.0)
    h1 = jnp.concatenate([h_st, h_ts, h_a], axis=1)
    t2 = dv[2][:, None] * jnp.dot(h1, w2[...], preferred_element_type=_f32)
    t2o[0][...] = t2[:, :64]
    t2o[1][...] = t2[:, 64:]


def _tc_mid1(pst, pts, pa, tst, tts, ta, dinv, bst, bts, ba, w2):
    p = pl.BlockSpec((2, BN, 64), lambda i: (0, i, 0))
    pr = pl.BlockSpec((2, BN, 64), lambda i: (0, i + NP // BN, 0))
    t = pl.BlockSpec((BN, 64), lambda i: (i, 0))
    b = pl.BlockSpec((1, 64), lambda i: (0, 0))
    return pl.pallas_call(
        _mid1_body,
        grid=(GRID,),
        in_specs=[p, pr, p, t, t, t,
                  pl.BlockSpec((8, BN), lambda i: (0, i)),
                  b, b, b,
                  pl.BlockSpec((192, 128), lambda i: (0, 0))],
        out_specs=[t, t],
        out_shape=[jax.ShapeDtypeStruct((NP, 64), _f32),
                   jax.ShapeDtypeStruct((NP, 64), _f32)],
    )(pst, pts, pa, tst, tts, ta, dinv, bst, bts, ba, w2)


def _mid2_body(p2a, p2b, t2a, t2b, dinv, b2, w3, t3o):
    da = dinv[...][2]
    h2a = da[:, None] * (p2a[0] + p2a[1] + t2a[...]) + b2[...][:, :64]
    h2b = da[:, None] * (p2b[0] + p2b[1] + t2b[...]) + b2[...][:, 64:]
    h2 = jnp.concatenate([h2a, h2b], axis=1)
    t3o[...] = da[:, None] * jnp.dot(h2, w3[...], preferred_element_type=_f32)


def _tc_mid2(p2a, p2b, t2a, t2b, dinv, b2, w3p):
    p = pl.BlockSpec((2, BN, 64), lambda i: (0, i, 0))
    t = pl.BlockSpec((BN, 64), lambda i: (i, 0))
    return pl.pallas_call(
        _mid2_body,
        grid=(GRID,),
        in_specs=[
            p, p, t, t,
            pl.BlockSpec((8, BN), lambda i: (0, i)),
            pl.BlockSpec((1, 128), lambda i: (0, 0)),
            pl.BlockSpec((128, 64), lambda i: (0, 0)),
        ],
        out_specs=pl.BlockSpec((BN, 64), lambda i: (i, 0)),
        out_shape=jax.ShapeDtypeStruct((NP, 64), _f32),
    )(p2a, p2b, t2a, t2b, dinv, b2, w3p)


def _fin_body(p3, t3, dinv, b3, out):
    da = dinv[...][2]
    h3 = da[:, None] * (p3[0] + p3[1] + t3[...]) + b3[...]
    col = lax.broadcasted_iota(jnp.int32, h3.shape, 1)
    valid = col < 40
    hm = jnp.where(valid, h3, jnp.full_like(h3, -jnp.inf))
    mx = jnp.max(hm, axis=1, keepdims=True)
    ex = jnp.where(valid, jnp.exp(h3 - mx), jnp.zeros_like(h3))
    lse = jnp.log(jnp.sum(ex, axis=1, keepdims=True)) + mx
    out[...] = h3 - lse


def _tc_fin(p3, t3, dinv, b3p):
    return pl.pallas_call(
        _fin_body,
        grid=(GRID,),
        in_specs=[
            pl.BlockSpec((2, BN, 64), lambda i: (0, i, 0)),
            pl.BlockSpec((BN, 64), lambda i: (i, 0)),
            pl.BlockSpec((8, BN), lambda i: (0, i)),
            pl.BlockSpec((1, 64), lambda i: (0, 0)),
        ],
        out_specs=pl.BlockSpec((BN, 64), lambda i: (i, 0)),
        out_shape=jax.ShapeDtypeStruct((NP, 64), _f32),
    )(p3, t3, dinv, b3p)


def kernel(x, edge_index, is_reversed, W_st1, b_st1, W_ts1, b_ts1, W1, b1,
           W2, b2, W3, b3):
    src = edge_index[0]
    dst = edge_index[1]
    rev = is_reversed.astype(jnp.int32)
    pad = E_PAD - E
    src_p = jnp.concatenate([src, jnp.zeros((pad,), jnp.int32)]).reshape(NW, NCHUNK, CH)
    dst_p = jnp.concatenate([dst, jnp.full((pad,), TRASH, jnp.int32)]).reshape(NW, NCHUNK, CH)
    rev_p = jnp.concatenate([rev, jnp.zeros((pad,), jnp.int32)]).reshape(NW, NCHUNK, CH)

    hist2, gix_p, hix_p = _sc_hist(src_p, dst_p, rev_p)
    hist = hist2.reshape(NC, 2, NP)
    xp = jnp.pad(x, ((0, NP - N), (0, 0)))
    wcat = jnp.concatenate([W_st1, W_ts1, W1], axis=1)
    tst, tts, ta, dinv = _tc_prep1(hist, xp, wcat)
    tbr = jnp.concatenate([tst, tts], axis=0)
    pbr = _sc_gsbr(gix_p, hix_p, tbr)
    pa = _sc_gs64(src_p, dst_p, ta)
    t2a, t2b = _tc_mid1(pbr, pbr, pa, tst, tts, ta, dinv,
                        b_st1.reshape(1, 64), b_ts1.reshape(1, 64),
                        b1.reshape(1, 64), W2)
    p2a = _sc_gs64(src_p, dst_p, t2a)
    p2b = _sc_gs64(src_p, dst_p, t2b)
    w3p = jnp.pad(W3, ((0, 0), (0, 24)))
    t3 = _tc_mid2(p2a, p2b, t2a, t2b, dinv, b2.reshape(1, 128), w3p)
    p3 = _sc_gs64(src_p, dst_p, t3)
    b3p = jnp.pad(b3, (0, 24)).reshape(1, 64)
    out = _tc_fin(p3, t3, dinv, b3p)
    return out[:N, :40]

# --- scband reference (transcript-rebuilt; emitter-appended) ---
"""Pipeline reference for scband-tri-pre-model-584115552928 (READ-ONLY COPY).

The authoritative reference and input builder live on the scoring server;
editing this copy changes nothing except your own understanding.
"""

import jax, jax.numpy as jnp
import numpy as np

N = 10000
E = 320000
D = 128
C_ST = 64
C_TS = 64
C = 64
C_MID = 128
NUM_CLASSES = 40


def gcn_conv(x, edge_index, W, b, edge_weight=None):
    n = x.shape[0]
    loops = jnp.arange(n, dtype=edge_index.dtype)
    src = jnp.concatenate([edge_index[0], loops])
    dst = jnp.concatenate([edge_index[1], loops])
    if edge_weight is None:
        wts = jnp.ones(src.shape[0], dtype=x.dtype)
    else:
        wts = jnp.concatenate([edge_weight.astype(x.dtype), jnp.ones((n,), dtype=x.dtype)])
    deg = jax.ops.segment_sum(wts, dst, num_segments=n)
    dinv = jnp.where(deg > 0, 1.0 / jnp.sqrt(deg), 0.0)
    norm = dinv[src] * dinv[dst] * wts
    h = x @ W
    out = jax.ops.segment_sum(h[src] * norm[:, None], dst, num_segments=n)
    return out + b


def setup_inputs(seed: int = 0):
    key = jax.random.key(seed)
    ks = jax.random.split(key, 16)
    x = jax.random.normal(ks[0], (N, D), dtype=jnp.float32)
    edge_index = jax.random.randint(ks[1], (2, E), 0, N, dtype=jnp.int32)
    is_reversed = jax.random.randint(ks[2], (E,), 0, 2, dtype=jnp.int32) == 1

    def w(k, fi, fo):
        return jax.random.normal(k, (fi, fo), dtype=jnp.float32) * (1.0 / np.sqrt(fi))

    return {
        "x": x,
        "edge_index": edge_index,
        "is_reversed": is_reversed,
        "W_st1": w(ks[3], D, C_ST), "b_st1": jnp.zeros((C_ST,), jnp.float32),
        "W_ts1": w(ks[4], D, C_TS), "b_ts1": jnp.zeros((C_TS,), jnp.float32),
        "W1": w(ks[5], D, C), "b1": jnp.zeros((C,), jnp.float32),
        "W2": w(ks[6], C_ST + C_TS + C, C_MID), "b2": jnp.zeros((C_MID,), jnp.float32),
        "W3": w(ks[7], C_MID, NUM_CLASSES), "b3": jnp.zeros((NUM_CLASSES,), jnp.float32),
    }


def reference(x, edge_index, is_reversed, W_st1, b_st1, W_ts1, b_ts1, W1, b1, W2, b2, W3, b3):
    # eval mode: dropout is identity
    mask = is_reversed
    st_w = jnp.where(mask, 0.0, 1.0).astype(x.dtype)
    ts_w = jnp.where(mask, 1.0, 0.0).astype(x.dtype)
    st_h1 = jax.nn.relu(gcn_conv(x, edge_index, W_st1, b_st1, edge_weight=st_w))
    ts_h1 = jax.nn.relu(gcn_conv(x, edge_index, W_ts1, b_ts1, edge_weight=ts_w))
    h1a = jax.nn.relu(gcn_conv(x, edge_index, W1, b1))
    h1 = jnp.concatenate([st_h1, ts_h1, h1a], axis=1)
    h2 = gcn_conv(h1, edge_index, W2, b2)
    h3 = gcn_conv(h2, edge_index, W3, b3)
    return jax.nn.log_softmax(h3, axis=1)

if __name__ == "__main__":
    import jax
    _d = setup_inputs()
    print(jax.jit(kernel)(*tuple(_d.values())))

</pallas_src>

<mosaic_0001>
#map = affine_map<(d0, d1) -> (0, 0, 0)>
#map1 = affine_map<(d0, d1) -> (0, 0)>
module attributes {stable_mosaic.version = 14 : i64} {
  func.func @_sc_hist(%arg0: i32, %arg1: i32, %arg2: memref<32x79x128xi32, #tpu.memory_space<hbm>>, %arg3: memref<32x79x128xi32, #tpu.memory_space<hbm>>, %arg4: memref<32x79x128xi32, #tpu.memory_space<hbm>>, %arg5: memref<2x20480xf32, #tpu.memory_space<hbm>>, %arg6: memref<32x79x128xi32, #tpu.memory_space<hbm>>, %arg7: memref<32x79x128xi32, #tpu.memory_space<hbm>>, %arg8: memref<79x128xi32, #tpu.memory_space<vmem>>, %arg9: memref<79x128xi32, #tpu.memory_space<vmem>>, %arg10: memref<79x128xi32, #tpu.memory_space<vmem>>, %arg11: memref<79x128xi32, #tpu.memory_space<vmem>>, %arg12: memref<79x128xi32, #tpu.memory_space<vmem>>, %arg13: memref<128xf32, #tpu.memory_space<vmem>>, %arg14: memref<1280xf32, #tpu.memory_space<vmem>>, %arg15: memref<20480xf32, #tpu.memory_space<vmem_shared>>) attributes {dimension_semantics = [#tpu.dimension_semantics<core_parallel>, #tpu.dimension_semantics<subcore_parallel>], iteration_bounds = array<i64: 2, 16>, scalar_prefetch = 0 : i64, scratch_operands = 8 : i64, tpu.core_type = #tpu.core_type<sc_vector_subcore>, window_params = [{transform_indices = #map}, {transform_indices = #map}, {transform_indices = #map}, {transform_indices = #map1}, {transform_indices = #map}, {transform_indices = #map}]} {
    %mul3A = arith.constant 2 : i32
    %mul3A_0 = arith.muli %arg1, %mul3A : i32
    %add3A = arith.addi %mul3A_0, %arg0 : i32
    "tpu.region"() ({
      %run_scoped3A = tpu.sem_alloc : memref<!tpu.dma_semaphore, #tpu.memory_space<semaphore_mem>>
      %dma_start3A = arith.constant 0 : i32
      %dma_start3A_71 = arith.constant 0 : i32
      %dma_start3A_72 = tpu.memref_slice %arg2[%add3A, %dma_start3A, %dma_start3A_71] : memref<32x79x128xi32, #tpu.memory_space<hbm>> -> memref<1x79x128xi32, #tpu.memory_space<hbm>>
      %dma_start3A_73 = tpu.memref_squeeze %dma_start3A_72 : memref<1x79x128xi32, #tpu.memory_space<hbm>> -> memref<79x128xi32, #tpu.memory_space<hbm>>
      %dma_start3A_74 = arith.constant 0 : i32
      %dma_start3A_75 = arith.constant 0 : i32
      %dma_start3A_76 = tpu.memref_slice %arg2[%add3A, %dma_start3A_74, %dma_start3A_75] : memref<32x79x128xi32, #tpu.memory_space<hbm>> -> memref<1x79x128xi32, #tpu.memory_space<hbm>>
      %dma_start3A_77 = tpu.memref_squeeze %dma_start3A_76 : memref<1x79x128xi32, #tpu.memory_space<hbm>> -> memref<79x128xi32, #tpu.memory_space<hbm>>
      tpu.enqueue_dma source(%dma_start3A_77 : memref<79x128xi32, #tpu.memory_space<hbm>>) target(%arg8 : memref<79x128xi32, #tpu.memory_space<vmem>>) target_semaphore(%run_scoped3A : memref<!tpu.dma_semaphore, #tpu.memory_space<semaphore_mem>>)
      %dma_wait3A = arith.constant 0 : i32
      %dma_wait3A_78 = arith.constant 0 : i32
      %dma_wait3A_79 = tpu.memref_slice %arg2[%add3A, %dma_wait3A, %dma_wait3A_78] : memref<32x79x128xi32, #tpu.memory_space<hbm>> -> memref<1x79x128xi32, #tpu.memory_space<hbm>>
      %dma_wait3A_80 = tpu.memref_squeeze %dma_wait3A_79 : memref<1x79x128xi32, #tpu.memory_space<hbm>> -> memref<79x128xi32, #tpu.memory_space<hbm>>
      %dma_wait3A_81 = arith.constant 0 : i32
      %dma_wait3A_82 = arith.constant 0 : i32
      %dma_wait3A_83 = tpu.memref_slice %arg2[%add3A, %dma_wait3A_81, %dma_wait3A_82] : memref<32x79x128xi32, #tpu.memory_space<hbm>> -> memref<1x79x128xi32, #tpu.memory_space<hbm>>
      %dma_wait3A_84 = tpu.memref_squeeze %dma_wait3A_83 : memref<1x79x128xi32, #tpu.memory_space<hbm>> -> memref<79x128xi32, #tpu.memory_space<hbm>>
      tpu.wait_dma2 semaphore(%run_scoped3A : memref<!tpu.dma_semaphore, #tpu.memory_space<semaphore_mem>>) src(%dma_wait3A_84 : memref<79x128xi32, #tpu.memory_space<hbm>>) dst(%arg8 : memref<79x128xi32, #tpu.memory_space<vmem>>)
      tpu.yield
    }) : () -> ()
    "tpu.region"() ({
      %run_scoped3A = tpu.sem_alloc : memref<!tpu.dma_semaphore, #tpu.memory_space<semaphore_mem>>
      %dma_start3A = arith.constant 0 : i32
      %dma_start3A_71 = arith.constant 0 : i32
      %dma_start3A_72 = tpu.memref_slice %arg3[%add3A, %dma_start3A, %dma_start3A_71] : memref<32x79x128xi32, #tpu.memory_space<hbm>> -> memref<1x79x128xi32, #tpu.memory_space<hbm>>
      %dma_start3A_73 = tpu.memref_squeeze %dma_start3A_72 : memref<1x79x128xi32, #tpu.memory_space<hbm>> -> memref<79x128xi32, #tpu.memory_space<hbm>>
      %dma_start3A_74 = arith.constant 0 : i32
      %dma_start3A_75 = arith.constant 0 : i32
      %dma_start3A_76 = tpu.memref_slice %arg3[%add3A, %dma_start3A_74, %dma_start3A_75] : memref<32x79x128xi32, #tpu.memory_space<hbm>> -> memref<1x79x128xi32, #tpu.memory_space<hbm>>
      %dma_start3A_77 = tpu.memref_squeeze %dma_start3A_76 : memref<1x79x128xi32, #tpu.memory_space<hbm>> -> memref<79x128xi32, #tpu.memory_space<hbm>>
      tpu.enqueue_dma source(%dma_start3A_77 : memref<79x128xi32, #tpu.memory_space<hbm>>) target(%arg9 : memref<79x128xi32, #tpu.memory_space<vmem>>) target_semaphore(%run_scoped3A : memref<!tpu.dma_semaphore, #tpu.memory_space<semaphore_mem>>)
      %dma_wait3A = arith.constant 0 : i32
      %dma_wait3A_78 = arith.constant 0 : i32
      %dma_wait3A_79 = tpu.memref_slice %arg3[%add3A, %dma_wait3A, %dma_wait3A_78] : memref<32x79x128xi32, #tpu.memory_space<hbm>> -> memref<1x79x128xi32, #tpu.memory_space<hbm>>
      %dma_wait3A_80 = tpu.memref_squeeze %dma_wait3A_79 : memref<1x79x128xi32, #tpu.memory_space<hbm>> -> memref<79x128xi32, #tpu.memory_space<hbm>>
      %dma_wait3A_81 = arith.constant 0 : i32
      %dma_wait3A_82 = arith.constant 0 : i32
      %dma_wait3A_83 = tpu.memref_slice %arg3[%add3A, %dma_wait3A_81, %dma_wait3A_82] : memref<32x79x128xi32, #tpu.memory_space<hbm>> -> memref<1x79x128xi32, #tpu.memory_space<hbm>>
      %dma_wait3A_84 = tpu.memref_squeeze %dma_wait3A_83 : memref<1x79x128xi32, #tpu.memory_space<hbm>> -> memref<79x128xi32, #tpu.memory_space<hbm>>
      tpu.wait_dma2 semaphore(%run_scoped3A : memref<!tpu.dma_semaphore, #tpu.memory_space<semaphore_mem>>) src(%dma_wait3A_84 : memref<79x128xi32, #tpu.memory_space<hbm>>) dst(%arg9 : memref<79x128xi32, #tpu.memory_space<vmem>>)
      tpu.yield
    }) : () -> ()
    "tpu.region"() ({
      %run_scoped3A = tpu.sem_alloc : memref<!tpu.dma_semaphore, #tpu.memory_space<semaphore_mem>>
      %dma_start3A = arith.constant 0 : i32
      %dma_start3A_71 = arith.constant 0 : i32
      %dma_start3A_72 = tpu.memref_slice %arg4[%add3A, %dma_start3A, %dma_start3A_71] : memref<32x79x128xi32, #tpu.memory_space<hbm>> -> memref<1x79x128xi32, #tpu.memory_space<hbm>>
      %dma_start3A_73 = tpu.memref_squeeze %dma_start3A_72 : memref<1x79x128xi32, #tpu.memory_space<hbm>> -> memref<79x128xi32, #tpu.memory_space<hbm>>
      %dma_start3A_74 = arith.constant 0 : i32
      %dma_start3A_75 = arith.constant 0 : i32
      %dma_start3A_76 = tpu.memref_slice %arg4[%add3A, %dma_start3A_74, %dma_start3A_75] : memref<32x79x128xi32, #tpu.memory_space<hbm>> -> memref<1x79x128xi32, #tpu.memory_space<hbm>>
      %dma_start3A_77 = tpu.memref_squeeze %dma_start3A_76 : memref<1x79x128xi32, #tpu.memory_space<hbm>> -> memref<79x128xi32, #tpu.memory_space<hbm>>
      tpu.enqueue_dma source(%dma_start3A_77 : memref<79x128xi32, #tpu.memory_space<hbm>>) target(%arg10 : memref<79x128xi32, #tpu.memory_space<vmem>>) target_semaphore(%run_scoped3A : memref<!tpu.dma_semaphore, #tpu.memory_space<semaphore_mem>>)
      %dma_wait3A = arith.constant 0 : i32
      %dma_wait3A_78 = arith.constant 0 : i32
      %dma_wait3A_79 = tpu.memref_slice %arg4[%add3A, %dma_wait3A, %dma_wait3A_78] : memref<32x79x128xi32, #tpu.memory_space<hbm>> -> memref<1x79x128xi32, #tpu.memory_space<hbm>>
      %dma_wait3A_80 = tpu.memref_squeeze %dma_wait3A_79 : memref<1x79x128xi32, #tpu.memory_space<hbm>> -> memref<79x128xi32, #tpu.memory_space<hbm>>
      %dma_wait3A_81 = arith.constant 0 : i32
      %dma_wait3A_82 = arith.constant 0 : i32
      %dma_wait3A_83 = tpu.memref_slice %arg4[%add3A, %dma_wait3A_81, %dma_wait3A_82] : memref<32x79x128xi32, #tpu.memory_space<hbm>> -> memref<1x79x128xi32, #tpu.memory_space<hbm>>
      %dma_wait3A_84 = tpu.memref_squeeze %dma_wait3A_83 : memref<1x79x128xi32, #tpu.memory_space<hbm>> -> memref<79x128xi32, #tpu.memory_space<hbm>>
      tpu.wait_dma2 semaphore(%run_scoped3A : memref<!tpu.dma_semaphore, #tpu.memory_space<semaphore_mem>>) src(%dma_wait3A_84 : memref<79x128xi32, #tpu.memory_space<hbm>>) dst(%arg10 : memref<79x128xi32, #tpu.memory_space<vmem>>)
      tpu.yield
    }) : () -> ()
    %broadcast_in_dim3A = arith.constant 1.000000e+00 : f32
    %broadcast_in_dim3A_1 = vector.broadcast %broadcast_in_dim3A : f32 to vector<16xf32>
    %swap3A = arith.constant 0 : index
    %swap3A_2 = tpu.vector_load %arg13[%swap3A] {strides = array<i32>} : memref<128xf32, #tpu.memory_space<vmem>>, vector<16xf32>,
    %swap3A_3 = vector.shape_cast %swap3A_2 : vector<16xf32> to vector<16xf32>
    %swap3A_4 = vector.shape_cast %broadcast_in_dim3A_1 : vector<16xf32> to vector<16xf32>
    tpu.vector_store %arg13[%swap3A], %swap3A_4 {strides = array<i32>} : memref<128xf32, #tpu.memory_space<vmem>>, vector<16xf32>,
    %broadcast_in_dim3A_5 = arith.constant 1.000000e+00 : f32
    %broadcast_in_dim3A_6 = vector.broadcast %broadcast_in_dim3A_5 : f32 to vector<16xf32>
    %swap3A_7 = arith.constant 16 : index
    %swap3A_8 = tpu.vector_load %arg13[%swap3A_7] {strides = array<i32>} : memref<128xf32, #tpu.memory_space<vmem>>, vector<16xf32>,
    %swap3A_9 = vector.shape_cast %swap3A_8 : vector<16xf32> to vector<16xf32>
    %swap3A_10 = vector.shape_cast %broadcast_in_dim3A_6 : vector<16xf32> to vector<16xf32>
    tpu.vector_store %arg13[%swap3A_7], %swap3A_10 {strides = array<i32>} : memref<128xf32, #tpu.memory_space<vmem>>, vector<16xf32>,
    %broadcast_in_dim3A_11 = arith.constant 1.000000e+00 : f32
    %broadcast_in_dim3A_12 = vector.broadcast %broadcast_in_dim3A_11 : f32 to vector<16xf32>
    %swap3A_13 = arith.constant 32 : index
    %swap3A_14 = tpu.vector_load %arg13[%swap3A_13] {strides = array<i32>} : memref<128xf32, #tpu.memory_space<vmem>>, vector<16xf32>,
    %swap3A_15 = vector.shape_cast %swap3A_14 : vector<16xf32> to vector<16xf32>
    %swap3A_16 = vector.shape_cast %broadcast_in_dim3A_12 : vector<16xf32> to vector<16xf32>
    tpu.vector_store %arg13[%swap3A_13], %swap3A_16 {strides = array<i32>} : memref<128xf32, #tpu.memory_space<vmem>>, vector<16xf32>,
    %broadcast_in_dim3A_17 = arith.constant 1.000000e+00 : f32
    %broadcast_in_dim3A_18 = vector.broadcast %broadcast_in_dim3A_17 : f32 to vector<16xf32>
    %swap3A_19 = arith.constant 48 : index
    %swap3A_20 = tpu.vector_load %arg13[%swap3A_19] {strides = array<i32>} : memref<128xf32, #tpu.memory_space<vmem>>, vector<16xf32>,
    %swap3A_21 = vector.shape_cast %swap3A_20 : vector<16xf32> to vector<16xf32>
    %swap3A_22 = vector.shape_cast %broadcast_in_dim3A_18 : vector<16xf32> to vector<16xf32>
    tpu.vector_store %arg13[%swap3A_19], %swap3A_22 {strides = array<i32>} : memref<128xf32, #tpu.memory_space<vmem>>, vector<16xf32>,
    %broadcast_in_dim3A_23 = arith.constant 1.000000e+00 : f32
    %broadcast_in_dim3A_24 = vector.broadcast %broadcast_in_dim3A_23 : f32 to vector<16xf32>
    %swap3A_25 = arith.constant 64 : index
    %swap3A_26 = tpu.vector_load %arg13[%swap3A_25] {strides = array<i32>} : memref<128xf32, #tpu.memory_space<vmem>>, vector<16xf32>,
    %swap3A_27 = vector.shape_cast %swap3A_26 : vector<16xf32> to vector<16xf32>
    %swap3A_28 = vector.shape_cast %broadcast_in_dim3A_24 : vector<16xf32> to vector<16xf32>
    tpu.vector_store %arg13[%swap3A_25], %swap3A_28 {strides = array<i32>} : memref<128xf32, #tpu.memory_space<vmem>>, vector<16xf32>,
    %broadcast_in_dim3A_29 = arith.constant 1.000000e+00 : f32
    %broadcast_in_dim3A_30 = vector.broadcast %broadcast_in_dim3A_29 : f32 to vector<16xf32>
    %swap3A_31 = arith.constant 80 : index
    %swap3A_32 = tpu.vector_load %arg13[%swap3A_31] {strides = array<i32>} : memref<128xf32, #tpu.memory_space<vmem>>, vector<16xf32>,
    %swap3A_33 = vector.shape_cast %swap3A_32 : vector<16xf32> to vector<16xf32>
    %swap3A_34 = vector.shape_cast %broadcast_in_dim3A_30 : vector<16xf32> to vector<16xf32>
    tpu.vector_store %arg13[%swap3A_31], %swap3A_34 {strides = array<i32>} : memref<128xf32, #tpu.memory_space<vmem>>, vector<16xf32>,
    %broadcast_in_dim3A_35 = arith.constant 1.000000e+00 : f32
    %broadcast_in_dim3A_36 = vector.broadcast %broadcast_in_dim3A_35 : f32 to vector<16xf32>
    %swap3A_37 = arith.constant 96 : index
    %swap3A_38 = tpu.vector_load %arg13[%swap3A_37] {strides = array<i32>} : memref<128xf32, #tpu.memory_space<vmem>>, vector<16xf32>,
    %swap3A_39 = vector.shape_cast %swap3A_38 : vector<16xf32> to vector<16xf32>
    %swap3A_40 = vector.shape_cast %broadcast_in_dim3A_36 : vector<16xf32> to vector<16xf32>
    tpu.vector_store %arg13[%swap3A_37], %swap3A_40 {strides = array<i32>} : memref<128xf32, #tpu.memory_space<vmem>>, vector<16xf32>,
    %broadcast_in_dim3A_41 = arith.constant 1.000000e+00 : f32
    %broadcast_in_dim3A_42 = vector.broadcast %broadcast_in_dim3A_41 : f32 to vector<16xf32>
    %swap3A_43 = arith.constant 112 : index
    %swap3A_44 = tpu.vector_load %arg13[%swap3A_43] {strides = array<i32>} : memref<128xf32, #tpu.memory_space<vmem>>, vector<16xf32>,
    %swap3A_45 = vector.shape_cast %swap3A_44 : vector<16xf32> to vector<16xf32>
    %swap3A_46 = vector.shape_cast %broadcast_in_dim3A_42 : vector<16xf32> to vector<16xf32>
    tpu.vector_store %arg13[%swap3A_43], %swap3A_46 {strides = array<i32>} : memref<128xf32, #tpu.memory_space<vmem>>, vector<16xf32>,
    %scan3A = arith.constant 0 : i32
    %scan3A_47 = arith.constant 0 : i32
    %scan3A_48 = arith.constant 80 : i32
    %scan3A_49 = arith.addi %scan3A_47, %scan3A_48 : i32
    %scan3A_50 = arith.constant 1 : i32
    scf.for %scan3A_71 = %scan3A_47 to %scan3A_49 step %scan3A_50  : i32 {
      %broadcast_in_dim3A_72 = arith.constant 0.000000e+00 : f32
      %broadcast_in_dim3A_73 = vector.broadcast %broadcast_in_dim3A_72 : f32 to vector<16xf32>
      %mul3A_74 = arith.constant 16 : i32
      %mul3A_75 = arith.muli %scan3A_71, %mul3A_74 : i32
      %swap3A_76 = arith.index_cast %mul3A_75 : i32 to index
      %swap3A_77 = tpu.vector_load %arg14[%swap3A_76] {strides = array<i32>} : memref<1280xf32, #tpu.memory_space<vmem>>, vector<16xf32>,
      %swap3A_78 = vector.shape_cast %swap3A_77 : vector<16xf32> to vector<16xf32>
      %swap3A_79 = vector.shape_cast %broadcast_in_dim3A_73 : vector<16xf32> to vector<16xf32>
      tpu.vector_store %arg14[%swap3A_76], %swap3A_79 {strides = array<i32>} : memref<1280xf32, #tpu.memory_space<vmem>>, vector<16xf32>,
    }
    %scan3A_51 = arith.constant 80 : i32
    %scan3A_52 = arith.constant 0 : i32
    %scan3A_53 = arith.constant 0 : i32
    %scan3A_54 = arith.constant 79 : i32
    %scan3A_55 = arith.addi %scan3A_53, %scan3A_54 : i32
    %scan3A_56 = arith.constant 1 : i32
    scf.for %scan3A_71 = %scan3A_53 to %scan3A_55 step %scan3A_56  : i32 {
      %get3A = arith.index_cast %scan3A_71 : i32 to index
      %get3A_72 = arith.constant 0 : index
      %get3A_73 = tpu.vector_load %arg8[%get3A, %get3A_72] {strides = array<i32>} : memref<79x128xi32, #tpu.memory_space<vmem>>, vector<1x16xi32>,
      %get3A_74 = vector.shape_cast %get3A_73 : vector<1x16xi32> to vector<16xi32>
      %get3A_75 = arith.index_cast %scan3A_71 : i32 to index
      %get3A_76 = arith.constant 0 : index
      %get3A_77 = tpu.vector_load %arg9[%get3A_75, %get3A_76] {strides = array<i32>} : memref<79x128xi32, #tpu.memory_space<vmem>>, vector<1x16xi32>,
      %get3A_78 = vector.shape_cast %get3A_77 : vector<1x16xi32> to vector<16xi32>
      %get3A_79 = arith.index_cast %scan3A_71 : i32 to index
      %get3A_80 = arith.constant 0 : index
      %get3A_81 = tpu.vector_load %arg10[%get3A_79, %get3A_80] {strides = array<i32>} : memref<79x128xi32, #tpu.memory_space<vmem>>, vector<1x16xi32>,
      %get3A_82 = vector.shape_cast %get3A_81 : vector<1x16xi32> to vector<16xi32>
      %mul3A_83 = arith.constant 10240 : i32
      %mul3A_84 = vector.broadcast %mul3A_83 : i32 to vector<16xi32>
      %mul3A_85 = arith.muli %get3A_82, %mul3A_84 : vector<16xi32>
      %add3A_86 = arith.addi %get3A_74, %mul3A_85 : vector<16xi32>
      %swap3A_87 = arith.index_cast %scan3A_71 : i32 to index
      %swap3A_88 = arith.constant 0 : index
      %swap3A_89 = tpu.vector_load %arg11[%swap3A_87, %swap3A_88] {strides = array<i32>} : memref<79x128xi32, #tpu.memory_space<vmem>>, vector<1x16xi32>,
      %swap3A_90 = vector.shape_cast %swap3A_89 : vector<1x16xi32> to vector<16xi32>
      %swap3A_91 = vector.shape_cast %add3A_86 : vector<16xi32> to vector<1x16xi32>
      tpu.vector_store %arg11[%swap3A_87, %swap3A_88], %swap3A_91 {strides = array<i32>} : memref<79x128xi32, #tpu.memory_space<vmem>>, vector<1x16xi32>,
      %add3A_92 = arith.addi %get3A_78, %mul3A_85 : vector<16xi32>
      %swap3A_93 = arith.index_cast %scan3A_71 : i32 to index
      %swap3A_94 = arith.constant 0 : index
      %swap3A_95 = tpu.vector_load %arg12[%swap3A_93, %swap3A_94] {strides = array<i32>} : memref<79x128xi32, #tpu.memory_space<vmem>>, vector<1x16xi32>,
      %swap3A_96 = vector.shape_cast %swap3A_95 : vector<1x16xi32> to vector<16xi32>
      %swap3A_97 = vector.shape_cast %add3A_92 : vector<16xi32> to vector<1x16xi32>
      tpu.vector_store %arg12[%swap3A_93, %swap3A_94], %swap3A_97 {strides = array<i32>} : memref<79x128xi32, #tpu.memory_space<vmem>>, vector<1x16xi32>,
      %get3A_98 = arith.index_cast %scan3A_71 : i32 to index
      %get3A_99 = arith.constant 16 : index
      %get3A_100 = tpu.vector_load %arg8[%get3A_98, %get3A_99] {strides = array<i32>} : memref<79x128xi32, #tpu.memory_space<vmem>>, vector<1x16xi32>,
      %get3A_101 = vector.shape_cast %get3A_100 : vector<1x16xi32> to vector<16xi32>
      %get3A_102 = arith.index_cast %scan3A_71 : i32 to index
      %get3A_103 = arith.constant 16 : index
      %get3A_104 = tpu.vector_load %arg9[%get3A_102, %get3A_103] {strides = array<i32>} : memref<79x128xi32, #tpu.memory_space<vmem>>, vector<1x16xi32>,
      %get3A_105 = vector.shape_cast %get3A_104 : vector<1x16xi32> to vector<16xi32>
      %get3A_106 = arith.index_cast %scan3A_71 : i32 to index
      %get3A_107 = arith.constant 16 : index
      %get3A_108 = tpu.vector_load %arg10[%get3A_106, %get3A_107] {strides = array<i32>} : memref<79x128xi32, #tpu.memory_space<vmem>>, vector<1x16xi32>,
      %get3A_109 = vector.shape_cast %get3A_108 : vector<1x16xi32> to vector<16xi32>
      %mul3A_110 = arith.constant 10240 : i32
      %mul3A_111 = vector.broadcast %mul3A_110 : i32 to vector<16xi32>
      %mul3A_112 = arith.muli %get3A_109, %mul3A_111 : vector<16xi32>
      %add3A_113 = arith.addi %get3A_101, %mul3A_112 : vector<16xi32>
      %swap3A_114 = arith.index_cast %scan3A_71 : i32 to index
      %swap3A_115 = arith.constant 16 : index
      %swap3A_116 = tpu.vector_load %arg11[%swap3A_114, %swap3A_115] {strides = array<i32>} : memref<79x128xi32, #tpu.memory_space<vmem>>, vector<1x16xi32>,
      %swap3A_117 = vector.shape_cast %swap3A_116 : vector<1x16xi32> to vector<16xi32>
      %swap3A_118 = vector.shape_cast %add3A_113 : vector<16xi32> to vector<1x16xi32>
      tpu.vector_store %arg11[%swap3A_114, %swap3A_115], %swap3A_118 {strides = array<i32>} : memref<79x128xi32, #tpu.memory_space<vmem>>, vector<1x16xi32>,
      %add3A_119 = arith.addi %get3A_105, %mul3A_112 : vector<16xi32>
      %swap3A_120 = arith.index_cast %scan3A_71 : i32 to index
      %swap3A_121 = arith.constant 16 : index
      %swap3A_122 = tpu.vector_load %arg12[%swap3A_120, %swap3A_121] {strides = array<i32>} : memref<79x128xi32, #tpu.memory_space<vmem>>, vector<1x16xi32>,
      %swap3A_123 = vector.shape_cast %swap3A_122 : vector<1x16xi32> to vector<16xi32>
      %swap3A_124 = vector.shape_cast %add3A_119 : vector<16xi32> to vector<1x16xi32>
      tpu.vector_store %arg12[%swap3A_120, %swap3A_121], %swap3A_124 {strides = array<i32>} : memref<79x128xi32, #tpu.memory_space<vmem>>, vector<1x16xi32>,
      %get3A_125 = arith.index_cast %scan3A_71 : i32 to index
      %get3A_126 = arith.constant 32 : index
      %get3A_127 = tpu.vector_load %arg8[%get3A_125, %get3A_126] {strides = array<i32>} : memref<79x128xi32, #tpu.memory_space<vmem>>, vector<1x16xi32>,
      %get3A_128 = vector.shape_cast %get3A_127 : vector<1x16xi32> to vector<16xi32>
      %get3A_129 = arith.index_cast %scan3A_71 : i32 to index
      %get3A_130 = arith.constant 32 : index
      %get3A_131 = tpu.vector_load %arg9[%get3A_129, %get3A_130] {strides = array<i32>} : memref<79x128xi32, #tpu.memory_space<vmem>>, vector<1x16xi32>,
      %get3A_132 = vector.shape_cast %get3A_131 : vector<1x16xi32> to vector<16xi32>
      %get3A_133 = arith.index_cast %scan3A_71 : i32 to index
      %get3A_134 = arith.constant 32 : index
      %get3A_135 = tpu.vector_load %arg10[%get3A_133, %get3A_134] {strides = array<i32>} : memref<79x128xi32, #tpu.memory_space<vmem>>, vector<1x16xi32>,
      %get3A_136 = vector.shape_cast %get3A_135 : vector<1x16xi32> to vector<16xi32>
      %mul3A_137 = arith.constant 10240 : i32
      %mul3A_138 = vector.broadcast %mul3A_137 : i32 to vector<16xi32>
      %mul3A_139 = arith.muli %get3A_136, %mul3A_138 : vector<16xi32>
      %add3A_140 = arith.addi %get3A_128, %mul3A_139 : vector<16xi32>
      %swap3A_141 = arith.index_cast %scan3A_71 : i32 to index
      %swap3A_142 = arith.constant 32 : index
      %swap3A_143 = tpu.vector_load %arg11[%swap3A_141, %swap3A_142] {strides = array<i32>} : memref<79x128xi32, #tpu.memory_space<vmem>>, vector<1x16xi32>,
      %swap3A_144 = vector.shape_cast %swap3A_143 : vector<1x16xi32> to vector<16xi32>
      %swap3A_145 = vector.shape_cast %add3A_140 : vector<16xi32> to vector<1x16xi32>
      tpu.vector_store %arg11[%swap3A_141, %swap3A_142], %swap3A_145 {strides = array<i32>} : memref<79x128xi32, #tpu.memory_space<vmem>>, vector<1x16xi32>,
      %add3A_146 = arith.addi %get3A_132, %mul3A_139 : vector<16xi32>
      %swap3A_147 = arith.index_cast %scan3A_71 : i32 to index
      %swap3A_148 = arith.constant 32 : index
      %swap3A_149 = tpu.vector_load %arg12[%swap3A_147, %swap3A_148] {strides = array<i32>} : memref<79x128xi32, #tpu.memory_space<vmem>>, vector<1x16xi32>,
      %swap3A_150 = vector.shape_cast %swap3A_149 : vector<1x16xi32> to vector<16xi32>
      %swap3A_151 = vector.shape_cast %add3A_146 : vector<16xi32> to vector<1x16xi32>
      tpu.vector_store %arg12[%swap3A_147, %swap3A_148], %swap3A_151 {strides = array<i32>} : memref<79x128xi32, #tpu.memory_space<vmem>>, vector<1x16xi32>,
      %get3A_152 = arith.index_cast %scan3A_71 : i32 to index
      %get3A_153 = arith.constant 48 : index
      %get3A_154 = tpu.vector_load %arg8[%get3A_152, %get3A_153] {strides = array<i32>} : memref<79x128xi32, #tpu.memory_space<vmem>>, vector<1x16xi32>,
      %get3A_155 = vector.shape_cast %get3A_154 : vector<1x16xi32> to vector<16xi32>
      %get3A_156 = arith.index_cast %scan3A_71 : i32 to index
      %get3A_157 = arith.constant 48 : index
      %get3A_158 = tpu.vector_load %arg9[%get3A_156, %get3A_157] {strides = array<i32>} : memref<79x128xi32, #tpu.memory_space<vmem>>, vector<1x16xi32>,
      %get3A_159 = vector.shape_cast %get3A_158 : vector<1x16xi32> to vector<16xi32>
      %get3A_160 = arith.index_cast %scan3A_71 : i32 to index
      %get3A_161 = arith.constant 48 : index
      %get3A_162 = tpu.vector_load %arg10[%get3A_160, %get3A_161] {strides = array<i32>} : memref<79x128xi32, #tpu.memory_space<vmem>>, vector<1x16xi32>,
      %get3A_163 = vector.shape_cast %get3A_162 : vector<1x16xi32> to vector<16xi32>
      %mul3A_164 = arith.constant 10240 : i32
      %mul3A_165 = vector.broadcast %mul3A_164 : i32 to vector<16xi32>
      %mul3A_166 = arith.muli %get3A_163, %mul3A_165 : vector<16xi32>
      %add3A_167 = arith.addi %get3A_155, %mul3A_166 : vector<16xi32>
      %swap3A_168 = arith.index_cast %scan3A_71 : i32 to index
      %swap3A_169 = arith.constant 48 : index
      %swap3A_170 = tpu.vector_load %arg11[%swap3A_168, %swap3A_169] {strides = array<i32>} : memref<79x128xi32, #tpu.memory_space<vmem>>, vector<1x16xi32>,
      %swap3A_171 = vector.shape_cast %swap3A_170 : vector<1x16xi32> to vector<16xi32>
      %swap3A_172 = vector.shape_cast %add3A_167 : vector<16xi32> to vector<1x16xi32>
      tpu.vector_store %arg11[%swap3A_168, %swap3A_169], %swap3A_172 {strides = array<i32>} : memref<79x128xi32, #tpu.memory_space<vmem>>, vector<1x16xi32>,
      %add3A_173 = arith.addi %get3A_159, %mul3A_166 : vector<16xi32>
      %swap3A_174 = arith.index_cast %scan3A_71 : i32 to index
      %swap3A_175 = arith.constant 48 : index
      %swap3A_176 = tpu.vector_load %arg12[%swap3A_174, %swap3A_175] {strides = array<i32>} : memref<79x128xi32, #tpu.memory_space<vmem>>, vector<1x16xi32>,
      %swap3A_177 = vector.shape_cast %swap3A_176 : vector<1x16xi32> to vector<16xi32>
      %swap3A_178 = vector.shape_cast %add3A_173 : vector<16xi32> to vector<1x16xi32>
      tpu.vector_store %arg12[%swap3A_174, %swap3A_175], %swap3A_178 {strides = array<i32>} : memref<79x128xi32, #tpu.memory_space<vmem>>, vector<1x16xi32>,
      %get3A_179 = arith.index_cast %scan3A_71 : i32 to index
      %get3A_180 = arith.constant 64 : index
      %get3A_181 = tpu.vector_load %arg8[%get3A_179, %get3A_180] {strides = array<i32>} : memref<79x128xi32, #tpu.memory_space<vmem>>, vector<1x16xi32>,
      %get3A_182 = vector.shape_cast %get3A_181 : vector<1x16xi32> to vector<16xi32>
      %get3A_183 = arith.index_cast %scan3A_71 : i32 to index
      %get3A_184 = arith.constant 64 : index
      %get3A_185 = tpu.vector_load %arg9[%get3A_183, %get3A_184] {strides = array<i32>} : memref<79x128xi32, #tpu.memory_space<vmem>>, vector<1x16xi32>,
      %get3A_186 = vector.shape_cast %get3A_185 : vector<1x16xi32> to vector<16xi32>
      %get3A_187 = arith.index_cast %scan3A_71 : i32 to index
      %get3A_188 = arith.constant 64 : index
      %get3A_189 = tpu.vector_load %arg10[%get3A_187, %get3A_188] {strides = array<i32>} : memref<79x128xi32, #tpu.memory_space<vmem>>, vector<1x16xi32>,
      %get3A_190 = vector.shape_cast %get3A_189 : vector<1x16xi32> to vector<16xi32>
      %mul3A_191 = arith.constant 10240 : i32
      %mul3A_192 = vector.broadcast %mul3A_191 : i32 to vector<16xi32>
      %mul3A_193 = arith.muli %get3A_190, %mul3A_192 : vector<16xi32>
      %add3A_194 = arith.addi %get3A_182, %mul3A_193 : vector<16xi32>
      %swap3A_195 = arith.index_cast %scan3A_71 : i32 to index
      %swap3A_196 = arith.constant 64 : index
      %swap3A_197 = tpu.vector_load %arg11[%swap3A_195, %swap3A_196] {strides = array<i32>} : memref<79x128xi32, #tpu.memory_space<vmem>>, vector<1x16xi32>,
      %swap3A_198 = vector.shape_cast %swap3A_197 : vector<1x16xi32> to vector<16xi32>
      %swap3A_199 = vector.shape_cast %add3A_194 : vector<16xi32> to vector<1x16xi32>
      tpu.vector_store %arg11[%swap3A_195, %swap3A_196], %swap3A_199 {strides = array<i32>} : memref<79x128xi32, #tpu.memory_space<vmem>>, vector<1x16xi32>,
      %add3A_200 = arith.addi %get3A_186, %mul3A_193 : vector<16xi32>
      %swap3A_201 = arith.index_cast %scan3A_71 : i32 to index
      %swap3A_202 = arith.constant 64 : index
      %swap3A_203 = tpu.vector_load %arg12[%swap3A_201, %swap3A_202] {strides = array<i32>} : memref<79x128xi32, #tpu.memory_space<vmem>>, vector<1x16xi32>,
      %swap3A_204 = vector.shape_cast %swap3A_203 : vector<1x16xi32> to vector<16xi32>
      %swap3A_205 = vector.shape_cast %add3A_200 : vector<16xi32> to vector<1x16xi32>
      tpu.vector_store %arg12[%swap3A_201, %swap3A_202], %swap3A_205 {strides = array<i32>} : memref<79x128xi32, #tpu.memory_space<vmem>>, vector<1x16xi32>,
      %get3A_206 = arith.index_cast %scan3A_71 : i32 to index
      %get3A_207 = arith.constant 80 : index
      %get3A_208 = tpu.vector_load %arg8[%get3A_206, %get3A_207] {strides = array<i32>} : memref<79x128xi32, #tpu.memory_space<vmem>>, vector<1x16xi32>,
      %get3A_209 = vector.shape_cast %get3A_208 : vector<1x16xi32> to vector<16xi32>
      %get3A_210 = arith.index_cast %scan3A_71 : i32 to index
      %get3A_211 = arith.constant 80 : index
      %get3A_212 = tpu.vector_load %arg9[%get3A_210, %get3A_211] {strides = array<i32>} : memref<79x128xi32, #tpu.memory_space<vmem>>, vector<1x16xi32>,
      %get3A_213 = vector.shape_cast %get3A_212 : vector<1x16xi32> to vector<16xi32>
      %get3A_214 = arith.index_cast %scan3A_71 : i32 to index
      %get3A_215 = arith.constant 80 : index
      %get3A_216 = tpu.vector_load %arg10[%get3A_214, %get3A_215] {strides = array<i32>} : memref<79x128xi32, #tpu.memory_space<vmem>>, vector<1x16xi32>,
      %get3A_217 = vector.shape_cast %get3A_216 : vector<1x16xi32> to vector<16xi32>
      %mul3A_218 = arith.constant 10240 : i32
      %mul3A_219 = vector.broadcast %mul3A_218 : i32 to vector<16xi32>
      %mul3A_220 = arith.muli %get3A_217, %mul3A_219 : vector<16xi32>
      %add3A_221 = arith.addi %get3A_209, %mul3A_220 : vector<16xi32>
      %swap3A_222 = arith.index_cast %scan3A_71 : i32 to index
      %swap3A_223 = arith.constant 80 : index
      %swap3A_224 = tpu.vector_load %arg11[%swap3A_222, %swap3A_223] {strides = array<i32>} : memref<79x128xi32, #tpu.memory_space<vmem>>, vector<1x16xi32>,
      %swap3A_225 = vector.shape_cast %swap3A_224 : vector<1x16xi32> to vector<16xi32>
      %swap3A_226 = vector.shape_cast %add3A_221 : vector<16xi32> to vector<1x16xi32>
      tpu.vector_store %arg11[%swap3A_222, %swap3A_223], %swap3A_226 {strides = array<i32>} : memref<79x128xi32, #tpu.memory_space<vmem>>, vector<1x16xi32>,
      %add3A_227 = arith.addi %get3A_213, %mul3A_220 : vector<16xi32>
      %swap3A_228 = arith.index_cast %scan3A_71 : i32 to index
      %swap3A_229 = arith.constant 80 : index
      %swap3A_230 = tpu.vector_load %arg12[%swap3A_228, %swap3A_229] {strides = array<i32>} : memref<79x128xi32, #tpu.memory_space<vmem>>, vector<1x16xi32>,
      %swap3A_231 = vector.shape_cast %swap3A_230 : vector<1x16xi32> to vector<16xi32>
      %swap3A_232 = vector.shape_cast %add3A_227 : vector<16xi32> to vector<1x16xi32>
      tpu.vector_store %arg12[%swap3A_228, %swap3A_229], %swap3A_232 {strides = array<i32>} : memref<79x128xi32, #tpu.memory_space<vmem>>, vector<1x16xi32>,
      %get3A_233 = arith.index_cast %scan3A_71 : i32 to index
      %get3A_234 = arith.constant 96 : index
      %get3A_235 = tpu.vector_load %arg8[%get3A_233, %get3A_234] {strides = array<i32>} : memref<79x128xi32, #tpu.memory_space<vmem>>, vector<1x16xi32>,
      %get3A_236 = vector.shape_cast %get3A_235 : vector<1x16xi32> to vector<16xi32>
      %get3A_237 = arith.index_cast %scan3A_71 : i32 to index
      %get3A_238 = arith.constant 96 : index
      %get3A_239 = tpu.vector_load %arg9[%get3A_237, %get3A_238] {strides = array<i32>} : memref<79x128xi32, #tpu.memory_space<vmem>>, vector<1x16xi32>,
      %get3A_240 = vector.shape_cast %get3A_239 : vector<1x16xi32> to vector<16xi32>
      %get3A_241 = arith.index_cast %scan3A_71 : i32 to index
      %get3A_242 = arith.constant 96 : index
      %get3A_243 = tpu.vector_load %arg10[%get3A_241, %get3A_242] {strides = array<i32>} : memref<79x128xi32, #tpu.memory_space<vmem>>, vector<1x16xi32>,
      %get3A_244 = vector.shape_cast %get3A_243 : vector<1x16xi32> to vector<16xi32>
      %mul3A_245 = arith.constant 10240 : i32
      %mul3A_246 = vector.broadcast %mul3A_245 : i32 to vector<16xi32>
      %mul3A_247 = arith.muli %get3A_244, %mul3A_246 : vector<16xi32>
      %add3A_248 = arith.addi %get3A_236, %mul3A_247 : vector<16xi32>
      %swap3A_249 = arith.index_cast %scan3A_71 : i32 to index
      %swap3A_250 = arith.constant 96 : index
      %swap3A_251 = tpu.vector_load %arg11[%swap3A_249, %swap3A_250] {strides = array<i32>} : memref<79x128xi32, #tpu.memory_space<vmem>>, vector<1x16xi32>,
      %swap3A_252 = vector.shape_cast %swap3A_251 : vector<1x16xi32> to vector<16xi32>
      %swap3A_253 = vector.shape_cast %add3A_248 : vector<16xi32> to vector<1x16xi32>
      tpu.vector_store %arg11[%swap3A_249, %swap3A_250], %swap3A_253 {strides = array<i32>} : memref<79x128xi32, #tpu.memory_space<vmem>>, vector<1x16xi32>,
      %add3A_254 = arith.addi %get3A_240, %mul3A_247 : vector<16xi32>
      %swap3A_255 = arith.index_cast %scan3A_71 : i32 to index
      %swap3A_256 = arith.constant 96 : index
      %swap3A_257 = tpu.vector_load %arg12[%swap3A_255, %swap3A_256] {strides = array<i32>} : memref<79x128xi32, #tpu.memory_space<vmem>>, vector<1x16xi32>,
      %swap3A_258 = vector.shape_cast %swap3A_257 : vector<1x16xi32> to vector<16xi32>
      %swap3A_259 = vector.shape_cast %add3A_254 : vector<16xi32> to vector<1x16xi32>
      tpu.vector_store %arg12[%swap3A_255, %swap3A_256], %swap3A_259 {strides = array<i32>} : memref<79x128xi32, #tpu.memory_space<vmem>>, vector<1x16xi32>,
      %get3A_260 = arith.index_cast %scan3A_71 : i32 to index
      %get3A_261 = arith.constant 112 : index
      %get3A_262 = tpu.vector_load %arg8[%get3A_260, %get3A_261] {strides = array<i32>} : memref<79x128xi32, #tpu.memory_space<vmem>>, vector<1x16xi32>,
      %get3A_263 = vector.shape_cast %get3A_262 : vector<1x16xi32> to vector<16xi32>
      %get3A_264 = arith.index_cast %scan3A_71 : i32 to index
      %get3A_265 = arith.constant 112 : index
      %get3A_266 = tpu.vector_load %arg9[%get3A_264, %get3A_265] {strides = array<i32>} : memref<79x128xi32, #tpu.memory_space<vmem>>, vector<1x16xi32>,
      %get3A_267 = vector.shape_cast %get3A_266 : vector<1x16xi32> to vector<16xi32>
      %get3A_268 = arith.index_cast %scan3A_71 : i32 to index
      %get3A_269 = arith.constant 112 : index
      %get3A_270 = tpu.vector_load %arg10[%get3A_268, %get3A_269] {strides = array<i32>} : memref<79x128xi32, #tpu.memory_space<vmem>>, vector<1x16xi32>,
      %get3A_271 = vector.shape_cast %get3A_270 : vector<1x16xi32> to vector<16xi32>
      %mul3A_272 = arith.constant 10240 : i32
      %mul3A_273 = vector.broadcast %mul3A_272 : i32 to vector<16xi32>
      %mul3A_274 = arith.muli %get3A_271, %mul3A_273 : vector<16xi32>
      %add3A_275 = arith.addi %get3A_263, %mul3A_274 : vector<16xi32>
      %swap3A_276 = arith.index_cast %scan3A_71 : i32 to index
      %swap3A_277 = arith.constant 112 : index
      %swap3A_278 = tpu.vector_load %arg11[%swap3A_276, %swap3A_277] {strides = array<i32>} : memref<79x128xi32, #tpu.memory_space<vmem>>, vector<1x16xi32>,
      %swap3A_279 = vector.shape_cast %swap3A_278 : vector<1x16xi32> to vector<16xi32>
      %swap3A_280 = vector.shape_cast %add3A_275 : vector<16xi32> to vector<1x16xi32>
      tpu.vector_store %arg11[%swap3A_276, %swap3A_277], %swap3A_280 {strides = array<i32>} : memref<79x128xi32, #tpu.memory_space<vmem>>, vector<1x16xi32>,
      %add3A_281 = arith.addi %get3A_267, %mul3A_274 : vector<16xi32>
      %swap3A_282 = arith.index_cast %scan3A_71 : i32 to index
      %swap3A_283 = arith.constant 112 : index
      %swap3A_284 = tpu.vector_load %arg12[%swap3A_282, %swap3A_283] {strides = array<i32>} : memref<79x128xi32, #tpu.memory_space<vmem>>, vector<1x16xi32>,
      %swap3A_285 = vector.shape_cast %swap3A_284 : vector<1x16xi32> to vector<16xi32>
      %swap3A_286 = vector.shape_cast %add3A_281 : vector<16xi32> to vector<1x16xi32>
      tpu.vector_store %arg12[%swap3A_282, %swap3A_283], %swap3A_286 {strides = array<i32>} : memref<79x128xi32, #tpu.memory_space<vmem>>, vector<1x16xi32>,
    }
    %scan3A_57 = arith.constant 79 : i32
    "tpu.region"() ({
      %run_scoped3A = tpu.sem_alloc : memref<!tpu.dma_semaphore, #tpu.memory_space<semaphore_mem>>
      %dma_start3A = arith.constant 0 : i32
      %dma_start3A_71 = arith.constant 0 : i32
      %dma_start3A_72 = tpu.memref_slice %arg6[%add3A, %dma_start3A, %dma_start3A_71] : memref<32x79x128xi32, #tpu.memory_space<hbm>> -> memref<1x79x128xi32, #tpu.memory_space<hbm>>
      %dma_start3A_73 = tpu.memref_squeeze %dma_start3A_72 : memref<1x79x128xi32, #tpu.memory_space<hbm>> -> memref<79x128xi32, #tpu.memory_space<hbm>>
      %dma_start3A_74 = arith.constant 0 : i32
      %dma_start3A_75 = arith.constant 0 : i32
      %dma_start3A_76 = tpu.memref_slice %arg6[%add3A, %dma_start3A_74, %dma_start3A_75] : memref<32x79x128xi32, #tpu.memory_space<hbm>> -> memref<1x79x128xi32, #tpu.memory_space<hbm>>
      %dma_start3A_77 = tpu.memref_squeeze %dma_start3A_76 : memref<1x79x128xi32, #tpu.memory_space<hbm>> -> memref<79x128xi32, #tpu.memory_space<hbm>>
      tpu.enqueue_dma source(%arg11 : memref<79x128xi32, #tpu.memory_space<vmem>>) target(%dma_start3A_77 : memref<79x128xi32, #tpu.memory_space<hbm>>) target_semaphore(%run_scoped3A : memref<!tpu.dma_semaphore, #tpu.memory_space<semaphore_mem>>)
      %dma_wait3A = arith.constant 0 : i32
      %dma_wait3A_78 = arith.constant 0 : i32
      %dma_wait3A_79 = tpu.memref_slice %arg6[%add3A, %dma_wait3A, %dma_wait3A_78] : memref<32x79x128xi32, #tpu.memory_space<hbm>> -> memref<1x79x128xi32, #tpu.memory_space<hbm>>
      %dma_wait3A_80 = tpu.memref_squeeze %dma_wait3A_79 : memref<1x79x128xi32, #tpu.memory_space<hbm>> -> memref<79x128xi32, #tpu.memory_space<hbm>>
      %dma_wait3A_81 = arith.constant 0 : i32
      %dma_wait3A_82 = arith.constant 0 : i32
      %dma_wait3A_83 = tpu.memref_slice %arg6[%add3A, %dma_wait3A_81, %dma_wait3A_82] : memref<32x79x128xi32, #tpu.memory_space<hbm>> -> memref<1x79x128xi32, #tpu.memory_space<hbm>>
      %dma_wait3A_84 = tpu.memref_squeeze %dma_wait3A_83 : memref<1x79x128xi32, #tpu.memory_space<hbm>> -> memref<79x128xi32, #tpu.memory_space<hbm>>
      tpu.wait_dma2 semaphore(%run_scoped3A : memref<!tpu.dma_semaphore, #tpu.memory_space<semaphore_mem>>) src(%arg11 : memref<79x128xi32, #tpu.memory_space<vmem>>) dst(%dma_wait3A_84 : memref<79x128xi32, #tpu.memory_space<hbm>>)
      tpu.yield
    }) : () -> ()
    "tpu.region"() ({
      %run_scoped3A = tpu.sem_alloc : memref<!tpu.dma_semaphore, #tpu.memory_space<semaphore_mem>>
      %dma_start3A = arith.constant 0 : i32
      %dma_start3A_71 = arith.constant 0 : i32
      %dma_start3A_72 = tpu.memref_slice %arg7[%add3A, %dma_start3A, %dma_start3A_71] : memref<32x79x128xi32, #tpu.memory_space<hbm>> -> memref<1x79x128xi32, #tpu.memory_space<hbm>>
      %dma_start3A_73 = tpu.memref_squeeze %dma_start3A_72 : memref<1x79x128xi32, #tpu.memory_space<hbm>> -> memref<79x128xi32, #tpu.memory_space<hbm>>
      %dma_start3A_74 = arith.constant 0 : i32
      %dma_start3A_75 = arith.constant 0 : i32
      %dma_start3A_76 = tpu.memref_slice %arg7[%add3A, %dma_start3A_74, %dma_start3A_75] : memref<32x79x128xi32, #tpu.memory_space<hbm>> -> memref<1x79x128xi32, #tpu.memory_space<hbm>>
      %dma_start3A_77 = tpu.memref_squeeze %dma_start3A_76 : memref<1x79x128xi32, #tpu.memory_space<hbm>> -> memref<79x128xi32, #tpu.memory_space<hbm>>
      tpu.enqueue_dma source(%arg12 : memref<79x128xi32, #tpu.memory_space<vmem>>) target(%dma_start3A_77 : memref<79x128xi32, #tpu.memory_space<hbm>>) target_semaphore(%run_scoped3A : memref<!tpu.dma_semaphore, #tpu.memory_space<semaphore_mem>>)
      %dma_wait3A = arith.constant 0 : i32
      %dma_wait3A_78 = arith.constant 0 : i32
      %dma_wait3A_79 = tpu.memref_slice %arg7[%add3A, %dma_wait3A, %dma_wait3A_78] : memref<32x79x128xi32, #tpu.memory_space<hbm>> -> memref<1x79x128xi32, #tpu.memory_space<hbm>>
      %dma_wait3A_80 = tpu.memref_squeeze %dma_wait3A_79 : memref<1x79x128xi32, #tpu.memory_space<hbm>> -> memref<79x128xi32, #tpu.memory_space<hbm>>
      %dma_wait3A_81 = arith.constant 0 : i32
      %dma_wait3A_82 = arith.constant 0 : i32
      %dma_wait3A_83 = tpu.memref_slice %arg7[%add3A, %dma_wait3A_81, %dma_wait3A_82] : memref<32x79x128xi32, #tpu.memory_space<hbm>> -> memref<1x79x128xi32, #tpu.memory_space<hbm>>
      %dma_wait3A_84 = tpu.memref_squeeze %dma_wait3A_83 : memref<1x79x128xi32, #tpu.memory_space<hbm>> -> memref<79x128xi32, #tpu.memory_space<hbm>>
      tpu.wait_dma2 semaphore(%run_scoped3A : memref<!tpu.dma_semaphore, #tpu.memory_space<semaphore_mem>>) src(%arg12 : memref<79x128xi32, #tpu.memory_space<vmem>>) dst(%dma_wait3A_84 : memref<79x128xi32, #tpu.memory_space<hbm>>)
      tpu.yield
    }) : () -> ()
    %mul3A_58 = arith.constant 1280 : i32
    %mul3A_59 = arith.muli %arg1, %mul3A_58 : i32
    "tpu.region"() ({
      %run_scoped3A = tpu.sem_alloc : memref<!tpu.dma_semaphore, #tpu.memory_space<semaphore_mem>>
      %dma_start3A = tpu.memref_slice %arg15[%mul3A_59] : memref<20480xf32, #tpu.memory_space<vmem_shared>> -> memref<1280xf32, #tpu.memory_space<vmem_shared>>
      %dma_start3A_71 = tpu.memref_slice %arg15[%mul3A_59] : memref<20480xf32, #tpu.memory_space<vmem_shared>> -> memref<1280xf32, #tpu.memory_space<vmem_shared>>
      tpu.enqueue_dma source(%arg14 : memref<1280xf32, #tpu.memory_space<vmem>>) target(%dma_start3A_71 : memref<1280xf32, #tpu.memory_space<vmem_shared>>) target_semaphore(%run_scoped3A : memref<!tpu.dma_semaphore, #tpu.memory_space<semaphore_mem>>)
      %dma_wait3A = tpu.memref_slice %arg15[%mul3A_59] : memref<20480xf32, #tpu.memory_space<vmem_shared>> -> memref<1280xf32, #tpu.memory_space<vmem_shared>>
      %dma_wait3A_72 = tpu.memref_slice %arg15[%mul3A_59] : memref<20480xf32, #tpu.memory_space<vmem_shared>> -> memref<1280xf32, #tpu.memory_space<vmem_shared>>
      tpu.wait_dma2 semaphore(%run_scoped3A : memref<!tpu.dma_semaphore, #tpu.memory_space<semaphore_mem>>) src(%arg14 : memref<1280xf32, #tpu.memory_space<vmem>>) dst(%dma_wait3A_72 : memref<1280xf32, #tpu.memory_space<vmem_shared>>)
      tpu.yield
    }) : () -> ()
    %barrier3A = arith.constant 0 : index
    tpu.barrier barrier_id(%barrier3A)
    %scan3A_60 = arith.constant 0 : i32
    %scan3A_61 = arith.constant 0 : i32
    %scan3A_62 = arith.constant 79 : i32
    %scan3A_63 = arith.addi %scan3A_61, %scan3A_62 : i32
    %scan3A_64 = arith.constant 1 : i32
    scf.for %scan3A_71 = %scan3A_61 to %scan3A_63 step %scan3A_64  : i32 {
      "tpu.region"() ({
        %run_scoped3A = tpu.sem_alloc : memref<!tpu.dma_semaphore, #tpu.memory_space<semaphore_mem>>
        %dma_start3A = arith.constant 0 : i32
        %dma_start3A_72 = tpu.memref_slice %arg12[%scan3A_71, %dma_start3A] : memref<79x128xi32, #tpu.memory_space<vmem>> -> memref<1x128xi32, #tpu.memory_space<vmem>>
        %dma_start3A_73 = tpu.memref_squeeze %dma_start3A_72 : memref<1x128xi32, #tpu.memory_space<vmem>> -> memref<128xi32, #tpu.memory_space<vmem>>
        %dma_start3A_74 = arith.constant 0 : i32
        %dma_start3A_75 = tpu.memref_slice %arg15[%dma_start3A_74] : memref<20480xf32, #tpu.memory_space<vmem_shared>> -> memref<20480xf32, #tpu.memory_space<vmem_shared>>
        tpu.enqueue_indirect_dma source(%arg13 : memref<128xf32, #tpu.memory_space<vmem>>) target(%dma_start3A_75 : memref<20480xf32, #tpu.memory_space<vmem_shared>>) offsets(%dma_start3A_73 : memref<128xi32, #tpu.memory_space<vmem>>) semaphore(%run_scoped3A : memref<!tpu.dma_semaphore, #tpu.memory_space<semaphore_mem>>) {add = true}
        %dma_wait3A = arith.constant 0 : i32
        %dma_wait3A_76 = tpu.memref_slice %arg12[%scan3A_71, %dma_wait3A] : memref<79x128xi32, #tpu.memory_space<vmem>> -> memref<1x128xi32, #tpu.memory_space<vmem>>
        %dma_wait3A_77 = tpu.memref_squeeze %dma_wait3A_76 : memref<1x128xi32, #tpu.memory_space<vmem>> -> memref<128xi32, #tpu.memory_space<vmem>>
        %dma_wait3A_78 = arith.constant 0 : i32
        %dma_wait3A_79 = tpu.memref_slice %arg15[%dma_wait3A_78] : memref<20480xf32, #tpu.memory_space<vmem_shared>> -> memref<20480xf32, #tpu.memory_space<vmem_shared>>
        tpu.wait_indirect_dma semaphore(%run_scoped3A : memref<!tpu.dma_semaphore, #tpu.memory_space<semaphore_mem>>) src(%arg13 : memref<128xf32, #tpu.memory_space<vmem>>) dst(%dma_wait3A_79 : memref<20480xf32, #tpu.memory_space<vmem_shared>>)
        tpu.yield
      }) : () -> ()
    }
    %scan3A_65 = arith.constant 79 : i32
    %barrier3A_66 = arith.constant 0 : index
    tpu.barrier barrier_id(%barrier3A_66)
    %mul3A_67 = arith.constant 1280 : i32
    %mul3A_68 = arith.muli %arg1, %mul3A_67 : i32
    %mul3A_69 = arith.constant 1280 : i32
    %mul3A_70 = arith.muli %arg1, %mul3A_69 : i32
    "tpu.region"() ({
      %run_scoped3A = tpu.sem_alloc : memref<!tpu.dma_semaphore, #tpu.memory_space<semaphore_mem>>
      %dma_start3A = tpu.memref_slice %arg5[%arg0, %mul3A_70] : memref<2x20480xf32, #tpu.memory_space<hbm>> -> memref<1x1280xf32, #tpu.memory_space<hbm>>
      %dma_start3A_71 = tpu.memref_squeeze %dma_start3A : memref<1x1280xf32, #tpu.memory_space<hbm>> -> memref<1280xf32, #tpu.memory_space<hbm>>
      %dma_start3A_72 = tpu.memref_slice %arg15[%mul3A_68] : memref<20480xf32, #tpu.memory_space<vmem_shared>> -> memref<1280xf32, #tpu.memory_space<vmem_shared>>
      tpu.enqueue_dma source(%dma_start3A_72 : memref<1280xf32, #tpu.memory_space<vmem_shared>>) target(%dma_start3A_71 : memref<1280xf32, #tpu.memory_space<hbm>>) target_semaphore(%run_scoped3A : memref<!tpu.dma_semaphore, #tpu.memory_space<semaphore_mem>>)
      %dma_wait3A = tpu.memref_slice %arg5[%arg0, %mul3A_70] : memref<2x20480xf32, #tpu.memory_space<hbm>> -> memref<1x1280xf32, #tpu.memory_space<hbm>>
      %dma_wait3A_73 = tpu.memref_squeeze %dma_wait3A : memref<1x1280xf32, #tpu.memory_space<hbm>> -> memref<1280xf32, #tpu.memory_space<hbm>>
      %dma_wait3A_74 = tpu.memref_slice %arg15[%mul3A_68] : memref<20480xf32, #tpu.memory_space<vmem_shared>> -> memref<1280xf32, #tpu.memory_space<vmem_shared>>
      tpu.wait_dma2 semaphore(%run_scoped3A : memref<!tpu.dma_semaphore, #tpu.memory_space<semaphore_mem>>) src(%dma_wait3A_74 : memref<1280xf32, #tpu.memory_space<vmem_shared>>) dst(%dma_wait3A_73 : memref<1280xf32, #tpu.memory_space<hbm>>)
      tpu.yield
    }) : () -> ()
    return
  }
}

#map = affine_map<(d0, d1) -> (0, 0, 0)>
#map1 = affine_map<(d0, d1) -> (0, 0)>
module attributes {stable_mosaic.version = 14 : i64} {
  func.func @_sc_layer(%arg0: i32, %arg1: i32, %arg2: memref<32x79x128xi32, #tpu.memory_space<hbm>>, %arg3: memref<32x79x128xi32, #tpu.memory_space<hbm>>, %arg4: memref<10240x64xf32, #tpu.memory_space<hbm>>, %arg5: memref<2x10240x64xf32, #tpu.memory_space<hbm>>, %arg6: memref<79x128xi32, #tpu.memory_space<vmem>>, %arg7: memref<79x128xi32, #tpu.memory_space<vmem>>, %arg8: memref<128x64xf32, #tpu.memory_space<vmem>>, %arg9: memref<32x64xf32, #tpu.memory_space<vmem>>, %arg10: memref<10240x64xf32, #tpu.memory_space<vmem_shared>>, %arg11: memref<!tpu.dma_semaphore, #tpu.memory_space<semaphore_mem>>) attributes {dimension_semantics = [#tpu.dimension_semantics<core_parallel>, #tpu.dimension_semantics<subcore_parallel>], iteration_bounds = array<i64: 2, 16>, scalar_prefetch = 0 : i64, scratch_operands = 6 : i64, tpu.core_type = #tpu.core_type<sc_vector_subcore>, window_params = [{transform_indices = #map}, {transform_indices = #map}, {transform_indices = #map1}, {transform_indices = #map}]} {
    %mul3A = arith.constant 2 : i32
    %mul3A_0 = arith.muli %arg1, %mul3A : i32
    %add3A = arith.addi %mul3A_0, %arg0 : i32
    "tpu.region"() ({
      %run_scoped3A = tpu.sem_alloc : memref<!tpu.dma_semaphore, #tpu.memory_space<semaphore_mem>>
      %dma_start3A = arith.constant 0 : i32
      %dma_start3A_21 = arith.constant 0 : i32
      %dma_start3A_22 = tpu.memref_slice %arg2[%add3A, %dma_start3A, %dma_start3A_21] : memref<32x79x128xi32, #tpu.memory_space<hbm>> -> memref<1x79x128xi32, #tpu.memory_space<hbm>>
      %dma_start3A_23 = tpu.memref_squeeze %dma_start3A_22 : memref<1x79x128xi32, #tpu.memory_space<hbm>> -> memref<79x128xi32, #tpu.memory_space<hbm>>
      %dma_start3A_24 = arith.constant 0 : i32
      %dma_start3A_25 = arith.constant 0 : i32
      %dma_start3A_26 = tpu.memref_slice %arg2[%add3A, %dma_start3A_24, %dma_start3A_25] : memref<32x79x128xi32, #tpu.memory_space<hbm>> -> memref<1x79x128xi32, #tpu.memory_space<hbm>>
      %dma_start3A_27 = tpu.memref_squeeze %dma_start3A_26 : memref<1x79x128xi32, #tpu.memory_space<hbm>> -> memref<79x128xi32, #tpu.memory_space<hbm>>
      tpu.enqueue_dma source(%dma_start3A_27 : memref<79x128xi32, #tpu.memory_space<hbm>>) target(%arg6 : memref<79x128xi32, #tpu.memory_space<vmem>>) target_semaphore(%run_scoped3A : memref<!tpu.dma_semaphore, #tpu.memory_space<semaphore_mem>>)
      %dma_wait3A = arith.constant 0 : i32
      %dma_wait3A_28 = arith.constant 0 : i32
      %dma_wait3A_29 = tpu.memref_slice %arg2[%add3A, %dma_wait3A, %dma_wait3A_28] : memref<32x79x128xi32, #tpu.memory_space<hbm>> -> memref<1x79x128xi32, #tpu.memory_space<hbm>>
      %dma_wait3A_30 = tpu.memref_squeeze %dma_wait3A_29 : memref<1x79x128xi32, #tpu.memory_space<hbm>> -> memref<79x128xi32, #tpu.memory_space<hbm>>
      %dma_wait3A_31 = arith.constant 0 : i32
      %dma_wait3A_32 = arith.constant 0 : i32
      %dma_wait3A_33 = tpu.memref_slice %arg2[%add3A, %dma_wait3A_31, %dma_wait3A_32] : memref<32x79x128xi32, #tpu.memory_space<hbm>> -> memref<1x79x128xi32, #tpu.memory_space<hbm>>
      %dma_wait3A_34 = tpu.memref_squeeze %dma_wait3A_33 : memref<1x79x128xi32, #tpu.memory_space<hbm>> -> memref<79x128xi32, #tpu.memory_space<hbm>>
      tpu.wait_dma2 semaphore(%run_scoped3A : memref<!tpu.dma_semaphore, #tpu.memory_space<semaphore_mem>>) src(%dma_wait3A_34 : memref<79x128xi32, #tpu.memory_space<hbm>>) dst(%arg6 : memref<79x128xi32, #tpu.memory_space<vmem>>)
      tpu.yield
    }) : () -> ()
    "tpu.region"() ({
      %run_scoped3A = tpu.sem_alloc : memref<!tpu.dma_semaphore, #tpu.memory_space<semaphore_mem>>
      %dma_start3A = arith.constant 0 : i32
      %dma_start3A_21 = arith.constant 0 : i32
      %dma_start3A_22 = tpu.memref_slice %arg3[%add3A, %dma_start3A, %dma_start3A_21] : memref<32x79x128xi32, #tpu.memory_space<hbm>> -> memref<1x79x128xi32, #tpu.memory_space<hbm>>
      %dma_start3A_23 = tpu.memref_squeeze %dma_start3A_22 : memref<1x79x128xi32, #tpu.memory_space<hbm>> -> memref<79x128xi32, #tpu.memory_space<hbm>>
      %dma_start3A_24 = arith.constant 0 : i32
      %dma_start3A_25 = arith.constant 0 : i32
      %dma_start3A_26 = tpu.memref_slice %arg3[%add3A, %dma_start3A_24, %dma_start3A_25] : memref<32x79x128xi32, #tpu.memory_space<hbm>> -> memref<1x79x128xi32, #tpu.memory_space<hbm>>
      %dma_start3A_27 = tpu.memref_squeeze %dma_start3A_26 : memref<1x79x128xi32, #tpu.memory_space<hbm>> -> memref<79x128xi32, #tpu.memory_space<hbm>>
      tpu.enqueue_dma source(%dma_start3A_27 : memref<79x128xi32, #tpu.memory_space<hbm>>) target(%arg7 : memref<79x128xi32, #tpu.memory_space<vmem>>) target_semaphore(%run_scoped3A : memref<!tpu.dma_semaphore, #tpu.memory_space<semaphore_mem>>)
      %dma_wait3A = arith.constant 0 : i32
      %dma_wait3A_28 = arith.constant 0 : i32
      %dma_wait3A_29 = tpu.memref_slice %arg3[%add3A, %dma_wait3A, %dma_wait3A_28] : memref<32x79x128xi32, #tpu.memory_space<hbm>> -> memref<1x79x128xi32, #tpu.memory_space<hbm>>
      %dma_wait3A_30 = tpu.memref_squeeze %dma_wait3A_29 : memref<1x79x128xi32, #tpu.memory_space<hbm>> -> memref<79x128xi32, #tpu.memory_space<hbm>>
      %dma_wait3A_31 = arith.constant 0 : i32
      %dma_wait3A_32 = arith.constant 0 : i32
      %dma_wait3A_33 = tpu.memref_slice %arg3[%add3A, %dma_wait3A_31, %dma_wait3A_32] : memref<32x79x128xi32, #tpu.memory_space<hbm>> -> memref<1x79x128xi32, #tpu.memory_space<hbm>>
      %dma_wait3A_34 = tpu.memref_squeeze %dma_wait3A_33 : memref<1x79x128xi32, #tpu.memory_space<hbm>> -> memref<79x128xi32, #tpu.memory_space<hbm>>
      tpu.wait_dma2 semaphore(%run_scoped3A : memref<!tpu.dma_semaphore, #tpu.memory_space<semaphore_mem>>) src(%dma_wait3A_34 : memref<79x128xi32, #tpu.memory_space<hbm>>) dst(%arg7 : memref<79x128xi32, #tpu.memory_space<vmem>>)
      tpu.yield
    }) : () -> ()
    %scan3A = arith.constant 0 : i32
    %scan3A_1 = arith.constant 0 : i32
    %scan3A_2 = arith.constant 32 : i32
    %scan3A_3 = arith.addi %scan3A_1, %scan3A_2 : i32
    %scan3A_4 = arith.constant 1 : i32
    scf.for %scan3A_21 = %scan3A_1 to %scan3A_3 step %scan3A_4  : i32 {
      %broadcast_in_dim3A = arith.constant 0.000000e+00 : f32
      %broadcast_in_dim3A_22 = vector.broadcast %broadcast_in_dim3A : f32 to vector<16xf32>
      %swap3A = arith.index_cast %scan3A_21 : i32 to index
      %swap3A_23 = arith.constant 0 : index
      %swap3A_24 = tpu.vector_load %arg9[%swap3A, %swap3A_23] {strides = array<i32>} : memref<32x64xf32, #tpu.memory_space<vmem>>, vector<1x16xf32>,
      %swap3A_25 = vector.shape_cast %swap3A_24 : vector<1x16xf32> to vector<16xf32>
      %swap3A_26 = vector.shape_cast %broadcast_in_dim3A_22 : vector<16xf32> to vector<1x16xf32>
      tpu.vector_store %arg9[%swap3A, %swap3A_23], %swap3A_26 {strides = array<i32>} : memref<32x64xf32, #tpu.memory_space<vmem>>, vector<1x16xf32>,
      %broadcast_in_dim3A_27 = arith.constant 0.000000e+00 : f32
      %broadcast_in_dim3A_28 = vector.broadcast %broadcast_in_dim3A_27 : f32 to vector<16xf32>
      %swap3A_29 = arith.index_cast %scan3A_21 : i32 to index
      %swap3A_30 = arith.constant 16 : index
      %swap3A_31 = tpu.vector_load %arg9[%swap3A_29, %swap3A_30] {strides = array<i32>} : memref<32x64xf32, #tpu.memory_space<vmem>>, vector<1x16xf32>,
      %swap3A_32 = vector.shape_cast %swap3A_31 : vector<1x16xf32> to vector<16xf32>
      %swap3A_33 = vector.shape_cast %broadcast_in_dim3A_28 : vector<16xf32> to vector<1x16xf32>
      tpu.vector_store %arg9[%swap3A_29, %swap3A_30], %swap3A_33 {strides = array<i32>} : memref<32x64xf32, #tpu.memory_space<vmem>>, vector<1x16xf32>,
      %broadcast_in_dim3A_34 = arith.constant 0.000000e+00 : f32
      %broadcast_in_dim3A_35 = vector.broadcast %broadcast_in_dim3A_34 : f32 to vector<16xf32>
      %swap3A_36 = arith.index_cast %scan3A_21 : i32 to index
      %swap3A_37 = arith.constant 32 : index
      %swap3A_38 = tpu.vector_load %arg9[%swap3A_36, %swap3A_37] {strides = array<i32>} : memref<32x64xf32, #tpu.memory_space<vmem>>, vector<1x16xf32>,
      %swap3A_39 = vector.shape_cast %swap3A_38 : vector<1x16xf32> to vector<16xf32>
      %swap3A_40 = vector.shape_cast %broadcast_in_dim3A_35 : vector<16xf32> to vector<1x16xf32>
      tpu.vector_store %arg9[%swap3A_36, %swap3A_37], %swap3A_40 {strides = array<i32>} : memref<32x64xf32, #tpu.memory_space<vmem>>, vector<1x16xf32>,
      %broadcast_in_dim3A_41 = arith.constant 0.000000e+00 : f32
      %broadcast_in_dim3A_42 = vector.broadcast %broadcast_in_dim3A_41 : f32 to vector<16xf32>
      %swap3A_43 = arith.index_cast %scan3A_21 : i32 to index
      %swap3A_44 = arith.constant 48 : index
      %swap3A_45 = tpu.vector_load %arg9[%swap3A_43, %swap3A_44] {strides = array<i32>} : memref<32x64xf32, #tpu.memory_space<vmem>>, vector<1x16xf32>,
      %swap3A_46 = vector.shape_cast %swap3A_45 : vector<1x16xf32> to vector<16xf32>
      %swap3A_47 = vector.shape_cast %broadcast_in_dim3A_42 : vector<16xf32> to vector<1x16xf32>
      tpu.vector_store %arg9[%swap3A_43, %swap3A_44], %swap3A_47 {strides = array<i32>} : memref<32x64xf32, #tpu.memory_space<vmem>>, vector<1x16xf32>,
    }
    %scan3A_5 = arith.constant 32 : i32
    %scan3A_6 = arith.constant 0 : i32
    %scan3A_7 = arith.constant 0 : i32
    %scan3A_8 = arith.constant 20 : i32
    %scan3A_9 = arith.addi %scan3A_7, %scan3A_8 : i32
    %scan3A_10 = arith.constant 1 : i32
    scf.for %scan3A_21 = %scan3A_7 to %scan3A_9 step %scan3A_10  : i32 {
      %mul3A_22 = arith.constant 640 : i32
      %mul3A_23 = arith.muli %arg1, %mul3A_22 : i32
      %mul3A_24 = arith.constant 32 : i32
      %mul3A_25 = arith.muli %scan3A_21, %mul3A_24 : i32
      %add3A_26 = arith.addi %mul3A_23, %mul3A_25 : i32
      "tpu.region"() ({
        %run_scoped3A = tpu.sem_alloc : memref<!tpu.dma_semaphore, #tpu.memory_space<semaphore_mem>>
        %dma_start3A = arith.constant 0 : i32
        %dma_start3A_27 = tpu.memref_slice %arg10[%add3A_26, %dma_start3A] : memref<10240x64xf32, #tpu.memory_space<vmem_shared>> -> memref<32x64xf32, #tpu.memory_space<vmem_shared>>
        %dma_start3A_28 = arith.constant 0 : i32
        %dma_start3A_29 = tpu.memref_slice %arg10[%add3A_26, %dma_start3A_28] : memref<10240x64xf32, #tpu.memory_space<vmem_shared>> -> memref<32x64xf32, #tpu.memory_space<vmem_shared>>
        tpu.enqueue_dma source(%arg9 : memref<32x64xf32, #tpu.memory_space<vmem>>) target(%dma_start3A_29 : memref<32x64xf32, #tpu.memory_space<vmem_shared>>) target_semaphore(%run_scoped3A : memref<!tpu.dma_semaphore, #tpu.memory_space<semaphore_mem>>)
        %dma_wait3A = arith.constant 0 : i32
        %dma_wait3A_30 = tpu.memref_slice %arg10[%add3A_26, %dma_wait3A] : memref<10240x64xf32, #tpu.memory_space<vmem_shared>> -> memref<32x64xf32, #tpu.memory_space<vmem_shared>>
        %dma_wait3A_31 = arith.constant 0 : i32
        %dma_wait3A_32 = tpu.memref_slice %arg10[%add3A_26, %dma_wait3A_31] : memref<10240x64xf32, #tpu.memory_space<vmem_shared>> -> memref<32x64xf32, #tpu.memory_space<vmem_shared>>
        tpu.wait_dma2 semaphore(%run_scoped3A : memref<!tpu.dma_semaphore, #tpu.memory_space<semaphore_mem>>) src(%arg9 : memref<32x64xf32, #tpu.memory_space<vmem>>) dst(%dma_wait3A_32 : memref<32x64xf32, #tpu.memory_space<vmem_shared>>)
        tpu.yield
      }) : () -> ()
    }
    %scan3A_11 = arith.constant 20 : i32
    %barrier3A = arith.constant 0 : index
    tpu.barrier barrier_id(%barrier3A)
    %scan3A_12 = arith.constant 0 : i32
    %scan3A_13 = arith.constant 0 : i32
    %scan3A_14 = arith.constant 79 : i32
    %scan3A_15 = arith.addi %scan3A_13, %scan3A_14 : i32
    %scan3A_16 = arith.constant 1 : i32
    scf.for %scan3A_21 = %scan3A_13 to %scan3A_15 step %scan3A_16  : i32 {
      %dma_start3A = arith.constant 0 : i32
      %dma_start3A_22 = tpu.memref_slice %arg6[%scan3A_21, %dma_start3A] : memref<79x128xi32, #tpu.memory_space<vmem>> -> memref<1x128xi32, #tpu.memory_space<vmem>>
      %dma_start3A_23 = tpu.memref_squeeze %dma_start3A_22 : memref<1x128xi32, #tpu.memory_space<vmem>> -> memref<128xi32, #tpu.memory_space<vmem>>
      %dma_start3A_24 = arith.constant 0 : i32
      %dma_start3A_25 = arith.constant 0 : i32
      %dma_start3A_26 = tpu.memref_slice %arg4[%dma_start3A_24, %dma_start3A_25] : memref<10240x64xf32, #tpu.memory_space<hbm>> -> memref<10240x64xf32, #tpu.memory_space<hbm>>
      tpu.enqueue_indirect_dma source(%dma_start3A_26 : memref<10240x64xf32, #tpu.memory_space<hbm>>) target(%arg8 : memref<128x64xf32, #tpu.memory_space<vmem>>) offsets(%dma_start3A_23 : memref<128xi32, #tpu.memory_space<vmem>>) semaphore(%arg11 : memref<!tpu.dma_semaphore, #tpu.memory_space<semaphore_mem>>)
      %dma_wait3A = arith.constant 0 : i32
      %dma_wait3A_27 = tpu.memref_slice %arg6[%scan3A_21, %dma_wait3A] : memref<79x128xi32, #tpu.memory_space<vmem>> -> memref<1x128xi32, #tpu.memory_space<vmem>>
      %dma_wait3A_28 = tpu.memref_squeeze %dma_wait3A_27 : memref<1x128xi32, #tpu.memory_space<vmem>> -> memref<128xi32, #tpu.memory_space<vmem>>
      %dma_wait3A_29 = arith.constant 0 : i32
      %dma_wait3A_30 = arith.constant 0 : i32
      %dma_wait3A_31 = tpu.memref_slice %arg4[%dma_wait3A_29, %dma_wait3A_30] : memref<10240x64xf32, #tpu.memory_space<hbm>> -> memref<10240x64xf32, #tpu.memory_space<hbm>>
      tpu.wait_indirect_dma semaphore(%arg11 : memref<!tpu.dma_semaphore, #tpu.memory_space<semaphore_mem>>) src(%dma_wait3A_31 : memref<10240x64xf32, #tpu.memory_space<hbm>>) dst(%arg8 : memref<128x64xf32, #tpu.memory_space<vmem>>)
      "tpu.region"() ({
        %run_scoped3A = tpu.sem_alloc : memref<!tpu.dma_semaphore, #tpu.memory_space<semaphore_mem>>
        %dma_start3A_32 = arith.constant 0 : i32
        %dma_start3A_33 = tpu.memref_slice %arg7[%scan3A_21, %dma_start3A_32] : memref<79x128xi32, #tpu.memory_space<vmem>> -> memref<1x128xi32, #tpu.memory_space<vmem>>
        %dma_start3A_34 = tpu.memref_squeeze %dma_start3A_33 : memref<1x128xi32, #tpu.memory_space<vmem>> -> memref<128xi32, #tpu.memory_space<vmem>>
        %dma_start3A_35 = arith.constant 0 : i32
        %dma_start3A_36 = arith.constant 0 : i32
        %dma_start3A_37 = tpu.memref_slice %arg10[%dma_start3A_35, %dma_start3A_36] : memref<10240x64xf32, #tpu.memory_space<vmem_shared>> -> memref<10240x64xf32, #tpu.memory_space<vmem_shared>>
        tpu.enqueue_indirect_dma source(%arg8 : memref<128x64xf32, #tpu.memory_space<vmem>>) target(%dma_start3A_37 : memref<10240x64xf32, #tpu.memory_space<vmem_shared>>) offsets(%dma_start3A_34 : memref<128xi32, #tpu.memory_space<vmem>>) semaphore(%run_scoped3A : memref<!tpu.dma_semaphore, #tpu.memory_space<semaphore_mem>>) {add = true}
        %dma_wait3A_38 = arith.constant 0 : i32
        %dma_wait3A_39 = tpu.memref_slice %arg7[%scan3A_21, %dma_wait3A_38] : memref<79x128xi32, #tpu.memory_space<vmem>> -> memref<1x128xi32, #tpu.memory_space<vmem>>
        %dma_wait3A_40 = tpu.memref_squeeze %dma_wait3A_39 : memref<1x128xi32, #tpu.memory_space<vmem>> -> memref<128xi32, #tpu.memory_space<vmem>>
        %dma_wait3A_41 = arith.constant 0 : i32
        %dma_wait3A_42 = arith.constant 0 : i32
        %dma_wait3A_43 = tpu.memref_slice %arg10[%dma_wait3A_41, %dma_wait3A_42] : memref<10240x64xf32, #tpu.memory_space<vmem_shared>> -> memref<10240x64xf32, #tpu.memory_space<vmem_shared>>
        tpu.wait_indirect_dma semaphore(%run_scoped3A : memref<!tpu.dma_semaphore, #tpu.memory_space<semaphore_mem>>) src(%arg8 : memref<128x64xf32, #tpu.memory_space<vmem>>) dst(%dma_wait3A_43 : memref<10240x64xf32, #tpu.memory_space<vmem_shared>>)
        tpu.yield
      }) : () -> ()
    }
    %scan3A_17 = arith.constant 79 : i32
    %barrier3A_18 = arith.constant 0 : index
    tpu.barrier barrier_id(%barrier3A_18)
    %mul3A_19 = arith.constant 640 : i32
    %mul3A_20 = arith.muli %arg1, %mul3A_19 : i32
    "tpu.region"() ({
      %run_scoped3A = tpu.sem_alloc : memref<!tpu.dma_semaphore, #tpu.memory_space<semaphore_mem>>
      %dma_start3A = arith.constant 0 : i32
      %dma_start3A_21 = tpu.memref_slice %arg5[%arg0, %mul3A_20, %dma_start3A] : memref<2x10240x64xf32, #tpu.memory_space<hbm>> -> memref<1x640x64xf32, #tpu.memory_space<hbm>>
      %dma_start3A_22 = tpu.memref_squeeze %dma_start3A_21 : memref<1x640x64xf32, #tpu.memory_space<hbm>> -> memref<640x64xf32, #tpu.memory_space<hbm>>
      %dma_start3A_23 = arith.constant 0 : i32
      %dma_start3A_24 = tpu.memref_slice %arg10[%mul3A_20, %dma_start3A_23] : memref<10240x64xf32, #tpu.memory_space<vmem_shared>> -> memref<640x64xf32, #tpu.memory_space<vmem_shared>>
      tpu.enqueue_dma source(%dma_start3A_24 : memref<640x64xf32, #tpu.memory_space<vmem_shared>>) target(%dma_start3A_22 : memref<640x64xf32, #tpu.memory_space<hbm>>) target_semaphore(%run_scoped3A : memref<!tpu.dma_semaphore, #tpu.memory_space<semaphore_mem>>)
      %dma_wait3A = arith.constant 0 : i32
      %dma_wait3A_25 = tpu.memref_slice %arg5[%arg0, %mul3A_20, %dma_wait3A] : memref<2x10240x64xf32, #tpu.memory_space<hbm>> -> memref<1x640x64xf32, #tpu.memory_space<hbm>>
      %dma_wait3A_26 = tpu.memref_squeeze %dma_wait3A_25 : memref<1x640x64xf32, #tpu.memory_space<hbm>> -> memref<640x64xf32, #tpu.memory_space<hbm>>
      %dma_wait3A_27 = arith.constant 0 : i32
      %dma_wait3A_28 = tpu.memref_slice %arg10[%mul3A_20, %dma_wait3A_27] : memref<10240x64xf32, #tpu.memory_space<vmem_shared>> -> memref<640x64xf32, #tpu.memory_space<vmem_shared>>
      tpu.wait_dma2 semaphore(%run_scoped3A : memref<!tpu.dma_semaphore, #tpu.memory_space<semaphore_mem>>) src(%dma_wait3A_28 : memref<640x64xf32, #tpu.memory_space<vmem_shared>>) dst(%dma_wait3A_26 : memref<640x64xf32, #tpu.memory_space<hbm>>)
      tpu.yield
    }) : () -> ()
    return
  }
}

#map = affine_map<(d0, d1) -> (0, 0, 0)>
#map1 = affine_map<(d0, d1) -> (0, 0)>
module attributes {stable_mosaic.version = 14 : i64} {
  func.func @_sc_layer(%arg0: i32, %arg1: i32, %arg2: memref<32x79x128xi32, #tpu.memory_space<hbm>>, %arg3: memref<32x79x128xi32, #tpu.memory_space<hbm>>, %arg4: memref<20480x64xf32, #tpu.memory_space<hbm>>, %arg5: memref<2x20480x64xf32, #tpu.memory_space<hbm>>, %arg6: memref<79x128xi32, #tpu.memory_space<vmem>>, %arg7: memref<79x128xi32, #tpu.memory_space<vmem>>, %arg8: memref<128x64xf32, #tpu.memory_space<vmem>>, %arg9: memref<32x64xf32, #tpu.memory_space<vmem>>, %arg10: memref<20480x64xf32, #tpu.memory_space<vmem_shared>>, %arg11: memref<!tpu.dma_semaphore, #tpu.memory_space<semaphore_mem>>) attributes {dimension_semantics = [#tpu.dimension_semantics<core_parallel>, #tpu.dimension_semantics<subcore_parallel>], iteration_bounds = array<i64: 2, 16>, scalar_prefetch = 0 : i64, scratch_operands = 6 : i64, tpu.core_type = #tpu.core_type<sc_vector_subcore>, window_params = [{transform_indices = #map}, {transform_indices = #map}, {transform_indices = #map1}, {transform_indices = #map}]} {
    %mul3A = arith.constant 2 : i32
    %mul3A_0 = arith.muli %arg1, %mul3A : i32
    %add3A = arith.addi %mul3A_0, %arg0 : i32
    "tpu.region"() ({
      %run_scoped3A = tpu.sem_alloc : memref<!tpu.dma_semaphore, #tpu.memory_space<semaphore_mem>>
      %dma_start3A = arith.constant 0 : i32
      %dma_start3A_21 = arith.constant 0 : i32
      %dma_start3A_22 = tpu.memref_slice %arg2[%add3A, %dma_start3A, %dma_start3A_21] : memref<32x79x128xi32, #tpu.memory_space<hbm>> -> memref<1x79x128xi32, #tpu.memory_space<hbm>>
      %dma_start3A_23 = tpu.memref_squeeze %dma_start3A_22 : memref<1x79x128xi32, #tpu.memory_space<hbm>> -> memref<79x128xi32, #tpu.memory_space<hbm>>
      %dma_start3A_24 = arith.constant 0 : i32
      %dma_start3A_25 = arith.constant 0 : i32
      %dma_start3A_26 = tpu.memref_slice %arg2[%add3A, %dma_start3A_24, %dma_start3A_25] : memref<32x79x128xi32, #tpu.memory_space<hbm>> -> memref<1x79x128xi32, #tpu.memory_space<hbm>>
      %dma_start3A_27 = tpu.memref_squeeze %dma_start3A_26 : memref<1x79x128xi32, #tpu.memory_space<hbm>> -> memref<79x128xi32, #tpu.memory_space<hbm>>
      tpu.enqueue_dma source(%dma_start3A_27 : memref<79x128xi32, #tpu.memory_space<hbm>>) target(%arg6 : memref<79x128xi32, #tpu.memory_space<vmem>>) target_semaphore(%run_scoped3A : memref<!tpu.dma_semaphore, #tpu.memory_space<semaphore_mem>>)
      %dma_wait3A = arith.constant 0 : i32
      %dma_wait3A_28 = arith.constant 0 : i32
      %dma_wait3A_29 = tpu.memref_slice %arg2[%add3A, %dma_wait3A, %dma_wait3A_28] : memref<32x79x128xi32, #tpu.memory_space<hbm>> -> memref<1x79x128xi32, #tpu.memory_space<hbm>>
      %dma_wait3A_30 = tpu.memref_squeeze %dma_wait3A_29 : memref<1x79x128xi32, #tpu.memory_space<hbm>> -> memref<79x128xi32, #tpu.memory_space<hbm>>
      %dma_wait3A_31 = arith.constant 0 : i32
      %dma_wait3A_32 = arith.constant 0 : i32
      %dma_wait3A_33 = tpu.memref_slice %arg2[%add3A, %dma_wait3A_31, %dma_wait3A_32] : memref<32x79x128xi32, #tpu.memory_space<hbm>> -> memref<1x79x128xi32, #tpu.memory_space<hbm>>
      %dma_wait3A_34 = tpu.memref_squeeze %dma_wait3A_33 : memref<1x79x128xi32, #tpu.memory_space<hbm>> -> memref<79x128xi32, #tpu.memory_space<hbm>>
      tpu.wait_dma2 semaphore(%run_scoped3A : memref<!tpu.dma_semaphore, #tpu.memory_space<semaphore_mem>>) src(%dma_wait3A_34 : memref<79x128xi32, #tpu.memory_space<hbm>>) dst(%arg6 : memref<79x128xi32, #tpu.memory_space<vmem>>)
      tpu.yield
    }) : () -> ()
    "tpu.region"() ({
      %run_scoped3A = tpu.sem_alloc : memref<!tpu.dma_semaphore, #tpu.memory_space<semaphore_mem>>
      %dma_start3A = arith.constant 0 : i32
      %dma_start3A_21 = arith.constant 0 : i32
      %dma_start3A_22 = tpu.memref_slice %arg3[%add3A, %dma_start3A, %dma_start3A_21] : memref<32x79x128xi32, #tpu.memory_space<hbm>> -> memref<1x79x128xi32, #tpu.memory_space<hbm>>
      %dma_start3A_23 = tpu.memref_squeeze %dma_start3A_22 : memref<1x79x128xi32, #tpu.memory_space<hbm>> -> memref<79x128xi32, #tpu.memory_space<hbm>>
      %dma_start3A_24 = arith.constant 0 : i32
      %dma_start3A_25 = arith.constant 0 : i32
      %dma_start3A_26 = tpu.memref_slice %arg3[%add3A, %dma_start3A_24, %dma_start3A_25] : memref<32x79x128xi32, #tpu.memory_space<hbm>> -> memref<1x79x128xi32, #tpu.memory_space<hbm>>
      %dma_start3A_27 = tpu.memref_squeeze %dma_start3A_26 : memref<1x79x128xi32, #tpu.memory_space<hbm>> -> memref<79x128xi32, #tpu.memory_space<hbm>>
      tpu.enqueue_dma source(%dma_start3A_27 : memref<79x128xi32, #tpu.memory_space<hbm>>) target(%arg7 : memref<79x128xi32, #tpu.memory_space<vmem>>) target_semaphore(%run_scoped3A : memref<!tpu.dma_semaphore, #tpu.memory_space<semaphore_mem>>)
      %dma_wait3A = arith.constant 0 : i32
      %dma_wait3A_28 = arith.constant 0 : i32
      %dma_wait3A_29 = tpu.memref_slice %arg3[%add3A, %dma_wait3A, %dma_wait3A_28] : memref<32x79x128xi32, #tpu.memory_space<hbm>> -> memref<1x79x128xi32, #tpu.memory_space<hbm>>
      %dma_wait3A_30 = tpu.memref_squeeze %dma_wait3A_29 : memref<1x79x128xi32, #tpu.memory_space<hbm>> -> memref<79x128xi32, #tpu.memory_space<hbm>>
      %dma_wait3A_31 = arith.constant 0 : i32
      %dma_wait3A_32 = arith.constant 0 : i32
      %dma_wait3A_33 = tpu.memref_slice %arg3[%add3A, %dma_wait3A_31, %dma_wait3A_32] : memref<32x79x128xi32, #tpu.memory_space<hbm>> -> memref<1x79x128xi32, #tpu.memory_space<hbm>>
      %dma_wait3A_34 = tpu.memref_squeeze %dma_wait3A_33 : memref<1x79x128xi32, #tpu.memory_space<hbm>> -> memref<79x128xi32, #tpu.memory_space<hbm>>
      tpu.wait_dma2 semaphore(%run_scoped3A : memref<!tpu.dma_semaphore, #tpu.memory_space<semaphore_mem>>) src(%dma_wait3A_34 : memref<79x128xi32, #tpu.memory_space<hbm>>) dst(%arg7 : memref<79x128xi32, #tpu.memory_space<vmem>>)
      tpu.yield
    }) : () -> ()
    %scan3A = arith.constant 0 : i32
    %scan3A_1 = arith.constant 0 : i32
    %scan3A_2 = arith.constant 32 : i32
    %scan3A_3 = arith.addi %scan3A_1, %scan3A_2 : i32
    %scan3A_4 = arith.constant 1 : i32
    scf.for %scan3A_21 = %scan3A_1 to %scan3A_3 step %scan3A_4  : i32 {
      %broadcast_in_dim3A = arith.constant 0.000000e+00 : f32
      %broadcast_in_dim3A_22 = vector.broadcast %broadcast_in_dim3A : f32 to vector<16xf32>
      %swap3A = arith.index_cast %scan3A_21 : i32 to index
      %swap3A_23 = arith.constant 0 : index
      %swap3A_24 = tpu.vector_load %arg9[%swap3A, %swap3A_23] {strides = array<i32>} : memref<32x64xf32, #tpu.memory_space<vmem>>, vector<1x16xf32>,
      %swap3A_25 = vector.shape_cast %swap3A_24 : vector<1x16xf32> to vector<16xf32>
      %swap3A_26 = vector.shape_cast %broadcast_in_dim3A_22 : vector<16xf32> to vector<1x16xf32>
      tpu.vector_store %arg9[%swap3A, %swap3A_23], %swap3A_26 {strides = array<i32>} : memref<32x64xf32, #tpu.memory_space<vmem>>, vector<1x16xf32>,
      %broadcast_in_dim3A_27 = arith.constant 0.000000e+00 : f32
      %broadcast_in_dim3A_28 = vector.broadcast %broadcast_in_dim3A_27 : f32 to vector<16xf32>
      %swap3A_29 = arith.index_cast %scan3A_21 : i32 to index
      %swap3A_30 = arith.constant 16 : index
      %swap3A_31 = tpu.vector_load %arg9[%swap3A_29, %swap3A_30] {strides = array<i32>} : memref<32x64xf32, #tpu.memory_space<vmem>>, vector<1x16xf32>,
      %swap3A_32 = vector.shape_cast %swap3A_31 : vector<1x16xf32> to vector<16xf32>
      %swap3A_33 = vector.shape_cast %broadcast_in_dim3A_28 : vector<16xf32> to vector<1x16xf32>
      tpu.vector_store %arg9[%swap3A_29, %swap3A_30], %swap3A_33 {strides = array<i32>} : memref<32x64xf32, #tpu.memory_space<vmem>>, vector<1x16xf32>,
      %broadcast_in_dim3A_34 = arith.constant 0.000000e+00 : f32
      %broadcast_in_dim3A_35 = vector.broadcast %broadcast_in_dim3A_34 : f32 to vector<16xf32>
      %swap3A_36 = arith.index_cast %scan3A_21 : i32 to index
      %swap3A_37 = arith.constant 32 : index
      %swap3A_38 = tpu.vector_load %arg9[%swap3A_36, %swap3A_37] {strides = array<i32>} : memref<32x64xf32, #tpu.memory_space<vmem>>, vector<1x16xf32>,
      %swap3A_39 = vector.shape_cast %swap3A_38 : vector<1x16xf32> to vector<16xf32>
      %swap3A_40 = vector.shape_cast %broadcast_in_dim3A_35 : vector<16xf32> to vector<1x16xf32>
      tpu.vector_store %arg9[%swap3A_36, %swap3A_37], %swap3A_40 {strides = array<i32>} : memref<32x64xf32, #tpu.memory_space<vmem>>, vector<1x16xf32>,
      %broadcast_in_dim3A_41 = arith.constant 0.000000e+00 : f32
      %broadcast_in_dim3A_42 = vector.broadcast %broadcast_in_dim3A_41 : f32 to vector<16xf32>
      %swap3A_43 = arith.index_cast %scan3A_21 : i32 to index
      %swap3A_44 = arith.constant 48 : index
      %swap3A_45 = tpu.vector_load %arg9[%swap3A_43, %swap3A_44] {strides = array<i32>} : memref<32x64xf32, #tpu.memory_space<vmem>>, vector<1x16xf32>,
      %swap3A_46 = vector.shape_cast %swap3A_45 : vector<1x16xf32> to vector<16xf32>
      %swap3A_47 = vector.shape_cast %broadcast_in_dim3A_42 : vector<16xf32> to vector<1x16xf32>
      tpu.vector_store %arg9[%swap3A_43, %swap3A_44], %swap3A_47 {strides = array<i32>} : memref<32x64xf32, #tpu.memory_space<vmem>>, vector<1x16xf32>,
    }
    %scan3A_5 = arith.constant 32 : i32
    %scan3A_6 = arith.constant 0 : i32
    %scan3A_7 = arith.constant 0 : i32
    %scan3A_8 = arith.constant 40 : i32
    %scan3A_9 = arith.addi %scan3A_7, %scan3A_8 : i32
    %scan3A_10 = arith.constant 1 : i32
    scf.for %scan3A_21 = %scan3A_7 to %scan3A_9 step %scan3A_10  : i32 {
      %mul3A_22 = arith.constant 1280 : i32
      %mul3A_23 = arith.muli %arg1, %mul3A_22 : i32
      %mul3A_24 = arith.constant 32 : i32
      %mul3A_25 = arith.muli %scan3A_21, %mul3A_24 : i32
      %add3A_26 = arith.addi %mul3A_23, %mul3A_25 : i32
      "tpu.region"() ({
        %run_scoped3A = tpu.sem_alloc : memref<!tpu.dma_semaphore, #tpu.memory_space<semaphore_mem>>
        %dma_start3A = arith.constant 0 : i32
        %dma_start3A_27 = tpu.memref_slice %arg10[%add3A_26, %dma_start3A] : memref<20480x64xf32, #tpu.memory_space<vmem_shared>> -> memref<32x64xf32, #tpu.memory_space<vmem_shared>>
        %dma_start3A_28 = arith.constant 0 : i32
        %dma_start3A_29 = tpu.memref_slice %arg10[%add3A_26, %dma_start3A_28] : memref<20480x64xf32, #tpu.memory_space<vmem_shared>> -> memref<32x64xf32, #tpu.memory_space<vmem_shared>>
        tpu.enqueue_dma source(%arg9 : memref<32x64xf32, #tpu.memory_space<vmem>>) target(%dma_start3A_29 : memref<32x64xf32, #tpu.memory_space<vmem_shared>>) target_semaphore(%run_scoped3A : memref<!tpu.dma_semaphore, #tpu.memory_space<semaphore_mem>>)
        %dma_wait3A = arith.constant 0 : i32
        %dma_wait3A_30 = tpu.memref_slice %arg10[%add3A_26, %dma_wait3A] : memref<20480x64xf32, #tpu.memory_space<vmem_shared>> -> memref<32x64xf32, #tpu.memory_space<vmem_shared>>
        %dma_wait3A_31 = arith.constant 0 : i32
        %dma_wait3A_32 = tpu.memref_slice %arg10[%add3A_26, %dma_wait3A_31] : memref<20480x64xf32, #tpu.memory_space<vmem_shared>> -> memref<32x64xf32, #tpu.memory_space<vmem_shared>>
        tpu.wait_dma2 semaphore(%run_scoped3A : memref<!tpu.dma_semaphore, #tpu.memory_space<semaphore_mem>>) src(%arg9 : memref<32x64xf32, #tpu.memory_space<vmem>>) dst(%dma_wait3A_32 : memref<32x64xf32, #tpu.memory_space<vmem_shared>>)
        tpu.yield
      }) : () -> ()
    }
    %scan3A_11 = arith.constant 40 : i32
    %barrier3A = arith.constant 0 : index
    tpu.barrier barrier_id(%barrier3A)
    %scan3A_12 = arith.constant 0 : i32
    %scan3A_13 = arith.constant 0 : i32
    %scan3A_14 = arith.constant 79 : i32
    %scan3A_15 = arith.addi %scan3A_13, %scan3A_14 : i32
    %scan3A_16 = arith.constant 1 : i32
    scf.for %scan3A_21 = %scan3A_13 to %scan3A_15 step %scan3A_16  : i32 {
      %dma_start3A = arith.constant 0 : i32
      %dma_start3A_22 = tpu.memref_slice %arg6[%scan3A_21, %dma_start3A] : memref<79x128xi32, #tpu.memory_space<vmem>> -> memref<1x128xi32, #tpu.memory_space<vmem>>
      %dma_start3A_23 = tpu.memref_squeeze %dma_start3A_22 : memref<1x128xi32, #tpu.memory_space<vmem>> -> memref<128xi32, #tpu.memory_space<vmem>>
      %dma_start3A_24 = arith.constant 0 : i32
      %dma_start3A_25 = arith.constant 0 : i32
      %dma_start3A_26 = tpu.memref_slice %arg4[%dma_start3A_24, %dma_start3A_25] : memref<20480x64xf32, #tpu.memory_space<hbm>> -> memref<20480x64xf32, #tpu.memory_space<hbm>>
      tpu.enqueue_indirect_dma source(%dma_start3A_26 : memref<20480x64xf32, #tpu.memory_space<hbm>>) target(%arg8 : memref<128x64xf32, #tpu.memory_space<vmem>>) offsets(%dma_start3A_23 : memref<128xi32, #tpu.memory_space<vmem>>) semaphore(%arg11 : memref<!tpu.dma_semaphore, #tpu.memory_space<semaphore_mem>>)
      %dma_wait3A = arith.constant 0 : i32
      %dma_wait3A_27 = tpu.memref_slice %arg6[%scan3A_21, %dma_wait3A] : memref<79x128xi32, #tpu.memory_space<vmem>> -> memref<1x128xi32, #tpu.memory_space<vmem>>
      %dma_wait3A_28 = tpu.memref_squeeze %dma_wait3A_27 : memref<1x128xi32, #tpu.memory_space<vmem>> -> memref<128xi32, #tpu.memory_space<vmem>>
      %dma_wait3A_29 = arith.constant 0 : i32
      %dma_wait3A_30 = arith.constant 0 : i32
      %dma_wait3A_31 = tpu.memref_slice %arg4[%dma_wait3A_29, %dma_wait3A_30] : memref<20480x64xf32, #tpu.memory_space<hbm>> -> memref<20480x64xf32, #tpu.memory_space<hbm>>
      tpu.wait_indirect_dma semaphore(%arg11 : memref<!tpu.dma_semaphore, #tpu.memory_space<semaphore_mem>>) src(%dma_wait3A_31 : memref<20480x64xf32, #tpu.memory_space<hbm>>) dst(%arg8 : memref<128x64xf32, #tpu.memory_space<vmem>>)
      "tpu.region"() ({
        %run_scoped3A = tpu.sem_alloc : memref<!tpu.dma_semaphore, #tpu.memory_space<semaphore_mem>>
        %dma_start3A_32 = arith.constant 0 : i32
        %dma_start3A_33 = tpu.memref_slice %arg7[%scan3A_21, %dma_start3A_32] : memref<79x128xi32, #tpu.memory_space<vmem>> -> memref<1x128xi32, #tpu.memory_space<vmem>>
        %dma_start3A_34 = tpu.memref_squeeze %dma_start3A_33 : memref<1x128xi32, #tpu.memory_space<vmem>> -> memref<128xi32, #tpu.memory_space<vmem>>
        %dma_start3A_35 = arith.constant 0 : i32
        %dma_start3A_36 = arith.constant 0 : i32
        %dma_start3A_37 = tpu.memref_slice %arg10[%dma_start3A_35, %dma_start3A_36] : memref<20480x64xf32, #tpu.memory_space<vmem_shared>> -> memref<20480x64xf32, #tpu.memory_space<vmem_shared>>
        tpu.enqueue_indirect_dma source(%arg8 : memref<128x64xf32, #tpu.memory_space<vmem>>) target(%dma_start3A_37 : memref<20480x64xf32, #tpu.memory_space<vmem_shared>>) offsets(%dma_start3A_34 : memref<128xi32, #tpu.memory_space<vmem>>) semaphore(%run_scoped3A : memref<!tpu.dma_semaphore, #tpu.memory_space<semaphore_mem>>) {add = true}
        %dma_wait3A_38 = arith.constant 0 : i32
        %dma_wait3A_39 = tpu.memref_slice %arg7[%scan3A_21, %dma_wait3A_38] : memref<79x128xi32, #tpu.memory_space<vmem>> -> memref<1x128xi32, #tpu.memory_space<vmem>>
        %dma_wait3A_40 = tpu.memref_squeeze %dma_wait3A_39 : memref<1x128xi32, #tpu.memory_space<vmem>> -> memref<128xi32, #tpu.memory_space<vmem>>
        %dma_wait3A_41 = arith.constant 0 : i32
        %dma_wait3A_42 = arith.constant 0 : i32
        %dma_wait3A_43 = tpu.memref_slice %arg10[%dma_wait3A_41, %dma_wait3A_42] : memref<20480x64xf32, #tpu.memory_space<vmem_shared>> -> memref<20480x64xf32, #tpu.memory_space<vmem_shared>>
        tpu.wait_indirect_dma semaphore(%run_scoped3A : memref<!tpu.dma_semaphore, #tpu.memory_space<semaphore_mem>>) src(%arg8 : memref<128x64xf32, #tpu.memory_space<vmem>>) dst(%dma_wait3A_43 : memref<20480x64xf32, #tpu.memory_space<vmem_shared>>)
        tpu.yield
      }) : () -> ()
    }
    %scan3A_17 = arith.constant 79 : i32
    %barrier3A_18 = arith.constant 0 : index
    tpu.barrier barrier_id(%barrier3A_18)
    %mul3A_19 = arith.constant 1280 : i32
    %mul3A_20 = arith.muli %arg1, %mul3A_19 : i32
    "tpu.region"() ({
      %run_scoped3A = tpu.sem_alloc : memref<!tpu.dma_semaphore, #tpu.memory_space<semaphore_mem>>
      %dma_start3A = arith.constant 0 : i32
      %dma_start3A_21 = tpu.memref_slice %arg5[%arg0, %mul3A_20, %dma_start3A] : memref<2x20480x64xf32, #tpu.memory_space<hbm>> -> memref<1x1280x64xf32, #tpu.memory_space<hbm>>
      %dma_start3A_22 = tpu.memref_squeeze %dma_start3A_21 : memref<1x1280x64xf32, #tpu.memory_space<hbm>> -> memref<1280x64xf32, #tpu.memory_space<hbm>>
      %dma_start3A_23 = arith.constant 0 : i32
      %dma_start3A_24 = tpu.memref_slice %arg10[%mul3A_20, %dma_start3A_23] : memref<20480x64xf32, #tpu.memory_space<vmem_shared>> -> memref<1280x64xf32, #tpu.memory_space<vmem_shared>>
      tpu.enqueue_dma source(%dma_start3A_24 : memref<1280x64xf32, #tpu.memory_space<vmem_shared>>) target(%dma_start3A_22 : memref<1280x64xf32, #tpu.memory_space<hbm>>) target_semaphore(%run_scoped3A : memref<!tpu.dma_semaphore, #tpu.memory_space<semaphore_mem>>)
      %dma_wait3A = arith.constant 0 : i32
      %dma_wait3A_25 = tpu.memref_slice %arg5[%arg0, %mul3A_20, %dma_wait3A] : memref<2x20480x64xf32, #tpu.memory_space<hbm>> -> memref<1x1280x64xf32, #tpu.memory_space<hbm>>
      %dma_wait3A_26 = tpu.memref_squeeze %dma_wait3A_25 : memref<1x1280x64xf32, #tpu.memory_space<hbm>> -> memref<1280x64xf32, #tpu.memory_space<hbm>>
      %dma_wait3A_27 = arith.constant 0 : i32
      %dma_wait3A_28 = tpu.memref_slice %arg10[%mul3A_20, %dma_wait3A_27] : memref<20480x64xf32, #tpu.memory_space<vmem_shared>> -> memref<1280x64xf32, #tpu.memory_space<vmem_shared>>
      tpu.wait_dma2 semaphore(%run_scoped3A : memref<!tpu.dma_semaphore, #tpu.memory_space<semaphore_mem>>) src(%dma_wait3A_28 : memref<1280x64xf32, #tpu.memory_space<vmem_shared>>) dst(%dma_wait3A_26 : memref<1280x64xf32, #tpu.memory_space<hbm>>)
      tpu.yield
    }) : () -> ()
    return
  }
}

#map = affine_map<(d0, d1) -> (0, 0, 0)>
#map1 = affine_map<(d0, d1) -> (0, 0)>
module attributes {stable_mosaic.version = 14 : i64} {
  func.func @_sc_layer(%arg0: i32, %arg1: i32, %arg2: memref<32x79x128xi32, #tpu.memory_space<hbm>>, %arg3: memref<32x79x128xi32, #tpu.memory_space<hbm>>, %arg4: memref<10240x64xf32, #tpu.memory_space<hbm>>, %arg5: memref<2x10240x64xf32, #tpu.memory_space<hbm>>, %arg6: memref<79x128xi32, #tpu.memory_space<vmem>>, %arg7: memref<79x128xi32, #tpu.memory_space<vmem>>, %arg8: memref<128x64xf32, #tpu.memory_space<vmem>>, %arg9: memref<32x64xf32, #tpu.memory_space<vmem>>, %arg10: memref<10240x64xf32, #tpu.memory_space<vmem_shared>>, %arg11: memref<!tpu.dma_semaphore, #tpu.memory_space<semaphore_mem>>) attributes {dimension_semantics = [#tpu.dimension_semantics<core_parallel>, #tpu.dimension_semantics<subcore_parallel>], iteration_bounds = array<i64: 2, 16>, scalar_prefetch = 0 : i64, scratch_operands = 6 : i64, tpu.core_type = #tpu.core_type<sc_vector_subcore>, window_params = [{transform_indices = #map}, {transform_indices = #map}, {transform_indices = #map1}, {transform_indices = #map}]} {
    %mul3A = arith.constant 2 : i32
    %mul3A_0 = arith.muli %arg1, %mul3A : i32
    %add3A = arith.addi %mul3A_0, %arg0 : i32
    "tpu.region"() ({
      %run_scoped3A = tpu.sem_alloc : memref<!tpu.dma_semaphore, #tpu.memory_space<semaphore_mem>>
      %dma_start3A = arith.constant 0 : i32
      %dma_start3A_21 = arith.constant 0 : i32
      %dma_start3A_22 = tpu.memref_slice %arg2[%add3A, %dma_start3A, %dma_start3A_21] : memref<32x79x128xi32, #tpu.memory_space<hbm>> -> memref<1x79x128xi32, #tpu.memory_space<hbm>>
      %dma_start3A_23 = tpu.memref_squeeze %dma_start3A_22 : memref<1x79x128xi32, #tpu.memory_space<hbm>> -> memref<79x128xi32, #tpu.memory_space<hbm>>
      %dma_start3A_24 = arith.constant 0 : i32
      %dma_start3A_25 = arith.constant 0 : i32
      %dma_start3A_26 = tpu.memref_slice %arg2[%add3A, %dma_start3A_24, %dma_start3A_25] : memref<32x79x128xi32, #tpu.memory_space<hbm>> -> memref<1x79x128xi32, #tpu.memory_space<hbm>>
      %dma_start3A_27 = tpu.memref_squeeze %dma_start3A_26 : memref<1x79x128xi32, #tpu.memory_space<hbm>> -> memref<79x128xi32, #tpu.memory_space<hbm>>
      tpu.enqueue_dma source(%dma_start3A_27 : memref<79x128xi32, #tpu.memory_space<hbm>>) target(%arg6 : memref<79x128xi32, #tpu.memory_space<vmem>>) target_semaphore(%run_scoped3A : memref<!tpu.dma_semaphore, #tpu.memory_space<semaphore_mem>>)
      %dma_wait3A = arith.constant 0 : i32
      %dma_wait3A_28 = arith.constant 0 : i32
      %dma_wait3A_29 = tpu.memref_slice %arg2[%add3A, %dma_wait3A, %dma_wait3A_28] : memref<32x79x128xi32, #tpu.memory_space<hbm>> -> memref<1x79x128xi32, #tpu.memory_space<hbm>>
      %dma_wait3A_30 = tpu.memref_squeeze %dma_wait3A_29 : memref<1x79x128xi32, #tpu.memory_space<hbm>> -> memref<79x128xi32, #tpu.memory_space<hbm>>
      %dma_wait3A_31 = arith.constant 0 : i32
      %dma_wait3A_32 = arith.constant 0 : i32
      %dma_wait3A_33 = tpu.memref_slice %arg2[%add3A, %dma_wait3A_31, %dma_wait3A_32] : memref<32x79x128xi32, #tpu.memory_space<hbm>> -> memref<1x79x128xi32, #tpu.memory_space<hbm>>
      %dma_wait3A_34 = tpu.memref_squeeze %dma_wait3A_33 : memref<1x79x128xi32, #tpu.memory_space<hbm>> -> memref<79x128xi32, #tpu.memory_space<hbm>>
      tpu.wait_dma2 semaphore(%run_scoped3A : memref<!tpu.dma_semaphore, #tpu.memory_space<semaphore_mem>>) src(%dma_wait3A_34 : memref<79x128xi32, #tpu.memory_space<hbm>>) dst(%arg6 : memref<79x128xi32, #tpu.memory_space<vmem>>)
      tpu.yield
    }) : () -> ()
    "tpu.region"() ({
      %run_scoped3A = tpu.sem_alloc : memref<!tpu.dma_semaphore, #tpu.memory_space<semaphore_mem>>
      %dma_start3A = arith.constant 0 : i32
      %dma_start3A_21 = arith.constant 0 : i32
      %dma_start3A_22 = tpu.memref_slice %arg3[%add3A, %dma_start3A, %dma_start3A_21] : memref<32x79x128xi32, #tpu.memory_space<hbm>> -> memref<1x79x128xi32, #tpu.memory_space<hbm>>
      %dma_start3A_23 = tpu.memref_squeeze %dma_start3A_22 : memref<1x79x128xi32, #tpu.memory_space<hbm>> -> memref<79x128xi32, #tpu.memory_space<hbm>>
      %dma_start3A_24 = arith.constant 0 : i32
      %dma_start3A_25 = arith.constant 0 : i32
      %dma_start3A_26 = tpu.memref_slice %arg3[%add3A, %dma_start3A_24, %dma_start3A_25] : memref<32x79x128xi32, #tpu.memory_space<hbm>> -> memref<1x79x128xi32, #tpu.memory_space<hbm>>
      %dma_start3A_27 = tpu.memref_squeeze %dma_start3A_26 : memref<1x79x128xi32, #tpu.memory_space<hbm>> -> memref<79x128xi32, #tpu.memory_space<hbm>>
      tpu.enqueue_dma source(%dma_start3A_27 : memref<79x128xi32, #tpu.memory_space<hbm>>) target(%arg7 : memref<79x128xi32, #tpu.memory_space<vmem>>) target_semaphore(%run_scoped3A : memref<!tpu.dma_semaphore, #tpu.memory_space<semaphore_mem>>)
      %dma_wait3A = arith.constant 0 : i32
      %dma_wait3A_28 = arith.constant 0 : i32
      %dma_wait3A_29 = tpu.memref_slice %arg3[%add3A, %dma_wait3A, %dma_wait3A_28] : memref<32x79x128xi32, #tpu.memory_space<hbm>> -> memref<1x79x128xi32, #tpu.memory_space<hbm>>
      %dma_wait3A_30 = tpu.memref_squeeze %dma_wait3A_29 : memref<1x79x128xi32, #tpu.memory_space<hbm>> -> memref<79x128xi32, #tpu.memory_space<hbm>>
      %dma_wait3A_31 = arith.constant 0 : i32
      %dma_wait3A_32 = arith.constant 0 : i32
      %dma_wait3A_33 = tpu.memref_slice %arg3[%add3A, %dma_wait3A_31, %dma_wait3A_32] : memref<32x79x128xi32, #tpu.memory_space<hbm>> -> memref<1x79x128xi32, #tpu.memory_space<hbm>>
      %dma_wait3A_34 = tpu.memref_squeeze %dma_wait3A_33 : memref<1x79x128xi32, #tpu.memory_space<hbm>> -> memref<79x128xi32, #tpu.memory_space<hbm>>
      tpu.wait_dma2 semaphore(%run_scoped3A : memref<!tpu.dma_semaphore, #tpu.memory_space<semaphore_mem>>) src(%dma_wait3A_34 : memref<79x128xi32, #tpu.memory_space<hbm>>) dst(%arg7 : memref<79x128xi32, #tpu.memory_space<vmem>>)
      tpu.yield
    }) : () -> ()
    %scan3A = arith.constant 0 : i32
    %scan3A_1 = arith.constant 0 : i32
    %scan3A_2 = arith.constant 32 : i32
    %scan3A_3 = arith.addi %scan3A_1, %scan3A_2 : i32
    %scan3A_4 = arith.constant 1 : i32
    scf.for %scan3A_21 = %scan3A_1 to %scan3A_3 step %scan3A_4  : i32 {
      %broadcast_in_dim3A = arith.constant 0.000000e+00 : f32
      %broadcast_in_dim3A_22 = vector.broadcast %broadcast_in_dim3A : f32 to vector<16xf32>
      %swap3A = arith.index_cast %scan3A_21 : i32 to index
      %swap3A_23 = arith.constant 0 : index
      %swap3A_24 = tpu.vector_load %arg9[%swap3A, %swap3A_23] {strides = array<i32>} : memref<32x64xf32, #tpu.memory_space<vmem>>, vector<1x16xf32>,
      %swap3A_25 = vector.shape_cast %swap3A_24 : vector<1x16xf32> to vector<16xf32>
      %swap3A_26 = vector.shape_cast %broadcast_in_dim3A_22 : vector<16xf32> to vector<1x16xf32>
      tpu.vector_store %arg9[%swap3A, %swap3A_23], %swap3A_26 {strides = array<i32>} : memref<32x64xf32, #tpu.memory_space<vmem>>, vector<1x16xf32>,
      %broadcast_in_dim3A_27 = arith.constant 0.000000e+00 : f32
      %broadcast_in_dim3A_28 = vector.broadcast %broadcast_in_dim3A_27 : f32 to vector<16xf32>
      %swap3A_29 = arith.index_cast %scan3A_21 : i32 to index
      %swap3A_30 = arith.constant 16 : index
      %swap3A_31 = tpu.vector_load %arg9[%swap3A_29, %swap3A_30] {strides = array<i32>} : memref<32x64xf32, #tpu.memory_space<vmem>>, vector<1x16xf32>,
      %swap3A_32 = vector.shape_cast %swap3A_31 : vector<1x16xf32> to vector<16xf32>
      %swap3A_33 = vector.shape_cast %broadcast_in_dim3A_28 : vector<16xf32> to vector<1x16xf32>
      tpu.vector_store %arg9[%swap3A_29, %swap3A_30], %swap3A_33 {strides = array<i32>} : memref<32x64xf32, #tpu.memory_space<vmem>>, vector<1x16xf32>,
      %broadcast_in_dim3A_34 = arith.constant 0.000000e+00 : f32
      %broadcast_in_dim3A_35 = vector.broadcast %broadcast_in_dim3A_34 : f32 to vector<16xf32>
      %swap3A_36 = arith.index_cast %scan3A_21 : i32 to index
      %swap3A_37 = arith.constant 32 : index
      %swap3A_38 = tpu.vector_load %arg9[%swap3A_36, %swap3A_37] {strides = array<i32>} : memref<32x64xf32, #tpu.memory_space<vmem>>, vector<1x16xf32>,
      %swap3A_39 = vector.shape_cast %swap3A_38 : vector<1x16xf32> to vector<16xf32>
      %swap3A_40 = vector.shape_cast %broadcast_in_dim3A_35 : vector<16xf32> to vector<1x16xf32>
      tpu.vector_store %arg9[%swap3A_36, %swap3A_37], %swap3A_40 {strides = array<i32>} : memref<32x64xf32, #tpu.memory_space<vmem>>, vector<1x16xf32>,
      %broadcast_in_dim3A_41 = arith.constant 0.000000e+00 : f32
      %broadcast_in_dim3A_42 = vector.broadcast %broadcast_in_dim3A_41 : f32 to vector<16xf32>
      %swap3A_43 = arith.index_cast %scan3A_21 : i32 to index
      %swap3A_44 = arith.constant 48 : index
      %swap3A_45 = tpu.vector_load %arg9[%swap3A_43, %swap3A_44] {strides = array<i32>} : memref<32x64xf32, #tpu.memory_space<vmem>>, vector<1x16xf32>,
      %swap3A_46 = vector.shape_cast %swap3A_45 : vector<1x16xf32> to vector<16xf32>
      %swap3A_47 = vector.shape_cast %broadcast_in_dim3A_42 : vector<16xf32> to vector<1x16xf32>
      tpu.vector_store %arg9[%swap3A_43, %swap3A_44], %swap3A_47 {strides = array<i32>} : memref<32x64xf32, #tpu.memory_space<vmem>>, vector<1x16xf32>,
    }
    %scan3A_5 = arith.constant 32 : i32
    %scan3A_6 = arith.constant 0 : i32
    %scan3A_7 = arith.constant 0 : i32
    %scan3A_8 = arith.constant 20 : i32
    %scan3A_9 = arith.addi %scan3A_7, %scan3A_8 : i32
    %scan3A_10 = arith.constant 1 : i32
    scf.for %scan3A_21 = %scan3A_7 to %scan3A_9 step %scan3A_10  : i32 {
      %mul3A_22 = arith.constant 640 : i32
      %mul3A_23 = arith.muli %arg1, %mul3A_22 : i32
      %mul3A_24 = arith.constant 32 : i32
      %mul3A_25 = arith.muli %scan3A_21, %mul3A_24 : i32
      %add3A_26 = arith.addi %mul3A_23, %mul3A_25 : i32
      "tpu.region"() ({
        %run_scoped3A = tpu.sem_alloc : memref<!tpu.dma_semaphore, #tpu.memory_space<semaphore_mem>>
        %dma_start3A = arith.constant 0 : i32
        %dma_start3A_27 = tpu.memref_slice %arg10[%add3A_26, %dma_start3A] : memref<10240x64xf32, #tpu.memory_space<vmem_shared>> -> memref<32x64xf32, #tpu.memory_space<vmem_shared>>
        %dma_start3A_28 = arith.constant 0 : i32
        %dma_start3A_29 = tpu.memref_slice %arg10[%add3A_26, %dma_start3A_28] : memref<10240x64xf32, #tpu.memory_space<vmem_shared>> -> memref<32x64xf32, #tpu.memory_space<vmem_shared>>
        tpu.enqueue_dma source(%arg9 : memref<32x64xf32, #tpu.memory_space<vmem>>) target(%dma_start3A_29 : memref<32x64xf32, #tpu.memory_space<vmem_shared>>) target_semaphore(%run_scoped3A : memref<!tpu.dma_semaphore, #tpu.memory_space<semaphore_mem>>)
        %dma_wait3A = arith.constant 0 : i32
        %dma_wait3A_30 = tpu.memref_slice %arg10[%add3A_26, %dma_wait3A] : memref<10240x64xf32, #tpu.memory_space<vmem_shared>> -> memref<32x64xf32, #tpu.memory_space<vmem_shared>>
        %dma_wait3A_31 = arith.constant 0 : i32
        %dma_wait3A_32 = tpu.memref_slice %arg10[%add3A_26, %dma_wait3A_31] : memref<10240x64xf32, #tpu.memory_space<vmem_shared>> -> memref<32x64xf32, #tpu.memory_space<vmem_shared>>
        tpu.wait_dma2 semaphore(%run_scoped3A : memref<!tpu.dma_semaphore, #tpu.memory_space<semaphore_mem>>) src(%arg9 : memref<32x64xf32, #tpu.memory_space<vmem>>) dst(%dma_wait3A_32 : memref<32x64xf32, #tpu.memory_space<vmem_shared>>)
        tpu.yield
      }) : () -> ()
    }
    %scan3A_11 = arith.constant 20 : i32
    %barrier3A = arith.constant 0 : index
    tpu.barrier barrier_id(%barrier3A)
    %scan3A_12 = arith.constant 0 : i32
    %scan3A_13 = arith.constant 0 : i32
    %scan3A_14 = arith.constant 79 : i32
    %scan3A_15 = arith.addi %scan3A_13, %scan3A_14 : i32
    %scan3A_16 = arith.constant 1 : i32
    scf.for %scan3A_21 = %scan3A_13 to %scan3A_15 step %scan3A_16  : i32 {
      %dma_start3A = arith.constant 0 : i32
      %dma_start3A_22 = tpu.memref_slice %arg6[%scan3A_21, %dma_start3A] : memref<79x128xi32, #tpu.memory_space<vmem>> -> memref<1x128xi32, #tpu.memory_space<vmem>>
      %dma_start3A_23 = tpu.memref_squeeze %dma_start3A_22 : memref<1x128xi32, #tpu.memory_space<vmem>> -> memref<128xi32, #tpu.memory_space<vmem>>
      %dma_start3A_24 = arith.constant 0 : i32
      %dma_start3A_25 = arith.constant 0 : i32
      %dma_start3A_26 = tpu.memref_slice %arg4[%dma_start3A_24, %dma_start3A_25] : memref<10240x64xf32, #tpu.memory_space<hbm>> -> memref<10240x64xf32, #tpu.memory_space<hbm>>
      tpu.enqueue_indirect_dma source(%dma_start3A_26 : memref<10240x64xf32, #tpu.memory_space<hbm>>) target(%arg8 : memref<128x64xf32, #tpu.memory_space<vmem>>) offsets(%dma_start3A_23 : memref<128xi32, #tpu.memory_space<vmem>>) semaphore(%arg11 : memref<!tpu.dma_semaphore, #tpu.memory_space<semaphore_mem>>)
      %dma_wait3A = arith.constant 0 : i32
      %dma_wait3A_27 = tpu.memref_slice %arg6[%scan3A_21, %dma_wait3A] : memref<79x128xi32, #tpu.memory_space<vmem>> -> memref<1x128xi32, #tpu.memory_space<vmem>>
      %dma_wait3A_28 = tpu.memref_squeeze %dma_wait3A_27 : memref<1x128xi32, #tpu.memory_space<vmem>> -> memref<128xi32, #tpu.memory_space<vmem>>
      %dma_wait3A_29 = arith.constant 0 : i32
      %dma_wait3A_30 = arith.constant 0 : i32
      %dma_wait3A_31 = tpu.memref_slice %arg4[%dma_wait3A_29, %dma_wait3A_30] : memref<10240x64xf32, #tpu.memory_space<hbm>> -> memref<10240x64xf32, #tpu.memory_space<hbm>>
      tpu.wait_indirect_dma semaphore(%arg11 : memref<!tpu.dma_semaphore, #tpu.memory_space<semaphore_mem>>) src(%dma_wait3A_31 : memref<10240x64xf32, #tpu.memory_space<hbm>>) dst(%arg8 : memref<128x64xf32, #tpu.memory_space<vmem>>)
      "tpu.region"() ({
        %run_scoped3A = tpu.sem_alloc : memref<!tpu.dma_semaphore, #tpu.memory_space<semaphore_mem>>
        %dma_start3A_32 = arith.constant 0 : i32
        %dma_start3A_33 = tpu.memref_slice %arg7[%scan3A_21, %dma_start3A_32] : memref<79x128xi32, #tpu.memory_space<vmem>> -> memref<1x128xi32, #tpu.memory_space<vmem>>
        %dma_start3A_34 = tpu.memref_squeeze %dma_start3A_33 : memref<1x128xi32, #tpu.memory_space<vmem>> -> memref<128xi32, #tpu.memory_space<vmem>>
        %dma_start3A_35 = arith.constant 0 : i32
        %dma_start3A_36 = arith.constant 0 : i32
        %dma_start3A_37 = tpu.memref_slice %arg10[%dma_start3A_35, %dma_start3A_36] : memref<10240x64xf32, #tpu.memory_space<vmem_shared>> -> memref<10240x64xf32, #tpu.memory_space<vmem_shared>>
        tpu.enqueue_indirect_dma source(%arg8 : memref<128x64xf32, #tpu.memory_space<vmem>>) target(%dma_start3A_37 : memref<10240x64xf32, #tpu.memory_space<vmem_shared>>) offsets(%dma_start3A_34 : memref<128xi32, #tpu.memory_space<vmem>>) semaphore(%run_scoped3A : memref<!tpu.dma_semaphore, #tpu.memory_space<semaphore_mem>>) {add = true}
        %dma_wait3A_38 = arith.constant 0 : i32
        %dma_wait3A_39 = tpu.memref_slice %arg7[%scan3A_21, %dma_wait3A_38] : memref<79x128xi32, #tpu.memory_space<vmem>> -> memref<1x128xi32, #tpu.memory_space<vmem>>
        %dma_wait3A_40 = tpu.memref_squeeze %dma_wait3A_39 : memref<1x128xi32, #tpu.memory_space<vmem>> -> memref<128xi32, #tpu.memory_space<vmem>>
        %dma_wait3A_41 = arith.constant 0 : i32
        %dma_wait3A_42 = arith.constant 0 : i32
        %dma_wait3A_43 = tpu.memref_slice %arg10[%dma_wait3A_41, %dma_wait3A_42] : memref<10240x64xf32, #tpu.memory_space<vmem_shared>> -> memref<10240x64xf32, #tpu.memory_space<vmem_shared>>
        tpu.wait_indirect_dma semaphore(%run_scoped3A : memref<!tpu.dma_semaphore, #tpu.memory_space<semaphore_mem>>) src(%arg8 : memref<128x64xf32, #tpu.memory_space<vmem>>) dst(%dma_wait3A_43 : memref<10240x64xf32, #tpu.memory_space<vmem_shared>>)
        tpu.yield
      }) : () -> ()
    }
    %scan3A_17 = arith.constant 79 : i32
    %barrier3A_18 = arith.constant 0 : index
    tpu.barrier barrier_id(%barrier3A_18)
    %mul3A_19 = arith.constant 640 : i32
    %mul3A_20 = arith.muli %arg1, %mul3A_19 : i32
    "tpu.region"() ({
      %run_scoped3A = tpu.sem_alloc : memref<!tpu.dma_semaphore, #tpu.memory_space<semaphore_mem>>
      %dma_start3A = arith.constant 0 : i32
      %dma_start3A_21 = tpu.memref_slice %arg5[%arg0, %mul3A_20, %dma_start3A] : memref<2x10240x64xf32, #tpu.memory_space<hbm>> -> memref<1x640x64xf32, #tpu.memory_space<hbm>>
      %dma_start3A_22 = tpu.memref_squeeze %dma_start3A_21 : memref<1x640x64xf32, #tpu.memory_space<hbm>> -> memref<640x64xf32, #tpu.memory_space<hbm>>
      %dma_start3A_23 = arith.constant 0 : i32
      %dma_start3A_24 = tpu.memref_slice %arg10[%mul3A_20, %dma_start3A_23] : memref<10240x64xf32, #tpu.memory_space<vmem_shared>> -> memref<640x64xf32, #tpu.memory_space<vmem_shared>>
      tpu.enqueue_dma source(%dma_start3A_24 : memref<640x64xf32, #tpu.memory_space<vmem_shared>>) target(%dma_start3A_22 : memref<640x64xf32, #tpu.memory_space<hbm>>) target_semaphore(%run_scoped3A : memref<!tpu.dma_semaphore, #tpu.memory_space<semaphore_mem>>)
      %dma_wait3A = arith.constant 0 : i32
      %dma_wait3A_25 = tpu.memref_slice %arg5[%arg0, %mul3A_20, %dma_wait3A] : memref<2x10240x64xf32, #tpu.memory_space<hbm>> -> memref<1x640x64xf32, #tpu.memory_space<hbm>>
      %dma_wait3A_26 = tpu.memref_squeeze %dma_wait3A_25 : memref<1x640x64xf32, #tpu.memory_space<hbm>> -> memref<640x64xf32, #tpu.memory_space<hbm>>
      %dma_wait3A_27 = arith.constant 0 : i32
      %dma_wait3A_28 = tpu.memref_slice %arg10[%mul3A_20, %dma_wait3A_27] : memref<10240x64xf32, #tpu.memory_space<vmem_shared>> -> memref<640x64xf32, #tpu.memory_space<vmem_shared>>
      tpu.wait_dma2 semaphore(%run_scoped3A : memref<!tpu.dma_semaphore, #tpu.memory_space<semaphore_mem>>) src(%dma_wait3A_28 : memref<640x64xf32, #tpu.memory_space<vmem_shared>>) dst(%dma_wait3A_26 : memref<640x64xf32, #tpu.memory_space<hbm>>)
      tpu.yield
    }) : () -> ()
    return
  }
}

#map = affine_map<(d0, d1) -> (0, 0, 0)>
#map1 = affine_map<(d0, d1) -> (0, 0)>
module attributes {stable_mosaic.version = 14 : i64} {
  func.func @_sc_layer(%arg0: i32, %arg1: i32, %arg2: memref<32x79x128xi32, #tpu.memory_space<hbm>>, %arg3: memref<32x79x128xi32, #tpu.memory_space<hbm>>, %arg4: memref<10240x64xf32, #tpu.memory_space<hbm>>, %arg5: memref<2x10240x64xf32, #tpu.memory_space<hbm>>, %arg6: memref<79x128xi32, #tpu.memory_space<vmem>>, %arg7: memref<79x128xi32, #tpu.memory_space<vmem>>, %arg8: memref<128x64xf32, #tpu.memory_space<vmem>>, %arg9: memref<32x64xf32, #tpu.memory_space<vmem>>, %arg10: memref<10240x64xf32, #tpu.memory_space<vmem_shared>>, %arg11: memref<!tpu.dma_semaphore, #tpu.memory_space<semaphore_mem>>) attributes {dimension_semantics = [#tpu.dimension_semantics<core_parallel>, #tpu.dimension_semantics<subcore_parallel>], iteration_bounds = array<i64: 2, 16>, scalar_prefetch = 0 : i64, scratch_operands = 6 : i64, tpu.core_type = #tpu.core_type<sc_vector_subcore>, window_params = [{transform_indices = #map}, {transform_indices = #map}, {transform_indices = #map1}, {transform_indices = #map}]} {
    %mul3A = arith.constant 2 : i32
    %mul3A_0 = arith.muli %arg1, %mul3A : i32
    %add3A = arith.addi %mul3A_0, %arg0 : i32
    "tpu.region"() ({
      %run_scoped3A = tpu.sem_alloc : memref<!tpu.dma_semaphore, #tpu.memory_space<semaphore_mem>>
      %dma_start3A = arith.constant 0 : i32
      %dma_start3A_21 = arith.constant 0 : i32
      %dma_start3A_22 = tpu.memref_slice %arg2[%add3A, %dma_start3A, %dma_start3A_21] : memref<32x79x128xi32, #tpu.memory_space<hbm>> -> memref<1x79x128xi32, #tpu.memory_space<hbm>>
      %dma_start3A_23 = tpu.memref_squeeze %dma_start3A_22 : memref<1x79x128xi32, #tpu.memory_space<hbm>> -> memref<79x128xi32, #tpu.memory_space<hbm>>
      %dma_start3A_24 = arith.constant 0 : i32
      %dma_start3A_25 = arith.constant 0 : i32
      %dma_start3A_26 = tpu.memref_slice %arg2[%add3A, %dma_start3A_24, %dma_start3A_25] : memref<32x79x128xi32, #tpu.memory_space<hbm>> -> memref<1x79x128xi32, #tpu.memory_space<hbm>>
      %dma_start3A_27 = tpu.memref_squeeze %dma_start3A_26 : memref<1x79x128xi32, #tpu.memory_space<hbm>> -> memref<79x128xi32, #tpu.memory_space<hbm>>
      tpu.enqueue_dma source(%dma_start3A_27 : memref<79x128xi32, #tpu.memory_space<hbm>>) target(%arg6 : memref<79x128xi32, #tpu.memory_space<vmem>>) target_semaphore(%run_scoped3A : memref<!tpu.dma_semaphore, #tpu.memory_space<semaphore_mem>>)
      %dma_wait3A = arith.constant 0 : i32
      %dma_wait3A_28 = arith.constant 0 : i32
      %dma_wait3A_29 = tpu.memref_slice %arg2[%add3A, %dma_wait3A, %dma_wait3A_28] : memref<32x79x128xi32, #tpu.memory_space<hbm>> -> memref<1x79x128xi32, #tpu.memory_space<hbm>>
      %dma_wait3A_30 = tpu.memref_squeeze %dma_wait3A_29 : memref<1x79x128xi32, #tpu.memory_space<hbm>> -> memref<79x128xi32, #tpu.memory_space<hbm>>
      %dma_wait3A_31 = arith.constant 0 : i32
      %dma_wait3A_32 = arith.constant 0 : i32
      %dma_wait3A_33 = tpu.memref_slice %arg2[%add3A, %dma_wait3A_31, %dma_wait3A_32] : memref<32x79x128xi32, #tpu.memory_space<hbm>> -> memref<1x79x128xi32, #tpu.memory_space<hbm>>
      %dma_wait3A_34 = tpu.memref_squeeze %dma_wait3A_33 : memref<1x79x128xi32, #tpu.memory_space<hbm>> -> memref<79x128xi32, #tpu.memory_space<hbm>>
      tpu.wait_dma2 semaphore(%run_scoped3A : memref<!tpu.dma_semaphore, #tpu.memory_space<semaphore_mem>>) src(%dma_wait3A_34 : memref<79x128xi32, #tpu.memory_space<hbm>>) dst(%arg6 : memref<79x128xi32, #tpu.memory_space<vmem>>)
      tpu.yield
    }) : () -> ()
    "tpu.region"() ({
      %run_scoped3A = tpu.sem_alloc : memref<!tpu.dma_semaphore, #tpu.memory_space<semaphore_mem>>
      %dma_start3A = arith.constant 0 : i32
      %dma_start3A_21 = arith.constant 0 : i32
      %dma_start3A_22 = tpu.memref_slice %arg3[%add3A, %dma_start3A, %dma_start3A_21] : memref<32x79x128xi32, #tpu.memory_space<hbm>> -> memref<1x79x128xi32, #tpu.memory_space<hbm>>
      %dma_start3A_23 = tpu.memref_squeeze %dma_start3A_22 : memref<1x79x128xi32, #tpu.memory_space<hbm>> -> memref<79x128xi32, #tpu.memory_space<hbm>>
      %dma_start3A_24 = arith.constant 0 : i32
      %dma_start3A_25 = arith.constant 0 : i32
      %dma_start3A_26 = tpu.memref_slice %arg3[%add3A, %dma_start3A_24, %dma_start3A_25] : memref<32x79x128xi32, #tpu.memory_space<hbm>> -> memref<1x79x128xi32, #tpu.memory_space<hbm>>
      %dma_start3A_27 = tpu.memref_squeeze %dma_start3A_26 : memref<1x79x128xi32, #tpu.memory_space<hbm>> -> memref<79x128xi32, #tpu.memory_space<hbm>>
      tpu.enqueue_dma source(%dma_start3A_27 : memref<79x128xi32, #tpu.memory_space<hbm>>) target(%arg7 : memref<79x128xi32, #tpu.memory_space<vmem>>) target_semaphore(%run_scoped3A : memref<!tpu.dma_semaphore, #tpu.memory_space<semaphore_mem>>)
      %dma_wait3A = arith.constant 0 : i32
      %dma_wait3A_28 = arith.constant 0 : i32
      %dma_wait3A_29 = tpu.memref_slice %arg3[%add3A, %dma_wait3A, %dma_wait3A_28] : memref<32x79x128xi32, #tpu.memory_space<hbm>> -> memref<1x79x128xi32, #tpu.memory_space<hbm>>
      %dma_wait3A_30 = tpu.memref_squeeze %dma_wait3A_29 : memref<1x79x128xi32, #tpu.memory_space<hbm>> -> memref<79x128xi32, #tpu.memory_space<hbm>>
      %dma_wait3A_31 = arith.constant 0 : i32
      %dma_wait3A_32 = arith.constant 0 : i32
      %dma_wait3A_33 = tpu.memref_slice %arg3[%add3A, %dma_wait3A_31, %dma_wait3A_32] : memref<32x79x128xi32, #tpu.memory_space<hbm>> -> memref<1x79x128xi32, #tpu.memory_space<hbm>>
      %dma_wait3A_34 = tpu.memref_squeeze %dma_wait3A_33 : memref<1x79x128xi32, #tpu.memory_space<hbm>> -> memref<79x128xi32, #tpu.memory_space<hbm>>
      tpu.wait_dma2 semaphore(%run_scoped3A : memref<!tpu.dma_semaphore, #tpu.memory_space<semaphore_mem>>) src(%dma_wait3A_34 : memref<79x128xi32, #tpu.memory_space<hbm>>) dst(%arg7 : memref<79x128xi32, #tpu.memory_space<vmem>>)
      tpu.yield
    }) : () -> ()
    %scan3A = arith.constant 0 : i32
    %scan3A_1 = arith.constant 0 : i32
    %scan3A_2 = arith.constant 32 : i32
    %scan3A_3 = arith.addi %scan3A_1, %scan3A_2 : i32
    %scan3A_4 = arith.constant 1 : i32
    scf.for %scan3A_21 = %scan3A_1 to %scan3A_3 step %scan3A_4  : i32 {
      %broadcast_in_dim3A = arith.constant 0.000000e+00 : f32
      %broadcast_in_dim3A_22 = vector.broadcast %broadcast_in_dim3A : f32 to vector<16xf32>
      %swap3A = arith.index_cast %scan3A_21 : i32 to index
      %swap3A_23 = arith.constant 0 : index
      %swap3A_24 = tpu.vector_load %arg9[%swap3A, %swap3A_23] {strides = array<i32>} : memref<32x64xf32, #tpu.memory_space<vmem>>, vector<1x16xf32>,
      %swap3A_25 = vector.shape_cast %swap3A_24 : vector<1x16xf32> to vector<16xf32>
      %swap3A_26 = vector.shape_cast %broadcast_in_dim3A_22 : vector<16xf32> to vector<1x16xf32>
      tpu.vector_store %arg9[%swap3A, %swap3A_23], %swap3A_26 {strides = array<i32>} : memref<32x64xf32, #tpu.memory_space<vmem>>, vector<1x16xf32>,
      %broadcast_in_dim3A_27 = arith.constant 0.000000e+00 : f32
      %broadcast_in_dim3A_28 = vector.broadcast %broadcast_in_dim3A_27 : f32 to vector<16xf32>
      %swap3A_29 = arith.index_cast %scan3A_21 : i32 to index
      %swap3A_30 = arith.constant 16 : index
      %swap3A_31 = tpu.vector_load %arg9[%swap3A_29, %swap3A_30] {strides = array<i32>} : memref<32x64xf32, #tpu.memory_space<vmem>>, vector<1x16xf32>,
      %swap3A_32 = vector.shape_cast %swap3A_31 : vector<1x16xf32> to vector<16xf32>
      %swap3A_33 = vector.shape_cast %broadcast_in_dim3A_28 : vector<16xf32> to vector<1x16xf32>
      tpu.vector_store %arg9[%swap3A_29, %swap3A_30], %swap3A_33 {strides = array<i32>} : memref<32x64xf32, #tpu.memory_space<vmem>>, vector<1x16xf32>,
      %broadcast_in_dim3A_34 = arith.constant 0.000000e+00 : f32
      %broadcast_in_dim3A_35 = vector.broadcast %broadcast_in_dim3A_34 : f32 to vector<16xf32>
      %swap3A_36 = arith.index_cast %scan3A_21 : i32 to index
      %swap3A_37 = arith.constant 32 : index
      %swap3A_38 = tpu.vector_load %arg9[%swap3A_36, %swap3A_37] {strides = array<i32>} : memref<32x64xf32, #tpu.memory_space<vmem>>, vector<1x16xf32>,
      %swap3A_39 = vector.shape_cast %swap3A_38 : vector<1x16xf32> to vector<16xf32>
      %swap3A_40 = vector.shape_cast %broadcast_in_dim3A_35 : vector<16xf32> to vector<1x16xf32>
      tpu.vector_store %arg9[%swap3A_36, %swap3A_37], %swap3A_40 {strides = array<i32>} : memref<32x64xf32, #tpu.memory_space<vmem>>, vector<1x16xf32>,
      %broadcast_in_dim3A_41 = arith.constant 0.000000e+00 : f32
      %broadcast_in_dim3A_42 = vector.broadcast %broadcast_in_dim3A_41 : f32 to vector<16xf32>
      %swap3A_43 = arith.index_cast %scan3A_21 : i32 to index
      %swap3A_44 = arith.constant 48 : index
      %swap3A_45 = tpu.vector_load %arg9[%swap3A_43, %swap3A_44] {strides = array<i32>} : memref<32x64xf32, #tpu.memory_space<vmem>>, vector<1x16xf32>,
      %swap3A_46 = vector.shape_cast %swap3A_45 : vector<1x16xf32> to vector<16xf32>
      %swap3A_47 = vector.shape_cast %broadcast_in_dim3A_42 : vector<16xf32> to vector<1x16xf32>
      tpu.vector_store %arg9[%swap3A_43, %swap3A_44], %swap3A_47 {strides = array<i32>} : memref<32x64xf32, #tpu.memory_space<vmem>>, vector<1x16xf32>,
    }
    %scan3A_5 = arith.constant 32 : i32
    %scan3A_6 = arith.constant 0 : i32
    %scan3A_7 = arith.constant 0 : i32
    %scan3A_8 = arith.constant 20 : i32
    %scan3A_9 = arith.addi %scan3A_7, %scan3A_8 : i32
    %scan3A_10 = arith.constant 1 : i32
    scf.for %scan3A_21 = %scan3A_7 to %scan3A_9 step %scan3A_10  : i32 {
      %mul3A_22 = arith.constant 640 : i32
      %mul3A_23 = arith.muli %arg1, %mul3A_22 : i32
      %mul3A_24 = arith.constant 32 : i32
      %mul3A_25 = arith.muli %scan3A_21, %mul3A_24 : i32
      %add3A_26 = arith.addi %mul3A_23, %mul3A_25 : i32
      "tpu.region"() ({
        %run_scoped3A = tpu.sem_alloc : memref<!tpu.dma_semaphore, #tpu.memory_space<semaphore_mem>>
        %dma_start3A = arith.constant 0 : i32
        %dma_start3A_27 = tpu.memref_slice %arg10[%add3A_26, %dma_start3A] : memref<10240x64xf32, #tpu.memory_space<vmem_shared>> -> memref<32x64xf32, #tpu.memory_space<vmem_shared>>
        %dma_start3A_28 = arith.constant 0 : i32
        %dma_start3A_29 = tpu.memref_slice %arg10[%add3A_26, %dma_start3A_28] : memref<10240x64xf32, #tpu.memory_space<vmem_shared>> -> memref<32x64xf32, #tpu.memory_space<vmem_shared>>
        tpu.enqueue_dma source(%arg9 : memref<32x64xf32, #tpu.memory_space<vmem>>) target(%dma_start3A_29 : memref<32x64xf32, #tpu.memory_space<vmem_shared>>) target_semaphore(%run_scoped3A : memref<!tpu.dma_semaphore, #tpu.memory_space<semaphore_mem>>)
        %dma_wait3A = arith.constant 0 : i32
        %dma_wait3A_30 = tpu.memref_slice %arg10[%add3A_26, %dma_wait3A] : memref<10240x64xf32, #tpu.memory_space<vmem_shared>> -> memref<32x64xf32, #tpu.memory_space<vmem_shared>>
        %dma_wait3A_31 = arith.constant 0 : i32
        %dma_wait3A_32 = tpu.memref_slice %arg10[%add3A_26, %dma_wait3A_31] : memref<10240x64xf32, #tpu.memory_space<vmem_shared>> -> memref<32x64xf32, #tpu.memory_space<vmem_shared>>
        tpu.wait_dma2 semaphore(%run_scoped3A : memref<!tpu.dma_semaphore, #tpu.memory_space<semaphore_mem>>) src(%arg9 : memref<32x64xf32, #tpu.memory_space<vmem>>) dst(%dma_wait3A_32 : memref<32x64xf32, #tpu.memory_space<vmem_shared>>)
        tpu.yield
      }) : () -> ()
    }
    %scan3A_11 = arith.constant 20 : i32
    %barrier3A = arith.constant 0 : index
    tpu.barrier barrier_id(%barrier3A)
    %scan3A_12 = arith.constant 0 : i32
    %scan3A_13 = arith.constant 0 : i32
    %scan3A_14 = arith.constant 79 : i32
    %scan3A_15 = arith.addi %scan3A_13, %scan3A_14 : i32
    %scan3A_16 = arith.constant 1 : i32
    scf.for %scan3A_21 = %scan3A_13 to %scan3A_15 step %scan3A_16  : i32 {
      %dma_start3A = arith.constant 0 : i32
      %dma_start3A_22 = tpu.memref_slice %arg6[%scan3A_21, %dma_start3A] : memref<79x128xi32, #tpu.memory_space<vmem>> -> memref<1x128xi32, #tpu.memory_space<vmem>>
      %dma_start3A_23 = tpu.memref_squeeze %dma_start3A_22 : memref<1x128xi32, #tpu.memory_space<vmem>> -> memref<128xi32, #tpu.memory_space<vmem>>
      %dma_start3A_24 = arith.constant 0 : i32
      %dma_start3A_25 = arith.constant 0 : i32
      %dma_start3A_26 = tpu.memref_slice %arg4[%dma_start3A_24, %dma_start3A_25] : memref<10240x64xf32, #tpu.memory_space<hbm>> -> memref<10240x64xf32, #tpu.memory_space<hbm>>
      tpu.enqueue_indirect_dma source(%dma_start3A_26 : memref<10240x64xf32, #tpu.memory_space<hbm>>) target(%arg8 : memref<128x64xf32, #tpu.memory_space<vmem>>) offsets(%dma_start3A_23 : memref<128xi32, #tpu.memory_space<vmem>>) semaphore(%arg11 : memref<!tpu.dma_semaphore, #tpu.memory_space<semaphore_mem>>)
      %dma_wait3A = arith.constant 0 : i32
      %dma_wait3A_27 = tpu.memref_slice %arg6[%scan3A_21, %dma_wait3A] : memref<79x128xi32, #tpu.memory_space<vmem>> -> memref<1x128xi32, #tpu.memory_space<vmem>>
      %dma_wait3A_28 = tpu.memref_squeeze %dma_wait3A_27 : memref<1x128xi32, #tpu.memory_space<vmem>> -> memref<128xi32, #tpu.memory_space<vmem>>
      %dma_wait3A_29 = arith.constant 0 : i32
      %dma_wait3A_30 = arith.constant 0 : i32
      %dma_wait3A_31 = tpu.memref_slice %arg4[%dma_wait3A_29, %dma_wait3A_30] : memref<10240x64xf32, #tpu.memory_space<hbm>> -> memref<10240x64xf32, #tpu.memory_space<hbm>>
      tpu.wait_indirect_dma semaphore(%arg11 : memref<!tpu.dma_semaphore, #tpu.memory_space<semaphore_mem>>) src(%dma_wait3A_31 : memref<10240x64xf32, #tpu.memory_space<hbm>>) dst(%arg8 : memref<128x64xf32, #tpu.memory_space<vmem>>)
      "tpu.region"() ({
        %run_scoped3A = tpu.sem_alloc : memref<!tpu.dma_semaphore, #tpu.memory_space<semaphore_mem>>
        %dma_start3A_32 = arith.constant 0 : i32
        %dma_start3A_33 = tpu.memref_slice %arg7[%scan3A_21, %dma_start3A_32] : memref<79x128xi32, #tpu.memory_space<vmem>> -> memref<1x128xi32, #tpu.memory_space<vmem>>
        %dma_start3A_34 = tpu.memref_squeeze %dma_start3A_33 : memref<1x128xi32, #tpu.memory_space<vmem>> -> memref<128xi32, #tpu.memory_space<vmem>>
        %dma_start3A_35 = arith.constant 0 : i32
        %dma_start3A_36 = arith.constant 0 : i32
        %dma_start3A_37 = tpu.memref_slice %arg10[%dma_start3A_35, %dma_start3A_36] : memref<10240x64xf32, #tpu.memory_space<vmem_shared>> -> memref<10240x64xf32, #tpu.memory_space<vmem_shared>>
        tpu.enqueue_indirect_dma source(%arg8 : memref<128x64xf32, #tpu.memory_space<vmem>>) target(%dma_start3A_37 : memref<10240x64xf32, #tpu.memory_space<vmem_shared>>) offsets(%dma_start3A_34 : memref<128xi32, #tpu.memory_space<vmem>>) semaphore(%run_scoped3A : memref<!tpu.dma_semaphore, #tpu.memory_space<semaphore_mem>>) {add = true}
        %dma_wait3A_38 = arith.constant 0 : i32
        %dma_wait3A_39 = tpu.memref_slice %arg7[%scan3A_21, %dma_wait3A_38] : memref<79x128xi32, #tpu.memory_space<vmem>> -> memref<1x128xi32, #tpu.memory_space<vmem>>
        %dma_wait3A_40 = tpu.memref_squeeze %dma_wait3A_39 : memref<1x128xi32, #tpu.memory_space<vmem>> -> memref<128xi32, #tpu.memory_space<vmem>>
        %dma_wait3A_41 = arith.constant 0 : i32
        %dma_wait3A_42 = arith.constant 0 : i32
        %dma_wait3A_43 = tpu.memref_slice %arg10[%dma_wait3A_41, %dma_wait3A_42] : memref<10240x64xf32, #tpu.memory_space<vmem_shared>> -> memref<10240x64xf32, #tpu.memory_space<vmem_shared>>
        tpu.wait_indirect_dma semaphore(%run_scoped3A : memref<!tpu.dma_semaphore, #tpu.memory_space<semaphore_mem>>) src(%arg8 : memref<128x64xf32, #tpu.memory_space<vmem>>) dst(%dma_wait3A_43 : memref<10240x64xf32, #tpu.memory_space<vmem_shared>>)
        tpu.yield
      }) : () -> ()
    }
    %scan3A_17 = arith.constant 79 : i32
    %barrier3A_18 = arith.constant 0 : index
    tpu.barrier barrier_id(%barrier3A_18)
    %mul3A_19 = arith.constant 640 : i32
    %mul3A_20 = arith.muli %arg1, %mul3A_19 : i32
    "tpu.region"() ({
      %run_scoped3A = tpu.sem_alloc : memref<!tpu.dma_semaphore, #tpu.memory_space<semaphore_mem>>
      %dma_start3A = arith.constant 0 : i32
      %dma_start3A_21 = tpu.memref_slice %arg5[%arg0, %mul3A_20, %dma_start3A] : memref<2x10240x64xf32, #tpu.memory_space<hbm>> -> memref<1x640x64xf32, #tpu.memory_space<hbm>>
      %dma_start3A_22 = tpu.memref_squeeze %dma_start3A_21 : memref<1x640x64xf32, #tpu.memory_space<hbm>> -> memref<640x64xf32, #tpu.memory_space<hbm>>
      %dma_start3A_23 = arith.constant 0 : i32
      %dma_start3A_24 = tpu.memref_slice %arg10[%mul3A_20, %dma_start3A_23] : memref<10240x64xf32, #tpu.memory_space<vmem_shared>> -> memref<640x64xf32, #tpu.memory_space<vmem_shared>>
      tpu.enqueue_dma source(%dma_start3A_24 : memref<640x64xf32, #tpu.memory_space<vmem_shared>>) target(%dma_start3A_22 : memref<640x64xf32, #tpu.memory_space<hbm>>) target_semaphore(%run_scoped3A : memref<!tpu.dma_semaphore, #tpu.memory_space<semaphore_mem>>)
      %dma_wait3A = arith.constant 0 : i32
      %dma_wait3A_25 = tpu.memref_slice %arg5[%arg0, %mul3A_20, %dma_wait3A] : memref<2x10240x64xf32, #tpu.memory_space<hbm>> -> memref<1x640x64xf32, #tpu.memory_space<hbm>>
      %dma_wait3A_26 = tpu.memref_squeeze %dma_wait3A_25 : memref<1x640x64xf32, #tpu.memory_space<hbm>> -> memref<640x64xf32, #tpu.memory_space<hbm>>
      %dma_wait3A_27 = arith.constant 0 : i32
      %dma_wait3A_28 = tpu.memref_slice %arg10[%mul3A_20, %dma_wait3A_27] : memref<10240x64xf32, #tpu.memory_space<vmem_shared>> -> memref<640x64xf32, #tpu.memory_space<vmem_shared>>
      tpu.wait_dma2 semaphore(%run_scoped3A : memref<!tpu.dma_semaphore, #tpu.memory_space<semaphore_mem>>) src(%dma_wait3A_28 : memref<640x64xf32, #tpu.memory_space<vmem_shared>>) dst(%dma_wait3A_26 : memref<640x64xf32, #tpu.memory_space<hbm>>)
      tpu.yield
    }) : () -> ()
    return
  }
}

#map = affine_map<(d0, d1) -> (0, 0, 0)>
#map1 = affine_map<(d0, d1) -> (0, 0)>
module attributes {stable_mosaic.version = 14 : i64} {
  func.func @_sc_layer(%arg0: i32, %arg1: i32, %arg2: memref<32x79x128xi32, #tpu.memory_space<hbm>>, %arg3: memref<32x79x128xi32, #tpu.memory_space<hbm>>, %arg4: memref<10240x64xf32, #tpu.memory_space<hbm>>, %arg5: memref<2x10240x64xf32, #tpu.memory_space<hbm>>, %arg6: memref<79x128xi32, #tpu.memory_space<vmem>>, %arg7: memref<79x128xi32, #tpu.memory_space<vmem>>, %arg8: memref<128x64xf32, #tpu.memory_space<vmem>>, %arg9: memref<32x64xf32, #tpu.memory_space<vmem>>, %arg10: memref<10240x64xf32, #tpu.memory_space<vmem_shared>>, %arg11: memref<!tpu.dma_semaphore, #tpu.memory_space<semaphore_mem>>) attributes {dimension_semantics = [#tpu.dimension_semantics<core_parallel>, #tpu.dimension_semantics<subcore_parallel>], iteration_bounds = array<i64: 2, 16>, scalar_prefetch = 0 : i64, scratch_operands = 6 : i64, tpu.core_type = #tpu.core_type<sc_vector_subcore>, window_params = [{transform_indices = #map}, {transform_indices = #map}, {transform_indices = #map1}, {transform_indices = #map}]} {
    %mul3A = arith.constant 2 : i32
    %mul3A_0 = arith.muli %arg1, %mul3A : i32
    %add3A = arith.addi %mul3A_0, %arg0 : i32
    "tpu.region"() ({
      %run_scoped3A = tpu.sem_alloc : memref<!tpu.dma_semaphore, #tpu.memory_space<semaphore_mem>>
      %dma_start3A = arith.constant 0 : i32
      %dma_start3A_21 = arith.constant 0 : i32
      %dma_start3A_22 = tpu.memref_slice %arg2[%add3A, %dma_start3A, %dma_start3A_21] : memref<32x79x128xi32, #tpu.memory_space<hbm>> -> memref<1x79x128xi32, #tpu.memory_space<hbm>>
      %dma_start3A_23 = tpu.memref_squeeze %dma_start3A_22 : memref<1x79x128xi32, #tpu.memory_space<hbm>> -> memref<79x128xi32, #tpu.memory_space<hbm>>
      %dma_start3A_24 = arith.constant 0 : i32
      %dma_start3A_25 = arith.constant 0 : i32
      %dma_start3A_26 = tpu.memref_slice %arg2[%add3A, %dma_start3A_24, %dma_start3A_25] : memref<32x79x128xi32, #tpu.memory_space<hbm>> -> memref<1x79x128xi32, #tpu.memory_space<hbm>>
      %dma_start3A_27 = tpu.memref_squeeze %dma_start3A_26 : memref<1x79x128xi32, #tpu.memory_space<hbm>> -> memref<79x128xi32, #tpu.memory_space<hbm>>
      tpu.enqueue_dma source(%dma_start3A_27 : memref<79x128xi32, #tpu.memory_space<hbm>>) target(%arg6 : memref<79x128xi32, #tpu.memory_space<vmem>>) target_semaphore(%run_scoped3A : memref<!tpu.dma_semaphore, #tpu.memory_space<semaphore_mem>>)
      %dma_wait3A = arith.constant 0 : i32
      %dma_wait3A_28 = arith.constant 0 : i32
      %dma_wait3A_29 = tpu.memref_slice %arg2[%add3A, %dma_wait3A, %dma_wait3A_28] : memref<32x79x128xi32, #tpu.memory_space<hbm>> -> memref<1x79x128xi32, #tpu.memory_space<hbm>>
      %dma_wait3A_30 = tpu.memref_squeeze %dma_wait3A_29 : memref<1x79x128xi32, #tpu.memory_space<hbm>> -> memref<79x128xi32, #tpu.memory_space<hbm>>
      %dma_wait3A_31 = arith.constant 0 : i32
      %dma_wait3A_32 = arith.constant 0 : i32
      %dma_wait3A_33 = tpu.memref_slice %arg2[%add3A, %dma_wait3A_31, %dma_wait3A_32] : memref<32x79x128xi32, #tpu.memory_space<hbm>> -> memref<1x79x128xi32, #tpu.memory_space<hbm>>
      %dma_wait3A_34 = tpu.memref_squeeze %dma_wait3A_33 : memref<1x79x128xi32, #tpu.memory_space<hbm>> -> memref<79x128xi32, #tpu.memory_space<hbm>>
      tpu.wait_dma2 semaphore(%run_scoped3A : memref<!tpu.dma_semaphore, #tpu.memory_space<semaphore_mem>>) src(%dma_wait3A_34 : memref<79x128xi32, #tpu.memory_space<hbm>>) dst(%arg6 : memref<79x128xi32, #tpu.memory_space<vmem>>)
      tpu.yield
    }) : () -> ()
    "tpu.region"() ({
      %run_scoped3A = tpu.sem_alloc : memref<!tpu.dma_semaphore, #tpu.memory_space<semaphore_mem>>
      %dma_start3A = arith.constant 0 : i32
      %dma_start3A_21 = arith.constant 0 : i32
      %dma_start3A_22 = tpu.memref_slice %arg3[%add3A, %dma_start3A, %dma_start3A_21] : memref<32x79x128xi32, #tpu.memory_space<hbm>> -> memref<1x79x128xi32, #tpu.memory_space<hbm>>
      %dma_start3A_23 = tpu.memref_squeeze %dma_start3A_22 : memref<1x79x128xi32, #tpu.memory_space<hbm>> -> memref<79x128xi32, #tpu.memory_space<hbm>>
      %dma_start3A_24 = arith.constant 0 : i32
      %dma_start3A_25 = arith.constant 0 : i32
      %dma_start3A_26 = tpu.memref_slice %arg3[%add3A, %dma_start3A_24, %dma_start3A_25] : memref<32x79x128xi32, #tpu.memory_space<hbm>> -> memref<1x79x128xi32, #tpu.memory_space<hbm>>
      %dma_start3A_27 = tpu.memref_squeeze %dma_start3A_26 : memref<1x79x128xi32, #tpu.memory_space<hbm>> -> memref<79x128xi32, #tpu.memory_space<hbm>>
      tpu.enqueue_dma source(%dma_start3A_27 : memref<79x128xi32, #tpu.memory_space<hbm>>) target(%arg7 : memref<79x128xi32, #tpu.memory_space<vmem>>) target_semaphore(%run_scoped3A : memref<!tpu.dma_semaphore, #tpu.memory_space<semaphore_mem>>)
      %dma_wait3A = arith.constant 0 : i32
      %dma_wait3A_28 = arith.constant 0 : i32
      %dma_wait3A_29 = tpu.memref_slice %arg3[%add3A, %dma_wait3A, %dma_wait3A_28] : memref<32x79x128xi32, #tpu.memory_space<hbm>> -> memref<1x79x128xi32, #tpu.memory_space<hbm>>
      %dma_wait3A_30 = tpu.memref_squeeze %dma_wait3A_29 : memref<1x79x128xi32, #tpu.memory_space<hbm>> -> memref<79x128xi32, #tpu.memory_space<hbm>>
      %dma_wait3A_31 = arith.constant 0 : i32
      %dma_wait3A_32 = arith.constant 0 : i32
      %dma_wait3A_33 = tpu.memref_slice %arg3[%add3A, %dma_wait3A_31, %dma_wait3A_32] : memref<32x79x128xi32, #tpu.memory_space<hbm>> -> memref<1x79x128xi32, #tpu.memory_space<hbm>>
      %dma_wait3A_34 = tpu.memref_squeeze %dma_wait3A_33 : memref<1x79x128xi32, #tpu.memory_space<hbm>> -> memref<79x128xi32, #tpu.memory_space<hbm>>
      tpu.wait_dma2 semaphore(%run_scoped3A : memref<!tpu.dma_semaphore, #tpu.memory_space<semaphore_mem>>) src(%dma_wait3A_34 : memref<79x128xi32, #tpu.memory_space<hbm>>) dst(%arg7 : memref<79x128xi32, #tpu.memory_space<vmem>>)
      tpu.yield
    }) : () -> ()
    %scan3A = arith.constant 0 : i32
    %scan3A_1 = arith.constant 0 : i32
    %scan3A_2 = arith.constant 32 : i32
    %scan3A_3 = arith.addi %scan3A_1, %scan3A_2 : i32
    %scan3A_4 = arith.constant 1 : i32
    scf.for %scan3A_21 = %scan3A_1 to %scan3A_3 step %scan3A_4  : i32 {
      %broadcast_in_dim3A = arith.constant 0.000000e+00 : f32
      %broadcast_in_dim3A_22 = vector.broadcast %broadcast_in_dim3A : f32 to vector<16xf32>
      %swap3A = arith.index_cast %scan3A_21 : i32 to index
      %swap3A_23 = arith.constant 0 : index
      %swap3A_24 = tpu.vector_load %arg9[%swap3A, %swap3A_23] {strides = array<i32>} : memref<32x64xf32, #tpu.memory_space<vmem>>, vector<1x16xf32>,
      %swap3A_25 = vector.shape_cast %swap3A_24 : vector<1x16xf32> to vector<16xf32>
      %swap3A_26 = vector.shape_cast %broadcast_in_dim3A_22 : vector<16xf32> to vector<1x16xf32>
      tpu.vector_store %arg9[%swap3A, %swap3A_23], %swap3A_26 {strides = array<i32>} : memref<32x64xf32, #tpu.memory_space<vmem>>, vector<1x16xf32>,
      %broadcast_in_dim3A_27 = arith.constant 0.000000e+00 : f32
      %broadcast_in_dim3A_28 = vector.broadcast %broadcast_in_dim3A_27 : f32 to vector<16xf32>
      %swap3A_29 = arith.index_cast %scan3A_21 : i32 to index
      %swap3A_30 = arith.constant 16 : index
      %swap3A_31 = tpu.vector_load %arg9[%swap3A_29, %swap3A_30] {strides = array<i32>} : memref<32x64xf32, #tpu.memory_space<vmem>>, vector<1x16xf32>,
      %swap3A_32 = vector.shape_cast %swap3A_31 : vector<1x16xf32> to vector<16xf32>
      %swap3A_33 = vector.shape_cast %broadcast_in_dim3A_28 : vector<16xf32> to vector<1x16xf32>
      tpu.vector_store %arg9[%swap3A_29, %swap3A_30], %swap3A_33 {strides = array<i32>} : memref<32x64xf32, #tpu.memory_space<vmem>>, vector<1x16xf32>,
      %broadcast_in_dim3A_34 = arith.constant 0.000000e+00 : f32
      %broadcast_in_dim3A_35 = vector.broadcast %broadcast_in_dim3A_34 : f32 to vector<16xf32>
      %swap3A_36 = arith.index_cast %scan3A_21 : i32 to index
      %swap3A_37 = arith.constant 32 : index
      %swap3A_38 = tpu.vector_load %arg9[%swap3A_36, %swap3A_37] {strides = array<i32>} : memref<32x64xf32, #tpu.memory_space<vmem>>, vector<1x16xf32>,
      %swap3A_39 = vector.shape_cast %swap3A_38 : vector<1x16xf32> to vector<16xf32>
      %swap3A_40 = vector.shape_cast %broadcast_in_dim3A_35 : vector<16xf32> to vector<1x16xf32>
      tpu.vector_store %arg9[%swap3A_36, %swap3A_37], %swap3A_40 {strides = array<i32>} : memref<32x64xf32, #tpu.memory_space<vmem>>, vector<1x16xf32>,
      %broadcast_in_dim3A_41 = arith.constant 0.000000e+00 : f32
      %broadcast_in_dim3A_42 = vector.broadcast %broadcast_in_dim3A_41 : f32 to vector<16xf32>
      %swap3A_43 = arith.index_cast %scan3A_21 : i32 to index
      %swap3A_44 = arith.constant 48 : index
      %swap3A_45 = tpu.vector_load %arg9[%swap3A_43, %swap3A_44] {strides = array<i32>} : memref<32x64xf32, #tpu.memory_space<vmem>>, vector<1x16xf32>,
      %swap3A_46 = vector.shape_cast %swap3A_45 : vector<1x16xf32> to vector<16xf32>
      %swap3A_47 = vector.shape_cast %broadcast_in_dim3A_42 : vector<16xf32> to vector<1x16xf32>
      tpu.vector_store %arg9[%swap3A_43, %swap3A_44], %swap3A_47 {strides = array<i32>} : memref<32x64xf32, #tpu.memory_space<vmem>>, vector<1x16xf32>,
    }
    %scan3A_5 = arith.constant 32 : i32
    %scan3A_6 = arith.constant 0 : i32
    %scan3A_7 = arith.constant 0 : i32
    %scan3A_8 = arith.constant 20 : i32
    %scan3A_9 = arith.addi %scan3A_7, %scan3A_8 : i32
    %scan3A_10 = arith.constant 1 : i32
    scf.for %scan3A_21 = %scan3A_7 to %scan3A_9 step %scan3A_10  : i32 {
      %mul3A_22 = arith.constant 640 : i32
      %mul3A_23 = arith.muli %arg1, %mul3A_22 : i32
      %mul3A_24 = arith.constant 32 : i32
      %mul3A_25 = arith.muli %scan3A_21, %mul3A_24 : i32
      %add3A_26 = arith.addi %mul3A_23, %mul3A_25 : i32
      "tpu.region"() ({
        %run_scoped3A = tpu.sem_alloc : memref<!tpu.dma_semaphore, #tpu.memory_space<semaphore_mem>>
        %dma_start3A = arith.constant 0 : i32
        %dma_start3A_27 = tpu.memref_slice %arg10[%add3A_26, %dma_start3A] : memref<10240x64xf32, #tpu.memory_space<vmem_shared>> -> memref<32x64xf32, #tpu.memory_space<vmem_shared>>
        %dma_start3A_28 = arith.constant 0 : i32
        %dma_start3A_29 = tpu.memref_slice %arg10[%add3A_26, %dma_start3A_28] : memref<10240x64xf32, #tpu.memory_space<vmem_shared>> -> memref<32x64xf32, #tpu.memory_space<vmem_shared>>
        tpu.enqueue_dma source(%arg9 : memref<32x64xf32, #tpu.memory_space<vmem>>) target(%dma_start3A_29 : memref<32x64xf32, #tpu.memory_space<vmem_shared>>) target_semaphore(%run_scoped3A : memref<!tpu.dma_semaphore, #tpu.memory_space<semaphore_mem>>)
        %dma_wait3A = arith.constant 0 : i32
        %dma_wait3A_30 = tpu.memref_slice %arg10[%add3A_26, %dma_wait3A] : memref<10240x64xf32, #tpu.memory_space<vmem_shared>> -> memref<32x64xf32, #tpu.memory_space<vmem_shared>>
        %dma_wait3A_31 = arith.constant 0 : i32
        %dma_wait3A_32 = tpu.memref_slice %arg10[%add3A_26, %dma_wait3A_31] : memref<10240x64xf32, #tpu.memory_space<vmem_shared>> -> memref<32x64xf32, #tpu.memory_space<vmem_shared>>
        tpu.wait_dma2 semaphore(%run_scoped3A : memref<!tpu.dma_semaphore, #tpu.memory_space<semaphore_mem>>) src(%arg9 : memref<32x64xf32, #tpu.memory_space<vmem>>) dst(%dma_wait3A_32 : memref<32x64xf32, #tpu.memory_space<vmem_shared>>)
        tpu.yield
      }) : () -> ()
    }
    %scan3A_11 = arith.constant 20 : i32
    %barrier3A = arith.constant 0 : index
    tpu.barrier barrier_id(%barrier3A)
    %scan3A_12 = arith.constant 0 : i32
    %scan3A_13 = arith.constant 0 : i32
    %scan3A_14 = arith.constant 79 : i32
    %scan3A_15 = arith.addi %scan3A_13, %scan3A_14 : i32
    %scan3A_16 = arith.constant 1 : i32
    scf.for %scan3A_21 = %scan3A_13 to %scan3A_15 step %scan3A_16  : i32 {
      %dma_start3A = arith.constant 0 : i32
      %dma_start3A_22 = tpu.memref_slice %arg6[%scan3A_21, %dma_start3A] : memref<79x128xi32, #tpu.memory_space<vmem>> -> memref<1x128xi32, #tpu.memory_space<vmem>>
      %dma_start3A_23 = tpu.memref_squeeze %dma_start3A_22 : memref<1x128xi32, #tpu.memory_space<vmem>> -> memref<128xi32, #tpu.memory_space<vmem>>
      %dma_start3A_24 = arith.constant 0 : i32
      %dma_start3A_25 = arith.constant 0 : i32
      %dma_start3A_26 = tpu.memref_slice %arg4[%dma_start3A_24, %dma_start3A_25] : memref<10240x64xf32, #tpu.memory_space<hbm>> -> memref<10240x64xf32, #tpu.memory_space<hbm>>
      tpu.enqueue_indirect_dma source(%dma_start3A_26 : memref<10240x64xf32, #tpu.memory_space<hbm>>) target(%arg8 : memref<128x64xf32, #tpu.memory_space<vmem>>) offsets(%dma_start3A_23 : memref<128xi32, #tpu.memory_space<vmem>>) semaphore(%arg11 : memref<!tpu.dma_semaphore, #tpu.memory_space<semaphore_mem>>)
      %dma_wait3A = arith.constant 0 : i32
      %dma_wait3A_27 = tpu.memref_slice %arg6[%scan3A_21, %dma_wait3A] : memref<79x128xi32, #tpu.memory_space<vmem>> -> memref<1x128xi32, #tpu.memory_space<vmem>>
      %dma_wait3A_28 = tpu.memref_squeeze %dma_wait3A_27 : memref<1x128xi32, #tpu.memory_space<vmem>> -> memref<128xi32, #tpu.memory_space<vmem>>
      %dma_wait3A_29 = arith.constant 0 : i32
      %dma_wait3A_30 = arith.constant 0 : i32
      %dma_wait3A_31 = tpu.memref_slice %arg4[%dma_wait3A_29, %dma_wait3A_30] : memref<10240x64xf32, #tpu.memory_space<hbm>> -> memref<10240x64xf32, #tpu.memory_space<hbm>>
      tpu.wait_indirect_dma semaphore(%arg11 : memref<!tpu.dma_semaphore, #tpu.memory_space<semaphore_mem>>) src(%dma_wait3A_31 : memref<10240x64xf32, #tpu.memory_space<hbm>>) dst(%arg8 : memref<128x64xf32, #tpu.memory_space<vmem>>)
      "tpu.region"() ({
        %run_scoped3A = tpu.sem_alloc : memref<!tpu.dma_semaphore, #tpu.memory_space<semaphore_mem>>
        %dma_start3A_32 = arith.constant 0 : i32
        %dma_start3A_33 = tpu.memref_slice %arg7[%scan3A_21, %dma_start3A_32] : memref<79x128xi32, #tpu.memory_space<vmem>> -> memref<1x128xi32, #tpu.memory_space<vmem>>
        %dma_start3A_34 = tpu.memref_squeeze %dma_start3A_33 : memref<1x128xi32, #tpu.memory_space<vmem>> -> memref<128xi32, #tpu.memory_space<vmem>>
        %dma_start3A_35 = arith.constant 0 : i32
        %dma_start3A_36 = arith.constant 0 : i32
        %dma_start3A_37 = tpu.memref_slice %arg10[%dma_start3A_35, %dma_start3A_36] : memref<10240x64xf32, #tpu.memory_space<vmem_shared>> -> memref<10240x64xf32, #tpu.memory_space<vmem_shared>>
        tpu.enqueue_indirect_dma source(%arg8 : memref<128x64xf32, #tpu.memory_space<vmem>>) target(%dma_start3A_37 : memref<10240x64xf32, #tpu.memory_space<vmem_shared>>) offsets(%dma_start3A_34 : memref<128xi32, #tpu.memory_space<vmem>>) semaphore(%run_scoped3A : memref<!tpu.dma_semaphore, #tpu.memory_space<semaphore_mem>>) {add = true}
        %dma_wait3A_38 = arith.constant 0 : i32
        %dma_wait3A_39 = tpu.memref_slice %arg7[%scan3A_21, %dma_wait3A_38] : memref<79x128xi32, #tpu.memory_space<vmem>> -> memref<1x128xi32, #tpu.memory_space<vmem>>
        %dma_wait3A_40 = tpu.memref_squeeze %dma_wait3A_39 : memref<1x128xi32, #tpu.memory_space<vmem>> -> memref<128xi32, #tpu.memory_space<vmem>>
        %dma_wait3A_41 = arith.constant 0 : i32
        %dma_wait3A_42 = arith.constant 0 : i32
        %dma_wait3A_43 = tpu.memref_slice %arg10[%dma_wait3A_41, %dma_wait3A_42] : memref<10240x64xf32, #tpu.memory_space<vmem_shared>> -> memref<10240x64xf32, #tpu.memory_space<vmem_shared>>
        tpu.wait_indirect_dma semaphore(%run_scoped3A : memref<!tpu.dma_semaphore, #tpu.memory_space<semaphore_mem>>) src(%arg8 : memref<128x64xf32, #tpu.memory_space<vmem>>) dst(%dma_wait3A_43 : memref<10240x64xf32, #tpu.memory_space<vmem_shared>>)
        tpu.yield
      }) : () -> ()
    }
    %scan3A_17 = arith.constant 79 : i32
    %barrier3A_18 = arith.constant 0 : index
    tpu.barrier barrier_id(%barrier3A_18)
    %mul3A_19 = arith.constant 640 : i32
    %mul3A_20 = arith.muli %arg1, %mul3A_19 : i32
    "tpu.region"() ({
      %run_scoped3A = tpu.sem_alloc : memref<!tpu.dma_semaphore, #tpu.memory_space<semaphore_mem>>
      %dma_start3A = arith.constant 0 : i32
      %dma_start3A_21 = tpu.memref_slice %arg5[%arg0, %mul3A_20, %dma_start3A] : memref<2x10240x64xf32, #tpu.memory_space<hbm>> -> memref<1x640x64xf32, #tpu.memory_space<hbm>>
      %dma_start3A_22 = tpu.memref_squeeze %dma_start3A_21 : memref<1x640x64xf32, #tpu.memory_space<hbm>> -> memref<640x64xf32, #tpu.memory_space<hbm>>
      %dma_start3A_23 = arith.constant 0 : i32
      %dma_start3A_24 = tpu.memref_slice %arg10[%mul3A_20, %dma_start3A_23] : memref<10240x64xf32, #tpu.memory_space<vmem_shared>> -> memref<640x64xf32, #tpu.memory_space<vmem_shared>>
      tpu.enqueue_dma source(%dma_start3A_24 : memref<640x64xf32, #tpu.memory_space<vmem_shared>>) target(%dma_start3A_22 : memref<640x64xf32, #tpu.memory_space<hbm>>) target_semaphore(%run_scoped3A : memref<!tpu.dma_semaphore, #tpu.memory_space<semaphore_mem>>)
      %dma_wait3A = arith.constant 0 : i32
      %dma_wait3A_25 = tpu.memref_slice %arg5[%arg0, %mul3A_20, %dma_wait3A] : memref<2x10240x64xf32, #tpu.memory_space<hbm>> -> memref<1x640x64xf32, #tpu.memory_space<hbm>>
      %dma_wait3A_26 = tpu.memref_squeeze %dma_wait3A_25 : memref<1x640x64xf32, #tpu.memory_space<hbm>> -> memref<640x64xf32, #tpu.memory_space<hbm>>
      %dma_wait3A_27 = arith.constant 0 : i32
      %dma_wait3A_28 = tpu.memref_slice %arg10[%mul3A_20, %dma_wait3A_27] : memref<10240x64xf32, #tpu.memory_space<vmem_shared>> -> memref<640x64xf32, #tpu.memory_space<vmem_shared>>
      tpu.wait_dma2 semaphore(%run_scoped3A : memref<!tpu.dma_semaphore, #tpu.memory_space<semaphore_mem>>) src(%dma_wait3A_28 : memref<640x64xf32, #tpu.memory_space<vmem_shared>>) dst(%dma_wait3A_26 : memref<640x64xf32, #tpu.memory_space<hbm>>)
      tpu.yield
    }) : () -> ()
    return
  }
}

module attributes {stable_mosaic.version = 14 : i64} {
  func.func @_prep1_body(%arg0: i32, %arg1: memref<2x2x512xf32, #tpu.memory_space<vmem>>, %arg2: memref<512x128xf32, #tpu.memory_space<vmem>>, %arg3: memref<128x192xf32, #tpu.memory_space<vmem>>, %arg4: memref<512x64xf32, #tpu.memory_space<vmem>>, %arg5: memref<512x64xf32, #tpu.memory_space<vmem>>, %arg6: memref<512x64xf32, #tpu.memory_space<vmem>>, %arg7: memref<8x512xf32, #tpu.memory_space<vmem>>) attributes {dimension_semantics = [#tpu.dimension_semantics<arbitrary>], iteration_bounds = array<i64: 20>, scalar_prefetch = 0 : i64, scratch_operands = 0 : i64, tpu.core_type = #tpu.core_type<tc>, window_params = [{transform_indices = @transform_0, window_bounds = array<i64: 2, 2, 512>}, {transform_indices = @transform_1, window_bounds = array<i64: 512, 128>}, {pipeline_mode = #tpu.pipeline_mode<synchronous>, transform_indices = @transform_2, window_bounds = array<i64: 128, 192>}, {transform_indices = @transform_3, window_bounds = array<i64: 512, 64>}, {transform_indices = @transform_4, window_bounds = array<i64: 512, 64>}, {transform_indices = @transform_5, window_bounds = array<i64: 512, 64>}, {transform_indices = @transform_6, window_bounds = array<i64: 8, 512>}]} {
    %get3A = arith.constant 0 : index
    %get3A_0 = arith.constant 0 : index
    %get3A_1 = arith.constant 0 : index
    %get3A_2 = vector.load %arg1[%get3A, %get3A_0, %get3A_1] : memref<2x2x512xf32, #tpu.memory_space<vmem>>, vector<2x2x512xf32>
    %slice3A = vector.extract_strided_slice %get3A_2 {offsets = [0, 0, 0], sizes = [1, 1, 512], strides = [1, 1, 1]} : vector<2x2x512xf32> to vector<1x1x512xf32>
    %squeeze3A = vector.shape_cast %slice3A : vector<1x1x512xf32> to vector<512xf32>
    %slice3A_3 = vector.extract_strided_slice %get3A_2 {offsets = [1, 0, 0], sizes = [1, 1, 512], strides = [1, 1, 1]} : vector<2x2x512xf32> to vector<1x1x512xf32>
    %squeeze3A_4 = vector.shape_cast %slice3A_3 : vector<1x1x512xf32> to vector<512xf32>
    %add3A = arith.addf %squeeze3A, %squeeze3A_4 : vector<512xf32>
    %slice3A_5 = vector.extract_strided_slice %get3A_2 {offsets = [0, 1, 0], sizes = [1, 1, 512], strides = [1, 1, 1]} : vector<2x2x512xf32> to vector<1x1x512xf32>
    %squeeze3A_6 = vector.shape_cast %slice3A_5 : vector<1x1x512xf32> to vector<512xf32>
    %slice3A_7 = vector.extract_strided_slice %get3A_2 {offsets = [1, 1, 0], sizes = [1, 1, 512], strides = [1, 1, 1]} : vector<2x2x512xf32> to vector<1x1x512xf32>
    %squeeze3A_8 = vector.shape_cast %slice3A_7 : vector<1x1x512xf32> to vector<512xf32>
    %add3A_9 = arith.addf %squeeze3A_6, %squeeze3A_8 : vector<512xf32>
    %add3A_10 = arith.constant 1.000000e+00 : f32
    %add3A_11 = vector.broadcast %add3A_10 : f32 to vector<512xf32>
    %add3A_12 = arith.addf %add3A, %add3A_11 : vector<512xf32>
    %rsqrt3A = math.rsqrt %add3A_12 : vector<512xf32>
    %add3A_13 = arith.constant 1.000000e+00 : f32
    %add3A_14 = vector.broadcast %add3A_13 : f32 to vector<512xf32>
    %add3A_15 = arith.addf %add3A_9, %add3A_14 : vector<512xf32>
    %rsqrt3A_16 = math.rsqrt %add3A_15 : vector<512xf32>
    %add3A_17 = arith.addf %add3A, %add3A_9 : vector<512xf32>
    %add3A_18 = arith.constant 1.000000e+00 : f32
    %add3A_19 = vector.broadcast %add3A_18 : f32 to vector<512xf32>
    %add3A_20 = arith.addf %add3A_17, %add3A_19 : vector<512xf32>
    %rsqrt3A_21 = math.rsqrt %add3A_20 : vector<512xf32>
    %get3A_22 = arith.constant 0 : index
    %get3A_23 = arith.constant 0 : index
    %get3A_24 = vector.load %arg2[%get3A_22, %get3A_23] : memref<512x128xf32, #tpu.memory_space<vmem>>, vector<512x128xf32>
    %get3A_25 = arith.constant 0 : index
    %get3A_26 = arith.constant 0 : index
    %get3A_27 = vector.load %arg3[%get3A_25, %get3A_26] : memref<128x192xf32, #tpu.memory_space<vmem>>, vector<128x192xf32>
    %dot_general3A = arith.constant dense<0.000000e+00> : vector<512x192xf32>
    %dot_general3A_28 = tpu.matmul %get3A_24, %get3A_27, %dot_general3A {dimension_numbers = #tpu.dot_dimension_numbers<[1], [0], [0], [1], [0, 0, 1, 1], [], []>, transpose_lhs_hint = false} : vector<512x128xf32>, vector<128x192xf32>, vector<512x192xf32> -> vector<512x192xf32>
    %broadcast_in_dim3A = vector.shape_cast %rsqrt3A : vector<512xf32> to vector<512x1xf32>
    %slice3A_29 = vector.extract_strided_slice %dot_general3A_28 {offsets = [0, 0], sizes = [512, 64], strides = [1, 1]} : vector<512x192xf32> to vector<512x64xf32>
    %mul3A = vector.broadcast %broadcast_in_dim3A : vector<512x1xf32> to vector<512x64xf32>
    %mul3A_30 = arith.mulf %mul3A, %slice3A_29 : vector<512x64xf32>
    %swap3A = arith.constant 0 : index
    %swap3A_31 = arith.constant 0 : index
    %swap3A_32 = vector.load %arg4[%swap3A, %swap3A_31] : memref<512x64xf32, #tpu.memory_space<vmem>>, vector<512x64xf32>
    tpu.vector_store %arg4[%swap3A, %swap3A_31], %mul3A_30 {strides = array<i32>} : memref<512x64xf32, #tpu.memory_space<vmem>>, vector<512x64xf32>,
    %broadcast_in_dim3A_33 = vector.shape_cast %rsqrt3A_16 : vector<512xf32> to vector<512x1xf32>
    %slice3A_34 = vector.extract_strided_slice %dot_general3A_28 {offsets = [0, 64], sizes = [512, 64], strides = [1, 1]} : vector<512x192xf32> to vector<512x64xf32>
    %mul3A_35 = vector.broadcast %broadcast_in_dim3A_33 : vector<512x1xf32> to vector<512x64xf32>
    %mul3A_36 = arith.mulf %mul3A_35, %slice3A_34 : vector<512x64xf32>
    %swap3A_37 = arith.constant 0 : index
    %swap3A_38 = arith.constant 0 : index
    %swap3A_39 = vector.load %arg5[%swap3A_37, %swap3A_38] : memref<512x64xf32, #tpu.memory_space<vmem>>, vector<512x64xf32>
    tpu.vector_store %arg5[%swap3A_37, %swap3A_38], %mul3A_36 {strides = array<i32>} : memref<512x64xf32, #tpu.memory_space<vmem>>, vector<512x64xf32>,
    %broadcast_in_dim3A_40 = vector.shape_cast %rsqrt3A_21 : vector<512xf32> to vector<512x1xf32>
    %slice3A_41 = vector.extract_strided_slice %dot_general3A_28 {offsets = [0, 128], sizes = [512, 64], strides = [1, 1]} : vector<512x192xf32> to vector<512x64xf32>
    %mul3A_42 = vector.broadcast %broadcast_in_dim3A_40 : vector<512x1xf32> to vector<512x64xf32>
    %mul3A_43 = arith.mulf %mul3A_42, %slice3A_41 : vector<512x64xf32>
    %swap3A_44 = arith.constant 0 : index
    %swap3A_45 = arith.constant 0 : index
    %swap3A_46 = vector.load %arg6[%swap3A_44, %swap3A_45] : memref<512x64xf32, #tpu.memory_space<vmem>>, vector<512x64xf32>
    tpu.vector_store %arg6[%swap3A_44, %swap3A_45], %mul3A_43 {strides = array<i32>} : memref<512x64xf32, #tpu.memory_space<vmem>>, vector<512x64xf32>,
    %broadcast_in_dim3A_47 = vector.shape_cast %rsqrt3A : vector<512xf32> to vector<1x512xf32>
    %broadcast_in_dim3A_48 = vector.shape_cast %rsqrt3A_16 : vector<512xf32> to vector<1x512xf32>
    %broadcast_in_dim3A_49 = vector.shape_cast %rsqrt3A_21 : vector<512xf32> to vector<1x512xf32>
    %broadcast_in_dim3A_50 = arith.constant 0.000000e+00 : f32
    %broadcast_in_dim3A_51 = vector.broadcast %broadcast_in_dim3A_50 : f32 to vector<5x512xf32>
    %concatenate3A = tpu.concatenate %broadcast_in_dim3A_47, %broadcast_in_dim3A_48, %broadcast_in_dim3A_49, %broadcast_in_dim3A_51 in 0 : vector<1x512xf32>, vector<1x512xf32>, vector<1x512xf32>, vector<5x512xf32> -> vector<8x512xf32>
    %swap3A_52 = arith.constant 0 : index
    %swap3A_53 = arith.constant 0 : index
    %swap3A_54 = vector.load %arg7[%swap3A_52, %swap3A_53] : memref<8x512xf32, #tpu.memory_space<vmem>>, vector<8x512xf32>
    tpu.vector_store %arg7[%swap3A_52, %swap3A_53], %concatenate3A {strides = array<i32>} : memref<8x512xf32, #tpu.memory_space<vmem>>, vector<8x512xf32>,
    return
  }
  func.func @transform_0(%arg0: i32) -> (i32, i32, i32) {
    %c0_i32 = arith.constant 0 : i32
    %c0_i32_0 = arith.constant 0 : i32
    %c0_i32_1 = arith.constant 0 : i32
    return %c0_i32, %c0_i32_0, %arg0 : i32, i32, i32
  }
  func.func @transform_1(%arg0: i32) -> (i32, i32) {
    %c0_i32 = arith.constant 0 : i32
    %c0_i32_0 = arith.constant 0 : i32
    return %arg0, %c0_i32 : i32, i32
  }
  func.func @transform_2(%arg0: i32) -> (i32, i32) {
    %c0_i32 = arith.constant 0 : i32
    %c0_i32_0 = arith.constant 0 : i32
    %c0_i32_1 = arith.constant 0 : i32
    return %c0_i32, %c0_i32_0 : i32, i32
  }
  func.func @transform_3(%arg0: i32) -> (i32, i32) {
    %c0_i32 = arith.constant 0 : i32
    %c0_i32_0 = arith.constant 0 : i32
    return %arg0, %c0_i32 : i32, i32
  }
  func.func @transform_4(%arg0: i32) -> (i32, i32) {
    %c0_i32 = arith.constant 0 : i32
    %c0_i32_0 = arith.constant 0 : i32
    return %arg0, %c0_i32 : i32, i32
  }
  func.func @transform_5(%arg0: i32) -> (i32, i32) {
    %c0_i32 = arith.constant 0 : i32
    %c0_i32_0 = arith.constant 0 : i32
    return %arg0, %c0_i32 : i32, i32
  }
  func.func @transform_6(%arg0: i32) -> (i32, i32) {
    %c0_i32 = arith.constant 0 : i32
    %c0_i32_0 = arith.constant 0 : i32
    return %c0_i32, %arg0 : i32, i32
  }
}

module attributes {stable_mosaic.version = 14 : i64} {
  func.func @_mid1_body(%arg0: i32, %arg1: memref<2x512x64xf32, #tpu.memory_space<vmem>>, %arg2: memref<2x512x64xf32, #tpu.memory_space<vmem>>, %arg3: memref<2x512x64xf32, #tpu.memory_space<vmem>>, %arg4: memref<512x64xf32, #tpu.memory_space<vmem>>, %arg5: memref<512x64xf32, #tpu.memory_space<vmem>>, %arg6: memref<512x64xf32, #tpu.memory_space<vmem>>, %arg7: memref<8x512xf32, #tpu.memory_space<vmem>>, %arg8: memref<1x64xf32, #tpu.memory_space<vmem>>, %arg9: memref<1x64xf32, #tpu.memory_space<vmem>>, %arg10: memref<1x64xf32, #tpu.memory_space<vmem>>, %arg11: memref<192x128xf32, #tpu.memory_space<vmem>>, %arg12: memref<512x64xf32, #tpu.memory_space<vmem>>, %arg13: memref<512x64xf32, #tpu.memory_space<vmem>>) attributes {dimension_semantics = [#tpu.dimension_semantics<arbitrary>], iteration_bounds = array<i64: 20>, scalar_prefetch = 0 : i64, scratch_operands = 0 : i64, tpu.core_type = #tpu.core_type<tc>, window_params = [{transform_indices = @transform_0, window_bounds = array<i64: 2, 512, 64>}, {transform_indices = @transform_1, window_bounds = array<i64: 2, 512, 64>}, {transform_indices = @transform_2, window_bounds = array<i64: 2, 512, 64>}, {transform_indices = @transform_3, window_bounds = array<i64: 512, 64>}, {transform_indices = @transform_4, window_bounds = array<i64: 512, 64>}, {transform_indices = @transform_5, window_bounds = array<i64: 512, 64>}, {transform_indices = @transform_6, window_bounds = array<i64: 8, 512>}, {pipeline_mode = #tpu.pipeline_mode<synchronous>, transform_indices = @transform_7, window_bounds = array<i64: 1, 64>}, {pipeline_mode = #tpu.pipeline_mode<synchronous>, transform_indices = @transform_8, window_bounds = array<i64: 1, 64>}, {pipeline_mode = #tpu.pipeline_mode<synchronous>, transform_indices = @transform_9, window_bounds = array<i64: 1, 64>}, {pipeline_mode = #tpu.pipeline_mode<synchronous>, transform_indices = @transform_10, window_bounds = array<i64: 192, 128>}, {transform_indices = @transform_11, window_bounds = array<i64: 512, 64>}, {transform_indices = @transform_12, window_bounds = array<i64: 512, 64>}]} {
    %get3A = arith.constant 0 : index
    %get3A_0 = arith.constant 0 : index
    %get3A_1 = vector.load %arg7[%get3A, %get3A_0] : memref<8x512xf32, #tpu.memory_space<vmem>>, vector<8x512xf32>
    %slice3A = vector.extract_strided_slice %get3A_1 {offsets = [0, 0], sizes = [1, 512], strides = [1, 1]} : vector<8x512xf32> to vector<1x512xf32>
    %squeeze3A = vector.shape_cast %slice3A : vector<1x512xf32> to vector<512xf32>
    %broadcast_in_dim3A = vector.shape_cast %squeeze3A : vector<512xf32> to vector<512x1xf32>
    %get3A_2 = arith.constant 0 : index
    %get3A_3 = arith.constant 0 : index
    %get3A_4 = arith.constant 0 : index
    %get3A_5 = vector.load %arg1[%get3A_2, %get3A_3, %get3A_4] : memref<2x512x64xf32, #tpu.memory_space<vmem>>, vector<1x512x64xf32>
    %get3A_6 = vector.shape_cast %get3A_5 : vector<1x512x64xf32> to vector<512x64xf32>
    %get3A_7 = arith.constant 1 : index
    %get3A_8 = arith.constant 0 : index
    %get3A_9 = arith.constant 0 : index
    %get3A_10 = vector.load %arg1[%get3A_7, %get3A_8, %get3A_9] : memref<2x512x64xf32, #tpu.memory_space<vmem>>, vector<1x512x64xf32>
    %get3A_11 = vector.shape_cast %get3A_10 : vector<1x512x64xf32> to vector<512x64xf32>
    %add3A = arith.addf %get3A_6, %get3A_11 : vector<512x64xf32>
    %get3A_12 = arith.constant 0 : index
    %get3A_13 = arith.constant 0 : index
    %get3A_14 = vector.load %arg4[%get3A_12, %get3A_13] : memref<512x64xf32, #tpu.memory_space<vmem>>, vector<512x64xf32>
    %add3A_15 = arith.addf %add3A, %get3A_14 : vector<512x64xf32>
    %mul3A = vector.broadcast %broadcast_in_dim3A : vector<512x1xf32> to vector<512x64xf32>
    %mul3A_16 = arith.mulf %mul3A, %add3A_15 : vector<512x64xf32>
    %get3A_17 = arith.constant 0 : index
    %get3A_18 = arith.constant 0 : index
    %get3A_19 = vector.load %arg8[%get3A_17, %get3A_18] : memref<1x64xf32, #tpu.memory_space<vmem>>, vector<1x64xf32>
    %add3A_20 = vector.broadcast %get3A_19 : vector<1x64xf32> to vector<512x64xf32>
    %add3A_21 = arith.addf %mul3A_16, %add3A_20 : vector<512x64xf32>
    %max3A = arith.constant 0.000000e+00 : f32
    %max3A_22 = vector.broadcast %max3A : f32 to vector<512x64xf32>
    %max3A_23 = arith.maximumf %add3A_21, %max3A_22 : vector<512x64xf32>
    %slice3A_24 = vector.extract_strided_slice %get3A_1 {offsets = [1, 0], sizes = [1, 512], strides = [1, 1]} : vector<8x512xf32> to vector<1x512xf32>
    %squeeze3A_25 = vector.shape_cast %slice3A_24 : vector<1x512xf32> to vector<512xf32>
    %broadcast_in_dim3A_26 = vector.shape_cast %squeeze3A_25 : vector<512xf32> to vector<512x1xf32>
    %get3A_27 = arith.constant 0 : index
    %get3A_28 = arith.constant 0 : index
    %get3A_29 = arith.constant 0 : index
    %get3A_30 = vector.load %arg2[%get3A_27, %get3A_28, %get3A_29] : memref<2x512x64xf32, #tpu.memory_space<vmem>>, vector<1x512x64xf32>
    %get3A_31 = vector.shape_cast %get3A_30 : vector<1x512x64xf32> to vector<512x64xf32>
    %get3A_32 = arith.constant 1 : index
    %get3A_33 = arith.constant 0 : index
    %get3A_34 = arith.constant 0 : index
    %get3A_35 = vector.load %arg2[%get3A_32, %get3A_33, %get3A_34] : memref<2x512x64xf32, #tpu.memory_space<vmem>>, vector<1x512x64xf32>
    %get3A_36 = vector.shape_cast %get3A_35 : vector<1x512x64xf32> to vector<512x64xf32>
    %add3A_37 = arith.addf %get3A_31, %get3A_36 : vector<512x64xf32>
    %get3A_38 = arith.constant 0 : index
    %get3A_39 = arith.constant 0 : index
    %get3A_40 = vector.load %arg5[%get3A_38, %get3A_39] : memref<512x64xf32, #tpu.memory_space<vmem>>, vector<512x64xf32>
    %add3A_41 = arith.addf %add3A_37, %get3A_40 : vector<512x64xf32>
    %mul3A_42 = vector.broadcast %broadcast_in_dim3A_26 : vector<512x1xf32> to vector<512x64xf32>
    %mul3A_43 = arith.mulf %mul3A_42, %add3A_41 : vector<512x64xf32>
    %get3A_44 = arith.constant 0 : index
    %get3A_45 = arith.constant 0 : index
    %get3A_46 = vector.load %arg9[%get3A_44, %get3A_45] : memref<1x64xf32, #tpu.memory_space<vmem>>, vector<1x64xf32>
    %add3A_47 = vector.broadcast %get3A_46 : vector<1x64xf32> to vector<512x64xf32>
    %add3A_48 = arith.addf %mul3A_43, %add3A_47 : vector<512x64xf32>
    %max3A_49 = arith.constant 0.000000e+00 : f32
    %max3A_50 = vector.broadcast %max3A_49 : f32 to vector<512x64xf32>
    %max3A_51 = arith.maximumf %add3A_48, %max3A_50 : vector<512x64xf32>
    %slice3A_52 = vector.extract_strided_slice %get3A_1 {offsets = [2, 0], sizes = [1, 512], strides = [1, 1]} : vector<8x512xf32> to vector<1x512xf32>
    %squeeze3A_53 = vector.shape_cast %slice3A_52 : vector<1x512xf32> to vector<512xf32>
    %broadcast_in_dim3A_54 = vector.shape_cast %squeeze3A_53 : vector<512xf32> to vector<512x1xf32>
    %get3A_55 = arith.constant 0 : index
    %get3A_56 = arith.constant 0 : index
    %get3A_57 = arith.constant 0 : index
    %get3A_58 = vector.load %arg3[%get3A_55, %get3A_56, %get3A_57] : memref<2x512x64xf32, #tpu.memory_space<vmem>>, vector<1x512x64xf32>
    %get3A_59 = vector.shape_cast %get3A_58 : vector<1x512x64xf32> to vector<512x64xf32>
    %get3A_60 = arith.constant 1 : index
    %get3A_61 = arith.constant 0 : index
    %get3A_62 = arith.constant 0 : index
    %get3A_63 = vector.load %arg3[%get3A_60, %get3A_61, %get3A_62] : memref<2x512x64xf32, #tpu.memory_space<vmem>>, vector<1x512x64xf32>
    %get3A_64 = vector.shape_cast %get3A_63 : vector<1x512x64xf32> to vector<512x64xf32>
    %add3A_65 = arith.addf %get3A_59, %get3A_64 : vector<512x64xf32>
    %get3A_66 = arith.constant 0 : index
    %get3A_67 = arith.constant 0 : index
    %get3A_68 = vector.load %arg6[%get3A_66, %get3A_67] : memref<512x64xf32, #tpu.memory_space<vmem>>, vector<512x64xf32>
    %add3A_69 = arith.addf %add3A_65, %get3A_68 : vector<512x64xf32>
    %mul3A_70 = vector.broadcast %broadcast_in_dim3A_54 : vector<512x1xf32> to vector<512x64xf32>
    %mul3A_71 = arith.mulf %mul3A_70, %add3A_69 : vector<512x64xf32>
    %get3A_72 = arith.constant 0 : index
    %get3A_73 = arith.constant 0 : index
    %get3A_74 = vector.load %arg10[%get3A_72, %get3A_73] : memref<1x64xf32, #tpu.memory_space<vmem>>, vector<1x64xf32>
    %add3A_75 = vector.broadcast %get3A_74 : vector<1x64xf32> to vector<512x64xf32>
    %add3A_76 = arith.addf %mul3A_71, %add3A_75 : vector<512x64xf32>
    %max3A_77 = arith.constant 0.000000e+00 : f32
    %max3A_78 = vector.broadcast %max3A_77 : f32 to vector<512x64xf32>
    %max3A_79 = arith.maximumf %add3A_76, %max3A_78 : vector<512x64xf32>
    %concatenate3A = tpu.concatenate %max3A_23, %max3A_51, %max3A_79 in 1 : vector<512x64xf32>, vector<512x64xf32>, vector<512x64xf32> -> vector<512x192xf32>
    %slice3A_80 = vector.extract_strided_slice %get3A_1 {offsets = [2, 0], sizes = [1, 512], strides = [1, 1]} : vector<8x512xf32> to vector<1x512xf32>
    %squeeze3A_81 = vector.shape_cast %slice3A_80 : vector<1x512xf32> to vector<512xf32>
    %broadcast_in_dim3A_82 = vector.shape_cast %squeeze3A_81 : vector<512xf32> to vector<512x1xf32>
    %get3A_83 = arith.constant 0 : index
    %get3A_84 = arith.constant 0 : index
    %get3A_85 = vector.load %arg11[%get3A_83, %get3A_84] : memref<192x128xf32, #tpu.memory_space<vmem>>, vector<192x128xf32>
    %dot_general3A = arith.constant dense<0.000000e+00> : vector<512x128xf32>
    %dot_general3A_86 = tpu.matmul %concatenate3A, %get3A_85, %dot_general3A {dimension_numbers = #tpu.dot_dimension_numbers<[1], [0], [0], [1], [0, 0, 1, 1], [], []>, transpose_lhs_hint = false} : vector<512x192xf32>, vector<192x128xf32>, vector<512x128xf32> -> vector<512x128xf32>
    %mul3A_87 = vector.broadcast %broadcast_in_dim3A_82 : vector<512x1xf32> to vector<512x128xf32>
    %mul3A_88 = arith.mulf %mul3A_87, %dot_general3A_86 : vector<512x128xf32>
    %slice3A_89 = vector.extract_strided_slice %mul3A_88 {offsets = [0, 0], sizes = [512, 64], strides = [1, 1]} : vector<512x128xf32> to vector<512x64xf32>
    %swap3A = arith.constant 0 : index
    %swap3A_90 = arith.constant 0 : index
    %swap3A_91 = vector.load %arg12[%swap3A, %swap3A_90] : memref<512x64xf32, #tpu.memory_space<vmem>>, vector<512x64xf32>
    tpu.vector_store %arg12[%swap3A, %swap3A_90], %slice3A_89 {strides = array<i32>} : memref<512x64xf32, #tpu.memory_space<vmem>>, vector<512x64xf32>,
    %slice3A_92 = vector.extract_strided_slice %mul3A_88 {offsets = [0, 64], sizes = [512, 64], strides = [1, 1]} : vector<512x128xf32> to vector<512x64xf32>
    %swap3A_93 = arith.constant 0 : index
    %swap3A_94 = arith.constant 0 : index
    %swap3A_95 = vector.load %arg13[%swap3A_93, %swap3A_94] : memref<512x64xf32, #tpu.memory_space<vmem>>, vector<512x64xf32>
    tpu.vector_store %arg13[%swap3A_93, %swap3A_94], %slice3A_92 {strides = array<i32>} : memref<512x64xf32, #tpu.memory_space<vmem>>, vector<512x64xf32>,
    return
  }
  func.func @transform_0(%arg0: i32) -> (i32, i32, i32) {
    %c0_i32 = arith.constant 0 : i32
    %c0_i32_0 = arith.constant 0 : i32
    %c0_i32_1 = arith.constant 0 : i32
    return %c0_i32, %arg0, %c0_i32_0 : i32, i32, i32
  }
  func.func @transform_1(%arg0: i32) -> (i32, i32, i32) {
    %add3A = arith.constant 20 : i32
    %add3A_0 = arith.addi %arg0, %add3A : i32
    %c0_i32 = arith.constant 0 : i32
    %c0_i32_1 = arith.constant 0 : i32
    %c0_i32_2 = arith.constant 0 : i32
    return %c0_i32, %add3A_0, %c0_i32_1 : i32, i32, i32
  }
  func.func @transform_2(%arg0: i32) -> (i32, i32, i32) {
    %c0_i32 = arith.constant 0 : i32
    %c0_i32_0 = arith.constant 0 : i32
    %c0_i32_1 = arith.constant 0 : i32
    return %c0_i32, %arg0, %c0_i32_0 : i32, i32, i32
  }
  func.func @transform_3(%arg0: i32) -> (i32, i32) {
    %c0_i32 = arith.constant 0 : i32
    %c0_i32_0 = arith.constant 0 : i32
    return %arg0, %c0_i32 : i32, i32
  }
  func.func @transform_4(%arg0: i32) -> (i32, i32) {
    %c0_i32 = arith.constant 0 : i32
    %c0_i32_0 = arith.constant 0 : i32
    return %arg0, %c0_i32 : i32, i32
  }
  func.func @transform_5(%arg0: i32) -> (i32, i32) {
    %c0_i32 = arith.constant 0 : i32
    %c0_i32_0 = arith.constant 0 : i32
    return %arg0, %c0_i32 : i32, i32
  }
  func.func @transform_6(%arg0: i32) -> (i32, i32) {
    %c0_i32 = arith.constant 0 : i32
    %c0_i32_0 = arith.constant 0 : i32
    return %c0_i32, %arg0 : i32, i32
  }
  func.func @transform_7(%arg0: i32) -> (i32, i32) {
    %c0_i32 = arith.constant 0 : i32
    %c0_i32_0 = arith.constant 0 : i32
    %c0_i32_1 = arith.constant 0 : i32
    return %c0_i32, %c0_i32_0 : i32, i32
  }
  func.func @transform_8(%arg0: i32) -> (i32, i32) {
    %c0_i32 = arith.constant 0 : i32
    %c0_i32_0 = arith.constant 0 : i32
    %c0_i32_1 = arith.constant 0 : i32
    return %c0_i32, %c0_i32_0 : i32, i32
  }
  func.func @transform_9(%arg0: i32) -> (i32, i32) {
    %c0_i32 = arith.constant 0 : i32
    %c0_i32_0 = arith.constant 0 : i32
    %c0_i32_1 = arith.constant 0 : i32
    return %c0_i32, %c0_i32_0 : i32, i32
  }
  func.func @transform_10(%arg0: i32) -> (i32, i32) {
    %c0_i32 = arith.constant 0 : i32
    %c0_i32_0 = arith.constant 0 : i32
    %c0_i32_1 = arith.constant 0 : i32
    return %c0_i32, %c0_i32_0 : i32, i32
  }
  func.func @transform_11(%arg0: i32) -> (i32, i32) {
    %c0_i32 = arith.constant 0 : i32
    %c0_i32_0 = arith.constant 0 : i32
    return %arg0, %c0_i32 : i32, i32
  }
  func.func @transform_12(%arg0: i32) -> (i32, i32) {
    %c0_i32 = arith.constant 0 : i32
    %c0_i32_0 = arith.constant 0 : i32
    return %arg0, %c0_i32 : i32, i32
  }
}

module attributes {stable_mosaic.version = 14 : i64} {
  func.func @_mid2_body(%arg0: i32, %arg1: memref<2x512x64xf32, #tpu.memory_space<vmem>>, %arg2: memref<2x512x64xf32, #tpu.memory_space<vmem>>, %arg3: memref<512x64xf32, #tpu.memory_space<vmem>>, %arg4: memref<512x64xf32, #tpu.memory_space<vmem>>, %arg5: memref<8x512xf32, #tpu.memory_space<vmem>>, %arg6: memref<1x128xf32, #tpu.memory_space<vmem>>, %arg7: memref<128x64xf32, #tpu.memory_space<vmem>>, %arg8: memref<512x64xf32, #tpu.memory_space<vmem>>) attributes {dimension_semantics = [#tpu.dimension_semantics<arbitrary>], iteration_bounds = array<i64: 20>, scalar_prefetch = 0 : i64, scratch_operands = 0 : i64, tpu.core_type = #tpu.core_type<tc>, window_params = [{transform_indices = @transform_0, window_bounds = array<i64: 2, 512, 64>}, {transform_indices = @transform_1, window_bounds = array<i64: 2, 512, 64>}, {transform_indices = @transform_2, window_bounds = array<i64: 512, 64>}, {transform_indices = @transform_3, window_bounds = array<i64: 512, 64>}, {transform_indices = @transform_4, window_bounds = array<i64: 8, 512>}, {pipeline_mode = #tpu.pipeline_mode<synchronous>, transform_indices = @transform_5, window_bounds = array<i64: 1, 128>}, {pipeline_mode = #tpu.pipeline_mode<synchronous>, transform_indices = @transform_6, window_bounds = array<i64: 128, 64>}, {transform_indices = @transform_7, window_bounds = array<i64: 512, 64>}]} {
    %get3A = arith.constant 0 : index
    %get3A_0 = arith.constant 0 : index
    %get3A_1 = vector.load %arg5[%get3A, %get3A_0] : memref<8x512xf32, #tpu.memory_space<vmem>>, vector<8x512xf32>
    %slice3A = vector.extract_strided_slice %get3A_1 {offsets = [2, 0], sizes = [1, 512], strides = [1, 1]} : vector<8x512xf32> to vector<1x512xf32>
    %squeeze3A = vector.shape_cast %slice3A : vector<1x512xf32> to vector<512xf32>
    %broadcast_in_dim3A = vector.shape_cast %squeeze3A : vector<512xf32> to vector<512x1xf32>
    %get3A_2 = arith.constant 0 : index
    %get3A_3 = arith.constant 0 : index
    %get3A_4 = arith.constant 0 : index
    %get3A_5 = vector.load %arg1[%get3A_2, %get3A_3, %get3A_4] : memref<2x512x64xf32, #tpu.memory_space<vmem>>, vector<1x512x64xf32>
    %get3A_6 = vector.shape_cast %get3A_5 : vector<1x512x64xf32> to vector<512x64xf32>
    %get3A_7 = arith.constant 1 : index
    %get3A_8 = arith.constant 0 : index
    %get3A_9 = arith.constant 0 : index
    %get3A_10 = vector.load %arg1[%get3A_7, %get3A_8, %get3A_9] : memref<2x512x64xf32, #tpu.memory_space<vmem>>, vector<1x512x64xf32>
    %get3A_11 = vector.shape_cast %get3A_10 : vector<1x512x64xf32> to vector<512x64xf32>
    %add3A = arith.addf %get3A_6, %get3A_11 : vector<512x64xf32>
    %get3A_12 = arith.constant 0 : index
    %get3A_13 = arith.constant 0 : index
    %get3A_14 = vector.load %arg3[%get3A_12, %get3A_13] : memref<512x64xf32, #tpu.memory_space<vmem>>, vector<512x64xf32>
    %add3A_15 = arith.addf %add3A, %get3A_14 : vector<512x64xf32>
    %mul3A = vector.broadcast %broadcast_in_dim3A : vector<512x1xf32> to vector<512x64xf32>
    %mul3A_16 = arith.mulf %mul3A, %add3A_15 : vector<512x64xf32>
    %get3A_17 = arith.constant 0 : index
    %get3A_18 = arith.constant 0 : index
    %get3A_19 = vector.load %arg6[%get3A_17, %get3A_18] : memref<1x128xf32, #tpu.memory_space<vmem>>, vector<1x128xf32>
    %slice3A_20 = vector.extract_strided_slice %get3A_19 {offsets = [0, 0], sizes = [1, 64], strides = [1, 1]} : vector<1x128xf32> to vector<1x64xf32>
    %add3A_21 = vector.broadcast %slice3A_20 : vector<1x64xf32> to vector<512x64xf32>
    %add3A_22 = arith.addf %mul3A_16, %add3A_21 : vector<512x64xf32>
    %broadcast_in_dim3A_23 = vector.shape_cast %squeeze3A : vector<512xf32> to vector<512x1xf32>
    %get3A_24 = arith.constant 0 : index
    %get3A_25 = arith.constant 0 : index
    %get3A_26 = arith.constant 0 : index
    %get3A_27 = vector.load %arg2[%get3A_24, %get3A_25, %get3A_26] : memref<2x512x64xf32, #tpu.memory_space<vmem>>, vector<1x512x64xf32>
    %get3A_28 = vector.shape_cast %get3A_27 : vector<1x512x64xf32> to vector<512x64xf32>
    %get3A_29 = arith.constant 1 : index
    %get3A_30 = arith.constant 0 : index
    %get3A_31 = arith.constant 0 : index
    %get3A_32 = vector.load %arg2[%get3A_29, %get3A_30, %get3A_31] : memref<2x512x64xf32, #tpu.memory_space<vmem>>, vector<1x512x64xf32>
    %get3A_33 = vector.shape_cast %get3A_32 : vector<1x512x64xf32> to vector<512x64xf32>
    %add3A_34 = arith.addf %get3A_28, %get3A_33 : vector<512x64xf32>
    %get3A_35 = arith.constant 0 : index
    %get3A_36 = arith.constant 0 : index
    %get3A_37 = vector.load %arg4[%get3A_35, %get3A_36] : memref<512x64xf32, #tpu.memory_space<vmem>>, vector<512x64xf32>
    %add3A_38 = arith.addf %add3A_34, %get3A_37 : vector<512x64xf32>
    %mul3A_39 = vector.broadcast %broadcast_in_dim3A_23 : vector<512x1xf32> to vector<512x64xf32>
    %mul3A_40 = arith.mulf %mul3A_39, %add3A_38 : vector<512x64xf32>
    %get3A_41 = arith.constant 0 : index
    %get3A_42 = arith.constant 0 : index
    %get3A_43 = vector.load %arg6[%get3A_41, %get3A_42] : memref<1x128xf32, #tpu.memory_space<vmem>>, vector<1x128xf32>
    %slice3A_44 = vector.extract_strided_slice %get3A_43 {offsets = [0, 64], sizes = [1, 64], strides = [1, 1]} : vector<1x128xf32> to vector<1x64xf32>
    %add3A_45 = vector.broadcast %slice3A_44 : vector<1x64xf32> to vector<512x64xf32>
    %add3A_46 = arith.addf %mul3A_40, %add3A_45 : vector<512x64xf32>
    %concatenate3A = tpu.concatenate %add3A_22, %add3A_46 in 1 : vector<512x64xf32>, vector<512x64xf32> -> vector<512x128xf32>
    %broadcast_in_dim3A_47 = vector.shape_cast %squeeze3A : vector<512xf32> to vector<512x1xf32>
    %get3A_48 = arith.constant 0 : index
    %get3A_49 = arith.constant 0 : index
    %get3A_50 = vector.load %arg7[%get3A_48, %get3A_49] : memref<128x64xf32, #tpu.memory_space<vmem>>, vector<128x64xf32>
    %dot_general3A = arith.constant dense<0.000000e+00> : vector<512x64xf32>
    %dot_general3A_51 = tpu.matmul %concatenate3A, %get3A_50, %dot_general3A {dimension_numbers = #tpu.dot_dimension_numbers<[1], [0], [0], [1], [0, 0, 1, 1], [], []>, transpose_lhs_hint = false} : vector<512x128xf32>, vector<128x64xf32>, vector<512x64xf32> -> vector<512x64xf32>
    %mul3A_52 = vector.broadcast %broadcast_in_dim3A_47 : vector<512x1xf32> to vector<512x64xf32>
    %mul3A_53 = arith.mulf %mul3A_52, %dot_general3A_51 : vector<512x64xf32>
    %swap3A = arith.constant 0 : index
    %swap3A_54 = arith.constant 0 : index
    %swap3A_55 = vector.load %arg8[%swap3A, %swap3A_54] : memref<512x64xf32, #tpu.memory_space<vmem>>, vector<512x64xf32>
    tpu.vector_store %arg8[%swap3A, %swap3A_54], %mul3A_53 {strides = array<i32>} : memref<512x64xf32, #tpu.memory_space<vmem>>, vector<512x64xf32>,
    return
  }
  func.func @transform_0(%arg0: i32) -> (i32, i32, i32) {
    %c0_i32 = arith.constant 0 : i32
    %c0_i32_0 = arith.constant 0 : i32
    %c0_i32_1 = arith.constant 0 : i32
    return %c0_i32, %arg0, %c0_i32_0 : i32, i32, i32
  }
  func.func @transform_1(%arg0: i32) -> (i32, i32, i32) {
    %c0_i32 = arith.constant 0 : i32
    %c0_i32_0 = arith.constant 0 : i32
    %c0_i32_1 = arith.constant 0 : i32
    return %c0_i32, %arg0, %c0_i32_0 : i32, i32, i32
  }
  func.func @transform_2(%arg0: i32) -> (i32, i32) {
    %c0_i32 = arith.constant 0 : i32
    %c0_i32_0 = arith.constant 0 : i32
    return %arg0, %c0_i32 : i32, i32
  }
  func.func @transform_3(%arg0: i32) -> (i32, i32) {
    %c0_i32 = arith.constant 0 : i32
    %c0_i32_0 = arith.constant 0 : i32
    return %arg0, %c0_i32 : i32, i32
  }
  func.func @transform_4(%arg0: i32) -> (i32, i32) {
    %c0_i32 = arith.constant 0 : i32
    %c0_i32_0 = arith.constant 0 : i32
    return %c0_i32, %arg0 : i32, i32
  }
  func.func @transform_5(%arg0: i32) -> (i32, i32) {
    %c0_i32 = arith.constant 0 : i32
    %c0_i32_0 = arith.constant 0 : i32
    %c0_i32_1 = arith.constant 0 : i32
    return %c0_i32, %c0_i32_0 : i32, i32
  }
  func.func @transform_6(%arg0: i32) -> (i32, i32) {
    %c0_i32 = arith.constant 0 : i32
    %c0_i32_0 = arith.constant 0 : i32
    %c0_i32_1 = arith.constant 0 : i32
    return %c0_i32, %c0_i32_0 : i32, i32
  }
  func.func @transform_7(%arg0: i32) -> (i32, i32) {
    %c0_i32 = arith.constant 0 : i32
    %c0_i32_0 = arith.constant 0 : i32
    return %arg0, %c0_i32 : i32, i32
  }
}

module attributes {stable_mosaic.version = 14 : i64} {
  func.func @_fin_body(%arg0: i32, %arg1: memref<2x512x64xf32, #tpu.memory_space<vmem>>, %arg2: memref<512x64xf32, #tpu.memory_space<vmem>>, %arg3: memref<8x512xf32, #tpu.memory_space<vmem>>, %arg4: memref<1x64xf32, #tpu.memory_space<vmem>>, %arg5: memref<512x64xf32, #tpu.memory_space<vmem>>) attributes {dimension_semantics = [#tpu.dimension_semantics<arbitrary>], iteration_bounds = array<i64: 20>, scalar_prefetch = 0 : i64, scratch_operands = 0 : i64, tpu.core_type = #tpu.core_type<tc>, window_params = [{transform_indices = @transform_0, window_bounds = array<i64: 2, 512, 64>}, {transform_indices = @transform_1, window_bounds = array<i64: 512, 64>}, {transform_indices = @transform_2, window_bounds = array<i64: 8, 512>}, {pipeline_mode = #tpu.pipeline_mode<synchronous>, transform_indices = @transform_3, window_bounds = array<i64: 1, 64>}, {transform_indices = @transform_4, window_bounds = array<i64: 512, 64>}]} {
    %get3A = arith.constant 0 : index
    %get3A_0 = arith.constant 0 : index
    %get3A_1 = vector.load %arg3[%get3A, %get3A_0] : memref<8x512xf32, #tpu.memory_space<vmem>>, vector<8x512xf32>
    %slice3A = vector.extract_strided_slice %get3A_1 {offsets = [2, 0], sizes = [1, 512], strides = [1, 1]} : vector<8x512xf32> to vector<1x512xf32>
    %squeeze3A = vector.shape_cast %slice3A : vector<1x512xf32> to vector<512xf32>
    %broadcast_in_dim3A = vector.shape_cast %squeeze3A : vector<512xf32> to vector<512x1xf32>
    %get3A_2 = arith.constant 0 : index
    %get3A_3 = arith.constant 0 : index
    %get3A_4 = arith.constant 0 : index
    %get3A_5 = vector.load %arg1[%get3A_2, %get3A_3, %get3A_4] : memref<2x512x64xf32, #tpu.memory_space<vmem>>, vector<1x512x64xf32>
    %get3A_6 = vector.shape_cast %get3A_5 : vector<1x512x64xf32> to vector<512x64xf32>
    %get3A_7 = arith.constant 1 : index
    %get3A_8 = arith.constant 0 : index
    %get3A_9 = arith.constant 0 : index
    %get3A_10 = vector.load %arg1[%get3A_7, %get3A_8, %get3A_9] : memref<2x512x64xf32, #tpu.memory_space<vmem>>, vector<1x512x64xf32>
    %get3A_11 = vector.shape_cast %get3A_10 : vector<1x512x64xf32> to vector<512x64xf32>
    %add3A = arith.addf %get3A_6, %get3A_11 : vector<512x64xf32>
    %get3A_12 = arith.constant 0 : index
    %get3A_13 = arith.constant 0 : index
    %get3A_14 = vector.load %arg2[%get3A_12, %get3A_13] : memref<512x64xf32, #tpu.memory_space<vmem>>, vector<512x64xf32>
    %add3A_15 = arith.addf %add3A, %get3A_14 : vector<512x64xf32>
    %mul3A = vector.broadcast %broadcast_in_dim3A : vector<512x1xf32> to vector<512x64xf32>
    %mul3A_16 = arith.mulf %mul3A, %add3A_15 : vector<512x64xf32>
    %get3A_17 = arith.constant 0 : index
    %get3A_18 = arith.constant 0 : index
    %get3A_19 = vector.load %arg4[%get3A_17, %get3A_18] : memref<1x64xf32, #tpu.memory_space<vmem>>, vector<1x64xf32>
    %add3A_20 = vector.broadcast %get3A_19 : vector<1x64xf32> to vector<512x64xf32>
    %add3A_21 = arith.addf %mul3A_16, %add3A_20 : vector<512x64xf32>
    %iota3A = tpu.iota {dimensions = array<i32: 1>} : vector<512x64xi32>
    %lt3A = arith.constant 40 : i32
    %lt3A_22 = vector.broadcast %lt3A : i32 to vector<512x64xi32>
    %lt3A_23 = arith.cmpi slt, %iota3A, %lt3A_22 : vector<512x64xi32>
    %broadcast_in_dim3A_24 = arith.constant 0xFF800000 : f32
    %broadcast_in_dim3A_25 = vector.broadcast %broadcast_in_dim3A_24 : f32 to vector<512x64xf32>
    %select_n3A = arith.select %lt3A_23, %add3A_21, %broadcast_in_dim3A_25 : vector<512x64xi1>, vector<512x64xf32>
    %reduce_max3A = arith.constant dense<0xFF800000> : vector<512xf32>
    %reduce_max3A_26 = vector.multi_reduction <maximumf>, %select_n3A, %reduce_max3A [1] : vector<512x64xf32> to vector<512xf32>
    %broadcast_in_dim3A_27 = vector.shape_cast %reduce_max3A_26 : vector<512xf32> to vector<512x1xf32>
    %sub3A = vector.broadcast %broadcast_in_dim3A_27 : vector<512x1xf32> to vector<512x64xf32>
    %sub3A_28 = arith.subf %add3A_21, %sub3A : vector<512x64xf32>
    %exp3A = math.exp %sub3A_28 : vector<512x64xf32>
    %broadcast_in_dim3A_29 = arith.constant 0.000000e+00 : f32
    %broadcast_in_dim3A_30 = vector.broadcast %broadcast_in_dim3A_29 : f32 to vector<512x64xf32>
    %select_n3A_31 = arith.select %lt3A_23, %exp3A, %broadcast_in_dim3A_30 : vector<512x64xi1>, vector<512x64xf32>
    %reduce_sum3A = arith.constant dense<0.000000e+00> : vector<512xf32>
    %reduce_sum3A_32 = vector.multi_reduction <add>, %select_n3A_31, %reduce_sum3A [1] : vector<512x64xf32> to vector<512xf32>
    %broadcast_in_dim3A_33 = vector.shape_cast %reduce_sum3A_32 : vector<512xf32> to vector<512x1xf32>
    %log3A = math.log %broadcast_in_dim3A_33 : vector<512x1xf32>
    %add3A_34 = arith.addf %log3A, %broadcast_in_dim3A_27 : vector<512x1xf32>
    %sub3A_35 = vector.broadcast %add3A_34 : vector<512x1xf32> to vector<512x64xf32>
    %sub3A_36 = arith.subf %add3A_21, %sub3A_35 : vector<512x64xf32>
    %swap3A = arith.constant 0 : index
    %swap3A_37 = arith.constant 0 : index
    %swap3A_38 = vector.load %arg5[%swap3A, %swap3A_37] : memref<512x64xf32, #tpu.memory_space<vmem>>, vector<512x64xf32>
    tpu.vector_store %arg5[%swap3A, %swap3A_37], %sub3A_36 {strides = array<i32>} : memref<512x64xf32, #tpu.memory_space<vmem>>, vector<512x64xf32>,
    return
  }
  func.func @transform_0(%arg0: i32) -> (i32, i32, i32) {
    %c0_i32 = arith.constant 0 : i32
    %c0_i32_0 = arith.constant 0 : i32
    %c0_i32_1 = arith.constant 0 : i32
    return %c0_i32, %arg0, %c0_i32_0 : i32, i32, i32
  }
  func.func @transform_1(%arg0: i32) -> (i32, i32) {
    %c0_i32 = arith.constant 0 : i32
    %c0_i32_0 = arith.constant 0 : i32
    return %arg0, %c0_i32 : i32, i32
  }
  func.func @transform_2(%arg0: i32) -> (i32, i32) {
    %c0_i32 = arith.constant 0 : i32
    %c0_i32_0 = arith.constant 0 : i32
    return %c0_i32, %arg0 : i32, i32
  }
  func.func @transform_3(%arg0: i32) -> (i32, i32) {
    %c0_i32 = arith.constant 0 : i32
    %c0_i32_0 = arith.constant 0 : i32
    %c0_i32_1 = arith.constant 0 : i32
    return %c0_i32, %c0_i32_0 : i32, i32
  }
  func.func @transform_4(%arg0: i32) -> (i32, i32) {
    %c0_i32 = arith.constant 0 : i32
    %c0_i32_0 = arith.constant 0 : i32
    return %arg0, %c0_i32 : i32, i32
  }
}

</mosaic_0001>

<sc_bundles>
// kernel: kernel.12.cloned.1.call-start
scs
__scs_entry_jumppad:
0x0: {  	(pc) =	sbr.rel $0x88, $3  }
0x1: {  	(tag) =	ssettag $0x0;
	lr =	simm.s32 $0x1  }
0x2: {  	[smem:$0x3F94] =	sst lr;
	_ =	strace $0xD0000000  }
0x3: {  	_ = 	snop  }
0x4: {  	_ = 	snop  }
0x5: {  	_ = 	snop  }
0x6: {  	_ = 	snop  }
0x7: {  	_ = 	snop  }
__scs_overlays_trampoline_lowered:
0x8: {  	[smem:$0x3FA3] =	sst s0  }
0x9: {  	[smem:$0x3FA4] =	sst s1  }
0xa: {  	[smem:$0x3FA5] =	sst s2  }
0xb: {  	[smem:$0x3FA6] =	sst s3  }
0xc: {  	[smem:$0x3FA7] =	sst s4  }
0xd: {  	[smem:$0x3FA8] =	sst s5  }
0xe: {  	[smem:$0x3FA9] =	sst s6  }
0xf: {  	[smem:$0x3FAA] =	sst s7  }
0x10: {  	[smem:$0x3FAB] =	sst s8  }
0x11: {  	[smem:$0x3FAC] =	sst s9;
	s0 =	simm.s32 @!p0 $0x0  }
0x12: {  	s1 =	sld [smem:$0x3F92];
	s0 =	simm.s32 @p0 $0x1  }
0x13: {  	[smem:$0x3FAD] =	sst s0;
	s0 =	simm.s32 @!p1 $0x0  }
0x14: {  	s2 =	sld [smem:$0x3F91];
	s0 =	simm.s32 @p1 $0x1  }
0x15: {  	[smem:$0x3FAE] =	sst s0;
	s0 =	simm.s32 @!p2 $0x0  }
0x16: {  	s3 =	sld [smem:$0x3FDB];
	s0 =	simm.s32 @p2 $0x1  }
0x17: {  	s4 =	simm.s32 $0x1BF5;
	[smem:$0x3FB0] =	sst s0  }
0x18: {  	s0 =	sld [smem:$0x3F93];
	_ =	swait.ge [sflag:s4], $0x0  }
0x19: {  	s7 =	sld [smem:$0x3F94]  }
0x1a: {  	s8 =	sadd.s32 $0xFFFFE003, lr  }
0x1b: {  	s9 =	sadd.s32 $0xFFFFFEF7, lr;
	s5 =	simm.s32 $0xFFFFFFFF;
	p2 =	slt.u32 s8, $0xFFFFF086  }
0x1c: {  	p1 =	slt.u32 s9, $0xF7A;
	s5 =	simm.s32 @!p2 $0x0  }
0x1d: {  	s5 =	simm.s32 @p1 $0x1;
	p0 =	seq.s32 s7, s2  }
0x1e: {  	s7 =	smul.u32 @!p0 $0xF7A, s2;
	p2 =	seq.s32 @!p0 s5, $0x0  }
0x1f: {  	s9 =	smul.u32 $0xF7A, s1;
	s8 =	simm.s32 @!p0 $0x1BF5;
	p2 =	por !p2, p0  }
0x20: {  	[sflag:s8] =	ssyncset.s32 @!p0 $0xFFFFF086;
	s6 =	sadd.s32 @!p0 s3, s7;
	s7 =	simm.s32 @!p0 $0x108  }
0x21: {  	s3 =	sadd.s32 s3, s9;
	s6 =	sadd.s32 @!p0 $0x88, s6;
	s7 =	simm.s32 @p2 $0x1082  }
0x22: {  	[simem:s7], [sflag:s8] =	dma.local @!p0 [hbm:s6], $0xF7A  }
0x23: {  	s9 =	sor.u32 $0xD0000000, s2;
	s6 =	simm.s32 $0x108;
	_ =	swait.ge @!p0 [sflag:s8], $0x0  }
0x24: {  	s3 =	sadd.s32 $0x88, s3;
	s6 =	simm.s32 @!p1 $0x1082;
	[sflag:s4] =	ssyncset.s32 $0xFFFFF086  }
0x25: {  	[simem:s6], [sflag:s4] =	dma.local [hbm:s3], $0xF7A  }
0x26: {  	[smem:$0x3F94] =	sst s1;
	(tag) =	ssettag s2;
	_ =	strace s9  }
0x27: {  	s1 =	sld [smem:$0x3FA4]  }
0x28: {  	s2 =	sld [smem:$0x3FA5]  }
0x29: {  	s4 =	sld [smem:$0x3FA7]  }
0x2a: {  	p0 =	seq.s32 s5, $0x0;
	s5 =	sld [smem:$0x3FA8]  }
0x2b: {  	s6 =	sld [smem:$0x3FA9]  }
0x2c: {  	s7 =	sld [smem:$0x3FAA]  }
0x2d: {  	s3 =	simm.s32 $0x108;
	s8 =	sld [smem:$0x3FAB]  }
0x2e: {  	s3 =	simm.s32 @!p0 $0x1082;
	s9 =	sld [smem:$0x3FAC]  }
0x2f: {  	lr =	sadd.s32 s0, s3;
	s0 =	sld [smem:$0x3FA3]  }
0x30: {  	s3 =	sld [smem:$0x3FA6]  }
0x31: {  	[smem:$0x3FAF] =	sst s10  }
0x32: {  	s10 =	sld [smem:$0x3FAD];
	_ =	sdelay $0x3  }
0x33: {  	p0 =	seq.s32 s10, $0x1;
	s10 =	sld [smem:$0x3FAF];
	_ =	sdelay $0x3  }
0x34: {  	[smem:$0x3FAF] =	sst s10  }
0x35: {  	s10 =	sld [smem:$0x3FAE];
	_ =	sdelay $0x3  }
0x36: {  	p1 =	seq.s32 s10, $0x1;
	s10 =	sld [smem:$0x3FAF];
	_ =	sdelay $0x3  }
0x37: {  	[smem:$0x3FAF] =	sst s10  }
0x38: {  	s10 =	sld [smem:$0x3FB0]  }
0x39: {  	_ = 	snop;
	(pc) =	sbr.ind lr, $3  }
0x3a: {  	_ = 	snop  }
0x3b: {  	_ = 	snop  }
0x3c: {  	p2 =	seq.s32 s10, $0x1;
	s10 =	sld [smem:$0x3FAF]  }
0x3d: {  	_ =	shalt  }
0x3e: {  	_ =	shalt  }
0x3f: {  	_ =	shalt  }
0x40: {  	_ =	shalt  }
0x41: {  	_ =	shalt  }
0x42: {  	_ =	shalt  }
0x43: {  	_ =	shalt  }
0x44: {  	_ =	shalt  }
0x45: {  	_ =	shalt  }
0x46: {  	_ =	shalt  }
0x47: {  	_ =	shalt  }
0x48: {  	_ =	shalt  }
0x49: {  	_ =	shalt  }
0x4a: {  	_ =	shalt  }
0x4b: {  	_ =	shalt  }
0x4c: {  	_ =	shalt  }
0x4d: {  	_ =	shalt  }
0x4e: {  	_ =	shalt  }
0x4f: {  	_ =	shalt  }
0x50: {  	_ =	shalt  }
0x51: {  	_ =	shalt  }
0x52: {  	_ =	shalt  }
0x53: {  	_ =	shalt  }
0x54: {  	_ =	shalt  }
0x55: {  	_ =	shalt  }
0x56: {  	_ =	shalt  }
0x57: {  	_ =	shalt  }
0x58: {  	_ =	shalt  }
0x59: {  	_ =	shalt  }
0x5a: {  	_ =	shalt  }
0x5b: {  	_ =	shalt  }
0x5c: {  	_ =	shalt  }
0x5d: {  	_ =	shalt  }
0x5e: {  	_ =	shalt  }
0x5f: {  	_ =	shalt  }
0x60: {  	_ =	shalt  }
0x61: {  	_ =	shalt  }
0x62: {  	_ =	shalt  }
0x63: {  	_ =	shalt  }
0x64: {  	_ =	shalt  }
0x65: {  	_ =	shalt  }
0x66: {  	_ =	shalt  }
0x67: {  	_ =	shalt  }
0x68: {  	_ =	shalt  }
0x69: {  	_ =	shalt  }
0x6a: {  	_ =	shalt  }
0x6b: {  	_ =	shalt  }
0x6c: {  	_ =	shalt  }
0x6d: {  	_ =	shalt  }
0x6e: {  	_ =	shalt  }
0x6f: {  	_ =	shalt  }
0x70: {  	_ =	shalt  }
0x71: {  	_ =	shalt  }
0x72: {  	_ =	shalt  }
0x73: {  	_ =	shalt  }
0x74: {  	_ =	shalt  }
0x75: {  	_ =	shalt  }
0x76: {  	_ =	shalt  }
0x77: {  	_ =	shalt  }
0x78: {  	_ =	shalt  }
0x79: {  	_ =	shalt  }
0x7a: {  	_ =	shalt  }
0x7b: {  	_ =	shalt  }
0x7c: {  	_ =	shalt  }
0x7d: {  	_ =	shalt  }
0x7e: {  	_ =	shalt  }
0x7f: {  	_ =	shalt  }
0x80: {  	_ =	shalt  }
0x81: {  	_ =	shalt  }
0x82: {  	_ =	shalt  }
0x83: {  	_ =	shalt  }
0x84: {  	_ =	shalt  }
0x85: {  	_ =	shalt  }
0x86: {  	_ =	shalt  }
0x87: {  	_ =	shalt  }
.Lfunc_end0:
.L_simem_size_0:
called_computation_lowered:
.L_overlay_start_0:
0x88: {  	s2 =	sld [smem:$0x3FD9]  }
0x89: {  	s3 =	sld [smem:$0x3FFE];
	_ =	sdelay $0x1  }
0x8a: {  	s1 =	srdreg.scid  }
0x8b: {  	s0 =	sand.u32 $0x1, s1  }
0x8c: {  	s17 =	sshll.u32 s0, $0xA;
	s2 =	sadd.s32 s3, s2  }
0x8d: {  	s2 =	sadd.s32 s2, s17  }
0x8e: {  	[smem:$0x3FBB] =	sst s2  }
0x8f: {  	_ = 	snop  }
0x90: {  	s2 =	sld [smem:$0x3FD0];
	(tm) =	ssettm $0x1  }
0x91: {  	s18 =	sld [smem:$0x3FFB];
	_ =	sdelay $0x3  }
0x92: {  	_ =	strace s18  }
0x93: {  	s3 =	sld [smem:$0x3FFC];
	_ =	sdelay $0x3  }
0x94: {  	_ =	strace s3  }
0x95: {  	s3 =	sld [smem:$0x3FFD];
	_ =	sdelay $0x3  }
0x96: {  	_ =	strace s3  }
0x97: {  	_ =	strace $0x8FFFFFFF  }
0x98: {  	s19 =	sld [smem:$0x3FDB];
	_ =	sdelay $0x1  }
0x99: {  	s4 =	simm.s32 $_scs_section_size  }
0x9a: {  	s5 =	simm.s32 $_size__tile_overlayer_lowered;
	s6 =	simm.s32 $_tile_overlayer_lowered  }
0x9b: {  	s22 =	simm.s32 $0x1BFF;
	s21 =	sshll.u32 s6, $0x1;
	s3 =	sadd.s32 s4, s19  }
0x9c: {  	s7 =	simm.s32 $0x0;
	s20 =	sshll.u32 s5, $0x1;
	s5 =	sadd.s32 s21, s3  }
0x9d: {  	[timem:s7], [sflag:s22] =	dma.local [hbm:s5], s20  }
0x9e: {  	_ =	swait.ge [sflag:s22], s20  }
0x9f: {  	s4 =	ssub.s32 $0x0, s20;
	[sflag:s22] =	ssyncset.done $0x0  }
0xa0: {  	[sflag:s22] =	ssyncadd.s32 s4;
	_ =	sdelay $0x1  }
0xa1: {  	s23 =	simm.s32 $0x1B8B  }
0xa2: {  	_ =	swait.ge [sflag:s23], $0x1  }
0xa3: {  	[sflag:s23] =	ssyncset.done $0x0  }
0xa4: {  	s25 =	simm.s32 $0x1B8E;
	s24 =	sld [smem:$0x3FFE];
	[sflag:s23] =	ssyncadd.s32 $0xFFFFFFFF  }
0xa5: {  	s26 =	simm.s32 $execute0_lowered;
	[smem:$0x3FD2] =	sst s25  }
0xa6: {  	s5 =	sshll.u32 s26, $0x1;
	_ =	strace $0x80000046;
	[dreg:$0x1] =	wrdreg $0xFFFFFFFF  }
0xa7: {  	s28 =	simm.s32 $_size_execute0_lowered;
	s3 =	sadd.s32 s3, s5;
	[dreg:$0x0] =	wrdreg $0x0  }
0xa8: {  	s5 =	sshll.u32 s28, $0x1;
	[dreg:$0x2] =	wrdreg s3  }
0xa9: {  	[dreg:$0x3] =	wrdreg s5  }
0xaa: {  	[dreg:$0x4] =	wrdreg $0xC0  }
0xab: {  	_ =	task [dreg:s7], $0x5FFFF  }
0xac: {  	[dreg:$0x1] =	wrdreg $0xFFFFFFFF  }
0xad: {  	[dreg:$0x0] =	wrdreg $0x60  }
0xae: {  	[dreg:$0x2] =	wrdreg s2  }
0xaf: {  	[dreg:$0x3] =	wrdreg s24  }
0xb0: {  	[dreg:$0x4] =	wrdreg $0xCB000  }
0xb1: {  	[dreg:$0x5] =	wrdreg $0x9  }
0xb2: {  	_ =	task.clear_ibuf [dreg:s7], $0x6FFFF;
	_ =	strace $0x90000046  }
0xb3: {  	s29 =	simm.s32 $0x9;
	_ =	strace $0x80000048  }
0xb4: {  	_ =	swait.ge [sflag:s29], $0x1  }
0xb5: {  	[sflag:s29] =	ssyncadd.s32 $0xFFFFFFFF  }
0xb6: {  	_ =	strace $0x90000048  }
0xb7: {  	_ =	sfence  }
0xb8: {  	s30 =	sld [smem:$0x0];
	_ =	sdelay $0x2  }
0xb9: {  	s31 =	sshll.u32 s1, $0xD;
	s1 =	sshrl.u32 s1, $0x2  }
0xba: {  	s3 =	sand.u32 $0x4000, s31;
	s1 =	sadd.s32 s1, s30  }
0xbb: {  	s0 =	sor.u32 s3, s0;
	s1 =	sshll.u32 s1, $0x11  }
0xbc: {  	s0 =	sor.u32 s1, s0  }
0xbd: {  	s0 =	sadd.s32 $0x8F2B, s0  }
0xbe: {  	[sflag:s0] =	ssyncadd.remote.s32 $0x1  }
0xbf: {  	_ =	sfence.sel $0xFFFF  }
0xc0: {  	[dreg:$0x0] =	wrdreg $0xFFFFFFFF;
	(pc) =	sbr.abs _section_cstart, $3  }
0xc1: {  	[dreg:$0x1] =	wrdreg $0xFFFFFFFF  }
0xc2: {  	_ =	task.clear_ibuf [dreg:s7], $0x2FFFF;
	_ =	strace $0x9FFFFFFF  }
0xc3: {  	(tm) =	ssettm $0x7FFFFFFF  }
tec
execute0_lowered:
.L_overlay_start_1:
0x0: {  	(tag) =	ssettag $0x1  }
0x1: {  	s4 =	rddreg [dreg:$0x0]  }
0x2: {  	s1 =	srdreg.scid;
	s5 =	rddreg [dreg:$0x1]  }
0x3: {  	s0 =	stileid.u32;
	s2 =	rddreg [dreg:$0x2];
	s3 =	simm.s32 $0x0  }
0x4: {  	s13 =	simm.s32 $0x2780;
	s14 =	simm.s32 $0x4F00;
	s15 =	simm.s32 $0x7680  }
0x5: {  	s16 =	simm.s32 $0x9E00;
	s17 =	simm.s32 $0xC600;
	s18 =	simm.s32 $0x80  }
0x6: {  	s19 =	simm.s32 $0xC580;
	s22 =	simm.s32 $0x0;
	s6 =	sand.u32 $0x1, s1  }
0x7: {  	s9 =	smul.u32 $0x500, s0;
	s8 =	sshll.u32 s0, $0x1;
	s1 =	rddreg [dreg:$0x3]  }
0x8: {  	[smem:$0x7FF] =	sst s3;
	s20 =	sshll.u32 s0, $0x6;
	s7 =	smul.u32 $0x5000, s6  }
0x9: {  	s8 =	sor.u32 s6, s8;
	_ =	strace $0x80000047;
	s6 =	ssub.s32 $0x2, s6  }
0xa: {  	s20 =	sor.u32 $0x1C01, s20;
	s8 =	smul.u32 $0x4F0, s8;
	s31 =	sshrl.u32 s6, $0x1  }
0xb: {  	s7 =	sadd.s32 s9, s7;
	s12 =	ssub.s32 s6, s31;
	s9 =	sadd.s32 s9, s2  }
0xc: {  	s7 =	sshrl.u32 s7, $0x3;
	s11 =	sadd.s32 s8, s5;
	s4 =	sadd.s32 s4, s8  }
0xd: {  	s21 =	sshrl.u32 s9, $0x3;
	s10 =	sadd.s32 s7, s5;
	s5 =	sadd.s32 $0xD600, s11  }
0xe: {  	s6 =	sadd.s32 $0x3800, s11;
	s7 =	sadd.s32 $0x18800, s11;
	s8 =	sadd.s32 $0x22600, s11  }
0xf: {  	v0 =	vimm.f32 $1.000000000e+00;
	v1 =	vimm.f32 $0.0e+00;
	s11 =	smax.u32 s12, $0x1;
	s12 =	simm.s32 $0x1;
	s10 =	sadd.s32 $0x17400, s10  }
.LBB2_1:
0x10: {  	[tilespmem:s3], [sflag:$0x1] =	stream.linear.gather [hbm4b:s4+s3], $0x2780, $0x38;
	[tilespmem:$0xD000] =	vst v63  }
0x11: {  	_ =	swait.ge [sflag:s12], $0x2780  }
0x12: {  	[sflag:s12] =	ssyncset.done $0x0  }
0x13: {  	[sflag:s12] =	ssyncadd.s32 $0xFFFFD880  }
0x14: {  	[tilespmem:s13], [sflag:$0x1] =	stream.linear.gather [hbm4b:s5+s3], $0x2780, $0x38;
	[tilespmem:$0xD000] =	vst v63  }
0x15: {  	_ =	swait.ge [sflag:s12], $0x2780  }
0x16: {  	[sflag:s12] =	ssyncset.done $0x0  }
0x17: {  	[sflag:s12] =	ssyncadd.s32 $0xFFFFD880  }
0x18: {  	[tilespmem:s14], [sflag:$0x1] =	stream.linear.gather [hbm4b:s6+s3], $0x2780, $0x38;
	[tilespmem:$0xD000] =	vst v63  }
0x19: {  	_ =	swait.ge [sflag:s12], $0x2780  }
0x1a: {  	[sflag:s12] =	ssyncset.done $0x0  }
0x1b: {  	[sflag:s12] =	ssyncadd.s32 $0xFFFFD880  }
0x1c: {  	[tilespmem:$0xC580] =	vst v0  }
0x1d: {  	[tilespmem:$0xC590] =	vst v0  }
0x1e: {  	[tilespmem:$0xC5A0] =	vst v0  }
0x1f: {  	[tilespmem:$0xC5B0] =	vst v0  }
0x20: {  	[tilespmem:$0xC5C0] =	vst v0  }
0x21: {  	[tilespmem:$0xC5D0] =	vst v0  }
0x22: {  	[tilespmem:$0xC5E0] =	vst v0  }
0x23: {  	s23 =	simm.s32 $0x0;
	[tilespmem:$0xC5F0] =	vst v0  }
.LBB2_2:
0x24: {  	p0 =	sne.s32 s23, $0x13C0  }
.Ltmp0:
0x25: {  	_ = 	snop;
	(pc) =	sbr.rel @p0 .LBB2_2-.Ltmp0, $3  }
0x26: {  	_ =	sdelay $0x1  }
0x27: {  	s24 =	sshra.s32 s23, $0x2  }
0x28: {  	s23 =	sadd.s32 $0x40, s23;
	[tilespmem:s24+$0xC600] =	vst v1  }
0x29: {  	s23 =	simm.s32 $0x0  }
0x2a: {  	v2 =	vld [tilespmem:s23+$0x4F70];
	_ =	sdelay $0x1  }
0x2b: {  	v4 =	vld [tilespmem:s23+$0x27F0];
	_ =	sdelay $0x1  }
0x2c: {  	v3 =	vld [tilespmem:s23+$0x4F00]  }
0x2d: {  	v5 =	vld [tilespmem:s23+$0x4F10];
	v2 =	vmul.u32 $0x2800, v2  }
0x2e: {  	v6 =	vld [tilespmem:s23+$0x4F20]  }
0x2f: {  	v7 =	vld [tilespmem:s23+$0x4F30];
	v4 =	vadd.s32 v4, v2  }
0x30: {  	[tilespmem:s23+$0x9E70] =	vst v4;
	v4 =	vld [tilespmem:s23+$0x0]  }
0x31: {  	v8 =	vld [tilespmem:s23+$0x4F40]  }
0x32: {  	v11 =	vld [tilespmem:s23+$0x2780]  }
0x33: {  	v12 =	vld [tilespmem:s23+$0x10];
	v3 =	vmul.u32 $0x2800, v3  }
0x34: {  	v9 =	vld [tilespmem:s23+$0x4F50]  }
0x35: {  	v13 =	vld [tilespmem:s23+$0x2790];
	v4 =	vadd.s32 v4, v3  }
0x36: {  	v14 =	vld [tilespmem:s23+$0x20];
	[tilespmem:s23+$0x7680] =	vst v4;
	v4 =	vmul.u32 $0x2800, v5  }
0x37: {  	v10 =	vld [tilespmem:s23+$0x4F60];
	v3 =	vadd.s32 v11, v3  }
0x38: {  	v15 =	vld [tilespmem:s23+$0x27A0];
	[tilespmem:s23+$0x9E00] =	vst v3;
	v3 =	vadd.s32 v12, v4  }
0x39: {  	v11 =	vld [tilespmem:s23+$0x30];
	[tilespmem:s23+$0x7690] =	vst v3;
	v3 =	vmul.u32 $0x2800, v6  }
0x3a: {  	v61 =	vld [tilespmem:s23+$0x27B0];
	v4 =	vadd.s32 v13, v4  }
0x3b: {  	v62 =	vld [tilespmem:s23+$0x40];
	[tilespmem:s23+$0x9E10] =	vst v4;
	v4 =	vadd.s32 v14, v3  }
0x3c: {  	v63 =	vld [tilespmem:s23+$0x27C0];
	[tilespmem:s23+$0x76A0] =	vst v4;
	v4 =	vmul.u32 $0x2800, v7  }
0x3d: {  	v5 =	vld [tilespmem:s23+$0x50];
	v3 =	vadd.s32 v15, v3  }
0x3e: {  	v6 =	vld [tilespmem:s23+$0x27D0];
	[tilespmem:s23+$0x9E20] =	vst v3;
	v3 =	vadd.s32 v11, v4;
	v11 =	vmul.u32 $0x2800, v8  }
0x3f: {  	v7 =	vld [tilespmem:s23+$0x60];
	[tilespmem:s23+$0x76B0] =	vst v3;
	v3 =	vadd.s32 v61, v4  }
0x40: {  	v8 =	vld [tilespmem:s23+$0x27E0];
	v4 =	vmul.u32 $0x2800, v9;
	[tilespmem:s23+$0x9E30] =	vst v3;
	v3 =	vadd.s32 v62, v11  }
0x41: {  	s24 =	simm.s32 $0x80;
	s25 =	simm.s32 $0x400;
	v9 =	vld [tilespmem:s23+$0x70];
	[tilespmem:s23+$0x76C0] =	vst v3;
	v3 =	vmul.u32 $0x2800, v10;
	v10 =	vadd.s32 v63, v11  }
.LBB2_4:
0x42: {  	p0 =	sne.s32 s25, $0x9C00;
	v11 =	vld [tilespmem:s24+$0x4F70];
	[tilespmem:s23+$0x9E40] =	vst v10;
	v5 =	vadd.s32 v5, v4  }
0x43: {  	v10 =	vld [tilespmem:s24+$0x4F00];
	[tilespmem:s23+$0x76D0] =	vst v5;
	v4 =	vadd.s32 v6, v4  }
0x44: {  	v5 =	vld [tilespmem:s24+$0x27F0];
	[tilespmem:s23+$0x9E50] =	vst v4;
	v4 =	vadd.s32 v7, v3  }
0x45: {  	v6 =	vld [tilespmem:s24+$0x4F10];
	[tilespmem:s23+$0x76E0] =	vst v4;
	v3 =	vadd.s32 v8, v3  }
0x46: {  	v4 =	vld [tilespmem:s24+$0x4F20];
	[tilespmem:s23+$0x9E60] =	vst v3;
	v3 =	vadd.s32 v9, v2  }
0x47: {  	v7 =	vld [tilespmem:s24+$0x4F30];
	v2 =	vmul.u32 $0x2800, v11;
	[tilespmem:s23+$0x76F0] =	vst v3;
	s23 =	smov.u32 s24  }
0x48: {  	v8 =	vmul.u32 $0x2800, v10;
	v3 =	vld [tilespmem:s23+$0x4F40]  }
0x49: {  	v9 =	vld [tilespmem:s23+$0x4F50];
	v5 =	vadd.s32 v5, v2  }
0x4a: {  	v6 =	vmul.u32 $0x2800, v6;
	v10 =	vld [tilespmem:s23+$0x4F60];
	[tilespmem:s23+$0x9E70] =	vst v5  }
0x4b: {  	v5 =	vld [tilespmem:s23+$0x0];
	v11 =	vmul.u32 $0x2800, v4  }
0x4c: {  	v12 =	vld [tilespmem:s23+$0x2780];
	v7 =	vmul.u32 $0x2800, v7  }
0x4d: {  	v13 =	vld [tilespmem:s23+$0x10];
	v14 =	vmul.u32 $0x2800, v3  }
0x4e: {  	v15 =	vld [tilespmem:s23+$0x2790];
	v4 =	vmul.u32 $0x2800, v9  }
0x4f: {  	v9 =	vld [tilespmem:s23+$0x20];
	v3 =	vmul.u32 $0x2800, v10  }
0x50: {  	v5 =	vadd.s32 v5, v8;
	v10 =	vld [tilespmem:s23+$0x27A0]  }
0x51: {  	[tilespmem:s23+$0x7680] =	vst v5;
	v5 =	vadd.s32 v12, v8;
	v8 =	vld [tilespmem:s23+$0x30]  }
0x52: {  	[tilespmem:s23+$0x9E00] =	vst v5;
	v5 =	vadd.s32 v13, v6;
	v12 =	vld [tilespmem:s23+$0x27B0]  }
0x53: {  	[tilespmem:s23+$0x7690] =	vst v5;
	v5 =	vadd.s32 v15, v6;
	v13 =	vld [tilespmem:s23+$0x40]  }
0x54: {  	[tilespmem:s23+$0x9E10] =	vst v5;
	v5 =	vadd.s32 v9, v11;
	v9 =	vld [tilespmem:s23+$0x27C0]  }
.Ltmp1:
0x55: {  	[tilespmem:s23+$0x76A0] =	vst v5;
	v6 =	vadd.s32 v10, v11;
	v5 =	vld [tilespmem:s23+$0x50];
	(pc) =	sbr.rel @p0 .LBB2_4-.Ltmp1, $4  }
0x56: {  	[tilespmem:s23+$0x9E20] =	vst v6;
	v8 =	vadd.s32 v8, v7;
	v6 =	vld [tilespmem:s23+$0x27D0]  }
0x57: {  	[tilespmem:s23+$0x76B0] =	vst v8;
	v8 =	vadd.s32 v12, v7;
	v7 =	vld [tilespmem:s23+$0x60]  }
0x58: {  	[tilespmem:s23+$0x9E30] =	vst v8;
	v10 =	vadd.s32 v13, v14;
	v8 =	vld [tilespmem:s23+$0x27E0]  }
0x59: {  	s24 =	sshra.s32 s25, $0x2;
	s25 =	sadd.s32 $0x200, s25;
	[tilespmem:s23+$0x76C0] =	vst v10;
	v10 =	vadd.s32 v9, v14;
	v9 =	vld [tilespmem:s23+$0x70]  }
0x5a: {  	v11 =	vld [tilespmem:s24+$0x4F70];
	[tilespmem:s23+$0x9E40] =	vst v10;
	v5 =	vadd.s32 v5, v4  }
0x5b: {  	v10 =	vld [tilespmem:s24+$0x4F00];
	[tilespmem:s23+$0x76D0] =	vst v5;
	v41 =	vadd.s32 v6, v4  }
0x5c: {  	v5 =	vld [tilespmem:s24+$0x27F0];
	[tilespmem:s23+$0x9E50] =	vst v41;
	v42 =	vadd.s32 v7, v3  }
0x5d: {  	v43 =	vld [tilespmem:s24+$0x4F10];
	[tilespmem:s23+$0x76E0] =	vst v42;
	v3 =	vadd.s32 v8, v3  }
0x5e: {  	v4 =	vld [tilespmem:s24+$0x4F20];
	[tilespmem:s23+$0x9E60] =	vst v3;
	v2 =	vadd.s32 v9, v2  }
0x5f: {  	v3 =	vld [tilespmem:s24+$0x4F30];
	[tilespmem:s23+$0x76F0] =	vst v2  }
0x60: {  	v44 =	vld [tilespmem:s24+$0x4F40]  }
0x61: {  	v45 =	vld [tilespmem:s24+$0x4F50]  }
0x62: {  	v46 =	vld [tilespmem:s24+$0x4F60]  }
0x63: {  	v47 =	vld [tilespmem:s24+$0x0]  }
0x64: {  	v48 =	vld [tilespmem:s24+$0x2780]  }
0x65: {  	v2 =	vmul.u32 $0x2800, v11;
	v12 =	vld [tilespmem:s24+$0x10]  }
0x66: {  	v10 =	vmul.u32 $0x2800, v10;
	v14 =	vld [tilespmem:s24+$0x20]  }
0x67: {  	v15 =	vld [tilespmem:s24+$0x27A0];
	v5 =	vadd.s32 v5, v2  }
0x68: {  	v63 =	vld [tilespmem:s24+$0x70];
	[tilespmem:s24+$0x9E70] =	vst v5;
	v49 =	vmul.u32 $0x2800, v43;
	v5 =	vadd.s32 v47, v10  }
0x69: {  	v13 =	vld [tilespmem:s24+$0x2790];
	v4 =	vmul.u32 $0x2800, v4;
	v50 =	vadd.s32 v48, v10;
	[tilespmem:s24+$0x7680] =	vst v5  }
0x6a: {  	v51 =	vld [tilespmem:s24+$0x30];
	v52 =	vadd.s32 v12, v49;
	[tilespmem:s24+$0x9E00] =	vst v50  }
0x6b: {  	v53 =	vld [tilespmem:s24+$0x27B0];
	v55 =	vadd.s32 v14, v4;
	[tilespmem:s24+$0x7690] =	vst v52  }
0x6c: {  	v54 =	vld [tilespmem:s24+$0x40];
	v4 =	vadd.s32 v15, v4;
	[tilespmem:s24+$0x76A0] =	vst v55  }
0x6d: {  	v56 =	vld [tilespmem:s24+$0x27C0];
	v3 =	vmul.u32 $0x2800, v3;
	v2 =	vadd.s32 v63, v2;
	[tilespmem:s24+$0x9E20] =	vst v4  }
0x6e: {  	v57 =	vld [tilespmem:s24+$0x50];
	v5 =	vadd.s32 v13, v49;
	[tilespmem:s24+$0x76F0] =	vst v2  }
0x6f: {  	v59 =	vld [tilespmem:s24+$0x27D0];
	v60 =	vmul.u32 $0x2800, v44;
	v58 =	vadd.s32 v51, v3;
	[tilespmem:s24+$0x9E10] =	vst v5  }
0x70: {  	v61 =	vld [tilespmem:s24+$0x60];
	v3 =	vadd.s32 v53, v3;
	[tilespmem:s24+$0x76B0] =	vst v58  }
0x71: {  	v62 =	vld [tilespmem:s24+$0x27E0];
	v8 =	vmul.u32 $0x2800, v45;
	[tilespmem:s24+$0x9E30] =	vst v3;
	v3 =	vadd.s32 v54, v60  }
0x72: {  	[tilespmem:s24+$0x76C0] =	vst v3;
	v3 =	vadd.s32 v56, v60  }
0x73: {  	v9 =	vmul.u32 $0x2800, v46;
	[tilespmem:s24+$0x9E40] =	vst v3;
	v3 =	vadd.s32 v57, v8  }
0x74: {  	[tilespmem:s24+$0x76D0] =	vst v3;
	v3 =	vadd.s32 v59, v8  }
0x75: {  	[tilespmem:s24+$0x9E50] =	vst v3;
	v3 =	vadd.s32 v61, v9  }
0x76: {  	[tilespmem:s24+$0x76E0] =	vst v3;
	v3 =	vadd.s32 v62, v9  }
0x77: {  	s30 =	simm.s32 $0x0;
	[tilespmem:s24+$0x9E60] =	vst v3  }
0x78: {  	[hbm4b:s7+s30] =	stream.linear.scatter [tilespmem:s15], [sflag:$0x1], $0x2780, $0x38;
	[tilespmem:$0xD000] =	vst v63  }
0x79: {  	_ =	swait.ge [sflag:s12], $0x2780  }
0x7a: {  	[sflag:s12] =	ssyncset.done $0x0  }
0x7b: {  	[sflag:s12] =	ssyncadd.s32 $0xFFFFD880  }
0x7c: {  	[hbm4b:s8+s30] =	stream.linear.scatter [tilespmem:s16], [sflag:$0x1], $0x2780, $0x38;
	[tilespmem:$0xD000] =	vst v63  }
0x7d: {  	_ =	swait.ge [sflag:s12], $0x2780  }
0x7e: {  	[sflag:s12] =	ssyncset.done $0x0  }
0x7f: {  	[sflag:s12] =	ssyncadd.s32 $0xFFFFD880  }
0x80: {  	[spmem:s9] =	stream.linear.scatter [tilespmem:s17], [sflag:$0x1], $0x500, $0x38;
	[tilespmem:$0xD000] =	vst v63  }
0x81: {  	_ =	swait.ge [sflag:s12], $0x500  }
0x82: {  	[sflag:s12] =	ssyncset.done $0x0  }
0x83: {  	[sflag:s12] =	ssyncadd.s32 $0xFFFFFB00  }
0x84: {  	s31 =	simm.s32 $0x9E00;
	[bflag:$0x0] =	sbarrier.arrive $0xFFFF  }
0x85: {  	[spmem:s2] =	stream.indirect.scatter.add.f32 [tilespmem:s19], [sflag:$0x1], $0x1, s31, s18, $0xb8;
	[tilespmem:$0xD000] =	vst v63  }
0x86: {  	s23 =	simm.s32 $0x200;
	_ =	swait.ge [sflag:s12], $0x80  }
.LBB2_6:
0x87: {  	s24 =	sshra.s32 s23, $0x2;
	[sflag:s12] =	ssyncset.done $0x0;
	p0 =	sne.s32 s23, $0x9C00  }
.Ltmp2:
0x88: {  	s24 =	sadd.s32 $0x9E00, s24;
	[sflag:s12] =	ssyncadd.s32 $0xFFFFFF80;
	(pc) =	sbr.rel @p0 .LBB2_6-.Ltmp2, $3  }
0x89: {  	[spmem:s2] =	stream.indirect.scatter.add.f32 [tilespmem:s19], [sflag:$0x1], $0x1, s24, s18, $0xb8;
	[tilespmem:$0xD000] =	vst v63  }
0x8a: {  	s23 =	sadd.s32 $0x200, s23;
	_ =	sdelay $0x1  }
0x8b: {  	_ =	swait.ge [sflag:s12], $0x80  }
0x8c: {  	[sflag:s12] =	ssyncset.done $0x0;
	s22 =	sadd.s32 $0x1, s22  }
0x8d: {  	[sflag:s12] =	ssyncadd.s32 $0xFFFFFF80;
	p0 =	sne.s32 s22, s11  }
.Ltmp3:
0x8e: {  	[bflag:$0x0] =	sbarrier.arrive $0xFFFF;
	(pc) =	sbr.rel @p0 .LBB2_1-.Ltmp3, $4  }
0x8f: {  	[hbm:s10], [sflag:s20] =	dma.local [spmem:s21], $0xA0  }
0x90: {  	_ =	swait.ge [sflag:s12], $0xA0  }
0x91: {  	[sflag:s12] =	ssyncset.done $0x0  }
0x92: {  	[sflag:s12] =	ssyncadd.s32 $0xFFFFFF60  }
0x93: {  	_ =	sfence.sel $0x180000  }
0x94: {  	[bflag:$0x0] =	sbarrier.arrive $0xFFFF  }
0x95: {  	p0 =	sne.s32 s0, $0x0;
	_ =	strace $0x90000047  }
0x96: {  	s0 =	sadd.s32 @!p0 $0x100000, s1;
	[bflag:$0x2] =	sbarrier.arrive $0xFFFF  }
0x97: {  	[sflag:s0] =	ssyncadd.tile.s32 @!p0 $0x1;
	_ =	shalt  }
.Lfunc_end2:
_tile_overlayer_lowered:
.L_overlay_start_2:
0x98: {  	(tag) =	ssettag $0x2  }
0x99: {  	s0 =	rddreg [dreg:$0x0];
	s2 =	stileid.u32  }
0x9a: {  	s1 =	rddreg [dreg:$0x1];
	p0 =	sne.s32 s2, $0x0  }
0x9b: {  	s3 =	rddreg [dreg:$0x2];
	[bflag:$0x3] =	sbarrier.arrive $0xFFFF;
	s2 =	simm.s32 @!p0 $0x1C01  }
0x9c: {  	[timem:s3], [sflag:s2] =	dma.local @!p0 [hbm:s0], s1  }
0x9d: {  	s0 =	simm.s32 @!p0 $0x1  }
0x9e: {  	_ =	swait.ge @!p0 [sflag:s0], s1  }
0x9f: {  	s1 =	ssub.s32 @!p0 $0x0, s1;
	[sflag:s0] =	ssyncset.done @!p0 $0x0  }
0xa0: {  	[sflag:s0] =	ssyncadd.s32 @!p0 s1  }
0xa1: {  	[bflag:$0x3] =	sbarrier.arrive $0xFFFF  }
0xa2: {  	_ =	shalt  }

// kernel: kernel.15.cloned.1.call-start
scs
__scs_entry_jumppad:
0x0: {  	(pc) =	sbr.rel $0x88, $3  }
0x1: {  	(tag) =	ssettag $0x0;
	lr =	simm.s32 $0x1  }
0x2: {  	[smem:$0x3F94] =	sst lr;
	_ =	strace $0xD0000000  }
0x3: {  	_ = 	snop  }
0x4: {  	_ = 	snop  }
0x5: {  	_ = 	snop  }
0x6: {  	_ = 	snop  }
0x7: {  	_ = 	snop  }
__scs_overlays_trampoline_lowered:
0x8: {  	[smem:$0x3FA3] =	sst s0  }
0x9: {  	[smem:$0x3FA4] =	sst s1  }
0xa: {  	[smem:$0x3FA5] =	sst s2  }
0xb: {  	[smem:$0x3FA6] =	sst s3  }
0xc: {  	[smem:$0x3FA7] =	sst s4  }
0xd: {  	[smem:$0x3FA8] =	sst s5  }
0xe: {  	[smem:$0x3FA9] =	sst s6  }
0xf: {  	[smem:$0x3FAA] =	sst s7  }
0x10: {  	[smem:$0x3FAB] =	sst s8  }
0x11: {  	[smem:$0x3FAC] =	sst s9;
	s0 =	simm.s32 @!p0 $0x0  }
0x12: {  	s1 =	sld [smem:$0x3F92];
	s0 =	simm.s32 @p0 $0x1  }
0x13: {  	[smem:$0x3FAD] =	sst s0;
	s0 =	simm.s32 @!p1 $0x0  }
0x14: {  	s2 =	sld [smem:$0x3F91];
	s0 =	simm.s32 @p1 $0x1  }
0x15: {  	[smem:$0x3FAE] =	sst s0;
	s0 =	simm.s32 @!p2 $0x0  }
0x16: {  	s3 =	sld [smem:$0x3FDB];
	s0 =	simm.s32 @p2 $0x1  }
0x17: {  	s4 =	simm.s32 $0x1BF5;
	[smem:$0x3FB0] =	sst s0  }
0x18: {  	s0 =	sld [smem:$0x3F93];
	_ =	swait.ge [sflag:s4], $0x0  }
0x19: {  	s7 =	sld [smem:$0x3F94]  }
0x1a: {  	s8 =	sadd.s32 $0xFFFFE003, lr  }
0x1b: {  	s9 =	sadd.s32 $0xFFFFFEF7, lr;
	s5 =	simm.s32 $0xFFFFFFFF;
	p2 =	slt.u32 s8, $0xFFFFF086  }
0x1c: {  	p1 =	slt.u32 s9, $0xF7A;
	s5 =	simm.s32 @!p2 $0x0  }
0x1d: {  	s5 =	simm.s32 @p1 $0x1;
	p0 =	seq.s32 s7, s2  }
0x1e: {  	s7 =	smul.u32 @!p0 $0xF7A, s2;
	p2 =	seq.s32 @!p0 s5, $0x0  }
0x1f: {  	s9 =	smul.u32 $0xF7A, s1;
	s8 =	simm.s32 @!p0 $0x1BF5;
	p2 =	por !p2, p0  }
0x20: {  	[sflag:s8] =	ssyncset.s32 @!p0 $0xFFFFF086;
	s6 =	sadd.s32 @!p0 s3, s7;
	s7 =	simm.s32 @!p0 $0x108  }
0x21: {  	s3 =	sadd.s32 s3, s9;
	s6 =	sadd.s32 @!p0 $0x88, s6;
	s7 =	simm.s32 @p2 $0x1082  }
0x22: {  	[simem:s7], [sflag:s8] =	dma.local @!p0 [hbm:s6], $0xF7A  }
0x23: {  	s9 =	sor.u32 $0xD0000000, s2;
	s6 =	simm.s32 $0x108;
	_ =	swait.ge @!p0 [sflag:s8], $0x0  }
0x24: {  	s3 =	sadd.s32 $0x88, s3;
	s6 =	simm.s32 @!p1 $0x1082;
	[sflag:s4] =	ssyncset.s32 $0xFFFFF086  }
0x25: {  	[simem:s6], [sflag:s4] =	dma.local [hbm:s3], $0xF7A  }
0x26: {  	[smem:$0x3F94] =	sst s1;
	(tag) =	ssettag s2;
	_ =	strace s9  }
0x27: {  	s1 =	sld [smem:$0x3FA4]  }
0x28: {  	s2 =	sld [smem:$0x3FA5]  }
0x29: {  	s4 =	sld [smem:$0x3FA7]  }
0x2a: {  	p0 =	seq.s32 s5, $0x0;
	s5 =	sld [smem:$0x3FA8]  }
0x2b: {  	s6 =	sld [smem:$0x3FA9]  }
0x2c: {  	s7 =	sld [smem:$0x3FAA]  }
0x2d: {  	s3 =	simm.s32 $0x108;
	s8 =	sld [smem:$0x3FAB]  }
0x2e: {  	s3 =	simm.s32 @!p0 $0x1082;
	s9 =	sld [smem:$0x3FAC]  }
0x2f: {  	lr =	sadd.s32 s0, s3;
	s0 =	sld [smem:$0x3FA3]  }
0x30: {  	s3 =	sld [smem:$0x3FA6]  }
0x31: {  	[smem:$0x3FAF] =	sst s10  }
0x32: {  	s10 =	sld [smem:$0x3FAD];
	_ =	sdelay $0x3  }
0x33: {  	p0 =	seq.s32 s10, $0x1;
	s10 =	sld [smem:$0x3FAF];
	_ =	sdelay $0x3  }
0x34: {  	[smem:$0x3FAF] =	sst s10  }
0x35: {  	s10 =	sld [smem:$0x3FAE];
	_ =	sdelay $0x3  }
0x36: {  	p1 =	seq.s32 s10, $0x1;
	s10 =	sld [smem:$0x3FAF];
	_ =	sdelay $0x3  }
0x37: {  	[smem:$0x3FAF] =	sst s10  }
0x38: {  	s10 =	sld [smem:$0x3FB0]  }
0x39: {  	_ = 	snop;
	(pc) =	sbr.ind lr, $3  }
0x3a: {  	_ = 	snop  }
0x3b: {  	_ = 	snop  }
0x3c: {  	p2 =	seq.s32 s10, $0x1;
	s10 =	sld [smem:$0x3FAF]  }
0x3d: {  	_ =	shalt  }
0x3e: {  	_ =	shalt  }
0x3f: {  	_ =	shalt  }
0x40: {  	_ =	shalt  }
0x41: {  	_ =	shalt  }
0x42: {  	_ =	shalt  }
0x43: {  	_ =	shalt  }
0x44: {  	_ =	shalt  }
0x45: {  	_ =	shalt  }
0x46: {  	_ =	shalt  }
0x47: {  	_ =	shalt  }
0x48: {  	_ =	shalt  }
0x49: {  	_ =	shalt  }
0x4a: {  	_ =	shalt  }
0x4b: {  	_ =	shalt  }
0x4c: {  	_ =	shalt  }
0x4d: {  	_ =	shalt  }
0x4e: {  	_ =	shalt  }
0x4f: {  	_ =	shalt  }
0x50: {  	_ =	shalt  }
0x51: {  	_ =	shalt  }
0x52: {  	_ =	shalt  }
0x53: {  	_ =	shalt  }
0x54: {  	_ =	shalt  }
0x55: {  	_ =	shalt  }
0x56: {  	_ =	shalt  }
0x57: {  	_ =	shalt  }
0x58: {  	_ =	shalt  }
0x59: {  	_ =	shalt  }
0x5a: {  	_ =	shalt  }
0x5b: {  	_ =	shalt  }
0x5c: {  	_ =	shalt  }
0x5d: {  	_ =	shalt  }
0x5e: {  	_ =	shalt  }
0x5f: {  	_ =	shalt  }
0x60: {  	_ =	shalt  }
0x61: {  	_ =	shalt  }
0x62: {  	_ =	shalt  }
0x63: {  	_ =	shalt  }
0x64: {  	_ =	shalt  }
0x65: {  	_ =	shalt  }
0x66: {  	_ =	shalt  }
0x67: {  	_ =	shalt  }
0x68: {  	_ =	shalt  }
0x69: {  	_ =	shalt  }
0x6a: {  	_ =	shalt  }
0x6b: {  	_ =	shalt  }
0x6c: {  	_ =	shalt  }
0x6d: {  	_ =	shalt  }
0x6e: {  	_ =	shalt  }
0x6f: {  	_ =	shalt  }
0x70: {  	_ =	shalt  }
0x71: {  	_ =	shalt  }
0x72: {  	_ =	shalt  }
0x73: {  	_ =	shalt  }
0x74: {  	_ =	shalt  }
0x75: {  	_ =	shalt  }
0x76: {  	_ =	shalt  }
0x77: {  	_ =	shalt  }
0x78: {  	_ =	shalt  }
0x79: {  	_ =	shalt  }
0x7a: {  	_ =	shalt  }
0x7b: {  	_ =	shalt  }
0x7c: {  	_ =	shalt  }
0x7d: {  	_ =	shalt  }
0x7e: {  	_ =	shalt  }
0x7f: {  	_ =	shalt  }
0x80: {  	_ =	shalt  }
0x81: {  	_ =	shalt  }
0x82: {  	_ =	shalt  }
0x83: {  	_ =	shalt  }
0x84: {  	_ =	shalt  }
0x85: {  	_ =	shalt  }
0x86: {  	_ =	shalt  }
0x87: {  	_ =	shalt  }
.Lfunc_end0:
.L_simem_size_0:
called_computation.1_lowered:
.L_overlay_start_0:
0x88: {  	s2 =	sld [smem:$0x3FD9]  }
0x89: {  	s3 =	sld [smem:$0x3FFE];
	_ =	sdelay $0x1  }
0x8a: {  	s1 =	srdreg.scid  }
0x8b: {  	s0 =	sand.u32 $0x1, s1  }
0x8c: {  	s16 =	sshll.u32 s0, $0xA;
	s2 =	sadd.s32 s3, s2  }
0x8d: {  	s2 =	sadd.s32 s2, s16  }
0x8e: {  	[smem:$0x3FBB] =	sst s2  }
0x8f: {  	_ = 	snop  }
0x90: {  	(tm) =	ssettm $0x1  }
0x91: {  	s17 =	sld [smem:$0x3FFB];
	_ =	sdelay $0x3  }
0x92: {  	_ =	strace s17  }
0x93: {  	s2 =	sld [smem:$0x3FFC];
	_ =	sdelay $0x3  }
0x94: {  	_ =	strace s2  }
0x95: {  	s2 =	sld [smem:$0x3FFD];
	_ =	sdelay $0x3  }
0x96: {  	_ =	strace s2  }
0x97: {  	_ =	strace $0x8FFFFFFF  }
0x98: {  	s18 =	sld [smem:$0x3FDB];
	_ =	sdelay $0x1  }
0x99: {  	s19 =	simm.s32 $_scs_section_size  }
0x9a: {  	s4 =	simm.s32 $_size__tile_overlayer_lowered;
	s5 =	simm.s32 $_tile_overlayer_lowered  }
0x9b: {  	s22 =	simm.s32 $0x1BFF;
	s21 =	sshll.u32 s5, $0x1;
	s2 =	sadd.s32 s19, s18  }
0x9c: {  	s6 =	simm.s32 $0x0;
	s20 =	sshll.u32 s4, $0x1;
	s4 =	sadd.s32 s21, s2  }
0x9d: {  	[timem:s6], [sflag:s22] =	dma.local [hbm:s4], s20  }
0x9e: {  	_ =	swait.ge [sflag:s22], s20  }
0x9f: {  	s3 =	ssub.s32 $0x0, s20;
	[sflag:s22] =	ssyncset.done $0x0  }
0xa0: {  	[sflag:s22] =	ssyncadd.s32 s3;
	_ =	sdelay $0x1  }
0xa1: {  	s23 =	simm.s32 $0x1B8B  }
0xa2: {  	_ =	swait.ge [sflag:s23], $0x1  }
0xa3: {  	[sflag:s23] =	ssyncset.done $0x0  }
0xa4: {  	s25 =	simm.s32 $0x1B8E;
	s24 =	sld [smem:$0x3FFE];
	[sflag:s23] =	ssyncadd.s32 $0xFFFFFFFF  }
0xa5: {  	s26 =	simm.s32 $execute0_lowered;
	[smem:$0x3FD2] =	sst s25  }
0xa6: {  	s4 =	sshll.u32 s26, $0x1;
	_ =	strace $0x80000049;
	[dreg:$0x1] =	wrdreg $0xFFFFFFFF  }
0xa7: {  	s28 =	simm.s32 $_size_execute0_lowered;
	s2 =	sadd.s32 s2, s4;
	[dreg:$0x0] =	wrdreg $0x0  }
0xa8: {  	s4 =	sshll.u32 s28, $0x1;
	[dreg:$0x2] =	wrdreg s2  }
0xa9: {  	[dreg:$0x3] =	wrdreg s4  }
0xaa: {  	[dreg:$0x4] =	wrdreg $0xC0  }
0xab: {  	_ =	task [dreg:s6], $0x5FFFF  }
0xac: {  	[dreg:$0x1] =	wrdreg $0xFFFFFFFF  }
0xad: {  	[dreg:$0x0] =	wrdreg $0x60  }
0xae: {  	[dreg:$0x2] =	wrdreg s24  }
0xaf: {  	[dreg:$0x3] =	wrdreg $0x77000  }
0xb0: {  	[dreg:$0x4] =	wrdreg $0x9  }
0xb1: {  	_ =	task.clear_ibuf [dreg:s6], $0x5FFFF;
	_ =	strace $0x90000049  }
0xb2: {  	s29 =	simm.s32 $0x9;
	_ =	strace $0x8000004B  }
0xb3: {  	_ =	swait.ge [sflag:s29], $0x1  }
0xb4: {  	[sflag:s29] =	ssyncadd.s32 $0xFFFFFFFF  }
0xb5: {  	_ =	strace $0x9000004B  }
0xb6: {  	_ =	sfence  }
0xb7: {  	s30 =	sld [smem:$0x0];
	_ =	sdelay $0x2  }
0xb8: {  	s31 =	sshll.u32 s1, $0xD;
	s1 =	sshrl.u32 s1, $0x2  }
0xb9: {  	s3 =	sand.u32 $0x4000, s31;
	s1 =	sadd.s32 s1, s30  }
0xba: {  	s0 =	sor.u32 s3, s0;
	s1 =	sshll.u32 s1, $0x11  }
0xbb: {  	s0 =	sor.u32 s1, s0  }
0xbc: {  	s0 =	sadd.s32 $0x8F2B, s0  }
0xbd: {  	[sflag:s0] =	ssyncadd.remote.s32 $0x1  }
0xbe: {  	_ =	sfence.sel $0xFFFF  }
0xbf: {  	[dreg:$0x0] =	wrdreg $0xFFFFFFFF;
	(pc) =	sbr.abs _section_cstart, $3  }
0xc0: {  	[dreg:$0x1] =	wrdreg $0xFFFFFFFF  }
0xc1: {  	_ =	task.clear_ibuf [dreg:s6], $0x2FFFF;
	_ =	strace $0x9FFFFFFF  }
0xc2: {  	(tm) =	ssettm $0x7FFFFFFF  }
0xc3: {  	_ =	shalt  }
tec
execute0_lowered:
.L_overlay_start_1:
0x0: {  	(tag) =	ssettag $0x1  }
0x1: {  	s1 =	srdreg.scid;
	s5 =	rddreg [dreg:$0x0]  }
0x2: {  	s0 =	stileid.u32;
	s2 =	rddreg [dreg:$0x1]  }
0x3: {  	s3 =	simm.s32 $0x0;
	s13 =	simm.s32 $0x80;
	s14 =	simm.s32 $0x4F00  }
0x4: {  	s15 =	simm.s32 $0x1;
	s18 =	simm.s32 $0x0;
	s4 =	sand.u32 $0x1, s1  }
0x5: {  	s29 =	sshll.u32 s0, $0x1;
	s9 =	smul.u32 $0x14000, s0;
	[smem:$0x7FF] =	sst s3  }
0x6: {  	s10 =	smul.u32 $0x50000, s0;
	s16 =	sshll.u32 s0, $0x6;
	s1 =	sor.u32 s4, s29  }
0x7: {  	s7 =	smul.u32 $0x140000, s4;
	s8 =	ssub.s32 $0x2, s4;
	s4 =	sadd.s32 $0x54400, s5  }
0x8: {  	s16 =	sor.u32 $0x1C02, s16;
	s6 =	smul.u32 $0x4F0, s1;
	s1 =	rddreg [dreg:$0x2]  }
0x9: {  	_ =	strace $0x8000004A;
	s30 =	sshrl.u32 s8, $0x1;
	s31 =	sshrl.u32 s10, $0x2  }
0xa: {  	s17 =	sadd.s32 s9, s2;
	s10 =	simm.s32 $0x2;
	s7 =	sadd.s32 s9, s7  }
0xb: {  	s12 =	ssub.s32 s8, s30;
	s17 =	sshrl.u32 s17, $0x3;
	s6 =	sadd.s32 s6, s5  }
0xc: {  	s7 =	sshrl.u32 s7, $0x3;
	s9 =	smax.u32 s12, $0x1;
	s12 =	simm.s32 $0x6F00  }
0xd: {  	s11 =	sadd.s32 s7, s5;
	s5 =	sadd.s32 $0x18800, s6;
	s6 =	sadd.s32 $0x22600, s6  }
0xe: {  	v0 =	vimm.f32 $0.0e+00;
	s7 =	sadd.s32 s31, s2;
	s8 =	sadd.s32 $0x7C400, s11;
	s11 =	simm.s32 $0x2780  }
.LBB2_1:
0xf: {  	[tilespmem:s3], [sflag:$0x2] =	stream.linear.gather [hbm4b:s5+s3], $0x2780, $0x38;
	[tilespmem:$0x1B700] =	vst v63  }
0x10: {  	_ =	swait.ge [sflag:s10], $0x2780  }
0x11: {  	[sflag:s10] =	ssyncset.done $0x0  }
0x12: {  	[sflag:s10] =	ssyncadd.s32 $0xFFFFD880  }
0x13: {  	[tilespmem:s11], [sflag:$0x2] =	stream.linear.gather [hbm4b:s6+s3], $0x2780, $0x38;
	[tilespmem:$0x1B700] =	vst v63  }
0x14: {  	_ =	swait.ge [sflag:s10], $0x2780  }
0x15: {  	[sflag:s10] =	ssyncset.done $0x0  }
0x16: {  	s19 =	simm.s32 $0x0;
	[sflag:s10] =	ssyncadd.s32 $0xFFFFD880  }
.LBB2_2:
0x17: {  	p0 =	sne.s32 s19, $0x1F00  }
.Ltmp0:
0x18: {  	s20 =	sshra.s32 s19, $0x2;
	(pc) =	sbr.rel @p0 .LBB2_2-.Ltmp0, $4  }
0x19: {  	[tilespmem:s20+$0x6F00] =	vst v0  }
0x1a: {  	[tilespmem:s20+$0x6F10] =	vst v0  }
0x1b: {  	[tilespmem:s20+$0x6F20] =	vst v0  }
0x1c: {  	s19 =	sadd.s32 $0x100, s19;
	[tilespmem:s20+$0x6F30] =	vst v0  }
0x1d: {  	s19 =	sadd.s32 $0x0, s7  }
0x1e: {  	[spmem:s19] =	stream.linear.scatter [tilespmem:s12], [sflag:$0x2], $0x800, $0x38;
	[tilespmem:$0x1B700] =	vst v63  }
0x1f: {  	s19 =	simm.s32 $0x2000;
	_ =	swait.ge [sflag:s10], $0x800  }
.LBB2_4:
0x20: {  	s20 =	sshra.s32 s19, $0x2;
	[sflag:s10] =	ssyncset.done $0x0;
	p0 =	sne.s32 s19, $0x4E000  }
.Ltmp1:
0x21: {  	s20 =	sadd.s32 s20, s7;
	[sflag:s10] =	ssyncadd.s32 $0xFFFFF800;
	(pc) =	sbr.rel @p0 .LBB2_4-.Ltmp1, $3  }
0x22: {  	[spmem:s20] =	stream.linear.scatter [tilespmem:s12], [sflag:$0x2], $0x800, $0x38;
	[tilespmem:$0x1B700] =	vst v63  }
0x23: {  	s19 =	sadd.s32 $0x2000, s19;
	_ =	sdelay $0x1  }
0x24: {  	_ =	swait.ge [sflag:s10], $0x800  }
0x25: {  	[sflag:s10] =	ssyncset.done $0x0  }
0x26: {  	[sflag:s10] =	ssyncadd.s32 $0xFFFFF800  }
0x27: {  	s19 =	simm.s32 $0x0;
	[bflag:$0x0] =	sbarrier.arrive $0xFFFF  }
0x28: {  	[tilespmem:s14], [sflag:$0x1] =	stream.indirect.gather [hbm4b:s4+s13], $0x40, s19, s13, $0xb8;
	[tilespmem:$0x1B700] =	vst v63  }
0x29: {  	_ =	swait.ge [sflag:s15], $0x2000  }
0x2a: {  	[sflag:s15] =	ssyncset.done $0x0  }
0x2b: {  	s31 =	simm.s32 $0x2780;
	[sflag:s15] =	ssyncadd.s32 $0xFFFFE000  }
0x2c: {  	[spmem:s2] =	stream.indirect.scatter.add.f32 [tilespmem:s14], [sflag:$0x2], $0x40, s31, s13, $0xb8;
	[tilespmem:$0x1B700] =	vst v63  }
0x2d: {  	_ =	swait.ge [sflag:s10], $0x2000  }
0x2e: {  	s20 =	simm.s32 $0x400;
	s19 =	simm.s32 $0x200;
	[sflag:s10] =	ssyncset.done $0x0  }
.LBB2_6:
0x2f: {  	s21 =	sshra.s32 s19, $0x2  }
0x30: {  	[sflag:s10] =	ssyncadd.s32 $0xFFFFE000;
	s19 =	smov.u32 s20;
	s22 =	sadd.s32 $0x200, s20  }
0x31: {  	[tilespmem:s14], [sflag:$0x1] =	stream.indirect.gather [hbm4b:s4+s13], $0x40, s21, s13, $0xb8;
	[tilespmem:$0x1B700] =	vst v63  }
0x32: {  	p0 =	sne.s32 s20, $0x9C00;
	_ =	swait.ge [sflag:s15], $0x2000  }
.Ltmp2:
0x33: {  	[sflag:s15] =	ssyncset.done $0x0;
	(pc) =	sbr.rel @p0 .LBB2_6-.Ltmp2, $4  }
0x34: {  	s20 =	sadd.s32 $0x2780, s21;
	[sflag:s15] =	ssyncadd.s32 $0xFFFFE000  }
0x35: {  	[spmem:s2] =	stream.indirect.scatter.add.f32 [tilespmem:s14], [sflag:$0x2], $0x40, s20, s13, $0xb8;
	[tilespmem:$0x1B700] =	vst v63  }
0x36: {  	_ =	swait.ge [sflag:s10], $0x2000  }
0x37: {  	s20 =	smov.u32 s22;
	[sflag:s10] =	ssyncset.done $0x0  }
0x38: {  	s19 =	sshra.s32 s19, $0x2;
	[sflag:s10] =	ssyncadd.s32 $0xFFFFE000  }
0x39: {  	[tilespmem:s14], [sflag:$0x1] =	stream.indirect.gather [hbm4b:s4+s13], $0x40, s19, s13, $0xb8;
	[tilespmem:$0x1B700] =	vst v63  }
0x3a: {  	_ =	swait.ge [sflag:s15], $0x2000  }
0x3b: {  	[sflag:s15] =	ssyncset.done $0x0  }
0x3c: {  	s19 =	sadd.s32 $0x2780, s19;
	[sflag:s15] =	ssyncadd.s32 $0xFFFFE000  }
0x3d: {  	[spmem:s2] =	stream.indirect.scatter.add.f32 [tilespmem:s14], [sflag:$0x2], $0x40, s19, s13, $0xb8;
	[tilespmem:$0x1B700] =	vst v63  }
0x3e: {  	_ =	swait.ge [sflag:s10], $0x2000  }
0x3f: {  	s18 =	sadd.s32 $0x1, s18;
	[sflag:s10] =	ssyncset.done $0x0  }
0x40: {  	p0 =	sne.s32 s18, s9;
	[sflag:s10] =	ssyncadd.s32 $0xFFFFE000  }
.Ltmp3:
0x41: {  	[bflag:$0x0] =	sbarrier.arrive $0xFFFF;
	(pc) =	sbr.rel @p0 .LBB2_1-.Ltmp3, $4  }
0x42: {  	[hbm:s8], [sflag:s16] =	dma.local [spmem:s17], $0x2800  }
0x43: {  	_ =	swait.ge [sflag:s10], $0x2800  }
0x44: {  	[sflag:s10] =	ssyncset.done $0x0  }
0x45: {  	[sflag:s10] =	ssyncadd.s32 $0xFFFFD800  }
0x46: {  	_ =	sfence.sel $0x180000  }
0x47: {  	[bflag:$0x0] =	sbarrier.arrive $0xFFFF  }
0x48: {  	p0 =	sne.s32 s0, $0x0;
	_ =	strace $0x9000004A  }
0x49: {  	s0 =	sadd.s32 @!p0 $0x100000, s1;
	[bflag:$0x2] =	sbarrier.arrive $0xFFFF  }
0x4a: {  	[sflag:s0] =	ssyncadd.tile.s32 @!p0 $0x1;
	_ =	shalt  }
.Lfunc_end2:
_tile_overlayer_lowered:
.L_overlay_start_2:
0x4b: {  	(tag) =	ssettag $0x2  }
0x4c: {  	s0 =	rddreg [dreg:$0x0];
	s2 =	stileid.u32  }
0x4d: {  	s1 =	rddreg [dreg:$0x1];
	p0 =	sne.s32 s2, $0x0  }
0x4e: {  	s3 =	rddreg [dreg:$0x2];
	[bflag:$0x3] =	sbarrier.arrive $0xFFFF;
	s2 =	simm.s32 @!p0 $0x1C02  }
0x4f: {  	[timem:s3], [sflag:s2] =	dma.local @!p0 [hbm:s0], s1  }
0x50: {  	s0 =	simm.s32 @!p0 $0x2  }
0x51: {  	_ =	swait.ge @!p0 [sflag:s0], s1  }
0x52: {  	s1 =	ssub.s32 @!p0 $0x0, s1;
	[sflag:s0] =	ssyncset.done @!p0 $0x0  }
0x53: {  	[sflag:s0] =	ssyncadd.s32 @!p0 s1  }
0x54: {  	[bflag:$0x3] =	sbarrier.arrive $0xFFFF  }
0x55: {  	_ =	shalt  }

// kernel: kernel.18.cloned.1.call-start
scs
__scs_entry_jumppad:
0x0: {  	(pc) =	sbr.rel $0x88, $3  }
0x1: {  	(tag) =	ssettag $0x0;
	lr =	simm.s32 $0x1  }
0x2: {  	[smem:$0x3F94] =	sst lr;
	_ =	strace $0xD0000000  }
0x3: {  	_ = 	snop  }
0x4: {  	_ = 	snop  }
0x5: {  	_ = 	snop  }
0x6: {  	_ = 	snop  }
0x7: {  	_ = 	snop  }
__scs_overlays_trampoline_lowered:
0x8: {  	[smem:$0x3FA3] =	sst s0  }
0x9: {  	[smem:$0x3FA4] =	sst s1  }
0xa: {  	[smem:$0x3FA5] =	sst s2  }
0xb: {  	[smem:$0x3FA6] =	sst s3  }
0xc: {  	[smem:$0x3FA7] =	sst s4  }
0xd: {  	[smem:$0x3FA8] =	sst s5  }
0xe: {  	[smem:$0x3FA9] =	sst s6  }
0xf: {  	[smem:$0x3FAA] =	sst s7  }
0x10: {  	[smem:$0x3FAB] =	sst s8  }
0x11: {  	[smem:$0x3FAC] =	sst s9;
	s0 =	simm.s32 @!p0 $0x0  }
0x12: {  	s1 =	sld [smem:$0x3F92];
	s0 =	simm.s32 @p0 $0x1  }
0x13: {  	[smem:$0x3FAD] =	sst s0;
	s0 =	simm.s32 @!p1 $0x0  }
0x14: {  	s2 =	sld [smem:$0x3F91];
	s0 =	simm.s32 @p1 $0x1  }
0x15: {  	[smem:$0x3FAE] =	sst s0;
	s0 =	simm.s32 @!p2 $0x0  }
0x16: {  	s3 =	sld [smem:$0x3FDB];
	s0 =	simm.s32 @p2 $0x1  }
0x17: {  	s4 =	simm.s32 $0x1BF5;
	[smem:$0x3FB0] =	sst s0  }
0x18: {  	s0 =	sld [smem:$0x3F93];
	_ =	swait.ge [sflag:s4], $0x0  }
0x19: {  	s7 =	sld [smem:$0x3F94]  }
0x1a: {  	s8 =	sadd.s32 $0xFFFFE003, lr  }
0x1b: {  	s9 =	sadd.s32 $0xFFFFFEF7, lr;
	s5 =	simm.s32 $0xFFFFFFFF;
	p2 =	slt.u32 s8, $0xFFFFF086  }
0x1c: {  	p1 =	slt.u32 s9, $0xF7A;
	s5 =	simm.s32 @!p2 $0x0  }
0x1d: {  	s5 =	simm.s32 @p1 $0x1;
	p0 =	seq.s32 s7, s2  }
0x1e: {  	s7 =	smul.u32 @!p0 $0xF7A, s2;
	p2 =	seq.s32 @!p0 s5, $0x0  }
0x1f: {  	s9 =	smul.u32 $0xF7A, s1;
	s8 =	simm.s32 @!p0 $0x1BF5;
	p2 =	por !p2, p0  }
0x20: {  	[sflag:s8] =	ssyncset.s32 @!p0 $0xFFFFF086;
	s6 =	sadd.s32 @!p0 s3, s7;
	s7 =	simm.s32 @!p0 $0x108  }
0x21: {  	s3 =	sadd.s32 s3, s9;
	s6 =	sadd.s32 @!p0 $0x88, s6;
	s7 =	simm.s32 @p2 $0x1082  }
0x22: {  	[simem:s7], [sflag:s8] =	dma.local @!p0 [hbm:s6], $0xF7A  }
0x23: {  	s9 =	sor.u32 $0xD0000000, s2;
	s6 =	simm.s32 $0x108;
	_ =	swait.ge @!p0 [sflag:s8], $0x0  }
0x24: {  	s3 =	sadd.s32 $0x88, s3;
	s6 =	simm.s32 @!p1 $0x1082;
	[sflag:s4] =	ssyncset.s32 $0xFFFFF086  }
0x25: {  	[simem:s6], [sflag:s4] =	dma.local [hbm:s3], $0xF7A  }
0x26: {  	[smem:$0x3F94] =	sst s1;
	(tag) =	ssettag s2;
	_ =	strace s9  }
0x27: {  	s1 =	sld [smem:$0x3FA4]  }
0x28: {  	s2 =	sld [smem:$0x3FA5]  }
0x29: {  	s4 =	sld [smem:$0x3FA7]  }
0x2a: {  	p0 =	seq.s32 s5, $0x0;
	s5 =	sld [smem:$0x3FA8]  }
0x2b: {  	s6 =	sld [smem:$0x3FA9]  }
0x2c: {  	s7 =	sld [smem:$0x3FAA]  }
0x2d: {  	s3 =	simm.s32 $0x108;
	s8 =	sld [smem:$0x3FAB]  }
0x2e: {  	s3 =	simm.s32 @!p0 $0x1082;
	s9 =	sld [smem:$0x3FAC]  }
0x2f: {  	lr =	sadd.s32 s0, s3;
	s0 =	sld [smem:$0x3FA3]  }
0x30: {  	s3 =	sld [smem:$0x3FA6]  }
0x31: {  	[smem:$0x3FAF] =	sst s10  }
0x32: {  	s10 =	sld [smem:$0x3FAD];
	_ =	sdelay $0x3  }
0x33: {  	p0 =	seq.s32 s10, $0x1;
	s10 =	sld [smem:$0x3FAF];
	_ =	sdelay $0x3  }
0x34: {  	[smem:$0x3FAF] =	sst s10  }
0x35: {  	s10 =	sld [smem:$0x3FAE];
	_ =	sdelay $0x3  }
0x36: {  	p1 =	seq.s32 s10, $0x1;
	s10 =	sld [smem:$0x3FAF];
	_ =	sdelay $0x3  }
0x37: {  	[smem:$0x3FAF] =	sst s10  }
0x38: {  	s10 =	sld [smem:$0x3FB0]  }
0x39: {  	_ = 	snop;
	(pc) =	sbr.ind lr, $3  }
0x3a: {  	_ = 	snop  }
0x3b: {  	_ = 	snop  }
0x3c: {  	p2 =	seq.s32 s10, $0x1;
	s10 =	sld [smem:$0x3FAF]  }
0x3d: {  	_ =	shalt  }
0x3e: {  	_ =	shalt  }
0x3f: {  	_ =	shalt  }
0x40: {  	_ =	shalt  }
0x41: {  	_ =	shalt  }
0x42: {  	_ =	shalt  }
0x43: {  	_ =	shalt  }
0x44: {  	_ =	shalt  }
0x45: {  	_ =	shalt  }
0x46: {  	_ =	shalt  }
0x47: {  	_ =	shalt  }
0x48: {  	_ =	shalt  }
0x49: {  	_ =	shalt  }
0x4a: {  	_ =	shalt  }
0x4b: {  	_ =	shalt  }
0x4c: {  	_ =	shalt  }
0x4d: {  	_ =	shalt  }
0x4e: {  	_ =	shalt  }
0x4f: {  	_ =	shalt  }
0x50: {  	_ =	shalt  }
0x51: {  	_ =	shalt  }
0x52: {  	_ =	shalt  }
0x53: {  	_ =	shalt  }
0x54: {  	_ =	shalt  }
0x55: {  	_ =	shalt  }
0x56: {  	_ =	shalt  }
0x57: {  	_ =	shalt  }
0x58: {  	_ =	shalt  }
0x59: {  	_ =	shalt  }
0x5a: {  	_ =	shalt  }
0x5b: {  	_ =	shalt  }
0x5c: {  	_ =	shalt  }
0x5d: {  	_ =	shalt  }
0x5e: {  	_ =	shalt  }
0x5f: {  	_ =	shalt  }
0x60: {  	_ =	shalt  }
0x61: {  	_ =	shalt  }
0x62: {  	_ =	shalt  }
0x63: {  	_ =	shalt  }
0x64: {  	_ =	shalt  }
0x65: {  	_ =	shalt  }
0x66: {  	_ =	shalt  }
0x67: {  	_ =	shalt  }
0x68: {  	_ =	shalt  }
0x69: {  	_ =	shalt  }
0x6a: {  	_ =	shalt  }
0x6b: {  	_ =	shalt  }
0x6c: {  	_ =	shalt  }
0x6d: {  	_ =	shalt  }
0x6e: {  	_ =	shalt  }
0x6f: {  	_ =	shalt  }
0x70: {  	_ =	shalt  }
0x71: {  	_ =	shalt  }
0x72: {  	_ =	shalt  }
0x73: {  	_ =	shalt  }
0x74: {  	_ =	shalt  }
0x75: {  	_ =	shalt  }
0x76: {  	_ =	shalt  }
0x77: {  	_ =	shalt  }
0x78: {  	_ =	shalt  }
0x79: {  	_ =	shalt  }
0x7a: {  	_ =	shalt  }
0x7b: {  	_ =	shalt  }
0x7c: {  	_ =	shalt  }
0x7d: {  	_ =	shalt  }
0x7e: {  	_ =	shalt  }
0x7f: {  	_ =	shalt  }
0x80: {  	_ =	shalt  }
0x81: {  	_ =	shalt  }
0x82: {  	_ =	shalt  }
0x83: {  	_ =	shalt  }
0x84: {  	_ =	shalt  }
0x85: {  	_ =	shalt  }
0x86: {  	_ =	shalt  }
0x87: {  	_ =	shalt  }
.Lfunc_end0:
.L_simem_size_0:
called_computation.2_lowered:
.L_overlay_start_0:
0x88: {  	s2 =	sld [smem:$0x3FD9]  }
0x89: {  	s3 =	sld [smem:$0x3FFE];
	_ =	sdelay $0x1  }
0x8a: {  	s1 =	srdreg.scid  }
0x8b: {  	s0 =	sand.u32 $0x1, s1  }
0x8c: {  	s17 =	sshll.u32 s0, $0xA;
	s2 =	sadd.s32 s3, s2  }
0x8d: {  	s2 =	sadd.s32 s2, s17  }
0x8e: {  	[smem:$0x3FBB] =	sst s2  }
0x8f: {  	_ = 	snop  }
0x90: {  	s18 =	sld [smem:$0x3FD0];
	(tm) =	ssettm $0x1  }
0x91: {  	s19 =	sld [smem:$0x3FFB];
	_ =	sdelay $0x3  }
0x92: {  	_ =	strace s19  }
0x93: {  	s2 =	sld [smem:$0x3FFC];
	_ =	sdelay $0x3  }
0x94: {  	_ =	strace s2  }
0x95: {  	s2 =	sld [smem:$0x3FFD];
	_ =	sdelay $0x3  }
0x96: {  	_ =	strace s2  }
0x97: {  	_ =	strace $0x8FFFFFFF  }
0x98: {  	s20 =	sld [smem:$0x3FDB];
	_ =	sdelay $0x1  }
0x99: {  	s4 =	simm.s32 $_scs_section_size  }
0x9a: {  	s5 =	simm.s32 $_size__tile_overlayer_lowered;
	s6 =	simm.s32 $_tile_overlayer_lowered  }
0x9b: {  	s7 =	simm.s32 $0x1BFF;
	s21 =	sshll.u32 s6, $0x1;
	s4 =	sadd.s32 s4, s20  }
0x9c: {  	s22 =	simm.s32 $0x0;
	s5 =	sshll.u32 s5, $0x1;
	s6 =	sadd.s32 s21, s4  }
0x9d: {  	[timem:s22], [sflag:s7] =	dma.local [hbm:s6], s5  }
0x9e: {  	_ =	swait.ge [sflag:s7], s5  }
0x9f: {  	s5 =	ssub.s32 $0x0, s5;
	[sflag:s7] =	ssyncset.done $0x0  }
0xa0: {  	[sflag:s7] =	ssyncadd.s32 s5;
	_ =	sdelay $0x1  }
0xa1: {  	s23 =	simm.s32 $0x1B8B  }
0xa2: {  	_ =	swait.ge [sflag:s23], $0x1  }
0xa3: {  	[sflag:s23] =	ssyncset.done $0x0  }
0xa4: {  	[sflag:s23] =	ssyncadd.s32 $0xFFFFFFFF  }
0xa5: {  	s5 =	sld [smem:$0x0]  }
0xa6: {  	s6 =	sand.u32 $0xFFFFFFFE, s1  }
0xa7: {  	p0 =	sne.s32 s1, s6  }
0xa8: {  	s6 =	sshll.u32 @p0 s6, $0xE  }
0xa9: {  	s6 =	sadd.s32 @p0 $0x11B8D, s6;
	s7 =	sshll.u32 @p0 s5, $0x11  }
0xaa: {  	s6 =	sor.u32 @p0 s7, s6  }
0xab: {  	[sflag:s6] =	ssyncadd.remote.s32 @p0 $0x1;
	_ =	sdelay $0x1  }
0xac: {  	s6 =	simm.s32 @p0 $0x1B8D  }
0xad: {  	_ =	swait.eq @p0 [sflag:s6], $0x1  }
0xae: {  	[sflag:s6] =	ssyncadd.s32 @p0 $0xFFFFFFFF  }
0xaf: {  	s7 =	sshll.u32 @!p0 s1, $0xE  }
0xb0: {  	s7 =	sor.u32 @!p0 $0x4000, s7;
	s6 =	simm.s32 @!p0 $0x1B8D  }
0xb1: {  	s5 =	sshll.u32 @!p0 s5, $0x11;
	s7 =	sadd.s32 @!p0 $0x11B8D, s7;
	_ =	swait.eq @!p0 [sflag:s6], $0x1  }
0xb2: {  	s5 =	sor.u32 @!p0 s5, s7;
	[sflag:s6] =	ssyncadd.s32 @!p0 $0xFFFFFFFF  }
0xb3: {  	s25 =	simm.s32 $0x1B8E;
	s24 =	sld [smem:$0x3FFE];
	[sflag:s5] =	ssyncadd.remote.s32 @!p0 $0x1  }
0xb4: {  	s26 =	simm.s32 $execute0_lowered;
	[smem:$0x3FD2] =	sst s25  }
0xb5: {  	s6 =	sshll.u32 s26, $0x1;
	_ =	strace $0x8000004C;
	[dreg:$0x1] =	wrdreg $0xFFFFFFFF  }
0xb6: {  	s28 =	simm.s32 $_size_execute0_lowered;
	s4 =	sadd.s32 s4, s6;
	[dreg:$0x0] =	wrdreg $0x0  }
0xb7: {  	s6 =	sshll.u32 s28, $0x1;
	[dreg:$0x2] =	wrdreg s4  }
0xb8: {  	[dreg:$0x3] =	wrdreg s6  }
0xb9: {  	[dreg:$0x4] =	wrdreg $0xC0  }
0xba: {  	_ =	task [dreg:s22], $0x5FFFF  }
0xbb: {  	[dreg:$0x1] =	wrdreg $0xFFFFFFFF  }
0xbc: {  	[dreg:$0x0] =	wrdreg $0x60  }
0xbd: {  	[dreg:$0x2] =	wrdreg s18  }
0xbe: {  	[dreg:$0x3] =	wrdreg s24  }
0xbf: {  	[dreg:$0x4] =	wrdreg $0x77000  }
0xc0: {  	[dreg:$0x5] =	wrdreg $0xA  }
0xc1: {  	_ =	task.clear_ibuf [dreg:s22], $0x6FFFF;
	_ =	strace $0x9000004C  }
0xc2: {  	s29 =	simm.s32 $0xA;
	_ =	strace $0x8000004E  }
0xc3: {  	_ =	swait.ge [sflag:s29], $0x1  }
0xc4: {  	[sflag:s29] =	ssyncadd.s32 $0xFFFFFFFF  }
0xc5: {  	_ =	strace $0x9000004E  }
0xc6: {  	_ =	sfence  }
0xc7: {  	s30 =	sld [smem:$0x0];
	_ =	sdelay $0x2  }
0xc8: {  	s31 =	sshll.u32 s1, $0xD;
	s1 =	sshrl.u32 s1, $0x2  }
0xc9: {  	s4 =	sand.u32 $0x4000, s31;
	s1 =	sadd.s32 s1, s30  }
0xca: {  	s0 =	sor.u32 s4, s0;
	s1 =	sshll.u32 s1, $0x11  }
0xcb: {  	s0 =	sor.u32 s1, s0  }
0xcc: {  	s0 =	sadd.s32 $0x8F2B, s0  }
0xcd: {  	[sflag:s0] =	ssyncadd.remote.s32 $0x1  }
0xce: {  	_ =	sfence.sel $0xFFFF  }
0xcf: {  	[dreg:$0x0] =	wrdreg $0xFFFFFFFF;
	(pc) =	sbr.abs _section_cstart, $3  }
0xd0: {  	[dreg:$0x1] =	wrdreg $0xFFFFFFFF  }
0xd1: {  	_ =	task.clear_ibuf [dreg:s22], $0x2FFFF;
	_ =	strace $0x9FFFFFFF  }
0xd2: {  	(tm) =	ssettm $0x7FFFFFFF  }
0xd3: {  	_ =	shalt  }
tec
execute0_lowered:
.L_overlay_start_1:
0x0: {  	(tag) =	ssettag $0x1  }
0x1: {  	s0 =	srdreg.scid;
	s1 =	rddreg [dreg:$0x0]  }
0x2: {  	s9 =	stileid.u32;
	s3 =	rddreg [dreg:$0x1];
	s6 =	simm.s32 $0x0  }
0x3: {  	s31 =	simm.s32 $0x2;
	s0 =	sand.u32 $0x1, s0;
	s25 =	smul.u32 $0xA000, s9  }
0x4: {  	s2 =	sshll.u32 s9, $0x1;
	[smem:$0x7FF] =	sst s6;
	s9 =	smul.u32 $0x28000, s9  }
0x5: {  	s6 =	simm.s32 $0x0;
	s4 =	sor.u32 s0, s2;
	s2 =	rddreg [dreg:$0x2]  }
0x6: {  	s24 =	smul.u32 $0xA0000, s0;
	_ =	strace $0x8000004D;
	s0 =	ssub.s32 $0x2, s0  }
0x7: {  	s5 =	smul.u32 $0x4F0, s4;
	s4 =	sadd.s32 $0xCC400, s3;
	s10 =	sshrl.u32 s0, $0x1  }
0x8: {  	s26 =	sshrl.u32 s9, $0x2;
	s11 =	sadd.s32 s25, s2;
	s8 =	sadd.s32 s25, s24  }
0x9: {  	s0 =	ssub.s32 s0, s10;
	s7 =	sadd.s32 s5, s3;
	s8 =	sshrl.u32 s8, $0x3  }
0xa: {  	s1 =	sadd.s32 s1, s5;
	s0 =	smax.u32 s0, $0x1;
	s5 =	simm.s32 $0x1  }
0xb: {  	s3 =	sadd.s32 s8, s3;
	[dreg:$0x4] =	wrdreg s1;
	s9 =	sadd.s32 $0xD600, s7  }
0xc: {  	s7 =	sadd.s32 s26, s2;
	[dreg:$0x7] =	wrdreg s0;
	s0 =	simm.s32 $0x6F00  }
0xd: {  	s1 =	simm.s32 $0x80;
	[dreg:$0x5] =	wrdreg s9;
	s10 =	sadd.s32 $0xE0400, s3  }
0xe: {  	s25 =	sadd.s32 $0x800, s7;
	s26 =	sadd.s32 $0x1000, s7;
	s12 =	sadd.s32 $0x1800, s7  }
0xf: {  	s13 =	sadd.s32 $0x2000, s7;
	s14 =	sadd.s32 $0x2800, s7;
	s15 =	sadd.s32 $0x3000, s7  }
0x10: {  	s16 =	sadd.s32 $0x3800, s7;
	s17 =	sadd.s32 $0x4000, s7;
	s18 =	sadd.s32 $0x4800, s7  }
0x11: {  	s19 =	sadd.s32 $0x5000, s7;
	s20 =	sadd.s32 $0x5800, s7;
	s21 =	sadd.s32 $0x6000, s7  }
0x12: {  	s22 =	sadd.s32 $0x6800, s7;
	s23 =	sadd.s32 $0x7000, s7;
	s24 =	sadd.s32 $0x7800, s7  }
0x13: {  	s28 =	sadd.s32 $0x8800, s7;
	s29 =	sadd.s32 $0x9000, s7;
	[dreg:$0x6] =	wrdreg s10  }
0x14: {  	s30 =	sadd.s32 $0x9800, s7;
	s3 =	simm.s32 $0x4F00;
	[dreg:$0x8] =	wrdreg s25  }
0x15: {  	v0 =	vimm.f32 $0.0e+00;
	[dreg:$0x9] =	wrdreg s26;
	s25 =	sshrl.u32 s11, $0x3;
	s26 =	sadd.s32 $0x8000, s7  }
.LBB2_1:
0x16: {  	s8 =	simm.s32 $0x0;
	s9 =	rddreg [dreg:$0x4]  }
0x17: {  	[tilespmem:s8], [sflag:$0x2] =	stream.linear.gather [hbm4b:s9+s8], $0x2780, $0x38;
	[tilespmem:$0x11700] =	vst v63  }
0x18: {  	_ =	swait.ge [sflag:s31], $0x2780  }
0x19: {  	[sflag:s31] =	ssyncset.done $0x0  }
0x1a: {  	s10 =	simm.s32 $0x2780;
	s11 =	rddreg [dreg:$0x5];
	[sflag:s31] =	ssyncadd.s32 $0xFFFFD880  }
0x1b: {  	[tilespmem:s10], [sflag:$0x2] =	stream.linear.gather [hbm4b:s11+s8], $0x2780, $0x38;
	[tilespmem:$0x11700] =	vst v63  }
0x1c: {  	_ =	swait.ge [sflag:s31], $0x2780  }
0x1d: {  	[sflag:s31] =	ssyncset.done $0x0  }
0x1e: {  	s9 =	simm.s32 $0x100;
	s8 =	simm.s32 $0x0;
	[sflag:s31] =	ssyncadd.s32 $0xFFFFD880  }
.LBB2_2:
0x1f: {  	p0 =	sne.s32 s9, $0x1F00;
	[tilespmem:s8+$0x6F30] =	vst v0;
	s10 =	smov.u32 s9;
	s9 =	sadd.s32 $0x100, s9  }
.Ltmp0:
0x20: {  	[tilespmem:s8+$0x6F20] =	vst v0;
	(pc) =	sbr.rel @p0 .LBB2_2-.Ltmp0, $3  }
0x21: {  	[tilespmem:s8+$0x6F00] =	vst v0  }
0x22: {  	[tilespmem:s8+$0x6F10] =	vst v0;
	_ =	sdelay $0x1  }
0x23: {  	s8 =	sshra.s32 s10, $0x2  }
0x24: {  	[tilespmem:s8+$0x6F30] =	vst v0  }
0x25: {  	[tilespmem:s8+$0x6F20] =	vst v0  }
0x26: {  	[tilespmem:s8+$0x6F00] =	vst v0  }
0x27: {  	[tilespmem:s8+$0x6F10] =	vst v0  }
0x28: {  	[spmem:s7] =	stream.linear.scatter [tilespmem:s0], [sflag:$0x2], $0x800, $0x38;
	[tilespmem:$0x11700] =	vst v63  }
0x29: {  	_ =	swait.ge [sflag:s31], $0x800  }
0x2a: {  	[sflag:s31] =	ssyncset.done $0x0  }
0x2b: {  	s11 =	rddreg [dreg:$0x8];
	[sflag:s31] =	ssyncadd.s32 $0xFFFFF800  }
0x2c: {  	[spmem:s11] =	stream.linear.scatter [tilespmem:s0], [sflag:$0x2], $0x800, $0x38;
	[tilespmem:$0x11700] =	vst v63  }
0x2d: {  	_ =	swait.ge [sflag:s31], $0x800  }
0x2e: {  	[sflag:s31] =	ssyncset.done $0x0  }
0x2f: {  	s9 =	rddreg [dreg:$0x9];
	[sflag:s31] =	ssyncadd.s32 $0xFFFFF800  }
0x30: {  	[spmem:s9] =	stream.linear.scatter [tilespmem:s0], [sflag:$0x2], $0x800, $0x38;
	[tilespmem:$0x11700] =	vst v63  }
0x31: {  	_ =	swait.ge [sflag:s31], $0x800  }
0x32: {  	[sflag:s31] =	ssyncset.done $0x0  }
0x33: {  	[sflag:s31] =	ssyncadd.s32 $0xFFFFF800  }
0x34: {  	[spmem:s12] =	stream.linear.scatter [tilespmem:s0], [sflag:$0x2], $0x800, $0x38;
	[tilespmem:$0x11700] =	vst v63  }
0x35: {  	_ =	swait.ge [sflag:s31], $0x800  }
0x36: {  	[sflag:s31] =	ssyncset.done $0x0  }
0x37: {  	[sflag:s31] =	ssyncadd.s32 $0xFFFFF800  }
0x38: {  	[spmem:s13] =	stream.linear.scatter [tilespmem:s0], [sflag:$0x2], $0x800, $0x38;
	[tilespmem:$0x11700] =	vst v63  }
0x39: {  	_ =	swait.ge [sflag:s31], $0x800  }
0x3a: {  	[sflag:s31] =	ssyncset.done $0x0  }
0x3b: {  	[sflag:s31] =	ssyncadd.s32 $0xFFFFF800  }
0x3c: {  	[spmem:s14] =	stream.linear.scatter [tilespmem:s0], [sflag:$0x2], $0x800, $0x38;
	[tilespmem:$0x11700] =	vst v63  }
0x3d: {  	_ =	swait.ge [sflag:s31], $0x800  }
0x3e: {  	[sflag:s31] =	ssyncset.done $0x0  }
0x3f: {  	[sflag:s31] =	ssyncadd.s32 $0xFFFFF800  }
0x40: {  	[spmem:s15] =	stream.linear.scatter [tilespmem:s0], [sflag:$0x2], $0x800, $0x38;
	[tilespmem:$0x11700] =	vst v63  }
0x41: {  	_ =	swait.ge [sflag:s31], $0x800  }
0x42: {  	[sflag:s31] =	ssyncset.done $0x0  }
0x43: {  	[sflag:s31] =	ssyncadd.s32 $0xFFFFF800  }
0x44: {  	[spmem:s16] =	stream.linear.scatter [tilespmem:s0], [sflag:$0x2], $0x800, $0x38;
	[tilespmem:$0x11700] =	vst v63  }
0x45: {  	_ =	swait.ge [sflag:s31], $0x800  }
0x46: {  	[sflag:s31] =	ssyncset.done $0x0  }
0x47: {  	[sflag:s31] =	ssyncadd.s32 $0xFFFFF800  }
0x48: {  	[spmem:s17] =	stream.linear.scatter [tilespmem:s0], [sflag:$0x2], $0x800, $0x38;
	[tilespmem:$0x11700] =	vst v63  }
0x49: {  	_ =	swait.ge [sflag:s31], $0x800  }
0x4a: {  	[sflag:s31] =	ssyncset.done $0x0  }
0x4b: {  	[sflag:s31] =	ssyncadd.s32 $0xFFFFF800  }
0x4c: {  	[spmem:s18] =	stream.linear.scatter [tilespmem:s0], [sflag:$0x2], $0x800, $0x38;
	[tilespmem:$0x11700] =	vst v63  }
0x4d: {  	_ =	swait.ge [sflag:s31], $0x800  }
0x4e: {  	[sflag:s31] =	ssyncset.done $0x0  }
0x4f: {  	[sflag:s31] =	ssyncadd.s32 $0xFFFFF800  }
0x50: {  	[spmem:s19] =	stream.linear.scatter [tilespmem:s0], [sflag:$0x2], $0x800, $0x38;
	[tilespmem:$0x11700] =	vst v63  }
0x51: {  	_ =	swait.ge [sflag:s31], $0x800  }
0x52: {  	[sflag:s31] =	ssyncset.done $0x0  }
0x53: {  	[sflag:s31] =	ssyncadd.s32 $0xFFFFF800  }
0x54: {  	[spmem:s20] =	stream.linear.scatter [tilespmem:s0], [sflag:$0x2], $0x800, $0x38;
	[tilespmem:$0x11700] =	vst v63  }
0x55: {  	_ =	swait.ge [sflag:s31], $0x800  }
0x56: {  	[sflag:s31] =	ssyncset.done $0x0  }
0x57: {  	[sflag:s31] =	ssyncadd.s32 $0xFFFFF800  }
0x58: {  	[spmem:s21] =	stream.linear.scatter [tilespmem:s0], [sflag:$0x2], $0x800, $0x38;
	[tilespmem:$0x11700] =	vst v63  }
0x59: {  	_ =	swait.ge [sflag:s31], $0x800  }
0x5a: {  	[sflag:s31] =	ssyncset.done $0x0  }
0x5b: {  	[sflag:s31] =	ssyncadd.s32 $0xFFFFF800  }
0x5c: {  	[spmem:s22] =	stream.linear.scatter [tilespmem:s0], [sflag:$0x2], $0x800, $0x38;
	[tilespmem:$0x11700] =	vst v63  }
0x5d: {  	_ =	swait.ge [sflag:s31], $0x800  }
0x5e: {  	[sflag:s31] =	ssyncset.done $0x0  }
0x5f: {  	[sflag:s31] =	ssyncadd.s32 $0xFFFFF800  }
0x60: {  	[spmem:s23] =	stream.linear.scatter [tilespmem:s0], [sflag:$0x2], $0x800, $0x38;
	[tilespmem:$0x11700] =	vst v63  }
0x61: {  	_ =	swait.ge [sflag:s31], $0x800  }
0x62: {  	[sflag:s31] =	ssyncset.done $0x0  }
0x63: {  	[sflag:s31] =	ssyncadd.s32 $0xFFFFF800  }
0x64: {  	[spmem:s24] =	stream.linear.scatter [tilespmem:s0], [sflag:$0x2], $0x800, $0x38;
	[tilespmem:$0x11700] =	vst v63  }
0x65: {  	_ =	swait.ge [sflag:s31], $0x800  }
0x66: {  	[sflag:s31] =	ssyncset.done $0x0  }
0x67: {  	[sflag:s31] =	ssyncadd.s32 $0xFFFFF800  }
0x68: {  	[spmem:s26] =	stream.linear.scatter [tilespmem:s0], [sflag:$0x2], $0x800, $0x38;
	[tilespmem:$0x11700] =	vst v63  }
0x69: {  	_ =	swait.ge [sflag:s31], $0x800  }
0x6a: {  	[sflag:s31] =	ssyncset.done $0x0  }
0x6b: {  	[sflag:s31] =	ssyncadd.s32 $0xFFFFF800  }
0x6c: {  	[spmem:s28] =	stream.linear.scatter [tilespmem:s0], [sflag:$0x2], $0x800, $0x38;
	[tilespmem:$0x11700] =	vst v63  }
0x6d: {  	_ =	swait.ge [sflag:s31], $0x800  }
0x6e: {  	[sflag:s31] =	ssyncset.done $0x0  }
0x6f: {  	[sflag:s31] =	ssyncadd.s32 $0xFFFFF800  }
0x70: {  	[spmem:s29] =	stream.linear.scatter [tilespmem:s0], [sflag:$0x2], $0x800, $0x38;
	[tilespmem:$0x11700] =	vst v63  }
0x71: {  	_ =	swait.ge [sflag:s31], $0x800  }
0x72: {  	[sflag:s31] =	ssyncset.done $0x0  }
0x73: {  	[sflag:s31] =	ssyncadd.s32 $0xFFFFF800  }
0x74: {  	[spmem:s30] =	stream.linear.scatter [tilespmem:s0], [sflag:$0x2], $0x800, $0x38;
	[tilespmem:$0x11700] =	vst v63  }
0x75: {  	_ =	swait.ge [sflag:s31], $0x800  }
0x76: {  	[sflag:s31] =	ssyncset.done $0x0  }
0x77: {  	[sflag:s31] =	ssyncadd.s32 $0xFFFFF800  }
0x78: {  	s10 =	simm.s32 $0x0;
	[bflag:$0x0] =	sbarrier.arrive $0xFFFF  }
0x79: {  	[tilespmem:s3], [sflag:$0x1] =	stream.indirect.gather [hbm4b:s4+s1], $0x40, s10, s1, $0xb8;
	[tilespmem:$0x11700] =	vst v63  }
0x7a: {  	_ =	swait.ge [sflag:s5], $0x2000  }
0x7b: {  	[sflag:s5] =	ssyncset.done $0x0  }
0x7c: {  	s11 =	simm.s32 $0x2780;
	[sflag:s5] =	ssyncadd.s32 $0xFFFFE000  }
0x7d: {  	[spmem:s2] =	stream.indirect.scatter.add.f32 [tilespmem:s3], [sflag:$0x2], $0x40, s11, s1, $0xb8;
	[tilespmem:$0x11700] =	vst v63  }
0x7e: {  	_ =	swait.ge [sflag:s31], $0x2000  }
0x7f: {  	s8 =	simm.s32 $0x200;
	s9 =	simm.s32 $0x400;
	[sflag:s31] =	ssyncset.done $0x0  }
.LBB2_4:
0x80: {  	s10 =	sshra.s32 s8, $0x2  }
0x81: {  	[sflag:s31] =	ssyncadd.s32 $0xFFFFE000;
	s8 =	smov.u32 s9;
	s11 =	sadd.s32 $0x200, s9  }
0x82: {  	[tilespmem:s3], [sflag:$0x1] =	stream.indirect.gather [hbm4b:s4+s1], $0x40, s10, s1, $0xb8;
	[tilespmem:$0x11700] =	vst v63  }
0x83: {  	p0 =	sne.s32 s9, $0x9C00;
	_ =	swait.ge [sflag:s5], $0x2000  }
.Ltmp1:
0x84: {  	[sflag:s5] =	ssyncset.done $0x0;
	(pc) =	sbr.rel @p0 .LBB2_4-.Ltmp1, $4  }
0x85: {  	s9 =	sadd.s32 $0x2780, s10;
	[sflag:s5] =	ssyncadd.s32 $0xFFFFE000  }
0x86: {  	[spmem:s2] =	stream.indirect.scatter.add.f32 [tilespmem:s3], [sflag:$0x2], $0x40, s9, s1, $0xb8;
	[tilespmem:$0x11700] =	vst v63  }
0x87: {  	_ =	swait.ge [sflag:s31], $0x2000  }
0x88: {  	s9 =	smov.u32 s11;
	[sflag:s31] =	ssyncset.done $0x0  }
0x89: {  	s8 =	sshra.s32 s8, $0x2;
	[sflag:s31] =	ssyncadd.s32 $0xFFFFE000  }
0x8a: {  	[tilespmem:s3], [sflag:$0x1] =	stream.indirect.gather [hbm4b:s4+s1], $0x40, s8, s1, $0xb8;
	[tilespmem:$0x11700] =	vst v63  }
0x8b: {  	_ =	swait.ge [sflag:s5], $0x2000  }
0x8c: {  	[sflag:s5] =	ssyncset.done $0x0  }
0x8d: {  	s8 =	sadd.s32 $0x2780, s8;
	[sflag:s5] =	ssyncadd.s32 $0xFFFFE000  }
0x8e: {  	[spmem:s2] =	stream.indirect.scatter.add.f32 [tilespmem:s3], [sflag:$0x2], $0x40, s8, s1, $0xb8;
	[tilespmem:$0x11700] =	vst v63  }
0x8f: {  	_ =	swait.ge [sflag:s31], $0x2000  }
0x90: {  	[sflag:s31] =	ssyncset.done $0x0  }
0x91: {  	s10 =	stileid.u32;
	[sflag:s31] =	ssyncadd.s32 $0xFFFFE000  }
0x92: {  	s8 =	sshll.u32 s10, $0x6;
	[bflag:$0x0] =	sbarrier.arrive $0xFFFF  }
0x93: {  	s8 =	sor.u32 $0x1C02, s8;
	s9 =	rddreg [dreg:$0x6]  }
0x94: {  	[hbm:s9], [sflag:s8] =	dma.local [spmem:s25], $0x1400  }
0x95: {  	_ =	swait.ge [sflag:s31], $0x1400  }
0x96: {  	s6 =	sadd.s32 $0x1, s6;
	s11 =	rddreg [dreg:$0x7]  }
0x97: {  	p0 =	sne.s32 s6, s11  }
.Ltmp2:
0x98: {  	_ = 	snop;
	(pc) =	sbr.rel @p0 .LBB2_1-.Ltmp2, $3  }
0x99: {  	_ =	sdelay $0x1  }
0x9a: {  	[sflag:s31] =	ssyncset.done $0x0  }
0x9b: {  	[sflag:s31] =	ssyncadd.s32 $0xFFFFEC00  }
0x9c: {  	_ =	sfence.sel $0x180000  }
0x9d: {  	[bflag:$0x0] =	sbarrier.arrive $0xFFFF  }
0x9e: {  	_ =	strace $0x9000004D  }
0x9f: {  	s0 =	stileid.u32;
	[bflag:$0x2] =	sbarrier.arrive $0xFFFF  }
0xa0: {  	p0 =	sne.s32 s0, $0x0;
	s0 =	rddreg [dreg:$0x3]  }
0xa1: {  	s0 =	sadd.s32 @!p0 $0x100000, s0  }
0xa2: {  	[sflag:s0] =	ssyncadd.tile.s32 @!p0 $0x1;
	_ =	shalt  }
.Lfunc_end2:
_tile_overlayer_lowered:
.L_overlay_start_2:
0xa3: {  	(tag) =	ssettag $0x2  }
0xa4: {  	s0 =	rddreg [dreg:$0x0];
	s2 =	stileid.u32  }
0xa5: {  	s1 =	rddreg [dreg:$0x1];
	p0 =	sne.s32 s2, $0x0  }
0xa6: {  	s3 =	rddreg [dreg:$0x2];
	[bflag:$0x3] =	sbarrier.arrive $0xFFFF;
	s2 =	simm.s32 @!p0 $0x1C02  }
0xa7: {  	[timem:s3], [sflag:s2] =	dma.local @!p0 [hbm:s0], s1  }
0xa8: {  	s0 =	simm.s32 @!p0 $0x2  }
0xa9: {  	_ =	swait.ge @!p0 [sflag:s0], s1  }
0xaa: {  	s1 =	ssub.s32 @!p0 $0x0, s1;
	[sflag:s0] =	ssyncset.done @!p0 $0x0  }
0xab: {  	[sflag:s0] =	ssyncadd.s32 @!p0 s1  }
0xac: {  	[bflag:$0x3] =	sbarrier.arrive $0xFFFF  }
0xad: {  	_ =	shalt  }

// kernel: kernel.21.cloned.1.call-start
scs
__scs_entry_jumppad:
0x0: {  	(pc) =	sbr.rel $0x88, $3  }
0x1: {  	(tag) =	ssettag $0x0;
	lr =	simm.s32 $0x1  }
0x2: {  	[smem:$0x3F94] =	sst lr;
	_ =	strace $0xD0000000  }
0x3: {  	_ = 	snop  }
0x4: {  	_ = 	snop  }
0x5: {  	_ = 	snop  }
0x6: {  	_ = 	snop  }
0x7: {  	_ = 	snop  }
__scs_overlays_trampoline_lowered:
0x8: {  	[smem:$0x3FA3] =	sst s0  }
0x9: {  	[smem:$0x3FA4] =	sst s1  }
0xa: {  	[smem:$0x3FA5] =	sst s2  }
0xb: {  	[smem:$0x3FA6] =	sst s3  }
0xc: {  	[smem:$0x3FA7] =	sst s4  }
0xd: {  	[smem:$0x3FA8] =	sst s5  }
0xe: {  	[smem:$0x3FA9] =	sst s6  }
0xf: {  	[smem:$0x3FAA] =	sst s7  }
0x10: {  	[smem:$0x3FAB] =	sst s8  }
0x11: {  	[smem:$0x3FAC] =	sst s9;
	s0 =	simm.s32 @!p0 $0x0  }
0x12: {  	s1 =	sld [smem:$0x3F92];
	s0 =	simm.s32 @p0 $0x1  }
0x13: {  	[smem:$0x3FAD] =	sst s0;
	s0 =	simm.s32 @!p1 $0x0  }
0x14: {  	s2 =	sld [smem:$0x3F91];
	s0 =	simm.s32 @p1 $0x1  }
0x15: {  	[smem:$0x3FAE] =	sst s0;
	s0 =	simm.s32 @!p2 $0x0  }
0x16: {  	s3 =	sld [smem:$0x3FDB];
	s0 =	simm.s32 @p2 $0x1  }
0x17: {  	s4 =	simm.s32 $0x1BF5;
	[smem:$0x3FB0] =	sst s0  }
0x18: {  	s0 =	sld [smem:$0x3F93];
	_ =	swait.ge [sflag:s4], $0x0  }
0x19: {  	s7 =	sld [smem:$0x3F94]  }
0x1a: {  	s8 =	sadd.s32 $0xFFFFE003, lr  }
0x1b: {  	s9 =	sadd.s32 $0xFFFFFEF7, lr;
	s5 =	simm.s32 $0xFFFFFFFF;
	p2 =	slt.u32 s8, $0xFFFFF086  }
0x1c: {  	p1 =	slt.u32 s9, $0xF7A;
	s5 =	simm.s32 @!p2 $0x0  }
0x1d: {  	s5 =	simm.s32 @p1 $0x1;
	p0 =	seq.s32 s7, s2  }
0x1e: {  	s7 =	smul.u32 @!p0 $0xF7A, s2;
	p2 =	seq.s32 @!p0 s5, $0x0  }
0x1f: {  	s9 =	smul.u32 $0xF7A, s1;
	s8 =	simm.s32 @!p0 $0x1BF5;
	p2 =	por !p2, p0  }
0x20: {  	[sflag:s8] =	ssyncset.s32 @!p0 $0xFFFFF086;
	s6 =	sadd.s32 @!p0 s3, s7;
	s7 =	simm.s32 @!p0 $0x108  }
0x21: {  	s3 =	sadd.s32 s3, s9;
	s6 =	sadd.s32 @!p0 $0x88, s6;
	s7 =	simm.s32 @p2 $0x1082  }
0x22: {  	[simem:s7], [sflag:s8] =	dma.local @!p0 [hbm:s6], $0xF7A  }
0x23: {  	s9 =	sor.u32 $0xD0000000, s2;
	s6 =	simm.s32 $0x108;
	_ =	swait.ge @!p0 [sflag:s8], $0x0  }
0x24: {  	s3 =	sadd.s32 $0x88, s3;
	s6 =	simm.s32 @!p1 $0x1082;
	[sflag:s4] =	ssyncset.s32 $0xFFFFF086  }
0x25: {  	[simem:s6], [sflag:s4] =	dma.local [hbm:s3], $0xF7A  }
0x26: {  	[smem:$0x3F94] =	sst s1;
	(tag) =	ssettag s2;
	_ =	strace s9  }
0x27: {  	s1 =	sld [smem:$0x3FA4]  }
0x28: {  	s2 =	sld [smem:$0x3FA5]  }
0x29: {  	s4 =	sld [smem:$0x3FA7]  }
0x2a: {  	p0 =	seq.s32 s5, $0x0;
	s5 =	sld [smem:$0x3FA8]  }
0x2b: {  	s6 =	sld [smem:$0x3FA9]  }
0x2c: {  	s7 =	sld [smem:$0x3FAA]  }
0x2d: {  	s3 =	simm.s32 $0x108;
	s8 =	sld [smem:$0x3FAB]  }
0x2e: {  	s3 =	simm.s32 @!p0 $0x1082;
	s9 =	sld [smem:$0x3FAC]  }
0x2f: {  	lr =	sadd.s32 s0, s3;
	s0 =	sld [smem:$0x3FA3]  }
0x30: {  	s3 =	sld [smem:$0x3FA6]  }
0x31: {  	[smem:$0x3FAF] =	sst s10  }
0x32: {  	s10 =	sld [smem:$0x3FAD];
	_ =	sdelay $0x3  }
0x33: {  	p0 =	seq.s32 s10, $0x1;
	s10 =	sld [smem:$0x3FAF];
	_ =	sdelay $0x3  }
0x34: {  	[smem:$0x3FAF] =	sst s10  }
0x35: {  	s10 =	sld [smem:$0x3FAE];
	_ =	sdelay $0x3  }
0x36: {  	p1 =	seq.s32 s10, $0x1;
	s10 =	sld [smem:$0x3FAF];
	_ =	sdelay $0x3  }
0x37: {  	[smem:$0x3FAF] =	sst s10  }
0x38: {  	s10 =	sld [smem:$0x3FB0]  }
0x39: {  	_ = 	snop;
	(pc) =	sbr.ind lr, $3  }
0x3a: {  	_ = 	snop  }
0x3b: {  	_ = 	snop  }
0x3c: {  	p2 =	seq.s32 s10, $0x1;
	s10 =	sld [smem:$0x3FAF]  }
0x3d: {  	_ =	shalt  }
0x3e: {  	_ =	shalt  }
0x3f: {  	_ =	shalt  }
0x40: {  	_ =	shalt  }
0x41: {  	_ =	shalt  }
0x42: {  	_ =	shalt  }
0x43: {  	_ =	shalt  }
0x44: {  	_ =	shalt  }
0x45: {  	_ =	shalt  }
0x46: {  	_ =	shalt  }
0x47: {  	_ =	shalt  }
0x48: {  	_ =	shalt  }
0x49: {  	_ =	shalt  }
0x4a: {  	_ =	shalt  }
0x4b: {  	_ =	shalt  }
0x4c: {  	_ =	shalt  }
0x4d: {  	_ =	shalt  }
0x4e: {  	_ =	shalt  }
0x4f: {  	_ =	shalt  }
0x50: {  	_ =	shalt  }
0x51: {  	_ =	shalt  }
0x52: {  	_ =	shalt  }
0x53: {  	_ =	shalt  }
0x54: {  	_ =	shalt  }
0x55: {  	_ =	shalt  }
0x56: {  	_ =	shalt  }
0x57: {  	_ =	shalt  }
0x58: {  	_ =	shalt  }
0x59: {  	_ =	shalt  }
0x5a: {  	_ =	shalt  }
0x5b: {  	_ =	shalt  }
0x5c: {  	_ =	shalt  }
0x5d: {  	_ =	shalt  }
0x5e: {  	_ =	shalt  }
0x5f: {  	_ =	shalt  }
0x60: {  	_ =	shalt  }
0x61: {  	_ =	shalt  }
0x62: {  	_ =	shalt  }
0x63: {  	_ =	shalt  }
0x64: {  	_ =	shalt  }
0x65: {  	_ =	shalt  }
0x66: {  	_ =	shalt  }
0x67: {  	_ =	shalt  }
0x68: {  	_ =	shalt  }
0x69: {  	_ =	shalt  }
0x6a: {  	_ =	shalt  }
0x6b: {  	_ =	shalt  }
0x6c: {  	_ =	shalt  }
0x6d: {  	_ =	shalt  }
0x6e: {  	_ =	shalt  }
0x6f: {  	_ =	shalt  }
0x70: {  	_ =	shalt  }
0x71: {  	_ =	shalt  }
0x72: {  	_ =	shalt  }
0x73: {  	_ =	shalt  }
0x74: {  	_ =	shalt  }
0x75: {  	_ =	shalt  }
0x76: {  	_ =	shalt  }
0x77: {  	_ =	shalt  }
0x78: {  	_ =	shalt  }
0x79: {  	_ =	shalt  }
0x7a: {  	_ =	shalt  }
0x7b: {  	_ =	shalt  }
0x7c: {  	_ =	shalt  }
0x7d: {  	_ =	shalt  }
0x7e: {  	_ =	shalt  }
0x7f: {  	_ =	shalt  }
0x80: {  	_ =	shalt  }
0x81: {  	_ =	shalt  }
0x82: {  	_ =	shalt  }
0x83: {  	_ =	shalt  }
0x84: {  	_ =	shalt  }
0x85: {  	_ =	shalt  }
0x86: {  	_ =	shalt  }
0x87: {  	_ =	shalt  }
.Lfunc_end0:
.L_simem_size_0:
called_computation.3_lowered:
.L_overlay_start_0:
0x88: {  	s2 =	sld [smem:$0x3FD9]  }
0x89: {  	s3 =	sld [smem:$0x3FFE];
	_ =	sdelay $0x1  }
0x8a: {  	s1 =	srdreg.scid  }
0x8b: {  	s0 =	sand.u32 $0x1, s1  }
0x8c: {  	s17 =	sshll.u32 s0, $0xA;
	s2 =	sadd.s32 s3, s2  }
0x8d: {  	s2 =	sadd.s32 s2, s17  }
0x8e: {  	[smem:$0x3FBB] =	sst s2  }
0x8f: {  	_ = 	snop  }
0x90: {  	s18 =	sld [smem:$0x3FD0];
	(tm) =	ssettm $0x1  }
0x91: {  	s19 =	sld [smem:$0x3FFB];
	_ =	sdelay $0x3  }
0x92: {  	_ =	strace s19  }
0x93: {  	s2 =	sld [smem:$0x3FFC];
	_ =	sdelay $0x3  }
0x94: {  	_ =	strace s2  }
0x95: {  	s2 =	sld [smem:$0x3FFD];
	_ =	sdelay $0x3  }
0x96: {  	_ =	strace s2  }
0x97: {  	_ =	strace $0x8FFFFFFF  }
0x98: {  	s20 =	sld [smem:$0x3FDB];
	_ =	sdelay $0x1  }
0x99: {  	s4 =	simm.s32 $_scs_section_size  }
0x9a: {  	s5 =	simm.s32 $_size__tile_overlayer_lowered;
	s6 =	simm.s32 $_tile_overlayer_lowered  }
0x9b: {  	s7 =	simm.s32 $0x1BFF;
	s21 =	sshll.u32 s6, $0x1;
	s4 =	sadd.s32 s4, s20  }
0x9c: {  	s22 =	simm.s32 $0x0;
	s5 =	sshll.u32 s5, $0x1;
	s6 =	sadd.s32 s21, s4  }
0x9d: {  	[timem:s22], [sflag:s7] =	dma.local [hbm:s6], s5  }
0x9e: {  	_ =	swait.ge [sflag:s7], s5  }
0x9f: {  	s5 =	ssub.s32 $0x0, s5;
	[sflag:s7] =	ssyncset.done $0x0  }
0xa0: {  	[sflag:s7] =	ssyncadd.s32 s5;
	_ =	sdelay $0x1  }
0xa1: {  	s23 =	simm.s32 $0x1B8B  }
0xa2: {  	_ =	swait.ge [sflag:s23], $0x1  }
0xa3: {  	[sflag:s23] =	ssyncset.done $0x0  }
0xa4: {  	[sflag:s23] =	ssyncadd.s32 $0xFFFFFFFF  }
0xa5: {  	s5 =	sld [smem:$0x0]  }
0xa6: {  	s6 =	sand.u32 $0xFFFFFFFE, s1  }
0xa7: {  	p0 =	sne.s32 s1, s6  }
0xa8: {  	s6 =	sshll.u32 @p0 s6, $0xE  }
0xa9: {  	s6 =	sadd.s32 @p0 $0x11B8D, s6;
	s7 =	sshll.u32 @p0 s5, $0x11  }
0xaa: {  	s6 =	sor.u32 @p0 s7, s6  }
0xab: {  	[sflag:s6] =	ssyncadd.remote.s32 @p0 $0x1;
	_ =	sdelay $0x1  }
0xac: {  	s6 =	simm.s32 @p0 $0x1B8D  }
0xad: {  	_ =	swait.eq @p0 [sflag:s6], $0x1  }
0xae: {  	[sflag:s6] =	ssyncadd.s32 @p0 $0xFFFFFFFF  }
0xaf: {  	s7 =	sshll.u32 @!p0 s1, $0xE  }
0xb0: {  	s7 =	sor.u32 @!p0 $0x4000, s7;
	s6 =	simm.s32 @!p0 $0x1B8D  }
0xb1: {  	s5 =	sshll.u32 @!p0 s5, $0x11;
	s7 =	sadd.s32 @!p0 $0x11B8D, s7;
	_ =	swait.eq @!p0 [sflag:s6], $0x1  }
0xb2: {  	s5 =	sor.u32 @!p0 s5, s7;
	[sflag:s6] =	ssyncadd.s32 @!p0 $0xFFFFFFFF  }
0xb3: {  	s25 =	simm.s32 $0x1B8E;
	s24 =	sld [smem:$0x3FFE];
	[sflag:s5] =	ssyncadd.remote.s32 @!p0 $0x1  }
0xb4: {  	s26 =	simm.s32 $execute0_lowered;
	[smem:$0x3FD2] =	sst s25  }
0xb5: {  	s6 =	sshll.u32 s26, $0x1;
	_ =	strace $0x80000052;
	[dreg:$0x1] =	wrdreg $0xFFFFFFFF  }
0xb6: {  	s28 =	simm.s32 $_size_execute0_lowered;
	s4 =	sadd.s32 s4, s6;
	[dreg:$0x0] =	wrdreg $0x0  }
0xb7: {  	s6 =	sshll.u32 s28, $0x1;
	[dreg:$0x2] =	wrdreg s4  }
0xb8: {  	[dreg:$0x3] =	wrdreg s6  }
0xb9: {  	[dreg:$0x4] =	wrdreg $0xC0  }
0xba: {  	_ =	task [dreg:s22], $0x5FFFF  }
0xbb: {  	[dreg:$0x1] =	wrdreg $0xFFFFFFFF  }
0xbc: {  	[dreg:$0x0] =	wrdreg $0x60  }
0xbd: {  	[dreg:$0x2] =	wrdreg s18  }
0xbe: {  	[dreg:$0x3] =	wrdreg s24  }
0xbf: {  	[dreg:$0x4] =	wrdreg $0x77000  }
0xc0: {  	[dreg:$0x5] =	wrdreg $0x9  }
0xc1: {  	_ =	task.clear_ibuf [dreg:s22], $0x6FFFF;
	_ =	strace $0x90000052  }
0xc2: {  	s29 =	simm.s32 $0x9;
	_ =	strace $0x80000054  }
0xc3: {  	_ =	swait.ge [sflag:s29], $0x1  }
0xc4: {  	[sflag:s29] =	ssyncadd.s32 $0xFFFFFFFF  }
0xc5: {  	_ =	strace $0x90000054  }
0xc6: {  	_ =	sfence  }
0xc7: {  	s30 =	sld [smem:$0x0];
	_ =	sdelay $0x2  }
0xc8: {  	s31 =	sshll.u32 s1, $0xD;
	s1 =	sshrl.u32 s1, $0x2  }
0xc9: {  	s4 =	sand.u32 $0x4000, s31;
	s1 =	sadd.s32 s1, s30  }
0xca: {  	s0 =	sor.u32 s4, s0;
	s1 =	sshll.u32 s1, $0x11  }
0xcb: {  	s0 =	sor.u32 s1, s0  }
0xcc: {  	s0 =	sadd.s32 $0x8F2B, s0  }
0xcd: {  	[sflag:s0] =	ssyncadd.remote.s32 $0x1  }
0xce: {  	_ =	sfence.sel $0xFFFF  }
0xcf: {  	[dreg:$0x0] =	wrdreg $0xFFFFFFFF;
	(pc) =	sbr.abs _section_cstart, $3  }
0xd0: {  	[dreg:$0x1] =	wrdreg $0xFFFFFFFF  }
0xd1: {  	_ =	task.clear_ibuf [dreg:s22], $0x2FFFF;
	_ =	strace $0x9FFFFFFF  }
0xd2: {  	(tm) =	ssettm $0x7FFFFFFF  }
0xd3: {  	_ =	shalt  }
tec
execute0_lowered:
.L_overlay_start_1:
0x0: {  	(tag) =	ssettag $0x1  }
0x1: {  	s0 =	srdreg.scid;
	s1 =	rddreg [dreg:$0x0]  }
0x2: {  	s9 =	stileid.u32;
	s3 =	rddreg [dreg:$0x1];
	s6 =	simm.s32 $0x0  }
0x3: {  	s31 =	simm.s32 $0x2;
	s0 =	sand.u32 $0x1, s0;
	s25 =	smul.u32 $0xA000, s9  }
0x4: {  	s2 =	sshll.u32 s9, $0x1;
	[smem:$0x7FF] =	sst s6;
	s9 =	smul.u32 $0x28000, s9  }
0x5: {  	s6 =	simm.s32 $0x0;
	s4 =	sor.u32 s0, s2;
	s2 =	rddreg [dreg:$0x2]  }
0x6: {  	s24 =	smul.u32 $0xA0000, s0;
	_ =	strace $0x80000053;
	s0 =	ssub.s32 $0x2, s0  }
0x7: {  	s5 =	smul.u32 $0x4F0, s4;
	s4 =	sadd.s32 $0x53400, s3;
	s10 =	sshrl.u32 s0, $0x1  }
0x8: {  	s26 =	sshrl.u32 s9, $0x2;
	s11 =	sadd.s32 s25, s2;
	s8 =	sadd.s32 s25, s24  }
0x9: {  	s0 =	ssub.s32 s0, s10;
	s7 =	sadd.s32 s5, s3;
	s8 =	sshrl.u32 s8, $0x3  }
0xa: {  	s1 =	sadd.s32 s1, s5;
	s0 =	smax.u32 s0, $0x1;
	s5 =	simm.s32 $0x1  }
0xb: {  	s3 =	sadd.s32 s8, s3;
	[dreg:$0x4] =	wrdreg s1;
	s9 =	sadd.s32 $0xD600, s7  }
0xc: {  	s7 =	sadd.s32 s26, s2;
	[dreg:$0x7] =	wrdreg s0;
	s0 =	simm.s32 $0x6F00  }
0xd: {  	s1 =	simm.s32 $0x80;
	[dreg:$0x5] =	wrdreg s9;
	s10 =	sadd.s32 $0x67400, s3  }
0xe: {  	s25 =	sadd.s32 $0x800, s7;
	s26 =	sadd.s32 $0x1000, s7;
	s12 =	sadd.s32 $0x1800, s7  }
0xf: {  	s13 =	sadd.s32 $0x2000, s7;
	s14 =	sadd.s32 $0x2800, s7;
	s15 =	sadd.s32 $0x3000, s7  }
0x10: {  	s16 =	sadd.s32 $0x3800, s7;
	s17 =	sadd.s32 $0x4000, s7;
	s18 =	sadd.s32 $0x4800, s7  }
0x11: {  	s19 =	sadd.s32 $0x5000, s7;
	s20 =	sadd.s32 $0x5800, s7;
	s21 =	sadd.s32 $0x6000, s7  }
0x12: {  	s22 =	sadd.s32 $0x6800, s7;
	s23 =	sadd.s32 $0x7000, s7;
	s24 =	sadd.s32 $0x7800, s7  }
0x13: {  	s28 =	sadd.s32 $0x8800, s7;
	s29 =	sadd.s32 $0x9000, s7;
	[dreg:$0x6] =	wrdreg s10  }
0x14: {  	s30 =	sadd.s32 $0x9800, s7;
	s3 =	simm.s32 $0x4F00;
	[dreg:$0x8] =	wrdreg s25  }
0x15: {  	v0 =	vimm.f32 $0.0e+00;
	[dreg:$0x9] =	wrdreg s26;
	s25 =	sshrl.u32 s11, $0x3;
	s26 =	sadd.s32 $0x8000, s7  }
.LBB2_1:
0x16: {  	s8 =	simm.s32 $0x0;
	s9 =	rddreg [dreg:$0x4]  }
0x17: {  	[tilespmem:s8], [sflag:$0x2] =	stream.linear.gather [hbm4b:s9+s8], $0x2780, $0x38;
	[tilespmem:$0x11700] =	vst v63  }
0x18: {  	_ =	swait.ge [sflag:s31], $0x2780  }
0x19: {  	[sflag:s31] =	ssyncset.done $0x0  }
0x1a: {  	s10 =	simm.s32 $0x2780;
	s11 =	rddreg [dreg:$0x5];
	[sflag:s31] =	ssyncadd.s32 $0xFFFFD880  }
0x1b: {  	[tilespmem:s10], [sflag:$0x2] =	stream.linear.gather [hbm4b:s11+s8], $0x2780, $0x38;
	[tilespmem:$0x11700] =	vst v63  }
0x1c: {  	_ =	swait.ge [sflag:s31], $0x2780  }
0x1d: {  	[sflag:s31] =	ssyncset.done $0x0  }
0x1e: {  	s9 =	simm.s32 $0x100;
	s8 =	simm.s32 $0x0;
	[sflag:s31] =	ssyncadd.s32 $0xFFFFD880  }
.LBB2_2:
0x1f: {  	p0 =	sne.s32 s9, $0x1F00;
	[tilespmem:s8+$0x6F30] =	vst v0;
	s10 =	smov.u32 s9;
	s9 =	sadd.s32 $0x100, s9  }
.Ltmp0:
0x20: {  	[tilespmem:s8+$0x6F20] =	vst v0;
	(pc) =	sbr.rel @p0 .LBB2_2-.Ltmp0, $3  }
0x21: {  	[tilespmem:s8+$0x6F00] =	vst v0  }
0x22: {  	[tilespmem:s8+$0x6F10] =	vst v0;
	_ =	sdelay $0x1  }
0x23: {  	s8 =	sshra.s32 s10, $0x2  }
0x24: {  	[tilespmem:s8+$0x6F30] =	vst v0  }
0x25: {  	[tilespmem:s8+$0x6F20] =	vst v0  }
0x26: {  	[tilespmem:s8+$0x6F00] =	vst v0  }
0x27: {  	[tilespmem:s8+$0x6F10] =	vst v0  }
0x28: {  	[spmem:s7] =	stream.linear.scatter [tilespmem:s0], [sflag:$0x2], $0x800, $0x38;
	[tilespmem:$0x11700] =	vst v63  }
0x29: {  	_ =	swait.ge [sflag:s31], $0x800  }
0x2a: {  	[sflag:s31] =	ssyncset.done $0x0  }
0x2b: {  	s11 =	rddreg [dreg:$0x8];
	[sflag:s31] =	ssyncadd.s32 $0xFFFFF800  }
0x2c: {  	[spmem:s11] =	stream.linear.scatter [tilespmem:s0], [sflag:$0x2], $0x800, $0x38;
	[tilespmem:$0x11700] =	vst v63  }
0x2d: {  	_ =	swait.ge [sflag:s31], $0x800  }
0x2e: {  	[sflag:s31] =	ssyncset.done $0x0  }
0x2f: {  	s9 =	rddreg [dreg:$0x9];
	[sflag:s31] =	ssyncadd.s32 $0xFFFFF800  }
0x30: {  	[spmem:s9] =	stream.linear.scatter [tilespmem:s0], [sflag:$0x2], $0x800, $0x38;
	[tilespmem:$0x11700] =	vst v63  }
0x31: {  	_ =	swait.ge [sflag:s31], $0x800  }
0x32: {  	[sflag:s31] =	ssyncset.done $0x0  }
0x33: {  	[sflag:s31] =	ssyncadd.s32 $0xFFFFF800  }
0x34: {  	[spmem:s12] =	stream.linear.scatter [tilespmem:s0], [sflag:$0x2], $0x800, $0x38;
	[tilespmem:$0x11700] =	vst v63  }
0x35: {  	_ =	swait.ge [sflag:s31], $0x800  }
0x36: {  	[sflag:s31] =	ssyncset.done $0x0  }
0x37: {  	[sflag:s31] =	ssyncadd.s32 $0xFFFFF800  }
0x38: {  	[spmem:s13] =	stream.linear.scatter [tilespmem:s0], [sflag:$0x2], $0x800, $0x38;
	[tilespmem:$0x11700] =	vst v63  }
0x39: {  	_ =	swait.ge [sflag:s31], $0x800  }
0x3a: {  	[sflag:s31] =	ssyncset.done $0x0  }
0x3b: {  	[sflag:s31] =	ssyncadd.s32 $0xFFFFF800  }
0x3c: {  	[spmem:s14] =	stream.linear.scatter [tilespmem:s0], [sflag:$0x2], $0x800, $0x38;
	[tilespmem:$0x11700] =	vst v63  }
0x3d: {  	_ =	swait.ge [sflag:s31], $0x800  }
0x3e: {  	[sflag:s31] =	ssyncset.done $0x0  }
0x3f: {  	[sflag:s31] =	ssyncadd.s32 $0xFFFFF800  }
0x40: {  	[spmem:s15] =	stream.linear.scatter [tilespmem:s0], [sflag:$0x2], $0x800, $0x38;
	[tilespmem:$0x11700] =	vst v63  }
0x41: {  	_ =	swait.ge [sflag:s31], $0x800  }
0x42: {  	[sflag:s31] =	ssyncset.done $0x0  }
0x43: {  	[sflag:s31] =	ssyncadd.s32 $0xFFFFF800  }
0x44: {  	[spmem:s16] =	stream.linear.scatter [tilespmem:s0], [sflag:$0x2], $0x800, $0x38;
	[tilespmem:$0x11700] =	vst v63  }
0x45: {  	_ =	swait.ge [sflag:s31], $0x800  }
0x46: {  	[sflag:s31] =	ssyncset.done $0x0  }
0x47: {  	[sflag:s31] =	ssyncadd.s32 $0xFFFFF800  }
0x48: {  	[spmem:s17] =	stream.linear.scatter [tilespmem:s0], [sflag:$0x2], $0x800, $0x38;
	[tilespmem:$0x11700] =	vst v63  }
0x49: {  	_ =	swait.ge [sflag:s31], $0x800  }
0x4a: {  	[sflag:s31] =	ssyncset.done $0x0  }
0x4b: {  	[sflag:s31] =	ssyncadd.s32 $0xFFFFF800  }
0x4c: {  	[spmem:s18] =	stream.linear.scatter [tilespmem:s0], [sflag:$0x2], $0x800, $0x38;
	[tilespmem:$0x11700] =	vst v63  }
0x4d: {  	_ =	swait.ge [sflag:s31], $0x800  }
0x4e: {  	[sflag:s31] =	ssyncset.done $0x0  }
0x4f: {  	[sflag:s31] =	ssyncadd.s32 $0xFFFFF800  }
0x50: {  	[spmem:s19] =	stream.linear.scatter [tilespmem:s0], [sflag:$0x2], $0x800, $0x38;
	[tilespmem:$0x11700] =	vst v63  }
0x51: {  	_ =	swait.ge [sflag:s31], $0x800  }
0x52: {  	[sflag:s31] =	ssyncset.done $0x0  }
0x53: {  	[sflag:s31] =	ssyncadd.s32 $0xFFFFF800  }
0x54: {  	[spmem:s20] =	stream.linear.scatter [tilespmem:s0], [sflag:$0x2], $0x800, $0x38;
	[tilespmem:$0x11700] =	vst v63  }
0x55: {  	_ =	swait.ge [sflag:s31], $0x800  }
0x56: {  	[sflag:s31] =	ssyncset.done $0x0  }
0x57: {  	[sflag:s31] =	ssyncadd.s32 $0xFFFFF800  }
0x58: {  	[spmem:s21] =	stream.linear.scatter [tilespmem:s0], [sflag:$0x2], $0x800, $0x38;
	[tilespmem:$0x11700] =	vst v63  }
0x59: {  	_ =	swait.ge [sflag:s31], $0x800  }
0x5a: {  	[sflag:s31] =	ssyncset.done $0x0  }
0x5b: {  	[sflag:s31] =	ssyncadd.s32 $0xFFFFF800  }
0x5c: {  	[spmem:s22] =	stream.linear.scatter [tilespmem:s0], [sflag:$0x2], $0x800, $0x38;
	[tilespmem:$0x11700] =	vst v63  }
0x5d: {  	_ =	swait.ge [sflag:s31], $0x800  }
0x5e: {  	[sflag:s31] =	ssyncset.done $0x0  }
0x5f: {  	[sflag:s31] =	ssyncadd.s32 $0xFFFFF800  }
0x60: {  	[spmem:s23] =	stream.linear.scatter [tilespmem:s0], [sflag:$0x2], $0x800, $0x38;
	[tilespmem:$0x11700] =	vst v63  }
0x61: {  	_ =	swait.ge [sflag:s31], $0x800  }
0x62: {  	[sflag:s31] =	ssyncset.done $0x0  }
0x63: {  	[sflag:s31] =	ssyncadd.s32 $0xFFFFF800  }
0x64: {  	[spmem:s24] =	stream.linear.scatter [tilespmem:s0], [sflag:$0x2], $0x800, $0x38;
	[tilespmem:$0x11700] =	vst v63  }
0x65: {  	_ =	swait.ge [sflag:s31], $0x800  }
0x66: {  	[sflag:s31] =	ssyncset.done $0x0  }
0x67: {  	[sflag:s31] =	ssyncadd.s32 $0xFFFFF800  }
0x68: {  	[spmem:s26] =	stream.linear.scatter [tilespmem:s0], [sflag:$0x2], $0x800, $0x38;
	[tilespmem:$0x11700] =	vst v63  }
0x69: {  	_ =	swait.ge [sflag:s31], $0x800  }
0x6a: {  	[sflag:s31] =	ssyncset.done $0x0  }
0x6b: {  	[sflag:s31] =	ssyncadd.s32 $0xFFFFF800  }
0x6c: {  	[spmem:s28] =	stream.linear.scatter [tilespmem:s0], [sflag:$0x2], $0x800, $0x38;
	[tilespmem:$0x11700] =	vst v63  }
0x6d: {  	_ =	swait.ge [sflag:s31], $0x800  }
0x6e: {  	[sflag:s31] =	ssyncset.done $0x0  }
0x6f: {  	[sflag:s31] =	ssyncadd.s32 $0xFFFFF800  }
0x70: {  	[spmem:s29] =	stream.linear.scatter [tilespmem:s0], [sflag:$0x2], $0x800, $0x38;
	[tilespmem:$0x11700] =	vst v63  }
0x71: {  	_ =	swait.ge [sflag:s31], $0x800  }
0x72: {  	[sflag:s31] =	ssyncset.done $0x0  }
0x73: {  	[sflag:s31] =	ssyncadd.s32 $0xFFFFF800  }
0x74: {  	[spmem:s30] =	stream.linear.scatter [tilespmem:s0], [sflag:$0x2], $0x800, $0x38;
	[tilespmem:$0x11700] =	vst v63  }
0x75: {  	_ =	swait.ge [sflag:s31], $0x800  }
0x76: {  	[sflag:s31] =	ssyncset.done $0x0  }
0x77: {  	[sflag:s31] =	ssyncadd.s32 $0xFFFFF800  }
0x78: {  	s10 =	simm.s32 $0x0;
	[bflag:$0x0] =	sbarrier.arrive $0xFFFF  }
0x79: {  	[tilespmem:s3], [sflag:$0x1] =	stream.indirect.gather [hbm4b:s4+s1], $0x40, s10, s1, $0xb8;
	[tilespmem:$0x11700] =	vst v63  }
0x7a: {  	_ =	swait.ge [sflag:s5], $0x2000  }
0x7b: {  	[sflag:s5] =	ssyncset.done $0x0  }
0x7c: {  	s11 =	simm.s32 $0x2780;
	[sflag:s5] =	ssyncadd.s32 $0xFFFFE000  }
0x7d: {  	[spmem:s2] =	stream.indirect.scatter.add.f32 [tilespmem:s3], [sflag:$0x2], $0x40, s11, s1, $0xb8;
	[tilespmem:$0x11700] =	vst v63  }
0x7e: {  	_ =	swait.ge [sflag:s31], $0x2000  }
0x7f: {  	s8 =	simm.s32 $0x200;
	s9 =	simm.s32 $0x400;
	[sflag:s31] =	ssyncset.done $0x0  }
.LBB2_4:
0x80: {  	s10 =	sshra.s32 s8, $0x2  }
0x81: {  	[sflag:s31] =	ssyncadd.s32 $0xFFFFE000;
	s8 =	smov.u32 s9;
	s11 =	sadd.s32 $0x200, s9  }
0x82: {  	[tilespmem:s3], [sflag:$0x1] =	stream.indirect.gather [hbm4b:s4+s1], $0x40, s10, s1, $0xb8;
	[tilespmem:$0x11700] =	vst v63  }
0x83: {  	p0 =	sne.s32 s9, $0x9C00;
	_ =	swait.ge [sflag:s5], $0x2000  }
.Ltmp1:
0x84: {  	[sflag:s5] =	ssyncset.done $0x0;
	(pc) =	sbr.rel @p0 .LBB2_4-.Ltmp1, $4  }
0x85: {  	s9 =	sadd.s32 $0x2780, s10;
	[sflag:s5] =	ssyncadd.s32 $0xFFFFE000  }
0x86: {  	[spmem:s2] =	stream.indirect.scatter.add.f32 [tilespmem:s3], [sflag:$0x2], $0x40, s9, s1, $0xb8;
	[tilespmem:$0x11700] =	vst v63  }
0x87: {  	_ =	swait.ge [sflag:s31], $0x2000  }
0x88: {  	s9 =	smov.u32 s11;
	[sflag:s31] =	ssyncset.done $0x0  }
0x89: {  	s8 =	sshra.s32 s8, $0x2;
	[sflag:s31] =	ssyncadd.s32 $0xFFFFE000  }
0x8a: {  	[tilespmem:s3], [sflag:$0x1] =	stream.indirect.gather [hbm4b:s4+s1], $0x40, s8, s1, $0xb8;
	[tilespmem:$0x11700] =	vst v63  }
0x8b: {  	_ =	swait.ge [sflag:s5], $0x2000  }
0x8c: {  	[sflag:s5] =	ssyncset.done $0x0  }
0x8d: {  	s8 =	sadd.s32 $0x2780, s8;
	[sflag:s5] =	ssyncadd.s32 $0xFFFFE000  }
0x8e: {  	[spmem:s2] =	stream.indirect.scatter.add.f32 [tilespmem:s3], [sflag:$0x2], $0x40, s8, s1, $0xb8;
	[tilespmem:$0x11700] =	vst v63  }
0x8f: {  	_ =	swait.ge [sflag:s31], $0x2000  }
0x90: {  	[sflag:s31] =	ssyncset.done $0x0  }
0x91: {  	s10 =	stileid.u32;
	[sflag:s31] =	ssyncadd.s32 $0xFFFFE000  }
0x92: {  	s8 =	sshll.u32 s10, $0x6;
	[bflag:$0x0] =	sbarrier.arrive $0xFFFF  }
0x93: {  	s8 =	sor.u32 $0x1C02, s8;
	s9 =	rddreg [dreg:$0x6]  }
0x94: {  	[hbm:s9], [sflag:s8] =	dma.local [spmem:s25], $0x1400  }
0x95: {  	_ =	swait.ge [sflag:s31], $0x1400  }
0x96: {  	s6 =	sadd.s32 $0x1, s6;
	s11 =	rddreg [dreg:$0x7]  }
0x97: {  	p0 =	sne.s32 s6, s11  }
.Ltmp2:
0x98: {  	_ = 	snop;
	(pc) =	sbr.rel @p0 .LBB2_1-.Ltmp2, $3  }
0x99: {  	_ =	sdelay $0x1  }
0x9a: {  	[sflag:s31] =	ssyncset.done $0x0  }
0x9b: {  	[sflag:s31] =	ssyncadd.s32 $0xFFFFEC00  }
0x9c: {  	_ =	sfence.sel $0x180000  }
0x9d: {  	[bflag:$0x0] =	sbarrier.arrive $0xFFFF  }
0x9e: {  	_ =	strace $0x90000053  }
0x9f: {  	s0 =	stileid.u32;
	[bflag:$0x2] =	sbarrier.arrive $0xFFFF  }
0xa0: {  	p0 =	sne.s32 s0, $0x0;
	s0 =	rddreg [dreg:$0x3]  }
0xa1: {  	s0 =	sadd.s32 @!p0 $0x100000, s0  }
0xa2: {  	[sflag:s0] =	ssyncadd.tile.s32 @!p0 $0x1;
	_ =	shalt  }
.Lfunc_end2:
_tile_overlayer_lowered:
.L_overlay_start_2:
0xa3: {  	(tag) =	ssettag $0x2  }
0xa4: {  	s0 =	rddreg [dreg:$0x0];
	s2 =	stileid.u32  }
0xa5: {  	s1 =	rddreg [dreg:$0x1];
	p0 =	sne.s32 s2, $0x0  }
0xa6: {  	s3 =	rddreg [dreg:$0x2];
	[bflag:$0x3] =	sbarrier.arrive $0xFFFF;
	s2 =	simm.s32 @!p0 $0x1C02  }
0xa7: {  	[timem:s3], [sflag:s2] =	dma.local @!p0 [hbm:s0], s1  }
0xa8: {  	s0 =	simm.s32 @!p0 $0x2  }
0xa9: {  	_ =	swait.ge @!p0 [sflag:s0], s1  }
0xaa: {  	s1 =	ssub.s32 @!p0 $0x0, s1;
	[sflag:s0] =	ssyncset.done @!p0 $0x0  }
0xab: {  	[sflag:s0] =	ssyncadd.s32 @!p0 s1  }
0xac: {  	[bflag:$0x3] =	sbarrier.arrive $0xFFFF  }
0xad: {  	_ =	shalt  }

// kernel: kernel.24.cloned.1.call-start
scs
__scs_entry_jumppad:
0x0: {  	(pc) =	sbr.rel $0x88, $3  }
0x1: {  	(tag) =	ssettag $0x0;
	lr =	simm.s32 $0x1  }
0x2: {  	[smem:$0x3F94] =	sst lr;
	_ =	strace $0xD0000000  }
0x3: {  	_ = 	snop  }
0x4: {  	_ = 	snop  }
0x5: {  	_ = 	snop  }
0x6: {  	_ = 	snop  }
0x7: {  	_ = 	snop  }
__scs_overlays_trampoline_lowered:
0x8: {  	[smem:$0x3FA3] =	sst s0  }
0x9: {  	[smem:$0x3FA4] =	sst s1  }
0xa: {  	[smem:$0x3FA5] =	sst s2  }
0xb: {  	[smem:$0x3FA6] =	sst s3  }
0xc: {  	[smem:$0x3FA7] =	sst s4  }
0xd: {  	[smem:$0x3FA8] =	sst s5  }
0xe: {  	[smem:$0x3FA9] =	sst s6  }
0xf: {  	[smem:$0x3FAA] =	sst s7  }
0x10: {  	[smem:$0x3FAB] =	sst s8  }
0x11: {  	[smem:$0x3FAC] =	sst s9;
	s0 =	simm.s32 @!p0 $0x0  }
0x12: {  	s1 =	sld [smem:$0x3F92];
	s0 =	simm.s32 @p0 $0x1  }
0x13: {  	[smem:$0x3FAD] =	sst s0;
	s0 =	simm.s32 @!p1 $0x0  }
0x14: {  	s2 =	sld [smem:$0x3F91];
	s0 =	simm.s32 @p1 $0x1  }
0x15: {  	[smem:$0x3FAE] =	sst s0;
	s0 =	simm.s32 @!p2 $0x0  }
0x16: {  	s3 =	sld [smem:$0x3FDB];
	s0 =	simm.s32 @p2 $0x1  }
0x17: {  	s4 =	simm.s32 $0x1BF5;
	[smem:$0x3FB0] =	sst s0  }
0x18: {  	s0 =	sld [smem:$0x3F93];
	_ =	swait.ge [sflag:s4], $0x0  }
0x19: {  	s7 =	sld [smem:$0x3F94]  }
0x1a: {  	s8 =	sadd.s32 $0xFFFFE003, lr  }
0x1b: {  	s9 =	sadd.s32 $0xFFFFFEF7, lr;
	s5 =	simm.s32 $0xFFFFFFFF;
	p2 =	slt.u32 s8, $0xFFFFF086  }
0x1c: {  	p1 =	slt.u32 s9, $0xF7A;
	s5 =	simm.s32 @!p2 $0x0  }
0x1d: {  	s5 =	simm.s32 @p1 $0x1;
	p0 =	seq.s32 s7, s2  }
0x1e: {  	s7 =	smul.u32 @!p0 $0xF7A, s2;
	p2 =	seq.s32 @!p0 s5, $0x0  }
0x1f: {  	s9 =	smul.u32 $0xF7A, s1;
	s8 =	simm.s32 @!p0 $0x1BF5;
	p2 =	por !p2, p0  }
0x20: {  	[sflag:s8] =	ssyncset.s32 @!p0 $0xFFFFF086;
	s6 =	sadd.s32 @!p0 s3, s7;
	s7 =	simm.s32 @!p0 $0x108  }
0x21: {  	s3 =	sadd.s32 s3, s9;
	s6 =	sadd.s32 @!p0 $0x88, s6;
	s7 =	simm.s32 @p2 $0x1082  }
0x22: {  	[simem:s7], [sflag:s8] =	dma.local @!p0 [hbm:s6], $0xF7A  }
0x23: {  	s9 =	sor.u32 $0xD0000000, s2;
	s6 =	simm.s32 $0x108;
	_ =	swait.ge @!p0 [sflag:s8], $0x0  }
0x24: {  	s3 =	sadd.s32 $0x88, s3;
	s6 =	simm.s32 @!p1 $0x1082;
	[sflag:s4] =	ssyncset.s32 $0xFFFFF086  }
0x25: {  	[simem:s6], [sflag:s4] =	dma.local [hbm:s3], $0xF7A  }
0x26: {  	[smem:$0x3F94] =	sst s1;
	(tag) =	ssettag s2;
	_ =	strace s9  }
0x27: {  	s1 =	sld [smem:$0x3FA4]  }
0x28: {  	s2 =	sld [smem:$0x3FA5]  }
0x29: {  	s4 =	sld [smem:$0x3FA7]  }
0x2a: {  	p0 =	seq.s32 s5, $0x0;
	s5 =	sld [smem:$0x3FA8]  }
0x2b: {  	s6 =	sld [smem:$0x3FA9]  }
0x2c: {  	s7 =	sld [smem:$0x3FAA]  }
0x2d: {  	s3 =	simm.s32 $0x108;
	s8 =	sld [smem:$0x3FAB]  }
0x2e: {  	s3 =	simm.s32 @!p0 $0x1082;
	s9 =	sld [smem:$0x3FAC]  }
0x2f: {  	lr =	sadd.s32 s0, s3;
	s0 =	sld [smem:$0x3FA3]  }
0x30: {  	s3 =	sld [smem:$0x3FA6]  }
0x31: {  	[smem:$0x3FAF] =	sst s10  }
0x32: {  	s10 =	sld [smem:$0x3FAD];
	_ =	sdelay $0x3  }
0x33: {  	p0 =	seq.s32 s10, $0x1;
	s10 =	sld [smem:$0x3FAF];
	_ =	sdelay $0x3  }
0x34: {  	[smem:$0x3FAF] =	sst s10  }
0x35: {  	s10 =	sld [smem:$0x3FAE];
	_ =	sdelay $0x3  }
0x36: {  	p1 =	seq.s32 s10, $0x1;
	s10 =	sld [smem:$0x3FAF];
	_ =	sdelay $0x3  }
0x37: {  	[smem:$0x3FAF] =	sst s10  }
0x38: {  	s10 =	sld [smem:$0x3FB0]  }
0x39: {  	_ = 	snop;
	(pc) =	sbr.ind lr, $3  }
0x3a: {  	_ = 	snop  }
0x3b: {  	_ = 	snop  }
0x3c: {  	p2 =	seq.s32 s10, $0x1;
	s10 =	sld [smem:$0x3FAF]  }
0x3d: {  	_ =	shalt  }
0x3e: {  	_ =	shalt  }
0x3f: {  	_ =	shalt  }
0x40: {  	_ =	shalt  }
0x41: {  	_ =	shalt  }
0x42: {  	_ =	shalt  }
0x43: {  	_ =	shalt  }
0x44: {  	_ =	shalt  }
0x45: {  	_ =	shalt  }
0x46: {  	_ =	shalt  }
0x47: {  	_ =	shalt  }
0x48: {  	_ =	shalt  }
0x49: {  	_ =	shalt  }
0x4a: {  	_ =	shalt  }
0x4b: {  	_ =	shalt  }
0x4c: {  	_ =	shalt  }
0x4d: {  	_ =	shalt  }
0x4e: {  	_ =	shalt  }
0x4f: {  	_ =	shalt  }
0x50: {  	_ =	shalt  }
0x51: {  	_ =	shalt  }
0x52: {  	_ =	shalt  }
0x53: {  	_ =	shalt  }
0x54: {  	_ =	shalt  }
0x55: {  	_ =	shalt  }
0x56: {  	_ =	shalt  }
0x57: {  	_ =	shalt  }
0x58: {  	_ =	shalt  }
0x59: {  	_ =	shalt  }
0x5a: {  	_ =	shalt  }
0x5b: {  	_ =	shalt  }
0x5c: {  	_ =	shalt  }
0x5d: {  	_ =	shalt  }
0x5e: {  	_ =	shalt  }
0x5f: {  	_ =	shalt  }
0x60: {  	_ =	shalt  }
0x61: {  	_ =	shalt  }
0x62: {  	_ =	shalt  }
0x63: {  	_ =	shalt  }
0x64: {  	_ =	shalt  }
0x65: {  	_ =	shalt  }
0x66: {  	_ =	shalt  }
0x67: {  	_ =	shalt  }
0x68: {  	_ =	shalt  }
0x69: {  	_ =	shalt  }
0x6a: {  	_ =	shalt  }
0x6b: {  	_ =	shalt  }
0x6c: {  	_ =	shalt  }
0x6d: {  	_ =	shalt  }
0x6e: {  	_ =	shalt  }
0x6f: {  	_ =	shalt  }
0x70: {  	_ =	shalt  }
0x71: {  	_ =	shalt  }
0x72: {  	_ =	shalt  }
0x73: {  	_ =	shalt  }
0x74: {  	_ =	shalt  }
0x75: {  	_ =	shalt  }
0x76: {  	_ =	shalt  }
0x77: {  	_ =	shalt  }
0x78: {  	_ =	shalt  }
0x79: {  	_ =	shalt  }
0x7a: {  	_ =	shalt  }
0x7b: {  	_ =	shalt  }
0x7c: {  	_ =	shalt  }
0x7d: {  	_ =	shalt  }
0x7e: {  	_ =	shalt  }
0x7f: {  	_ =	shalt  }
0x80: {  	_ =	shalt  }
0x81: {  	_ =	shalt  }
0x82: {  	_ =	shalt  }
0x83: {  	_ =	shalt  }
0x84: {  	_ =	shalt  }
0x85: {  	_ =	shalt  }
0x86: {  	_ =	shalt  }
0x87: {  	_ =	shalt  }
.Lfunc_end0:
.L_simem_size_0:
called_computation.4_lowered:
.L_overlay_start_0:
0x88: {  	s2 =	sld [smem:$0x3FD9]  }
0x89: {  	s3 =	sld [smem:$0x3FFE];
	_ =	sdelay $0x1  }
0x8a: {  	s1 =	srdreg.scid  }
0x8b: {  	s0 =	sand.u32 $0x1, s1  }
0x8c: {  	s17 =	sshll.u32 s0, $0xA;
	s2 =	sadd.s32 s3, s2  }
0x8d: {  	s2 =	sadd.s32 s2, s17  }
0x8e: {  	[smem:$0x3FBB] =	sst s2  }
0x8f: {  	_ = 	snop  }
0x90: {  	s2 =	sld [smem:$0x3FD0];
	(tm) =	ssettm $0x1  }
0x91: {  	s18 =	sld [smem:$0x3FFB];
	_ =	sdelay $0x3  }
0x92: {  	_ =	strace s18  }
0x93: {  	s3 =	sld [smem:$0x3FFC];
	_ =	sdelay $0x3  }
0x94: {  	_ =	strace s3  }
0x95: {  	s3 =	sld [smem:$0x3FFD];
	_ =	sdelay $0x3  }
0x96: {  	_ =	strace s3  }
0x97: {  	_ =	strace $0x8FFFFFFF  }
0x98: {  	s19 =	sld [smem:$0x3FDB];
	_ =	sdelay $0x1  }
0x99: {  	s4 =	simm.s32 $_scs_section_size  }
0x9a: {  	s5 =	simm.s32 $_size__tile_overlayer_lowered;
	s6 =	simm.s32 $_tile_overlayer_lowered  }
0x9b: {  	s22 =	simm.s32 $0x1BFF;
	s21 =	sshll.u32 s6, $0x1;
	s3 =	sadd.s32 s4, s19  }
0x9c: {  	s7 =	simm.s32 $0x0;
	s20 =	sshll.u32 s5, $0x1;
	s5 =	sadd.s32 s21, s3  }
0x9d: {  	[timem:s7], [sflag:s22] =	dma.local [hbm:s5], s20  }
0x9e: {  	_ =	swait.ge [sflag:s22], s20  }
0x9f: {  	s4 =	ssub.s32 $0x0, s20;
	[sflag:s22] =	ssyncset.done $0x0  }
0xa0: {  	[sflag:s22] =	ssyncadd.s32 s4;
	_ =	sdelay $0x1  }
0xa1: {  	s23 =	simm.s32 $0x1B8B  }
0xa2: {  	_ =	swait.ge [sflag:s23], $0x1  }
0xa3: {  	[sflag:s23] =	ssyncset.done $0x0  }
0xa4: {  	s25 =	simm.s32 $0x1B8E;
	s24 =	sld [smem:$0x3FFE];
	[sflag:s23] =	ssyncadd.s32 $0xFFFFFFFF  }
0xa5: {  	s26 =	simm.s32 $execute0_lowered;
	[smem:$0x3FD2] =	sst s25  }
0xa6: {  	s5 =	sshll.u32 s26, $0x1;
	_ =	strace $0x8000004F;
	[dreg:$0x1] =	wrdreg $0xFFFFFFFF  }
0xa7: {  	s28 =	simm.s32 $_size_execute0_lowered;
	s3 =	sadd.s32 s3, s5;
	[dreg:$0x0] =	wrdreg $0x0  }
0xa8: {  	s5 =	sshll.u32 s28, $0x1;
	[dreg:$0x2] =	wrdreg s3  }
0xa9: {  	[dreg:$0x3] =	wrdreg s5  }
0xaa: {  	[dreg:$0x4] =	wrdreg $0xC0  }
0xab: {  	_ =	task [dreg:s7], $0x5FFFF  }
0xac: {  	[dreg:$0x1] =	wrdreg $0xFFFFFFFF  }
0xad: {  	[dreg:$0x0] =	wrdreg $0x60  }
0xae: {  	[dreg:$0x2] =	wrdreg s2  }
0xaf: {  	[dreg:$0x3] =	wrdreg s24  }
0xb0: {  	[dreg:$0x4] =	wrdreg $0x77000  }
0xb1: {  	[dreg:$0x5] =	wrdreg $0xA  }
0xb2: {  	_ =	task.clear_ibuf [dreg:s7], $0x6FFFF;
	_ =	strace $0x9000004F  }
0xb3: {  	s29 =	simm.s32 $0xA;
	_ =	strace $0x80000051  }
0xb4: {  	_ =	swait.ge [sflag:s29], $0x1  }
0xb5: {  	[sflag:s29] =	ssyncadd.s32 $0xFFFFFFFF  }
0xb6: {  	_ =	strace $0x90000051  }
0xb7: {  	_ =	sfence  }
0xb8: {  	s30 =	sld [smem:$0x0];
	_ =	sdelay $0x2  }
0xb9: {  	s31 =	sshll.u32 s1, $0xD;
	s1 =	sshrl.u32 s1, $0x2  }
0xba: {  	s3 =	sand.u32 $0x4000, s31;
	s1 =	sadd.s32 s1, s30  }
0xbb: {  	s0 =	sor.u32 s3, s0;
	s1 =	sshll.u32 s1, $0x11  }
0xbc: {  	s0 =	sor.u32 s1, s0  }
0xbd: {  	s0 =	sadd.s32 $0x8F2B, s0  }
0xbe: {  	[sflag:s0] =	ssyncadd.remote.s32 $0x1  }
0xbf: {  	_ =	sfence.sel $0xFFFF  }
0xc0: {  	[dreg:$0x0] =	wrdreg $0xFFFFFFFF;
	(pc) =	sbr.abs _section_cstart, $3  }
0xc1: {  	[dreg:$0x1] =	wrdreg $0xFFFFFFFF  }
0xc2: {  	_ =	task.clear_ibuf [dreg:s7], $0x2FFFF;
	_ =	strace $0x9FFFFFFF  }
0xc3: {  	(tm) =	ssettm $0x7FFFFFFF  }
tec
execute0_lowered:
.L_overlay_start_1:
0x0: {  	(tag) =	ssettag $0x1  }
0x1: {  	s0 =	srdreg.scid;
	s1 =	rddreg [dreg:$0x0]  }
0x2: {  	s9 =	stileid.u32;
	s3 =	rddreg [dreg:$0x1];
	s6 =	simm.s32 $0x0  }
0x3: {  	s31 =	simm.s32 $0x2;
	s0 =	sand.u32 $0x1, s0;
	s25 =	smul.u32 $0xA000, s9  }
0x4: {  	s2 =	sshll.u32 s9, $0x1;
	[smem:$0x7FF] =	sst s6;
	s9 =	smul.u32 $0x28000, s9  }
0x5: {  	s6 =	simm.s32 $0x0;
	s4 =	sor.u32 s0, s2;
	s2 =	rddreg [dreg:$0x2]  }
0x6: {  	s24 =	smul.u32 $0xA0000, s0;
	_ =	strace $0x80000050;
	s0 =	ssub.s32 $0x2, s0  }
0x7: {  	s5 =	smul.u32 $0x4F0, s4;
	s4 =	sadd.s32 $0x17400, s3;
	s10 =	sshrl.u32 s0, $0x1  }
0x8: {  	s26 =	sshrl.u32 s9, $0x2;
	s11 =	sadd.s32 s25, s2;
	s8 =	sadd.s32 s25, s24  }
0x9: {  	s0 =	ssub.s32 s0, s10;
	s7 =	sadd.s32 s5, s3;
	s8 =	sshrl.u32 s8, $0x3  }
0xa: {  	s1 =	sadd.s32 s1, s5;
	s0 =	smax.u32 s0, $0x1;
	s5 =	simm.s32 $0x1  }
0xb: {  	s3 =	sadd.s32 s8, s3;
	[dreg:$0x4] =	wrdreg s1;
	s9 =	sadd.s32 $0xD600, s7  }
0xc: {  	s7 =	sadd.s32 s26, s2;
	[dreg:$0x7] =	wrdreg s0;
	s0 =	simm.s32 $0x6F00  }
0xd: {  	s1 =	simm.s32 $0x80;
	[dreg:$0x5] =	wrdreg s9;
	s10 =	sadd.s32 $0x2B400, s3  }
0xe: {  	s25 =	sadd.s32 $0x800, s7;
	s26 =	sadd.s32 $0x1000, s7;
	s12 =	sadd.s32 $0x1800, s7  }
0xf: {  	s13 =	sadd.s32 $0x2000, s7;
	s14 =	sadd.s32 $0x2800, s7;
	s15 =	sadd.s32 $0x3000, s7  }
0x10: {  	s16 =	sadd.s32 $0x3800, s7;
	s17 =	sadd.s32 $0x4000, s7;
	s18 =	sadd.s32 $0x4800, s7  }
0x11: {  	s19 =	sadd.s32 $0x5000, s7;
	s20 =	sadd.s32 $0x5800, s7;
	s21 =	sadd.s32 $0x6000, s7  }
0x12: {  	s22 =	sadd.s32 $0x6800, s7;
	s23 =	sadd.s32 $0x7000, s7;
	s24 =	sadd.s32 $0x7800, s7  }
0x13: {  	s28 =	sadd.s32 $0x8800, s7;
	s29 =	sadd.s32 $0x9000, s7;
	[dreg:$0x6] =	wrdreg s10  }
0x14: {  	s30 =	sadd.s32 $0x9800, s7;
	s3 =	simm.s32 $0x4F00;
	[dreg:$0x8] =	wrdreg s25  }
0x15: {  	v0 =	vimm.f32 $0.0e+00;
	[dreg:$0x9] =	wrdreg s26;
	s25 =	sshrl.u32 s11, $0x3;
	s26 =	sadd.s32 $0x8000, s7  }
.LBB2_1:
0x16: {  	s8 =	simm.s32 $0x0;
	s9 =	rddreg [dreg:$0x4]  }
0x17: {  	[tilespmem:s8], [sflag:$0x2] =	stream.linear.gather [hbm4b:s9+s8], $0x2780, $0x38;
	[tilespmem:$0x11700] =	vst v63  }
0x18: {  	_ =	swait.ge [sflag:s31], $0x2780  }
0x19: {  	[sflag:s31] =	ssyncset.done $0x0  }
0x1a: {  	s10 =	simm.s32 $0x2780;
	s11 =	rddreg [dreg:$0x5];
	[sflag:s31] =	ssyncadd.s32 $0xFFFFD880  }
0x1b: {  	[tilespmem:s10], [sflag:$0x2] =	stream.linear.gather [hbm4b:s11+s8], $0x2780, $0x38;
	[tilespmem:$0x11700] =	vst v63  }
0x1c: {  	_ =	swait.ge [sflag:s31], $0x2780  }
0x1d: {  	[sflag:s31] =	ssyncset.done $0x0  }
0x1e: {  	s9 =	simm.s32 $0x100;
	s8 =	simm.s32 $0x0;
	[sflag:s31] =	ssyncadd.s32 $0xFFFFD880  }
.LBB2_2:
0x1f: {  	p0 =	sne.s32 s9, $0x1F00;
	[tilespmem:s8+$0x6F30] =	vst v0;
	s10 =	smov.u32 s9;
	s9 =	sadd.s32 $0x100, s9  }
.Ltmp0:
0x20: {  	[tilespmem:s8+$0x6F20] =	vst v0;
	(pc) =	sbr.rel @p0 .LBB2_2-.Ltmp0, $3  }
0x21: {  	[tilespmem:s8+$0x6F00] =	vst v0  }
0x22: {  	[tilespmem:s8+$0x6F10] =	vst v0;
	_ =	sdelay $0x1  }
0x23: {  	s8 =	sshra.s32 s10, $0x2  }
0x24: {  	[tilespmem:s8+$0x6F30] =	vst v0  }
0x25: {  	[tilespmem:s8+$0x6F20] =	vst v0  }
0x26: {  	[tilespmem:s8+$0x6F00] =	vst v0  }
0x27: {  	[tilespmem:s8+$0x6F10] =	vst v0  }
0x28: {  	[spmem:s7] =	stream.linear.scatter [tilespmem:s0], [sflag:$0x2], $0x800, $0x38;
	[tilespmem:$0x11700] =	vst v63  }
0x29: {  	_ =	swait.ge [sflag:s31], $0x800  }
0x2a: {  	[sflag:s31] =	ssyncset.done $0x0  }
0x2b: {  	s11 =	rddreg [dreg:$0x8];
	[sflag:s31] =	ssyncadd.s32 $0xFFFFF800  }
0x2c: {  	[spmem:s11] =	stream.linear.scatter [tilespmem:s0], [sflag:$0x2], $0x800, $0x38;
	[tilespmem:$0x11700] =	vst v63  }
0x2d: {  	_ =	swait.ge [sflag:s31], $0x800  }
0x2e: {  	[sflag:s31] =	ssyncset.done $0x0  }
0x2f: {  	s9 =	rddreg [dreg:$0x9];
	[sflag:s31] =	ssyncadd.s32 $0xFFFFF800  }
0x30: {  	[spmem:s9] =	stream.linear.scatter [tilespmem:s0], [sflag:$0x2], $0x800, $0x38;
	[tilespmem:$0x11700] =	vst v63  }
0x31: {  	_ =	swait.ge [sflag:s31], $0x800  }
0x32: {  	[sflag:s31] =	ssyncset.done $0x0  }
0x33: {  	[sflag:s31] =	ssyncadd.s32 $0xFFFFF800  }
0x34: {  	[spmem:s12] =	stream.linear.scatter [tilespmem:s0], [sflag:$0x2], $0x800, $0x38;
	[tilespmem:$0x11700] =	vst v63  }
0x35: {  	_ =	swait.ge [sflag:s31], $0x800  }
0x36: {  	[sflag:s31] =	ssyncset.done $0x0  }
0x37: {  	[sflag:s31] =	ssyncadd.s32 $0xFFFFF800  }
0x38: {  	[spmem:s13] =	stream.linear.scatter [tilespmem:s0], [sflag:$0x2], $0x800, $0x38;
	[tilespmem:$0x11700] =	vst v63  }
0x39: {  	_ =	swait.ge [sflag:s31], $0x800  }
0x3a: {  	[sflag:s31] =	ssyncset.done $0x0  }
0x3b: {  	[sflag:s31] =	ssyncadd.s32 $0xFFFFF800  }
0x3c: {  	[spmem:s14] =	stream.linear.scatter [tilespmem:s0], [sflag:$0x2], $0x800, $0x38;
	[tilespmem:$0x11700] =	vst v63  }
0x3d: {  	_ =	swait.ge [sflag:s31], $0x800  }
0x3e: {  	[sflag:s31] =	ssyncset.done $0x0  }
0x3f: {  	[sflag:s31] =	ssyncadd.s32 $0xFFFFF800  }
0x40: {  	[spmem:s15] =	stream.linear.scatter [tilespmem:s0], [sflag:$0x2], $0x800, $0x38;
	[tilespmem:$0x11700] =	vst v63  }
0x41: {  	_ =	swait.ge [sflag:s31], $0x800  }
0x42: {  	[sflag:s31] =	ssyncset.done $0x0  }
0x43: {  	[sflag:s31] =	ssyncadd.s32 $0xFFFFF800  }
0x44: {  	[spmem:s16] =	stream.linear.scatter [tilespmem:s0], [sflag:$0x2], $0x800, $0x38;
	[tilespmem:$0x11700] =	vst v63  }
0x45: {  	_ =	swait.ge [sflag:s31], $0x800  }
0x46: {  	[sflag:s31] =	ssyncset.done $0x0  }
0x47: {  	[sflag:s31] =	ssyncadd.s32 $0xFFFFF800  }
0x48: {  	[spmem:s17] =	stream.linear.scatter [tilespmem:s0], [sflag:$0x2], $0x800, $0x38;
	[tilespmem:$0x11700] =	vst v63  }
0x49: {  	_ =	swait.ge [sflag:s31], $0x800  }
0x4a: {  	[sflag:s31] =	ssyncset.done $0x0  }
0x4b: {  	[sflag:s31] =	ssyncadd.s32 $0xFFFFF800  }
0x4c: {  	[spmem:s18] =	stream.linear.scatter [tilespmem:s0], [sflag:$0x2], $0x800, $0x38;
	[tilespmem:$0x11700] =	vst v63  }
0x4d: {  	_ =	swait.ge [sflag:s31], $0x800  }
0x4e: {  	[sflag:s31] =	ssyncset.done $0x0  }
0x4f: {  	[sflag:s31] =	ssyncadd.s32 $0xFFFFF800  }
0x50: {  	[spmem:s19] =	stream.linear.scatter [tilespmem:s0], [sflag:$0x2], $0x800, $0x38;
	[tilespmem:$0x11700] =	vst v63  }
0x51: {  	_ =	swait.ge [sflag:s31], $0x800  }
0x52: {  	[sflag:s31] =	ssyncset.done $0x0  }
0x53: {  	[sflag:s31] =	ssyncadd.s32 $0xFFFFF800  }
0x54: {  	[spmem:s20] =	stream.linear.scatter [tilespmem:s0], [sflag:$0x2], $0x800, $0x38;
	[tilespmem:$0x11700] =	vst v63  }
0x55: {  	_ =	swait.ge [sflag:s31], $0x800  }
0x56: {  	[sflag:s31] =	ssyncset.done $0x0  }
0x57: {  	[sflag:s31] =	ssyncadd.s32 $0xFFFFF800  }
0x58: {  	[spmem:s21] =	stream.linear.scatter [tilespmem:s0], [sflag:$0x2], $0x800, $0x38;
	[tilespmem:$0x11700] =	vst v63  }
0x59: {  	_ =	swait.ge [sflag:s31], $0x800  }
0x5a: {  	[sflag:s31] =	ssyncset.done $0x0  }
0x5b: {  	[sflag:s31] =	ssyncadd.s32 $0xFFFFF800  }
0x5c: {  	[spmem:s22] =	stream.linear.scatter [tilespmem:s0], [sflag:$0x2], $0x800, $0x38;
	[tilespmem:$0x11700] =	vst v63  }
0x5d: {  	_ =	swait.ge [sflag:s31], $0x800  }
0x5e: {  	[sflag:s31] =	ssyncset.done $0x0  }
0x5f: {  	[sflag:s31] =	ssyncadd.s32 $0xFFFFF800  }
0x60: {  	[spmem:s23] =	stream.linear.scatter [tilespmem:s0], [sflag:$0x2], $0x800, $0x38;
	[tilespmem:$0x11700] =	vst v63  }
0x61: {  	_ =	swait.ge [sflag:s31], $0x800  }
0x62: {  	[sflag:s31] =	ssyncset.done $0x0  }
0x63: {  	[sflag:s31] =	ssyncadd.s32 $0xFFFFF800  }
0x64: {  	[spmem:s24] =	stream.linear.scatter [tilespmem:s0], [sflag:$0x2], $0x800, $0x38;
	[tilespmem:$0x11700] =	vst v63  }
0x65: {  	_ =	swait.ge [sflag:s31], $0x800  }
0x66: {  	[sflag:s31] =	ssyncset.done $0x0  }
0x67: {  	[sflag:s31] =	ssyncadd.s32 $0xFFFFF800  }
0x68: {  	[spmem:s26] =	stream.linear.scatter [tilespmem:s0], [sflag:$0x2], $0x800, $0x38;
	[tilespmem:$0x11700] =	vst v63  }
0x69: {  	_ =	swait.ge [sflag:s31], $0x800  }
0x6a: {  	[sflag:s31] =	ssyncset.done $0x0  }
0x6b: {  	[sflag:s31] =	ssyncadd.s32 $0xFFFFF800  }
0x6c: {  	[spmem:s28] =	stream.linear.scatter [tilespmem:s0], [sflag:$0x2], $0x800, $0x38;
	[tilespmem:$0x11700] =	vst v63  }
0x6d: {  	_ =	swait.ge [sflag:s31], $0x800  }
0x6e: {  	[sflag:s31] =	ssyncset.done $0x0  }
0x6f: {  	[sflag:s31] =	ssyncadd.s32 $0xFFFFF800  }
0x70: {  	[spmem:s29] =	stream.linear.scatter [tilespmem:s0], [sflag:$0x2], $0x800, $0x38;
	[tilespmem:$0x11700] =	vst v63  }
0x71: {  	_ =	swait.ge [sflag:s31], $0x800  }
0x72: {  	[sflag:s31] =	ssyncset.done $0x0  }
0x73: {  	[sflag:s31] =	ssyncadd.s32 $0xFFFFF800  }
0x74: {  	[spmem:s30] =	stream.linear.scatter [tilespmem:s0], [sflag:$0x2], $0x800, $0x38;
	[tilespmem:$0x11700] =	vst v63  }
0x75: {  	_ =	swait.ge [sflag:s31], $0x800  }
0x76: {  	[sflag:s31] =	ssyncset.done $0x0  }
0x77: {  	[sflag:s31] =	ssyncadd.s32 $0xFFFFF800  }
0x78: {  	s10 =	simm.s32 $0x0;
	[bflag:$0x0] =	sbarrier.arrive $0xFFFF  }
0x79: {  	[tilespmem:s3], [sflag:$0x1] =	stream.indirect.gather [hbm4b:s4+s1], $0x40, s10, s1, $0xb8;
	[tilespmem:$0x11700] =	vst v63  }
0x7a: {  	_ =	swait.ge [sflag:s5], $0x2000  }
0x7b: {  	[sflag:s5] =	ssyncset.done $0x0  }
0x7c: {  	s11 =	simm.s32 $0x2780;
	[sflag:s5] =	ssyncadd.s32 $0xFFFFE000  }
0x7d: {  	[spmem:s2] =	stream.indirect.scatter.add.f32 [tilespmem:s3], [sflag:$0x2], $0x40, s11, s1, $0xb8;
	[tilespmem:$0x11700] =	vst v63  }
0x7e: {  	_ =	swait.ge [sflag:s31], $0x2000  }
0x7f: {  	s8 =	simm.s32 $0x200;
	s9 =	simm.s32 $0x400;
	[sflag:s31] =	ssyncset.done $0x0  }
.LBB2_4:
0x80: {  	s10 =	sshra.s32 s8, $0x2  }
0x81: {  	[sflag:s31] =	ssyncadd.s32 $0xFFFFE000;
	s8 =	smov.u32 s9;
	s11 =	sadd.s32 $0x200, s9  }
0x82: {  	[tilespmem:s3], [sflag:$0x1] =	stream.indirect.gather [hbm4b:s4+s1], $0x40, s10, s1, $0xb8;
	[tilespmem:$0x11700] =	vst v63  }
0x83: {  	p0 =	sne.s32 s9, $0x9C00;
	_ =	swait.ge [sflag:s5], $0x2000  }
.Ltmp1:
0x84: {  	[sflag:s5] =	ssyncset.done $0x0;
	(pc) =	sbr.rel @p0 .LBB2_4-.Ltmp1, $4  }
0x85: {  	s9 =	sadd.s32 $0x2780, s10;
	[sflag:s5] =	ssyncadd.s32 $0xFFFFE000  }
0x86: {  	[spmem:s2] =	stream.indirect.scatter.add.f32 [tilespmem:s3], [sflag:$0x2], $0x40, s9, s1, $0xb8;
	[tilespmem:$0x11700] =	vst v63  }
0x87: {  	_ =	swait.ge [sflag:s31], $0x2000  }
0x88: {  	s9 =	smov.u32 s11;
	[sflag:s31] =	ssyncset.done $0x0  }
0x89: {  	s8 =	sshra.s32 s8, $0x2;
	[sflag:s31] =	ssyncadd.s32 $0xFFFFE000  }
0x8a: {  	[tilespmem:s3], [sflag:$0x1] =	stream.indirect.gather [hbm4b:s4+s1], $0x40, s8, s1, $0xb8;
	[tilespmem:$0x11700] =	vst v63  }
0x8b: {  	_ =	swait.ge [sflag:s5], $0x2000  }
0x8c: {  	[sflag:s5] =	ssyncset.done $0x0  }
0x8d: {  	s8 =	sadd.s32 $0x2780, s8;
	[sflag:s5] =	ssyncadd.s32 $0xFFFFE000  }
0x8e: {  	[spmem:s2] =	stream.indirect.scatter.add.f32 [tilespmem:s3], [sflag:$0x2], $0x40, s8, s1, $0xb8;
	[tilespmem:$0x11700] =	vst v63  }
0x8f: {  	_ =	swait.ge [sflag:s31], $0x2000  }
0x90: {  	[sflag:s31] =	ssyncset.done $0x0  }
0x91: {  	s10 =	stileid.u32;
	[sflag:s31] =	ssyncadd.s32 $0xFFFFE000  }
0x92: {  	s8 =	sshll.u32 s10, $0x6;
	[bflag:$0x0] =	sbarrier.arrive $0xFFFF  }
0x93: {  	s8 =	sor.u32 $0x1C02, s8;
	s9 =	rddreg [dreg:$0x6]  }
0x94: {  	[hbm:s9], [sflag:s8] =	dma.local [spmem:s25], $0x1400  }
0x95: {  	_ =	swait.ge [sflag:s31], $0x1400  }
0x96: {  	s6 =	sadd.s32 $0x1, s6;
	s11 =	rddreg [dreg:$0x7]  }
0x97: {  	p0 =	sne.s32 s6, s11  }
.Ltmp2:
0x98: {  	_ = 	snop;
	(pc) =	sbr.rel @p0 .LBB2_1-.Ltmp2, $3  }
0x99: {  	_ =	sdelay $0x1  }
0x9a: {  	[sflag:s31] =	ssyncset.done $0x0  }
0x9b: {  	[sflag:s31] =	ssyncadd.s32 $0xFFFFEC00  }
0x9c: {  	_ =	sfence.sel $0x180000  }
0x9d: {  	[bflag:$0x0] =	sbarrier.arrive $0xFFFF  }
0x9e: {  	_ =	strace $0x90000050  }
0x9f: {  	s0 =	stileid.u32;
	[bflag:$0x2] =	sbarrier.arrive $0xFFFF  }
0xa0: {  	p0 =	sne.s32 s0, $0x0;
	s0 =	rddreg [dreg:$0x3]  }
0xa1: {  	s0 =	sadd.s32 @!p0 $0x100000, s0  }
0xa2: {  	[sflag:s0] =	ssyncadd.tile.s32 @!p0 $0x1;
	_ =	shalt  }
.Lfunc_end2:
_tile_overlayer_lowered:
.L_overlay_start_2:
0xa3: {  	(tag) =	ssettag $0x2  }
0xa4: {  	s0 =	rddreg [dreg:$0x0];
	s2 =	stileid.u32  }
0xa5: {  	s1 =	rddreg [dreg:$0x1];
	p0 =	sne.s32 s2, $0x0  }
0xa6: {  	s3 =	rddreg [dreg:$0x2];
	[bflag:$0x3] =	sbarrier.arrive $0xFFFF;
	s2 =	simm.s32 @!p0 $0x1C02  }
0xa7: {  	[timem:s3], [sflag:s2] =	dma.local @!p0 [hbm:s0], s1  }
0xa8: {  	s0 =	simm.s32 @!p0 $0x2  }
0xa9: {  	_ =	swait.ge @!p0 [sflag:s0], s1  }
0xaa: {  	s1 =	ssub.s32 @!p0 $0x0, s1;
	[sflag:s0] =	ssyncset.done @!p0 $0x0  }
0xab: {  	[sflag:s0] =	ssyncadd.s32 @!p0 s1  }
0xac: {  	[bflag:$0x3] =	sbarrier.arrive $0xFFFF  }
0xad: {  	_ =	shalt  }

// kernel: kernel.27.cloned.1.call-start
scs
__scs_entry_jumppad:
0x0: {  	(pc) =	sbr.rel $0x88, $3  }
0x1: {  	(tag) =	ssettag $0x0;
	lr =	simm.s32 $0x1  }
0x2: {  	[smem:$0x3F94] =	sst lr;
	_ =	strace $0xD0000000  }
0x3: {  	_ = 	snop  }
0x4: {  	_ = 	snop  }
0x5: {  	_ = 	snop  }
0x6: {  	_ = 	snop  }
0x7: {  	_ = 	snop  }
__scs_overlays_trampoline_lowered:
0x8: {  	[smem:$0x3FA3] =	sst s0  }
0x9: {  	[smem:$0x3FA4] =	sst s1  }
0xa: {  	[smem:$0x3FA5] =	sst s2  }
0xb: {  	[smem:$0x3FA6] =	sst s3  }
0xc: {  	[smem:$0x3FA7] =	sst s4  }
0xd: {  	[smem:$0x3FA8] =	sst s5  }
0xe: {  	[smem:$0x3FA9] =	sst s6  }
0xf: {  	[smem:$0x3FAA] =	sst s7  }
0x10: {  	[smem:$0x3FAB] =	sst s8  }
0x11: {  	[smem:$0x3FAC] =	sst s9;
	s0 =	simm.s32 @!p0 $0x0  }
0x12: {  	s1 =	sld [smem:$0x3F92];
	s0 =	simm.s32 @p0 $0x1  }
0x13: {  	[smem:$0x3FAD] =	sst s0;
	s0 =	simm.s32 @!p1 $0x0  }
0x14: {  	s2 =	sld [smem:$0x3F91];
	s0 =	simm.s32 @p1 $0x1  }
0x15: {  	[smem:$0x3FAE] =	sst s0;
	s0 =	simm.s32 @!p2 $0x0  }
0x16: {  	s3 =	sld [smem:$0x3FDB];
	s0 =	simm.s32 @p2 $0x1  }
0x17: {  	s4 =	simm.s32 $0x1BF5;
	[smem:$0x3FB0] =	sst s0  }
0x18: {  	s0 =	sld [smem:$0x3F93];
	_ =	swait.ge [sflag:s4], $0x0  }
0x19: {  	s7 =	sld [smem:$0x3F94]  }
0x1a: {  	s8 =	sadd.s32 $0xFFFFE003, lr  }
0x1b: {  	s9 =	sadd.s32 $0xFFFFFEF7, lr;
	s5 =	simm.s32 $0xFFFFFFFF;
	p2 =	slt.u32 s8, $0xFFFFF086  }
0x1c: {  	p1 =	slt.u32 s9, $0xF7A;
	s5 =	simm.s32 @!p2 $0x0  }
0x1d: {  	s5 =	simm.s32 @p1 $0x1;
	p0 =	seq.s32 s7, s2  }
0x1e: {  	s7 =	smul.u32 @!p0 $0xF7A, s2;
	p2 =	seq.s32 @!p0 s5, $0x0  }
0x1f: {  	s9 =	smul.u32 $0xF7A, s1;
	s8 =	simm.s32 @!p0 $0x1BF5;
	p2 =	por !p2, p0  }
0x20: {  	[sflag:s8] =	ssyncset.s32 @!p0 $0xFFFFF086;
	s6 =	sadd.s32 @!p0 s3, s7;
	s7 =	simm.s32 @!p0 $0x108  }
0x21: {  	s3 =	sadd.s32 s3, s9;
	s6 =	sadd.s32 @!p0 $0x88, s6;
	s7 =	simm.s32 @p2 $0x1082  }
0x22: {  	[simem:s7], [sflag:s8] =	dma.local @!p0 [hbm:s6], $0xF7A  }
0x23: {  	s9 =	sor.u32 $0xD0000000, s2;
	s6 =	simm.s32 $0x108;
	_ =	swait.ge @!p0 [sflag:s8], $0x0  }
0x24: {  	s3 =	sadd.s32 $0x88, s3;
	s6 =	simm.s32 @!p1 $0x1082;
	[sflag:s4] =	ssyncset.s32 $0xFFFFF086  }
0x25: {  	[simem:s6], [sflag:s4] =	dma.local [hbm:s3], $0xF7A  }
0x26: {  	[smem:$0x3F94] =	sst s1;
	(tag) =	ssettag s2;
	_ =	strace s9  }
0x27: {  	s1 =	sld [smem:$0x3FA4]  }
0x28: {  	s2 =	sld [smem:$0x3FA5]  }
0x29: {  	s4 =	sld [smem:$0x3FA7]  }
0x2a: {  	p0 =	seq.s32 s5, $0x0;
	s5 =	sld [smem:$0x3FA8]  }
0x2b: {  	s6 =	sld [smem:$0x3FA9]  }
0x2c: {  	s7 =	sld [smem:$0x3FAA]  }
0x2d: {  	s3 =	simm.s32 $0x108;
	s8 =	sld [smem:$0x3FAB]  }
0x2e: {  	s3 =	simm.s32 @!p0 $0x1082;
	s9 =	sld [smem:$0x3FAC]  }
0x2f: {  	lr =	sadd.s32 s0, s3;
	s0 =	sld [smem:$0x3FA3]  }
0x30: {  	s3 =	sld [smem:$0x3FA6]  }
0x31: {  	[smem:$0x3FAF] =	sst s10  }
0x32: {  	s10 =	sld [smem:$0x3FAD];
	_ =	sdelay $0x3  }
0x33: {  	p0 =	seq.s32 s10, $0x1;
	s10 =	sld [smem:$0x3FAF];
	_ =	sdelay $0x3  }
0x34: {  	[smem:$0x3FAF] =	sst s10  }
0x35: {  	s10 =	sld [smem:$0x3FAE];
	_ =	sdelay $0x3  }
0x36: {  	p1 =	seq.s32 s10, $0x1;
	s10 =	sld [smem:$0x3FAF];
	_ =	sdelay $0x3  }
0x37: {  	[smem:$0x3FAF] =	sst s10  }
0x38: {  	s10 =	sld [smem:$0x3FB0]  }
0x39: {  	_ = 	snop;
	(pc) =	sbr.ind lr, $3  }
0x3a: {  	_ = 	snop  }
0x3b: {  	_ = 	snop  }
0x3c: {  	p2 =	seq.s32 s10, $0x1;
	s10 =	sld [smem:$0x3FAF]  }
0x3d: {  	_ =	shalt  }
0x3e: {  	_ =	shalt  }
0x3f: {  	_ =	shalt  }
0x40: {  	_ =	shalt  }
0x41: {  	_ =	shalt  }
0x42: {  	_ =	shalt  }
0x43: {  	_ =	shalt  }
0x44: {  	_ =	shalt  }
0x45: {  	_ =	shalt  }
0x46: {  	_ =	shalt  }
0x47: {  	_ =	shalt  }
0x48: {  	_ =	shalt  }
0x49: {  	_ =	shalt  }
0x4a: {  	_ =	shalt  }
0x4b: {  	_ =	shalt  }
0x4c: {  	_ =	shalt  }
0x4d: {  	_ =	shalt  }
0x4e: {  	_ =	shalt  }
0x4f: {  	_ =	shalt  }
0x50: {  	_ =	shalt  }
0x51: {  	_ =	shalt  }
0x52: {  	_ =	shalt  }
0x53: {  	_ =	shalt  }
0x54: {  	_ =	shalt  }
0x55: {  	_ =	shalt  }
0x56: {  	_ =	shalt  }
0x57: {  	_ =	shalt  }
0x58: {  	_ =	shalt  }
0x59: {  	_ =	shalt  }
0x5a: {  	_ =	shalt  }
0x5b: {  	_ =	shalt  }
0x5c: {  	_ =	shalt  }
0x5d: {  	_ =	shalt  }
0x5e: {  	_ =	shalt  }
0x5f: {  	_ =	shalt  }
0x60: {  	_ =	shalt  }
0x61: {  	_ =	shalt  }
0x62: {  	_ =	shalt  }
0x63: {  	_ =	shalt  }
0x64: {  	_ =	shalt  }
0x65: {  	_ =	shalt  }
0x66: {  	_ =	shalt  }
0x67: {  	_ =	shalt  }
0x68: {  	_ =	shalt  }
0x69: {  	_ =	shalt  }
0x6a: {  	_ =	shalt  }
0x6b: {  	_ =	shalt  }
0x6c: {  	_ =	shalt  }
0x6d: {  	_ =	shalt  }
0x6e: {  	_ =	shalt  }
0x6f: {  	_ =	shalt  }
0x70: {  	_ =	shalt  }
0x71: {  	_ =	shalt  }
0x72: {  	_ =	shalt  }
0x73: {  	_ =	shalt  }
0x74: {  	_ =	shalt  }
0x75: {  	_ =	shalt  }
0x76: {  	_ =	shalt  }
0x77: {  	_ =	shalt  }
0x78: {  	_ =	shalt  }
0x79: {  	_ =	shalt  }
0x7a: {  	_ =	shalt  }
0x7b: {  	_ =	shalt  }
0x7c: {  	_ =	shalt  }
0x7d: {  	_ =	shalt  }
0x7e: {  	_ =	shalt  }
0x7f: {  	_ =	shalt  }
0x80: {  	_ =	shalt  }
0x81: {  	_ =	shalt  }
0x82: {  	_ =	shalt  }
0x83: {  	_ =	shalt  }
0x84: {  	_ =	shalt  }
0x85: {  	_ =	shalt  }
0x86: {  	_ =	shalt  }
0x87: {  	_ =	shalt  }
.Lfunc_end0:
.L_simem_size_0:
called_computation.5_lowered:
.L_overlay_start_0:
0x88: {  	s2 =	sld [smem:$0x3FD9]  }
0x89: {  	s3 =	sld [smem:$0x3FFE];
	_ =	sdelay $0x1  }
0x8a: {  	s1 =	srdreg.scid  }
0x8b: {  	s0 =	sand.u32 $0x1, s1  }
0x8c: {  	s17 =	sshll.u32 s0, $0xA;
	s2 =	sadd.s32 s3, s2  }
0x8d: {  	s2 =	sadd.s32 s2, s17  }
0x8e: {  	[smem:$0x3FBB] =	sst s2  }
0x8f: {  	_ = 	snop  }
0x90: {  	s2 =	sld [smem:$0x3FD0];
	(tm) =	ssettm $0x1  }
0x91: {  	s18 =	sld [smem:$0x3FFB];
	_ =	sdelay $0x3  }
0x92: {  	_ =	strace s18  }
0x93: {  	s3 =	sld [smem:$0x3FFC];
	_ =	sdelay $0x3  }
0x94: {  	_ =	strace s3  }
0x95: {  	s3 =	sld [smem:$0x3FFD];
	_ =	sdelay $0x3  }
0x96: {  	_ =	strace s3  }
0x97: {  	_ =	strace $0x8FFFFFFF  }
0x98: {  	s19 =	sld [smem:$0x3FDB];
	_ =	sdelay $0x1  }
0x99: {  	s4 =	simm.s32 $_scs_section_size  }
0x9a: {  	s5 =	simm.s32 $_size__tile_overlayer_lowered;
	s6 =	simm.s32 $_tile_overlayer_lowered  }
0x9b: {  	s22 =	simm.s32 $0x1BFF;
	s21 =	sshll.u32 s6, $0x1;
	s3 =	sadd.s32 s4, s19  }
0x9c: {  	s7 =	simm.s32 $0x0;
	s20 =	sshll.u32 s5, $0x1;
	s5 =	sadd.s32 s21, s3  }
0x9d: {  	[timem:s7], [sflag:s22] =	dma.local [hbm:s5], s20  }
0x9e: {  	_ =	swait.ge [sflag:s22], s20  }
0x9f: {  	s4 =	ssub.s32 $0x0, s20;
	[sflag:s22] =	ssyncset.done $0x0  }
0xa0: {  	[sflag:s22] =	ssyncadd.s32 s4;
	_ =	sdelay $0x1  }
0xa1: {  	s23 =	simm.s32 $0x1B8B  }
0xa2: {  	_ =	swait.ge [sflag:s23], $0x1  }
0xa3: {  	[sflag:s23] =	ssyncset.done $0x0  }
0xa4: {  	s25 =	simm.s32 $0x1B8E;
	s24 =	sld [smem:$0x3FFE];
	[sflag:s23] =	ssyncadd.s32 $0xFFFFFFFF  }
0xa5: {  	s26 =	simm.s32 $execute0_lowered;
	[smem:$0x3FD2] =	sst s25  }
0xa6: {  	s5 =	sshll.u32 s26, $0x1;
	_ =	strace $0x80000055;
	[dreg:$0x1] =	wrdreg $0xFFFFFFFF  }
0xa7: {  	s28 =	simm.s32 $_size_execute0_lowered;
	s3 =	sadd.s32 s3, s5;
	[dreg:$0x0] =	wrdreg $0x0  }
0xa8: {  	s5 =	sshll.u32 s28, $0x1;
	[dreg:$0x2] =	wrdreg s3  }
0xa9: {  	[dreg:$0x3] =	wrdreg s5  }
0xaa: {  	[dreg:$0x4] =	wrdreg $0xC0  }
0xab: {  	_ =	task [dreg:s7], $0x5FFFF  }
0xac: {  	[dreg:$0x1] =	wrdreg $0xFFFFFFFF  }
0xad: {  	[dreg:$0x0] =	wrdreg $0x60  }
0xae: {  	[dreg:$0x2] =	wrdreg s2  }
0xaf: {  	[dreg:$0x3] =	wrdreg s24  }
0xb0: {  	[dreg:$0x4] =	wrdreg $0x77000  }
0xb1: {  	[dreg:$0x5] =	wrdreg $0x9  }
0xb2: {  	_ =	task.clear_ibuf [dreg:s7], $0x6FFFF;
	_ =	strace $0x90000055  }
0xb3: {  	s29 =	simm.s32 $0x9;
	_ =	strace $0x80000057  }
0xb4: {  	_ =	swait.ge [sflag:s29], $0x1  }
0xb5: {  	[sflag:s29] =	ssyncadd.s32 $0xFFFFFFFF  }
0xb6: {  	_ =	strace $0x90000057  }
0xb7: {  	_ =	sfence  }
0xb8: {  	s30 =	sld [smem:$0x0];
	_ =	sdelay $0x2  }
0xb9: {  	s31 =	sshll.u32 s1, $0xD;
	s1 =	sshrl.u32 s1, $0x2  }
0xba: {  	s3 =	sand.u32 $0x4000, s31;
	s1 =	sadd.s32 s1, s30  }
0xbb: {  	s0 =	sor.u32 s3, s0;
	s1 =	sshll.u32 s1, $0x11  }
0xbc: {  	s0 =	sor.u32 s1, s0  }
0xbd: {  	s0 =	sadd.s32 $0x8F2B, s0  }
0xbe: {  	[sflag:s0] =	ssyncadd.remote.s32 $0x1  }
0xbf: {  	_ =	sfence.sel $0xFFFF  }
0xc0: {  	[dreg:$0x0] =	wrdreg $0xFFFFFFFF;
	(pc) =	sbr.abs _section_cstart, $3  }
0xc1: {  	[dreg:$0x1] =	wrdreg $0xFFFFFFFF  }
0xc2: {  	_ =	task.clear_ibuf [dreg:s7], $0x2FFFF;
	_ =	strace $0x9FFFFFFF  }
0xc3: {  	(tm) =	ssettm $0x7FFFFFFF  }
tec
execute0_lowered:
.L_overlay_start_1:
0x0: {  	(tag) =	ssettag $0x1  }
0x1: {  	s0 =	srdreg.scid;
	s1 =	rddreg [dreg:$0x0]  }
0x2: {  	s9 =	stileid.u32;
	s3 =	rddreg [dreg:$0x1];
	s6 =	simm.s32 $0x0  }
0x3: {  	s31 =	simm.s32 $0x2;
	s0 =	sand.u32 $0x1, s0;
	s25 =	smul.u32 $0xA000, s9  }
0x4: {  	s2 =	sshll.u32 s9, $0x1;
	[smem:$0x7FF] =	sst s6;
	s9 =	smul.u32 $0x28000, s9  }
0x5: {  	s6 =	simm.s32 $0x0;
	s4 =	sor.u32 s0, s2;
	s2 =	rddreg [dreg:$0x2]  }
0x6: {  	s24 =	smul.u32 $0xA0000, s0;
	_ =	strace $0x80000056;
	s0 =	ssub.s32 $0x2, s0  }
0x7: {  	s5 =	smul.u32 $0x4F0, s4;
	s4 =	sadd.s32 $0x17400, s3;
	s10 =	sshrl.u32 s0, $0x1  }
0x8: {  	s26 =	sshrl.u32 s9, $0x2;
	s11 =	sadd.s32 s25, s2;
	s8 =	sadd.s32 s25, s24  }
0x9: {  	s0 =	ssub.s32 s0, s10;
	s7 =	sadd.s32 s5, s3;
	s8 =	sshrl.u32 s8, $0x3  }
0xa: {  	s1 =	sadd.s32 s1, s5;
	s0 =	smax.u32 s0, $0x1;
	s5 =	simm.s32 $0x1  }
0xb: {  	s3 =	sadd.s32 s8, s3;
	[dreg:$0x4] =	wrdreg s1;
	s9 =	sadd.s32 $0xD600, s7  }
0xc: {  	s7 =	sadd.s32 s26, s2;
	[dreg:$0x7] =	wrdreg s0;
	s0 =	simm.s32 $0x6F00  }
0xd: {  	s1 =	simm.s32 $0x80;
	[dreg:$0x5] =	wrdreg s9;
	s10 =	sadd.s32 $0x2B400, s3  }
0xe: {  	s25 =	sadd.s32 $0x800, s7;
	s26 =	sadd.s32 $0x1000, s7;
	s12 =	sadd.s32 $0x1800, s7  }
0xf: {  	s13 =	sadd.s32 $0x2000, s7;
	s14 =	sadd.s32 $0x2800, s7;
	s15 =	sadd.s32 $0x3000, s7  }
0x10: {  	s16 =	sadd.s32 $0x3800, s7;
	s17 =	sadd.s32 $0x4000, s7;
	s18 =	sadd.s32 $0x4800, s7  }
0x11: {  	s19 =	sadd.s32 $0x5000, s7;
	s20 =	sadd.s32 $0x5800, s7;
	s21 =	sadd.s32 $0x6000, s7  }
0x12: {  	s22 =	sadd.s32 $0x6800, s7;
	s23 =	sadd.s32 $0x7000, s7;
	s24 =	sadd.s32 $0x7800, s7  }
0x13: {  	s28 =	sadd.s32 $0x8800, s7;
	s29 =	sadd.s32 $0x9000, s7;
	[dreg:$0x6] =	wrdreg s10  }
0x14: {  	s30 =	sadd.s32 $0x9800, s7;
	s3 =	simm.s32 $0x4F00;
	[dreg:$0x8] =	wrdreg s25  }
0x15: {  	v0 =	vimm.f32 $0.0e+00;
	[dreg:$0x9] =	wrdreg s26;
	s25 =	sshrl.u32 s11, $0x3;
	s26 =	sadd.s32 $0x8000, s7  }
.LBB2_1:
0x16: {  	s8 =	simm.s32 $0x0;
	s9 =	rddreg [dreg:$0x4]  }
0x17: {  	[tilespmem:s8], [sflag:$0x2] =	stream.linear.gather [hbm4b:s9+s8], $0x2780, $0x38;
	[tilespmem:$0x11700] =	vst v63  }
0x18: {  	_ =	swait.ge [sflag:s31], $0x2780  }
0x19: {  	[sflag:s31] =	ssyncset.done $0x0  }
0x1a: {  	s10 =	simm.s32 $0x2780;
	s11 =	rddreg [dreg:$0x5];
	[sflag:s31] =	ssyncadd.s32 $0xFFFFD880  }
0x1b: {  	[tilespmem:s10], [sflag:$0x2] =	stream.linear.gather [hbm4b:s11+s8], $0x2780, $0x38;
	[tilespmem:$0x11700] =	vst v63  }
0x1c: {  	_ =	swait.ge [sflag:s31], $0x2780  }
0x1d: {  	[sflag:s31] =	ssyncset.done $0x0  }
0x1e: {  	s9 =	simm.s32 $0x100;
	s8 =	simm.s32 $0x0;
	[sflag:s31] =	ssyncadd.s32 $0xFFFFD880  }
.LBB2_2:
0x1f: {  	p0 =	sne.s32 s9, $0x1F00;
	[tilespmem:s8+$0x6F30] =	vst v0;
	s10 =	smov.u32 s9;
	s9 =	sadd.s32 $0x100, s9  }
.Ltmp0:
0x20: {  	[tilespmem:s8+$0x6F20] =	vst v0;
	(pc) =	sbr.rel @p0 .LBB2_2-.Ltmp0, $3  }
0x21: {  	[tilespmem:s8+$0x6F00] =	vst v0  }
0x22: {  	[tilespmem:s8+$0x6F10] =	vst v0;
	_ =	sdelay $0x1  }
0x23: {  	s8 =	sshra.s32 s10, $0x2  }
0x24: {  	[tilespmem:s8+$0x6F30] =	vst v0  }
0x25: {  	[tilespmem:s8+$0x6F20] =	vst v0  }
0x26: {  	[tilespmem:s8+$0x6F00] =	vst v0  }
0x27: {  	[tilespmem:s8+$0x6F10] =	vst v0  }
0x28: {  	[spmem:s7] =	stream.linear.scatter [tilespmem:s0], [sflag:$0x2], $0x800, $0x38;
	[tilespmem:$0x11700] =	vst v63  }
0x29: {  	_ =	swait.ge [sflag:s31], $0x800  }
0x2a: {  	[sflag:s31] =	ssyncset.done $0x0  }
0x2b: {  	s11 =	rddreg [dreg:$0x8];
	[sflag:s31] =	ssyncadd.s32 $0xFFFFF800  }
0x2c: {  	[spmem:s11] =	stream.linear.scatter [tilespmem:s0], [sflag:$0x2], $0x800, $0x38;
	[tilespmem:$0x11700] =	vst v63  }
0x2d: {  	_ =	swait.ge [sflag:s31], $0x800  }
0x2e: {  	[sflag:s31] =	ssyncset.done $0x0  }
0x2f: {  	s9 =	rddreg [dreg:$0x9];
	[sflag:s31] =	ssyncadd.s32 $0xFFFFF800  }
0x30: {  	[spmem:s9] =	stream.linear.scatter [tilespmem:s0], [sflag:$0x2], $0x800, $0x38;
	[tilespmem:$0x11700] =	vst v63  }
0x31: {  	_ =	swait.ge [sflag:s31], $0x800  }
0x32: {  	[sflag:s31] =	ssyncset.done $0x0  }
0x33: {  	[sflag:s31] =	ssyncadd.s32 $0xFFFFF800  }
0x34: {  	[spmem:s12] =	stream.linear.scatter [tilespmem:s0], [sflag:$0x2], $0x800, $0x38;
	[tilespmem:$0x11700] =	vst v63  }
0x35: {  	_ =	swait.ge [sflag:s31], $0x800  }
0x36: {  	[sflag:s31] =	ssyncset.done $0x0  }
0x37: {  	[sflag:s31] =	ssyncadd.s32 $0xFFFFF800  }
0x38: {  	[spmem:s13] =	stream.linear.scatter [tilespmem:s0], [sflag:$0x2], $0x800, $0x38;
	[tilespmem:$0x11700] =	vst v63  }
0x39: {  	_ =	swait.ge [sflag:s31], $0x800  }
0x3a: {  	[sflag:s31] =	ssyncset.done $0x0  }
0x3b: {  	[sflag:s31] =	ssyncadd.s32 $0xFFFFF800  }
0x3c: {  	[spmem:s14] =	stream.linear.scatter [tilespmem:s0], [sflag:$0x2], $0x800, $0x38;
	[tilespmem:$0x11700] =	vst v63  }
0x3d: {  	_ =	swait.ge [sflag:s31], $0x800  }
0x3e: {  	[sflag:s31] =	ssyncset.done $0x0  }
0x3f: {  	[sflag:s31] =	ssyncadd.s32 $0xFFFFF800  }
0x40: {  	[spmem:s15] =	stream.linear.scatter [tilespmem:s0], [sflag:$0x2], $0x800, $0x38;
	[tilespmem:$0x11700] =	vst v63  }
0x41: {  	_ =	swait.ge [sflag:s31], $0x800  }
0x42: {  	[sflag:s31] =	ssyncset.done $0x0  }
0x43: {  	[sflag:s31] =	ssyncadd.s32 $0xFFFFF800  }
0x44: {  	[spmem:s16] =	stream.linear.scatter [tilespmem:s0], [sflag:$0x2], $0x800, $0x38;
	[tilespmem:$0x11700] =	vst v63  }
0x45: {  	_ =	swait.ge [sflag:s31], $0x800  }
0x46: {  	[sflag:s31] =	ssyncset.done $0x0  }
0x47: {  	[sflag:s31] =	ssyncadd.s32 $0xFFFFF800  }
0x48: {  	[spmem:s17] =	stream.linear.scatter [tilespmem:s0], [sflag:$0x2], $0x800, $0x38;
	[tilespmem:$0x11700] =	vst v63  }
0x49: {  	_ =	swait.ge [sflag:s31], $0x800  }
0x4a: {  	[sflag:s31] =	ssyncset.done $0x0  }
0x4b: {  	[sflag:s31] =	ssyncadd.s32 $0xFFFFF800  }
0x4c: {  	[spmem:s18] =	stream.linear.scatter [tilespmem:s0], [sflag:$0x2], $0x800, $0x38;
	[tilespmem:$0x11700] =	vst v63  }
0x4d: {  	_ =	swait.ge [sflag:s31], $0x800  }
0x4e: {  	[sflag:s31] =	ssyncset.done $0x0  }
0x4f: {  	[sflag:s31] =	ssyncadd.s32 $0xFFFFF800  }
0x50: {  	[spmem:s19] =	stream.linear.scatter [tilespmem:s0], [sflag:$0x2], $0x800, $0x38;
	[tilespmem:$0x11700] =	vst v63  }
0x51: {  	_ =	swait.ge [sflag:s31], $0x800  }
0x52: {  	[sflag:s31] =	ssyncset.done $0x0  }
0x53: {  	[sflag:s31] =	ssyncadd.s32 $0xFFFFF800  }
0x54: {  	[spmem:s20] =	stream.linear.scatter [tilespmem:s0], [sflag:$0x2], $0x800, $0x38;
	[tilespmem:$0x11700] =	vst v63  }
0x55: {  	_ =	swait.ge [sflag:s31], $0x800  }
0x56: {  	[sflag:s31] =	ssyncset.done $0x0  }
0x57: {  	[sflag:s31] =	ssyncadd.s32 $0xFFFFF800  }
0x58: {  	[spmem:s21] =	stream.linear.scatter [tilespmem:s0], [sflag:$0x2], $0x800, $0x38;
	[tilespmem:$0x11700] =	vst v63  }
0x59: {  	_ =	swait.ge [sflag:s31], $0x800  }
0x5a: {  	[sflag:s31] =	ssyncset.done $0x0  }
0x5b: {  	[sflag:s31] =	ssyncadd.s32 $0xFFFFF800  }
0x5c: {  	[spmem:s22] =	stream.linear.scatter [tilespmem:s0], [sflag:$0x2], $0x800, $0x38;
	[tilespmem:$0x11700] =	vst v63  }
0x5d: {  	_ =	swait.ge [sflag:s31], $0x800  }
0x5e: {  	[sflag:s31] =	ssyncset.done $0x0  }
0x5f: {  	[sflag:s31] =	ssyncadd.s32 $0xFFFFF800  }
0x60: {  	[spmem:s23] =	stream.linear.scatter [tilespmem:s0], [sflag:$0x2], $0x800, $0x38;
	[tilespmem:$0x11700] =	vst v63  }
0x61: {  	_ =	swait.ge [sflag:s31], $0x800  }
0x62: {  	[sflag:s31] =	ssyncset.done $0x0  }
0x63: {  	[sflag:s31] =	ssyncadd.s32 $0xFFFFF800  }
0x64: {  	[spmem:s24] =	stream.linear.scatter [tilespmem:s0], [sflag:$0x2], $0x800, $0x38;
	[tilespmem:$0x11700] =	vst v63  }
0x65: {  	_ =	swait.ge [sflag:s31], $0x800  }
0x66: {  	[sflag:s31] =	ssyncset.done $0x0  }
0x67: {  	[sflag:s31] =	ssyncadd.s32 $0xFFFFF800  }
0x68: {  	[spmem:s26] =	stream.linear.scatter [tilespmem:s0], [sflag:$0x2], $0x800, $0x38;
	[tilespmem:$0x11700] =	vst v63  }
0x69: {  	_ =	swait.ge [sflag:s31], $0x800  }
0x6a: {  	[sflag:s31] =	ssyncset.done $0x0  }
0x6b: {  	[sflag:s31] =	ssyncadd.s32 $0xFFFFF800  }
0x6c: {  	[spmem:s28] =	stream.linear.scatter [tilespmem:s0], [sflag:$0x2], $0x800, $0x38;
	[tilespmem:$0x11700] =	vst v63  }
0x6d: {  	_ =	swait.ge [sflag:s31], $0x800  }
0x6e: {  	[sflag:s31] =	ssyncset.done $0x0  }
0x6f: {  	[sflag:s31] =	ssyncadd.s32 $0xFFFFF800  }
0x70: {  	[spmem:s29] =	stream.linear.scatter [tilespmem:s0], [sflag:$0x2], $0x800, $0x38;
	[tilespmem:$0x11700] =	vst v63  }
0x71: {  	_ =	swait.ge [sflag:s31], $0x800  }
0x72: {  	[sflag:s31] =	ssyncset.done $0x0  }
0x73: {  	[sflag:s31] =	ssyncadd.s32 $0xFFFFF800  }
0x74: {  	[spmem:s30] =	stream.linear.scatter [tilespmem:s0], [sflag:$0x2], $0x800, $0x38;
	[tilespmem:$0x11700] =	vst v63  }
0x75: {  	_ =	swait.ge [sflag:s31], $0x800  }
0x76: {  	[sflag:s31] =	ssyncset.done $0x0  }
0x77: {  	[sflag:s31] =	ssyncadd.s32 $0xFFFFF800  }
0x78: {  	s10 =	simm.s32 $0x0;
	[bflag:$0x0] =	sbarrier.arrive $0xFFFF  }
0x79: {  	[tilespmem:s3], [sflag:$0x1] =	stream.indirect.gather [hbm4b:s4+s1], $0x40, s10, s1, $0xb8;
	[tilespmem:$0x11700] =	vst v63  }
0x7a: {  	_ =	swait.ge [sflag:s5], $0x2000  }
0x7b: {  	[sflag:s5] =	ssyncset.done $0x0  }
0x7c: {  	s11 =	simm.s32 $0x2780;
	[sflag:s5] =	ssyncadd.s32 $0xFFFFE000  }
0x7d: {  	[spmem:s2] =	stream.indirect.scatter.add.f32 [tilespmem:s3], [sflag:$0x2], $0x40, s11, s1, $0xb8;
	[tilespmem:$0x11700] =	vst v63  }
0x7e: {  	_ =	swait.ge [sflag:s31], $0x2000  }
0x7f: {  	s8 =	simm.s32 $0x200;
	s9 =	simm.s32 $0x400;
	[sflag:s31] =	ssyncset.done $0x0  }
.LBB2_4:
0x80: {  	s10 =	sshra.s32 s8, $0x2  }
0x81: {  	[sflag:s31] =	ssyncadd.s32 $0xFFFFE000;
	s8 =	smov.u32 s9;
	s11 =	sadd.s32 $0x200, s9  }
0x82: {  	[tilespmem:s3], [sflag:$0x1] =	stream.indirect.gather [hbm4b:s4+s1], $0x40, s10, s1, $0xb8;
	[tilespmem:$0x11700] =	vst v63  }
0x83: {  	p0 =	sne.s32 s9, $0x9C00;
	_ =	swait.ge [sflag:s5], $0x2000  }
.Ltmp1:
0x84: {  	[sflag:s5] =	ssyncset.done $0x0;
	(pc) =	sbr.rel @p0 .LBB2_4-.Ltmp1, $4  }
0x85: {  	s9 =	sadd.s32 $0x2780, s10;
	[sflag:s5] =	ssyncadd.s32 $0xFFFFE000  }
0x86: {  	[spmem:s2] =	stream.indirect.scatter.add.f32 [tilespmem:s3], [sflag:$0x2], $0x40, s9, s1, $0xb8;
	[tilespmem:$0x11700] =	vst v63  }
0x87: {  	_ =	swait.ge [sflag:s31], $0x2000  }
0x88: {  	s9 =	smov.u32 s11;
	[sflag:s31] =	ssyncset.done $0x0  }
0x89: {  	s8 =	sshra.s32 s8, $0x2;
	[sflag:s31] =	ssyncadd.s32 $0xFFFFE000  }
0x8a: {  	[tilespmem:s3], [sflag:$0x1] =	stream.indirect.gather [hbm4b:s4+s1], $0x40, s8, s1, $0xb8;
	[tilespmem:$0x11700] =	vst v63  }
0x8b: {  	_ =	swait.ge [sflag:s5], $0x2000  }
0x8c: {  	[sflag:s5] =	ssyncset.done $0x0  }
0x8d: {  	s8 =	sadd.s32 $0x2780, s8;
	[sflag:s5] =	ssyncadd.s32 $0xFFFFE000  }
0x8e: {  	[spmem:s2] =	stream.indirect.scatter.add.f32 [tilespmem:s3], [sflag:$0x2], $0x40, s8, s1, $0xb8;
	[tilespmem:$0x11700] =	vst v63  }
0x8f: {  	_ =	swait.ge [sflag:s31], $0x2000  }
0x90: {  	[sflag:s31] =	ssyncset.done $0x0  }
0x91: {  	s10 =	stileid.u32;
	[sflag:s31] =	ssyncadd.s32 $0xFFFFE000  }
0x92: {  	s8 =	sshll.u32 s10, $0x6;
	[bflag:$0x0] =	sbarrier.arrive $0xFFFF  }
0x93: {  	s8 =	sor.u32 $0x1C02, s8;
	s9 =	rddreg [dreg:$0x6]  }
0x94: {  	[hbm:s9], [sflag:s8] =	dma.local [spmem:s25], $0x1400  }
0x95: {  	_ =	swait.ge [sflag:s31], $0x1400  }
0x96: {  	s6 =	sadd.s32 $0x1, s6;
	s11 =	rddreg [dreg:$0x7]  }
0x97: {  	p0 =	sne.s32 s6, s11  }
.Ltmp2:
0x98: {  	_ = 	snop;
	(pc) =	sbr.rel @p0 .LBB2_1-.Ltmp2, $3  }
0x99: {  	_ =	sdelay $0x1  }
0x9a: {  	[sflag:s31] =	ssyncset.done $0x0  }
0x9b: {  	[sflag:s31] =	ssyncadd.s32 $0xFFFFEC00  }
0x9c: {  	_ =	sfence.sel $0x180000  }
0x9d: {  	[bflag:$0x0] =	sbarrier.arrive $0xFFFF  }
0x9e: {  	_ =	strace $0x90000056  }
0x9f: {  	s0 =	stileid.u32;
	[bflag:$0x2] =	sbarrier.arrive $0xFFFF  }
0xa0: {  	p0 =	sne.s32 s0, $0x0;
	s0 =	rddreg [dreg:$0x3]  }
0xa1: {  	s0 =	sadd.s32 @!p0 $0x100000, s0  }
0xa2: {  	[sflag:s0] =	ssyncadd.tile.s32 @!p0 $0x1;
	_ =	shalt  }
.Lfunc_end2:
_tile_overlayer_lowered:
.L_overlay_start_2:
0xa3: {  	(tag) =	ssettag $0x2  }
0xa4: {  	s0 =	rddreg [dreg:$0x0];
	s2 =	stileid.u32  }
0xa5: {  	s1 =	rddreg [dreg:$0x1];
	p0 =	sne.s32 s2, $0x0  }
0xa6: {  	s3 =	rddreg [dreg:$0x2];
	[bflag:$0x3] =	sbarrier.arrive $0xFFFF;
	s2 =	simm.s32 @!p0 $0x1C02  }
0xa7: {  	[timem:s3], [sflag:s2] =	dma.local @!p0 [hbm:s0], s1  }
0xa8: {  	s0 =	simm.s32 @!p0 $0x2  }
0xa9: {  	_ =	swait.ge @!p0 [sflag:s0], s1  }
0xaa: {  	s1 =	ssub.s32 @!p0 $0x0, s1;
	[sflag:s0] =	ssyncset.done @!p0 $0x0  }
0xab: {  	[sflag:s0] =	ssyncadd.s32 @!p0 s1  }
0xac: {  	[bflag:$0x3] =	sbarrier.arrive $0xFFFF  }
0xad: {  	_ =	shalt  }

</sc_bundles>
